<compile_context>
chip_gen: v7x
topology: tpu7x:2x2x1
jax: 0.10.2.dev20260603
libtpu: 0.0.44.dev20260713+nightly
codegen_flags: <defaults>
</compile_context>

<pallas_src>
import functools

import jax
import jax.numpy as jnp
from jax import lax
from jax.experimental import pallas as pl
from jax.experimental.pallas import tpu as pltpu
from jax.experimental.pallas import tpu_sc as plsc

N = 10000
E = 320000
D_IN = 128
D_OUT = 128
H = 4
D_EDGE = 16
NEG_SLOPE = 0.2

_NPAD = 10240
_NBLK = 16

_NW = 32
_G = 128
_NB = 80
_EPAD = _NW * _NB * _G
_NPT = _NPAD // 16


def _lr(v):
    return jnp.where(v >= 0, v, NEG_SLOPE * v)




def _proj_body(x_ref, w_ref, ab_ref, xp_ref, as_ref, ad_ref, bm_ref):
    x = x_ref[...]
    xp = jnp.dot(x, w_ref[...], preferred_element_type=jnp.float32)
    a256 = jnp.dot(xp, ab_ref[...], preferred_element_type=jnp.float32)
    as_ref[...] = a256[:, :128]
    ad_ref[...] = a256[:, 128:]
    bm_ref[...] = jnp.max(a256, axis=0, keepdims=True)[None]
    for h in range(H):
        xp_ref[h] = xp[:, h * D_OUT:(h + 1) * D_OUT]


def _project(xpad, W, attbig):
    blk = _NPAD // _NBLK
    return pl.pallas_call(
        _proj_body,
        grid=(_NBLK,),
        in_specs=[
            pl.BlockSpec((blk, D_IN), lambda i: (i, 0)),
            pl.BlockSpec((D_IN, H * D_OUT), lambda i: (0, 0)),
            pl.BlockSpec((H * D_OUT, 256), lambda i: (0, 0)),
        ],
        out_specs=[
            pl.BlockSpec((H, blk, D_OUT), lambda i: (0, i, 0)),
            pl.BlockSpec((blk, 128), lambda i: (i, 0)),
            pl.BlockSpec((blk, 128), lambda i: (i, 0)),
            pl.BlockSpec((1, 1, 256), lambda i: (i, 0, 0)),
        ],
        out_shape=[
            jax.ShapeDtypeStruct((H, _NPAD, D_OUT), jnp.float32),
            jax.ShapeDtypeStruct((_NPAD, 128), jnp.float32),
            jax.ShapeDtypeStruct((_NPAD, 128), jnp.float32),
            jax.ShapeDtypeStruct((_NBLK, 1, 256), jnp.float32),
        ],
    )(xpad, W, attbig)




_NQ = 320


def _att_body(src_hbm, dst_hbm, ae_hbm, as_hbm, ad_hbm, m_hbm,
              p_hbm, out_hbm,
              sv0, sv1, dv0, dv1, gs0, gs1, gd0, gd1, ab0, ab1,
              pay0, pay1, pw0, pw1, mv, acc, semm0, semm1, semg0, semg1):
    cid = lax.axis_index("c")
    sid = lax.axis_index("s")
    wid = sid * 2 + cid
    sv = (sv0, sv1)
    dv = (dv0, dv1)
    gs = (gs0, gs1)
    gd = (gd0, gd1)
    ab = (ab0, ab1)
    pay = (pay0, pay1)
    pw = (pw0, pw1)
    semm = (semm0, semm1)
    semg = (semg0, semg1)

    def _zrow(i, _):
        for v in range(8):
            pay0[i, pl.ds(v * 16, 16)] = jnp.zeros((16,), jnp.float32)
        return 0
    lax.fori_loop(0, 32, _zrow, 0)
    for z in range(_NPT // 32):
        pltpu.sync_copy(pay0, acc.at[pl.ds(sid * _NPT + z * 32, 32)])
    plsc.subcore_barrier()

    pltpu.async_copy(m_hbm, mv, semm0).wait()

    def _fire_meta(q, par):
        pltpu.async_copy(src_hbm.at[wid, q], sv[par], semm[par])
        pltpu.async_copy(dst_hbm.at[wid, q], dv[par], semm[par])
        pltpu.async_copy(ae_hbm.at[wid, q], ab[par], semm[par])

    def _drain_meta(par):
        pltpu.make_async_copy(src_hbm.at[wid, 0], sv[par], semm[par]).wait()
        pltpu.make_async_copy(dst_hbm.at[wid, 0], dv[par], semm[par]).wait()
        pltpu.make_async_copy(ae_hbm.at[wid, 0], ab[par], semm[par]).wait()

    _fire_meta(0, 0)
    _fire_meta(1, 1)

    def _pair(g, _):
        q0 = g * 2
        for par in range(2):
            _drain_meta(par)
            pltpu.async_copy(as_hbm.at[sv[par]], gs[par], semg[par])
            pltpu.async_copy(ad_hbm.at[dv[par]], gd[par], semg[par])
        for par in range(2):
            q = q0 + par
            gbase = wid * (_NQ * 32) + q * 32
            gsp, gdp, abp = gs[par], gd[par], ab[par]
            payp, pwp = pay[par], pw[par]
            pltpu.make_async_copy(as_hbm.at[pl.ds(0, 32)], gsp,
                                  semg[par]).wait()
            pltpu.make_async_copy(as_hbm.at[pl.ds(0, 32)], gdp,
                                  semg[par]).wait()

            def _row(r, _c):
                m16 = mv[pl.ds(0, 16)]
                iota = lax.iota(jnp.int32, 16)
                ae16 = abp[r, pl.ds(0, 16)]
                al = gsp[r, pl.ds(0, 16)] + gdp[r, pl.ds(0, 16)] + ae16
                al = jnp.where(al >= 0, al, NEG_SLOPE * al)
                p16 = jnp.exp(al - m16)
                vsel = jnp.where(
                    lax.broadcast_in_dim(gbase + r, (16,), ()) < E, 1.0, 0.0)
                p16 = p16 * vsel * jnp.where(iota < H, 1.0, 0.0)
                pwp[r, pl.ds(0, 16)] = p16
                aesh = ae16 * jnp.where(
                    (iota >= H) & (iota < 2 * H), 1.0, 0.0)
                dege = vsel * jnp.where(iota == 8, 1.0, 0.0)
                payp[r, pl.ds(0, 16)] = p16 + aesh + dege
                return 0
            lax.fori_loop(0, 32, _row, 0)
            pltpu.sync_copy(payp, acc.at[dv[par]], add=True)
            pltpu.sync_copy(pwp, p_hbm.at[wid, q])
            _fire_meta(q0 + 2 + par, par)
        return 0

    lax.fori_loop(0, _NQ // 2, _pair, 0)
    _drain_meta(0)
    _drain_meta(1)

    plsc.subcore_barrier()
    pltpu.sync_copy(acc.at[pl.ds(sid * _NPT, _NPT)],
                    out_hbm.at[cid, pl.ds(sid * _NPT, _NPT)])


def _sc_attention(src2, dst2, ae16r, a16s, a16d, m16):
    mesh = plsc.VectorSubcoreMesh(core_axis_name="c", subcore_axis_name="s")
    kern = pl.kernel(
        _att_body,
        mesh=mesh,
        out_type=[
            jax.ShapeDtypeStruct((_NW, _NQ + 2, 32, 16), jnp.float32),
            jax.ShapeDtypeStruct((2, _NPAD, D_OUT), jnp.float32),
        ],
        scratch_types=(
            [pltpu.VMEM((32,), jnp.int32)] * 4
            + [pltpu.VMEM((32, 128), jnp.float32)] * 4
            + [pltpu.VMEM((32, 16), jnp.float32)] * 2
            + [pltpu.VMEM((32, D_OUT), jnp.float32)] * 2
            + [pltpu.VMEM((32, 16), jnp.float32)] * 2
            + [pltpu.VMEM((16,), jnp.float32)]
            + [pltpu.VMEM_SHARED((_NPAD, D_OUT), jnp.float32)]
            + [pltpu.SemaphoreType.DMA] * 4
        ),
    )
    return kern(src2, dst2, ae16r, a16s, a16d, m16)




_GM = 32
_NBM = 320
_NPADM = 10112
_NPTM = _NPADM // 16


def _msg_body(meta_hbm, dst_hbm, p_hbm, winv_hbm, xp4_hbm, out_hbm,
              meta0, meta1, dv0, dv1, ds0, ds1, pc0, pc1,
              gv0, gv1, ra0, rb0, rc0, rd0, ra1, rb1, rc1, rd1,
              acc, semm0, semm1, semg0, semg1, sems0, sems1):
    cid = lax.axis_index("c")
    sid = lax.axis_index("s")
    wid = sid * 2 + cid
    meta = (meta0, meta1)
    dv = (dv0, dv1)
    dvs = (ds0, ds1)
    pc = (pc0, pc1)
    gv = (gv0, gv1)
    rows = ((ra0, rb0, rc0, rd0), (ra1, rb1, rc1, rd1))
    semm = (semm0, semm1)
    semg = (semg0, semg1)
    sems = (sems0, sems1)

    def _zrow(i, _):
        for v in range(8):
            rd0[i, pl.ds(v * 16, 16)] = jnp.zeros((16,), jnp.float32)
        return 0
    lax.fori_loop(0, _GM, _zrow, 0)
    for z in range(19):
        pltpu.sync_copy(rd0, acc.at[pl.ds(sid * _NPTM + z * _GM, _GM)])
    pltpu.sync_copy(rd0.at[pl.ds(0, 24)],
                    acc.at[pl.ds(sid * _NPTM + 608, 24)])
    plsc.subcore_barrier()

    def _fire_meta(b, par):
        pltpu.async_copy(meta_hbm.at[wid, b], meta[par], semm[par])
        pltpu.async_copy(dst_hbm.at[wid, b], dv[par], semm[par])
        pltpu.async_copy(p_hbm.at[wid, b], pc[par], semm[par])

    def _drain_meta(par):
        pltpu.make_async_copy(meta_hbm.at[wid, 0], meta[par],
                              semm[par]).wait()
        pltpu.make_async_copy(dst_hbm.at[wid, 0], dv[par], semm[par]).wait()
        pltpu.make_async_copy(p_hbm.at[wid, 0], pc[par], semm[par]).wait()

    def _fire_gathers(par):
        for h in range(H):
            pltpu.async_copy(
                xp4_hbm.at[h].at[meta[par]], rows[par][h], semg[par])
        pltpu.async_copy(winv_hbm.at[dv[par]], gv[par], semg[par])

    def _drain_gathers(par):
        for h in range(H):
            pltpu.make_async_copy(winv_hbm.at[pl.ds(0, _GM)],
                                  rows[par][h], semg[par]).wait()
        pltpu.make_async_copy(winv_hbm.at[pl.ds(0, _GM)], gv[par],
                              semg[par]).wait()
        pltpu.make_async_copy(dst_hbm.at[wid, 0], dvs[par],
                              semg[par]).wait()

    _fire_meta(0, 0)
    _fire_meta(1, 1)
    for par in range(2):
        pltpu.async_copy(winv_hbm.at[pl.ds(0, _GM)], rows[par][3], sems[par])

    def _pair(g, _):
        b0 = g * 2
        for par in range(2):
            pltpu.make_async_copy(winv_hbm.at[pl.ds(0, _GM)],
                                  rows[par][3], sems[par]).wait()
            _drain_meta(par)
            pltpu.async_copy(dst_hbm.at[wid, b0 + par], dvs[par], semg[par])
            _fire_gathers(par)
        for par in range(2):
            r0p, r1p, r2p, r3p = rows[par]
            msg = r3p
            pcp = pc[par]
            gvp = gv[par]
            _drain_gathers(par)

            def _row(r, _c):
                wrow = (pcp[r // 8, pl.ds((r % 8) * 16, 16)]
                        * gvp[r, pl.ds(0, 16)])
                w0 = lax.broadcast_in_dim(wrow[0], (16,), ())
                w1 = lax.broadcast_in_dim(wrow[1], (16,), ())
                w2 = lax.broadcast_in_dim(wrow[2], (16,), ())
                w3 = lax.broadcast_in_dim(wrow[3], (16,), ())
                for v in range(8):
                    sl = pl.ds(v * 16, 16)
                    a = r0p[r, sl] * w0 + r1p[r, sl] * w1
                    a = a + r2p[r, sl] * w2 + r3p[r, sl] * w3
                    msg[r, sl] = a
                return 0
            lax.fori_loop(0, _GM, _row, 0)
            pltpu.async_copy(msg, acc.at[dvs[par]], sems[par], add=True)
            _fire_meta(b0 + 2 + par, par)
        return 0

    lax.fori_loop(0, _NBM // 2, _pair, 0)
    _drain_meta(0)
    _drain_meta(1)
    for par in range(2):
        pltpu.make_async_copy(winv_hbm.at[pl.ds(0, _GM)],
                              rows[par][3], sems[par]).wait()

    plsc.subcore_barrier()
    pltpu.sync_copy(acc.at[pl.ds(sid * _NPTM, _NPTM)],
                    out_hbm.at[cid, pl.ds(sid * _NPTM, _NPTM)])


def _sc_message(meta, dst3, p3, winvtbl, xp4):
    mesh = plsc.VectorSubcoreMesh(core_axis_name="c", subcore_axis_name="s")
    kern = pl.kernel(
        _msg_body,
        mesh=mesh,
        out_type=jax.ShapeDtypeStruct((2, _NPADM, D_OUT), jnp.float32),
        scratch_types=(
            [pltpu.VMEM((_GM,), jnp.int32)] * 2
            + [pltpu.VMEM((_GM,), jnp.int32)] * 4
            + [pltpu.VMEM((4, 128), jnp.float32)] * 2
            + [pltpu.VMEM((_GM, D_OUT), jnp.float32)] * 2
            + [pltpu.VMEM((_GM, D_OUT), jnp.float32)] * 8
            + [pltpu.VMEM_SHARED((_NPADM, D_OUT), jnp.float32)]
            + [pltpu.SemaphoreType.DMA] * 6
        ),
    )
    return kern(meta, dst3, p3, winvtbl, xp4)




def kernel(x, edge_index, edge_attr, W, att_src, att_dst, W_e, att_edge):
    src, dst = edge_index[0], edge_index[1]
    B = jnp.einsum('khd,hd->kh', W_e.reshape(D_EDGE, H, D_OUT), att_edge)

    attbig = jnp.zeros((H * D_OUT, 256), jnp.float32)
    attbig = attbig.at[:, :H].set(
        jax.scipy.linalg.block_diag(*[att_src[h][:, None] for h in range(H)]))
    attbig = attbig.at[:, 128:128 + H].set(
        jax.scipy.linalg.block_diag(*[att_dst[h][:, None] for h in range(H)]))
    xpad = jnp.zeros((_NPAD, D_IN), jnp.float32).at[:N].set(x)
    xp4, a16s, a16d, bm = _project(xpad, W, attbig)
    asrc = a16s[:N, :H]
    adst = a16d[:N, :H]
    msd = jnp.max(bm.reshape(_NBLK, 256).T, axis=1)

    ae = edge_attr @ B
    ae16r = jnp.zeros((_EPAD, 16), jnp.float32)
    ae16r = ae16r.at[:E, :H].set(ae).at[:E, H:2 * H].set(ae)
    ae16r = jnp.zeros((_NW, _NQ + 2, 32, 16), jnp.float32).at[:, :_NQ].set(
        ae16r.reshape(_NW, _NQ, 32, 16))
    aemax = jnp.max(ae.T, axis=1)
    M = _lr(msd[:H] + msd[128:128 + H] + jnp.maximum(aemax, 0.0))
    m16 = jnp.zeros((16,), jnp.float32).at[:H].set(M)

    srcp = jnp.zeros((_EPAD,), jnp.int32).at[:E].set(src)
    dstp = jnp.zeros((_EPAD,), jnp.int32).at[:E].set(dst)
    src2 = jnp.zeros((_NW, _NQ + 2, 32), jnp.int32).at[:, :_NQ].set(
        srcp.reshape(_NW, _NQ, 32))
    dst2 = jnp.zeros((_NW, _NQ + 2, 32), jnp.int32).at[:, :_NQ].set(
        dstp.reshape(_NW, _NQ, 32))
    prq, sparts = _sc_attention(src2, dst2, ae16r, a16s, a16d, m16)

    sacc = sparts[0, :N] + sparts[1, :N]
    deg = sacc[:, 8]
    sA = sacc[:, 4:4 + H]
    sE = sacc[:, :H]
    a_loop = _lr(asrc + adst + sA / jnp.maximum(deg, 1.0)[:, None])
    p_loop = jnp.exp(a_loop - M[None, :])
    s = sE + p_loop
    winv = 1.0 / s
    w_loop = p_loop * winv

    winvtbl = jnp.zeros((_NPAD, 128), jnp.float32).at[:N, :H].set(winv)
    p3 = prq.reshape(_NW, _NBM + 2, 4, 128)
    parts = _sc_message(src2, dst2, p3, winvtbl, xp4)

    self_msg = jnp.zeros((N, D_OUT), jnp.float32)
    for h in range(H):
        self_msg = self_msg + w_loop[:, h:h + 1] * xp4[h, :N]
    out = (parts[0, :N] + parts[1, :N] + self_msg) * (1.0 / H)
    return out

# --- scband reference (transcript-rebuilt; emitter-appended) ---
"""Pipeline reference for scband-gatconv-16604343566548 (READ-ONLY COPY).

The authoritative reference and input builder live on the scoring server;
editing this copy changes nothing except your own understanding.
"""

import jax, jax.numpy as jnp
import numpy as np

N = 10000
E = 320000
D_IN = 128
D_OUT = 128
H = 4  # cfg.gnn.num_heads assumed 4
D_EDGE = 16
NEG_SLOPE = 0.2


def setup_inputs(seed: int = 0) -> dict:
    key = jax.random.key(seed)
    ks = jax.random.split(key, 8)
    x = jax.random.normal(ks[0], (N, D_IN), dtype=jnp.float32)
    edge_index = jax.random.randint(ks[1], (2, E), 0, N, dtype=jnp.int32)
    edge_attr = jax.random.normal(ks[2], (E, D_EDGE), dtype=jnp.float32)
    # learned params of pyg.nn.GATConv(D_IN, D_OUT, heads=H, edge_dim=D_EDGE, concat=False, bias=False)
    W = jax.random.normal(ks[3], (D_IN, H * D_OUT), dtype=jnp.float32) * (1.0 / np.sqrt(D_IN))
    att_src = jax.random.normal(ks[4], (H, D_OUT), dtype=jnp.float32) * 0.1
    att_dst = jax.random.normal(ks[5], (H, D_OUT), dtype=jnp.float32) * 0.1
    W_e = jax.random.normal(ks[6], (D_EDGE, H * D_OUT), dtype=jnp.float32) * (1.0 / np.sqrt(D_EDGE))
    att_edge = jax.random.normal(ks[7], (H, D_OUT), dtype=jnp.float32) * 0.1
    return {"x": x, "edge_index": edge_index, "edge_attr": edge_attr,
            "W": W, "att_src": att_src, "att_dst": att_dst,
            "W_e": W_e, "att_edge": att_edge}


def reference(x, edge_index, edge_attr, W, att_src, att_dst, W_e, att_edge):
    src, dst = edge_index[0], edge_index[1]
    # add_self_loops=True with fill_value='mean' for edge_attr (PyG default behavior)
    deg = jax.ops.segment_sum(jnp.ones((E,), x.dtype), dst, num_segments=N)
    attr_sum = jax.ops.segment_sum(edge_attr, dst, num_segments=N)
    loop_attr = attr_sum / jnp.maximum(deg, 1.0)[:, None]
    loop_idx = jnp.arange(N, dtype=src.dtype)
    src_f = jnp.concatenate([src, loop_idx])
    dst_f = jnp.concatenate([dst, loop_idx])
    ea = jnp.concatenate([edge_attr, loop_attr], axis=0)
    # linear projections
    x_p = (x @ W).reshape(N, H, D_OUT)
    a_src = (x_p * att_src[None]).sum(-1)  # [N, H]
    a_dst = (x_p * att_dst[None]).sum(-1)  # [N, H]
    e_p = (ea @ W_e).reshape(E + N, H, D_OUT)
    a_edge = (e_p * att_edge[None]).sum(-1)  # [E+N, H]
    # attention logits per edge per head
    alpha = a_src[src_f] + a_dst[dst_f] + a_edge
    alpha = jax.nn.leaky_relu(alpha, negative_slope=NEG_SLOPE)
    # segment softmax over incoming edges of each dst node
    m = jax.ops.segment_max(alpha, dst_f, num_segments=N)
    alpha = jnp.exp(alpha - m[dst_f])
    s = jax.ops.segment_sum(alpha, dst_f, num_segments=N)
    alpha = alpha / (s[dst_f] + 1e-16)
    # message = alpha * x_j (edge_attr only affects attention in PyG GATConv)
    msg = x_p[src_f] * alpha[:, :, None]
    out = jax.ops.segment_sum(msg, dst_f, num_segments=N)  # [N, H, D_OUT]
    return out.mean(axis=1)  # concat=False -> head average, bias=False

if __name__ == "__main__":
    import jax
    _d = setup_inputs()
    print(jax.jit(kernel)(*tuple(_d.values())))

</pallas_src>

<mosaic_0001>
#map = affine_map<(d0, d1) -> (0, 0, 0)>
#map1 = affine_map<(d0, d1) -> (0, 0, 0, 0)>
#map2 = affine_map<(d0, d1) -> (0, 0)>
#map3 = affine_map<(d0, d1) -> (0)>
module attributes {stable_mosaic.version = 14 : i64} {
  func.func @_att_body(%arg0: i32, %arg1: i32, %arg2: memref<32x322x32xi32, #tpu.memory_space<hbm>>, %arg3: memref<32x322x32xi32, #tpu.memory_space<hbm>>, %arg4: memref<32x322x32x16xf32, #tpu.memory_space<hbm>>, %arg5: memref<10240x128xf32, #tpu.memory_space<hbm>>, %arg6: memref<10240x128xf32, #tpu.memory_space<hbm>>, %arg7: memref<16xf32, #tpu.memory_space<hbm>>, %arg8: memref<32x322x32x16xf32, #tpu.memory_space<hbm>>, %arg9: memref<2x10240x128xf32, #tpu.memory_space<hbm>>, %arg10: memref<32xi32, #tpu.memory_space<vmem>>, %arg11: memref<32xi32, #tpu.memory_space<vmem>>, %arg12: memref<32xi32, #tpu.memory_space<vmem>>, %arg13: memref<32xi32, #tpu.memory_space<vmem>>, %arg14: memref<32x128xf32, #tpu.memory_space<vmem>>, %arg15: memref<32x128xf32, #tpu.memory_space<vmem>>, %arg16: memref<32x128xf32, #tpu.memory_space<vmem>>, %arg17: memref<32x128xf32, #tpu.memory_space<vmem>>, %arg18: memref<32x16xf32, #tpu.memory_space<vmem>>, %arg19: memref<32x16xf32, #tpu.memory_space<vmem>>, %arg20: memref<32x128xf32, #tpu.memory_space<vmem>>, %arg21: memref<32x128xf32, #tpu.memory_space<vmem>>, %arg22: memref<32x16xf32, #tpu.memory_space<vmem>>, %arg23: memref<32x16xf32, #tpu.memory_space<vmem>>, %arg24: memref<16xf32, #tpu.memory_space<vmem>>, %arg25: memref<10240x128xf32, #tpu.memory_space<vmem_shared>>, %arg26: memref<!tpu.dma_semaphore, #tpu.memory_space<semaphore_mem>>, %arg27: memref<!tpu.dma_semaphore, #tpu.memory_space<semaphore_mem>>, %arg28: memref<!tpu.dma_semaphore, #tpu.memory_space<semaphore_mem>>, %arg29: memref<!tpu.dma_semaphore, #tpu.memory_space<semaphore_mem>>) attributes {dimension_semantics = [#tpu.dimension_semantics<core_parallel>, #tpu.dimension_semantics<subcore_parallel>], iteration_bounds = array<i64: 2, 16>, scalar_prefetch = 0 : i64, scratch_operands = 20 : i64, tpu.core_type = #tpu.core_type<sc_vector_subcore>, window_params = [{transform_indices = #map}, {transform_indices = #map}, {transform_indices = #map1}, {transform_indices = #map2}, {transform_indices = #map2}, {transform_indices = #map3}, {transform_indices = #map1}, {transform_indices = #map}]} {
    %mul3A = arith.constant 2 : i32
    %mul3A_0 = arith.muli %arg1, %mul3A : i32
    %add3A = arith.addi %mul3A_0, %arg0 : i32
    %scan3A = arith.constant 0 : i32
    %scan3A_1 = arith.constant 0 : i32
    %scan3A_2 = arith.constant 32 : i32
    %scan3A_3 = arith.addi %scan3A_1, %scan3A_2 : i32
    %scan3A_4 = arith.constant 1 : i32
    %scan3A_5 = scf.for %scan3A_189 = %scan3A_1 to %scan3A_3 step %scan3A_4 iter_args(%scan3A_190 = %scan3A) -> (i32)  : i32 {
      %broadcast_in_dim3A = arith.constant 0.000000e+00 : f32
      %broadcast_in_dim3A_191 = vector.broadcast %broadcast_in_dim3A : f32 to vector<16xf32>
      %swap3A = arith.index_cast %scan3A_189 : i32 to index
      %swap3A_192 = arith.constant 0 : index
      %swap3A_193 = tpu.vector_load %arg20[%swap3A, %swap3A_192] {strides = array<i32>} : memref<32x128xf32, #tpu.memory_space<vmem>>, vector<1x16xf32>,
      %swap3A_194 = vector.shape_cast %swap3A_193 : vector<1x16xf32> to vector<16xf32>
      %swap3A_195 = vector.shape_cast %broadcast_in_dim3A_191 : vector<16xf32> to vector<1x16xf32>
      tpu.vector_store %arg20[%swap3A, %swap3A_192], %swap3A_195 {strides = array<i32>} : memref<32x128xf32, #tpu.memory_space<vmem>>, vector<1x16xf32>,
      %broadcast_in_dim3A_196 = arith.constant 0.000000e+00 : f32
      %broadcast_in_dim3A_197 = vector.broadcast %broadcast_in_dim3A_196 : f32 to vector<16xf32>
      %swap3A_198 = arith.index_cast %scan3A_189 : i32 to index
      %swap3A_199 = arith.constant 16 : index
      %swap3A_200 = tpu.vector_load %arg20[%swap3A_198, %swap3A_199] {strides = array<i32>} : memref<32x128xf32, #tpu.memory_space<vmem>>, vector<1x16xf32>,
      %swap3A_201 = vector.shape_cast %swap3A_200 : vector<1x16xf32> to vector<16xf32>
      %swap3A_202 = vector.shape_cast %broadcast_in_dim3A_197 : vector<16xf32> to vector<1x16xf32>
      tpu.vector_store %arg20[%swap3A_198, %swap3A_199], %swap3A_202 {strides = array<i32>} : memref<32x128xf32, #tpu.memory_space<vmem>>, vector<1x16xf32>,
      %broadcast_in_dim3A_203 = arith.constant 0.000000e+00 : f32
      %broadcast_in_dim3A_204 = vector.broadcast %broadcast_in_dim3A_203 : f32 to vector<16xf32>
      %swap3A_205 = arith.index_cast %scan3A_189 : i32 to index
      %swap3A_206 = arith.constant 32 : index
      %swap3A_207 = tpu.vector_load %arg20[%swap3A_205, %swap3A_206] {strides = array<i32>} : memref<32x128xf32, #tpu.memory_space<vmem>>, vector<1x16xf32>,
      %swap3A_208 = vector.shape_cast %swap3A_207 : vector<1x16xf32> to vector<16xf32>
      %swap3A_209 = vector.shape_cast %broadcast_in_dim3A_204 : vector<16xf32> to vector<1x16xf32>
      tpu.vector_store %arg20[%swap3A_205, %swap3A_206], %swap3A_209 {strides = array<i32>} : memref<32x128xf32, #tpu.memory_space<vmem>>, vector<1x16xf32>,
      %broadcast_in_dim3A_210 = arith.constant 0.000000e+00 : f32
      %broadcast_in_dim3A_211 = vector.broadcast %broadcast_in_dim3A_210 : f32 to vector<16xf32>
      %swap3A_212 = arith.index_cast %scan3A_189 : i32 to index
      %swap3A_213 = arith.constant 48 : index
      %swap3A_214 = tpu.vector_load %arg20[%swap3A_212, %swap3A_213] {strides = array<i32>} : memref<32x128xf32, #tpu.memory_space<vmem>>, vector<1x16xf32>,
      %swap3A_215 = vector.shape_cast %swap3A_214 : vector<1x16xf32> to vector<16xf32>
      %swap3A_216 = vector.shape_cast %broadcast_in_dim3A_211 : vector<16xf32> to vector<1x16xf32>
      tpu.vector_store %arg20[%swap3A_212, %swap3A_213], %swap3A_216 {strides = array<i32>} : memref<32x128xf32, #tpu.memory_space<vmem>>, vector<1x16xf32>,
      %broadcast_in_dim3A_217 = arith.constant 0.000000e+00 : f32
      %broadcast_in_dim3A_218 = vector.broadcast %broadcast_in_dim3A_217 : f32 to vector<16xf32>
      %swap3A_219 = arith.index_cast %scan3A_189 : i32 to index
      %swap3A_220 = arith.constant 64 : index
      %swap3A_221 = tpu.vector_load %arg20[%swap3A_219, %swap3A_220] {strides = array<i32>} : memref<32x128xf32, #tpu.memory_space<vmem>>, vector<1x16xf32>,
      %swap3A_222 = vector.shape_cast %swap3A_221 : vector<1x16xf32> to vector<16xf32>
      %swap3A_223 = vector.shape_cast %broadcast_in_dim3A_218 : vector<16xf32> to vector<1x16xf32>
      tpu.vector_store %arg20[%swap3A_219, %swap3A_220], %swap3A_223 {strides = array<i32>} : memref<32x128xf32, #tpu.memory_space<vmem>>, vector<1x16xf32>,
      %broadcast_in_dim3A_224 = arith.constant 0.000000e+00 : f32
      %broadcast_in_dim3A_225 = vector.broadcast %broadcast_in_dim3A_224 : f32 to vector<16xf32>
      %swap3A_226 = arith.index_cast %scan3A_189 : i32 to index
      %swap3A_227 = arith.constant 80 : index
      %swap3A_228 = tpu.vector_load %arg20[%swap3A_226, %swap3A_227] {strides = array<i32>} : memref<32x128xf32, #tpu.memory_space<vmem>>, vector<1x16xf32>,
      %swap3A_229 = vector.shape_cast %swap3A_228 : vector<1x16xf32> to vector<16xf32>
      %swap3A_230 = vector.shape_cast %broadcast_in_dim3A_225 : vector<16xf32> to vector<1x16xf32>
      tpu.vector_store %arg20[%swap3A_226, %swap3A_227], %swap3A_230 {strides = array<i32>} : memref<32x128xf32, #tpu.memory_space<vmem>>, vector<1x16xf32>,
      %broadcast_in_dim3A_231 = arith.constant 0.000000e+00 : f32
      %broadcast_in_dim3A_232 = vector.broadcast %broadcast_in_dim3A_231 : f32 to vector<16xf32>
      %swap3A_233 = arith.index_cast %scan3A_189 : i32 to index
      %swap3A_234 = arith.constant 96 : index
      %swap3A_235 = tpu.vector_load %arg20[%swap3A_233, %swap3A_234] {strides = array<i32>} : memref<32x128xf32, #tpu.memory_space<vmem>>, vector<1x16xf32>,
      %swap3A_236 = vector.shape_cast %swap3A_235 : vector<1x16xf32> to vector<16xf32>
      %swap3A_237 = vector.shape_cast %broadcast_in_dim3A_232 : vector<16xf32> to vector<1x16xf32>
      tpu.vector_store %arg20[%swap3A_233, %swap3A_234], %swap3A_237 {strides = array<i32>} : memref<32x128xf32, #tpu.memory_space<vmem>>, vector<1x16xf32>,
      %broadcast_in_dim3A_238 = arith.constant 0.000000e+00 : f32
      %broadcast_in_dim3A_239 = vector.broadcast %broadcast_in_dim3A_238 : f32 to vector<16xf32>
      %swap3A_240 = arith.index_cast %scan3A_189 : i32 to index
      %swap3A_241 = arith.constant 112 : index
      %swap3A_242 = tpu.vector_load %arg20[%swap3A_240, %swap3A_241] {strides = array<i32>} : memref<32x128xf32, #tpu.memory_space<vmem>>, vector<1x16xf32>,
      %swap3A_243 = vector.shape_cast %swap3A_242 : vector<1x16xf32> to vector<16xf32>
      %swap3A_244 = vector.shape_cast %broadcast_in_dim3A_239 : vector<16xf32> to vector<1x16xf32>
      tpu.vector_store %arg20[%swap3A_240, %swap3A_241], %swap3A_244 {strides = array<i32>} : memref<32x128xf32, #tpu.memory_space<vmem>>, vector<1x16xf32>,
      %scan3A_245 = arith.constant 0 : i32
      scf.yield %scan3A_245 : i32
    }
    %scan3A_6 = arith.constant 32 : i32
    %mul3A_7 = arith.constant 640 : i32
    %mul3A_8 = arith.muli %arg1, %mul3A_7 : i32
    %add3A_9 = arith.constant 0 : i32
    %add3A_10 = arith.addi %mul3A_8, %add3A_9 : i32
    "tpu.region"() ({
      %run_scoped3A = tpu.sem_alloc : memref<!tpu.dma_semaphore, #tpu.memory_space<semaphore_mem>>
      %dma_start3A_189 = arith.constant 0 : i32
      %dma_start3A_190 = tpu.memref_slice %arg25[%add3A_10, %dma_start3A_189] : memref<10240x128xf32, #tpu.memory_space<vmem_shared>> -> memref<32x128xf32, #tpu.memory_space<vmem_shared>>
      %dma_start3A_191 = arith.constant 0 : i32
      %dma_start3A_192 = tpu.memref_slice %arg25[%add3A_10, %dma_start3A_191] : memref<10240x128xf32, #tpu.memory_space<vmem_shared>> -> memref<32x128xf32, #tpu.memory_space<vmem_shared>>
      tpu.enqueue_dma source(%arg20 : memref<32x128xf32, #tpu.memory_space<vmem>>) target(%dma_start3A_192 : memref<32x128xf32, #tpu.memory_space<vmem_shared>>) target_semaphore(%run_scoped3A : memref<!tpu.dma_semaphore, #tpu.memory_space<semaphore_mem>>)
      %dma_wait3A_193 = arith.constant 0 : i32
      %dma_wait3A_194 = tpu.memref_slice %arg25[%add3A_10, %dma_wait3A_193] : memref<10240x128xf32, #tpu.memory_space<vmem_shared>> -> memref<32x128xf32, #tpu.memory_space<vmem_shared>>
      %dma_wait3A_195 = arith.constant 0 : i32
      %dma_wait3A_196 = tpu.memref_slice %arg25[%add3A_10, %dma_wait3A_195] : memref<10240x128xf32, #tpu.memory_space<vmem_shared>> -> memref<32x128xf32, #tpu.memory_space<vmem_shared>>
      tpu.wait_dma2 semaphore(%run_scoped3A : memref<!tpu.dma_semaphore, #tpu.memory_space<semaphore_mem>>) src(%arg20 : memref<32x128xf32, #tpu.memory_space<vmem>>) dst(%dma_wait3A_196 : memref<32x128xf32, #tpu.memory_space<vmem_shared>>)
      tpu.yield
    }) : () -> ()
    %mul3A_11 = arith.constant 640 : i32
    %mul3A_12 = arith.muli %arg1, %mul3A_11 : i32
    %add3A_13 = arith.constant 32 : i32
    %add3A_14 = arith.addi %mul3A_12, %add3A_13 : i32
    "tpu.region"() ({
      %run_scoped3A = tpu.sem_alloc : memref<!tpu.dma_semaphore, #tpu.memory_space<semaphore_mem>>
      %dma_start3A_189 = arith.constant 0 : i32
      %dma_start3A_190 = tpu.memref_slice %arg25[%add3A_14, %dma_start3A_189] : memref<10240x128xf32, #tpu.memory_space<vmem_shared>> -> memref<32x128xf32, #tpu.memory_space<vmem_shared>>
      %dma_start3A_191 = arith.constant 0 : i32
      %dma_start3A_192 = tpu.memref_slice %arg25[%add3A_14, %dma_start3A_191] : memref<10240x128xf32, #tpu.memory_space<vmem_shared>> -> memref<32x128xf32, #tpu.memory_space<vmem_shared>>
      tpu.enqueue_dma source(%arg20 : memref<32x128xf32, #tpu.memory_space<vmem>>) target(%dma_start3A_192 : memref<32x128xf32, #tpu.memory_space<vmem_shared>>) target_semaphore(%run_scoped3A : memref<!tpu.dma_semaphore, #tpu.memory_space<semaphore_mem>>)
      %dma_wait3A_193 = arith.constant 0 : i32
      %dma_wait3A_194 = tpu.memref_slice %arg25[%add3A_14, %dma_wait3A_193] : memref<10240x128xf32, #tpu.memory_space<vmem_shared>> -> memref<32x128xf32, #tpu.memory_space<vmem_shared>>
      %dma_wait3A_195 = arith.constant 0 : i32
      %dma_wait3A_196 = tpu.memref_slice %arg25[%add3A_14, %dma_wait3A_195] : memref<10240x128xf32, #tpu.memory_space<vmem_shared>> -> memref<32x128xf32, #tpu.memory_space<vmem_shared>>
      tpu.wait_dma2 semaphore(%run_scoped3A : memref<!tpu.dma_semaphore, #tpu.memory_space<semaphore_mem>>) src(%arg20 : memref<32x128xf32, #tpu.memory_space<vmem>>) dst(%dma_wait3A_196 : memref<32x128xf32, #tpu.memory_space<vmem_shared>>)
      tpu.yield
    }) : () -> ()
    %mul3A_15 = arith.constant 640 : i32
    %mul3A_16 = arith.muli %arg1, %mul3A_15 : i32
    %add3A_17 = arith.constant 64 : i32
    %add3A_18 = arith.addi %mul3A_16, %add3A_17 : i32
    "tpu.region"() ({
      %run_scoped3A = tpu.sem_alloc : memref<!tpu.dma_semaphore, #tpu.memory_space<semaphore_mem>>
      %dma_start3A_189 = arith.constant 0 : i32
      %dma_start3A_190 = tpu.memref_slice %arg25[%add3A_18, %dma_start3A_189] : memref<10240x128xf32, #tpu.memory_space<vmem_shared>> -> memref<32x128xf32, #tpu.memory_space<vmem_shared>>
      %dma_start3A_191 = arith.constant 0 : i32
      %dma_start3A_192 = tpu.memref_slice %arg25[%add3A_18, %dma_start3A_191] : memref<10240x128xf32, #tpu.memory_space<vmem_shared>> -> memref<32x128xf32, #tpu.memory_space<vmem_shared>>
      tpu.enqueue_dma source(%arg20 : memref<32x128xf32, #tpu.memory_space<vmem>>) target(%dma_start3A_192 : memref<32x128xf32, #tpu.memory_space<vmem_shared>>) target_semaphore(%run_scoped3A : memref<!tpu.dma_semaphore, #tpu.memory_space<semaphore_mem>>)
      %dma_wait3A_193 = arith.constant 0 : i32
      %dma_wait3A_194 = tpu.memref_slice %arg25[%add3A_18, %dma_wait3A_193] : memref<10240x128xf32, #tpu.memory_space<vmem_shared>> -> memref<32x128xf32, #tpu.memory_space<vmem_shared>>
      %dma_wait3A_195 = arith.constant 0 : i32
      %dma_wait3A_196 = tpu.memref_slice %arg25[%add3A_18, %dma_wait3A_195] : memref<10240x128xf32, #tpu.memory_space<vmem_shared>> -> memref<32x128xf32, #tpu.memory_space<vmem_shared>>
      tpu.wait_dma2 semaphore(%run_scoped3A : memref<!tpu.dma_semaphore, #tpu.memory_space<semaphore_mem>>) src(%arg20 : memref<32x128xf32, #tpu.memory_space<vmem>>) dst(%dma_wait3A_196 : memref<32x128xf32, #tpu.memory_space<vmem_shared>>)
      tpu.yield
    }) : () -> ()
    %mul3A_19 = arith.constant 640 : i32
    %mul3A_20 = arith.muli %arg1, %mul3A_19 : i32
    %add3A_21 = arith.constant 96 : i32
    %add3A_22 = arith.addi %mul3A_20, %add3A_21 : i32
    "tpu.region"() ({
      %run_scoped3A = tpu.sem_alloc : memref<!tpu.dma_semaphore, #tpu.memory_space<semaphore_mem>>
      %dma_start3A_189 = arith.constant 0 : i32
      %dma_start3A_190 = tpu.memref_slice %arg25[%add3A_22, %dma_start3A_189] : memref<10240x128xf32, #tpu.memory_space<vmem_shared>> -> memref<32x128xf32, #tpu.memory_space<vmem_shared>>
      %dma_start3A_191 = arith.constant 0 : i32
      %dma_start3A_192 = tpu.memref_slice %arg25[%add3A_22, %dma_start3A_191] : memref<10240x128xf32, #tpu.memory_space<vmem_shared>> -> memref<32x128xf32, #tpu.memory_space<vmem_shared>>
      tpu.enqueue_dma source(%arg20 : memref<32x128xf32, #tpu.memory_space<vmem>>) target(%dma_start3A_192 : memref<32x128xf32, #tpu.memory_space<vmem_shared>>) target_semaphore(%run_scoped3A : memref<!tpu.dma_semaphore, #tpu.memory_space<semaphore_mem>>)
      %dma_wait3A_193 = arith.constant 0 : i32
      %dma_wait3A_194 = tpu.memref_slice %arg25[%add3A_22, %dma_wait3A_193] : memref<10240x128xf32, #tpu.memory_space<vmem_shared>> -> memref<32x128xf32, #tpu.memory_space<vmem_shared>>
      %dma_wait3A_195 = arith.constant 0 : i32
      %dma_wait3A_196 = tpu.memref_slice %arg25[%add3A_22, %dma_wait3A_195] : memref<10240x128xf32, #tpu.memory_space<vmem_shared>> -> memref<32x128xf32, #tpu.memory_space<vmem_shared>>
      tpu.wait_dma2 semaphore(%run_scoped3A : memref<!tpu.dma_semaphore, #tpu.memory_space<semaphore_mem>>) src(%arg20 : memref<32x128xf32, #tpu.memory_space<vmem>>) dst(%dma_wait3A_196 : memref<32x128xf32, #tpu.memory_space<vmem_shared>>)
      tpu.yield
    }) : () -> ()
    %mul3A_23 = arith.constant 640 : i32
    %mul3A_24 = arith.muli %arg1, %mul3A_23 : i32
    %add3A_25 = arith.constant 128 : i32
    %add3A_26 = arith.addi %mul3A_24, %add3A_25 : i32
    "tpu.region"() ({
      %run_scoped3A = tpu.sem_alloc : memref<!tpu.dma_semaphore, #tpu.memory_space<semaphore_mem>>
      %dma_start3A_189 = arith.constant 0 : i32
      %dma_start3A_190 = tpu.memref_slice %arg25[%add3A_26, %dma_start3A_189] : memref<10240x128xf32, #tpu.memory_space<vmem_shared>> -> memref<32x128xf32, #tpu.memory_space<vmem_shared>>
      %dma_start3A_191 = arith.constant 0 : i32
      %dma_start3A_192 = tpu.memref_slice %arg25[%add3A_26, %dma_start3A_191] : memref<10240x128xf32, #tpu.memory_space<vmem_shared>> -> memref<32x128xf32, #tpu.memory_space<vmem_shared>>
      tpu.enqueue_dma source(%arg20 : memref<32x128xf32, #tpu.memory_space<vmem>>) target(%dma_start3A_192 : memref<32x128xf32, #tpu.memory_space<vmem_shared>>) target_semaphore(%run_scoped3A : memref<!tpu.dma_semaphore, #tpu.memory_space<semaphore_mem>>)
      %dma_wait3A_193 = arith.constant 0 : i32
      %dma_wait3A_194 = tpu.memref_slice %arg25[%add3A_26, %dma_wait3A_193] : memref<10240x128xf32, #tpu.memory_space<vmem_shared>> -> memref<32x128xf32, #tpu.memory_space<vmem_shared>>
      %dma_wait3A_195 = arith.constant 0 : i32
      %dma_wait3A_196 = tpu.memref_slice %arg25[%add3A_26, %dma_wait3A_195] : memref<10240x128xf32, #tpu.memory_space<vmem_shared>> -> memref<32x128xf32, #tpu.memory_space<vmem_shared>>
      tpu.wait_dma2 semaphore(%run_scoped3A : memref<!tpu.dma_semaphore, #tpu.memory_space<semaphore_mem>>) src(%arg20 : memref<32x128xf32, #tpu.memory_space<vmem>>) dst(%dma_wait3A_196 : memref<32x128xf32, #tpu.memory_space<vmem_shared>>)
      tpu.yield
    }) : () -> ()
    %mul3A_27 = arith.constant 640 : i32
    %mul3A_28 = arith.muli %arg1, %mul3A_27 : i32
    %add3A_29 = arith.constant 160 : i32
    %add3A_30 = arith.addi %mul3A_28, %add3A_29 : i32
    "tpu.region"() ({
      %run_scoped3A = tpu.sem_alloc : memref<!tpu.dma_semaphore, #tpu.memory_space<semaphore_mem>>
      %dma_start3A_189 = arith.constant 0 : i32
      %dma_start3A_190 = tpu.memref_slice %arg25[%add3A_30, %dma_start3A_189] : memref<10240x128xf32, #tpu.memory_space<vmem_shared>> -> memref<32x128xf32, #tpu.memory_space<vmem_shared>>
      %dma_start3A_191 = arith.constant 0 : i32
      %dma_start3A_192 = tpu.memref_slice %arg25[%add3A_30, %dma_start3A_191] : memref<10240x128xf32, #tpu.memory_space<vmem_shared>> -> memref<32x128xf32, #tpu.memory_space<vmem_shared>>
      tpu.enqueue_dma source(%arg20 : memref<32x128xf32, #tpu.memory_space<vmem>>) target(%dma_start3A_192 : memref<32x128xf32, #tpu.memory_space<vmem_shared>>) target_semaphore(%run_scoped3A : memref<!tpu.dma_semaphore, #tpu.memory_space<semaphore_mem>>)
      %dma_wait3A_193 = arith.constant 0 : i32
      %dma_wait3A_194 = tpu.memref_slice %arg25[%add3A_30, %dma_wait3A_193] : memref<10240x128xf32, #tpu.memory_space<vmem_shared>> -> memref<32x128xf32, #tpu.memory_space<vmem_shared>>
      %dma_wait3A_195 = arith.constant 0 : i32
      %dma_wait3A_196 = tpu.memref_slice %arg25[%add3A_30, %dma_wait3A_195] : memref<10240x128xf32, #tpu.memory_space<vmem_shared>> -> memref<32x128xf32, #tpu.memory_space<vmem_shared>>
      tpu.wait_dma2 semaphore(%run_scoped3A : memref<!tpu.dma_semaphore, #tpu.memory_space<semaphore_mem>>) src(%arg20 : memref<32x128xf32, #tpu.memory_space<vmem>>) dst(%dma_wait3A_196 : memref<32x128xf32, #tpu.memory_space<vmem_shared>>)
      tpu.yield
    }) : () -> ()
    %mul3A_31 = arith.constant 640 : i32
    %mul3A_32 = arith.muli %arg1, %mul3A_31 : i32
    %add3A_33 = arith.constant 192 : i32
    %add3A_34 = arith.addi %mul3A_32, %add3A_33 : i32
    "tpu.region"() ({
      %run_scoped3A = tpu.sem_alloc : memref<!tpu.dma_semaphore, #tpu.memory_space<semaphore_mem>>
      %dma_start3A_189 = arith.constant 0 : i32
      %dma_start3A_190 = tpu.memref_slice %arg25[%add3A_34, %dma_start3A_189] : memref<10240x128xf32, #tpu.memory_space<vmem_shared>> -> memref<32x128xf32, #tpu.memory_space<vmem_shared>>
      %dma_start3A_191 = arith.constant 0 : i32
      %dma_start3A_192 = tpu.memref_slice %arg25[%add3A_34, %dma_start3A_191] : memref<10240x128xf32, #tpu.memory_space<vmem_shared>> -> memref<32x128xf32, #tpu.memory_space<vmem_shared>>
      tpu.enqueue_dma source(%arg20 : memref<32x128xf32, #tpu.memory_space<vmem>>) target(%dma_start3A_192 : memref<32x128xf32, #tpu.memory_space<vmem_shared>>) target_semaphore(%run_scoped3A : memref<!tpu.dma_semaphore, #tpu.memory_space<semaphore_mem>>)
      %dma_wait3A_193 = arith.constant 0 : i32
      %dma_wait3A_194 = tpu.memref_slice %arg25[%add3A_34, %dma_wait3A_193] : memref<10240x128xf32, #tpu.memory_space<vmem_shared>> -> memref<32x128xf32, #tpu.memory_space<vmem_shared>>
      %dma_wait3A_195 = arith.constant 0 : i32
      %dma_wait3A_196 = tpu.memref_slice %arg25[%add3A_34, %dma_wait3A_195] : memref<10240x128xf32, #tpu.memory_space<vmem_shared>> -> memref<32x128xf32, #tpu.memory_space<vmem_shared>>
      tpu.wait_dma2 semaphore(%run_scoped3A : memref<!tpu.dma_semaphore, #tpu.memory_space<semaphore_mem>>) src(%arg20 : memref<32x128xf32, #tpu.memory_space<vmem>>) dst(%dma_wait3A_196 : memref<32x128xf32, #tpu.memory_space<vmem_shared>>)
      tpu.yield
    }) : () -> ()
    %mul3A_35 = arith.constant 640 : i32
    %mul3A_36 = arith.muli %arg1, %mul3A_35 : i32
    %add3A_37 = arith.constant 224 : i32
    %add3A_38 = arith.addi %mul3A_36, %add3A_37 : i32
    "tpu.region"() ({
      %run_scoped3A = tpu.sem_alloc : memref<!tpu.dma_semaphore, #tpu.memory_space<semaphore_mem>>
      %dma_start3A_189 = arith.constant 0 : i32
      %dma_start3A_190 = tpu.memref_slice %arg25[%add3A_38, %dma_start3A_189] : memref<10240x128xf32, #tpu.memory_space<vmem_shared>> -> memref<32x128xf32, #tpu.memory_space<vmem_shared>>
      %dma_start3A_191 = arith.constant 0 : i32
      %dma_start3A_192 = tpu.memref_slice %arg25[%add3A_38, %dma_start3A_191] : memref<10240x128xf32, #tpu.memory_space<vmem_shared>> -> memref<32x128xf32, #tpu.memory_space<vmem_shared>>
      tpu.enqueue_dma source(%arg20 : memref<32x128xf32, #tpu.memory_space<vmem>>) target(%dma_start3A_192 : memref<32x128xf32, #tpu.memory_space<vmem_shared>>) target_semaphore(%run_scoped3A : memref<!tpu.dma_semaphore, #tpu.memory_space<semaphore_mem>>)
      %dma_wait3A_193 = arith.constant 0 : i32
      %dma_wait3A_194 = tpu.memref_slice %arg25[%add3A_38, %dma_wait3A_193] : memref<10240x128xf32, #tpu.memory_space<vmem_shared>> -> memref<32x128xf32, #tpu.memory_space<vmem_shared>>
      %dma_wait3A_195 = arith.constant 0 : i32
      %dma_wait3A_196 = tpu.memref_slice %arg25[%add3A_38, %dma_wait3A_195] : memref<10240x128xf32, #tpu.memory_space<vmem_shared>> -> memref<32x128xf32, #tpu.memory_space<vmem_shared>>
      tpu.wait_dma2 semaphore(%run_scoped3A : memref<!tpu.dma_semaphore, #tpu.memory_space<semaphore_mem>>) src(%arg20 : memref<32x128xf32, #tpu.memory_space<vmem>>) dst(%dma_wait3A_196 : memref<32x128xf32, #tpu.memory_space<vmem_shared>>)
      tpu.yield
    }) : () -> ()
    %mul3A_39 = arith.constant 640 : i32
    %mul3A_40 = arith.muli %arg1, %mul3A_39 : i32
    %add3A_41 = arith.constant 256 : i32
    %add3A_42 = arith.addi %mul3A_40, %add3A_41 : i32
    "tpu.region"() ({
      %run_scoped3A = tpu.sem_alloc : memref<!tpu.dma_semaphore, #tpu.memory_space<semaphore_mem>>
      %dma_start3A_189 = arith.constant 0 : i32
      %dma_start3A_190 = tpu.memref_slice %arg25[%add3A_42, %dma_start3A_189] : memref<10240x128xf32, #tpu.memory_space<vmem_shared>> -> memref<32x128xf32, #tpu.memory_space<vmem_shared>>
      %dma_start3A_191 = arith.constant 0 : i32
      %dma_start3A_192 = tpu.memref_slice %arg25[%add3A_42, %dma_start3A_191] : memref<10240x128xf32, #tpu.memory_space<vmem_shared>> -> memref<32x128xf32, #tpu.memory_space<vmem_shared>>
      tpu.enqueue_dma source(%arg20 : memref<32x128xf32, #tpu.memory_space<vmem>>) target(%dma_start3A_192 : memref<32x128xf32, #tpu.memory_space<vmem_shared>>) target_semaphore(%run_scoped3A : memref<!tpu.dma_semaphore, #tpu.memory_space<semaphore_mem>>)
      %dma_wait3A_193 = arith.constant 0 : i32
      %dma_wait3A_194 = tpu.memref_slice %arg25[%add3A_42, %dma_wait3A_193] : memref<10240x128xf32, #tpu.memory_space<vmem_shared>> -> memref<32x128xf32, #tpu.memory_space<vmem_shared>>
      %dma_wait3A_195 = arith.constant 0 : i32
      %dma_wait3A_196 = tpu.memref_slice %arg25[%add3A_42, %dma_wait3A_195] : memref<10240x128xf32, #tpu.memory_space<vmem_shared>> -> memref<32x128xf32, #tpu.memory_space<vmem_shared>>
      tpu.wait_dma2 semaphore(%run_scoped3A : memref<!tpu.dma_semaphore, #tpu.memory_space<semaphore_mem>>) src(%arg20 : memref<32x128xf32, #tpu.memory_space<vmem>>) dst(%dma_wait3A_196 : memref<32x128xf32, #tpu.memory_space<vmem_shared>>)
      tpu.yield
    }) : () -> ()
    %mul3A_43 = arith.constant 640 : i32
    %mul3A_44 = arith.muli %arg1, %mul3A_43 : i32
    %add3A_45 = arith.constant 288 : i32
    %add3A_46 = arith.addi %mul3A_44, %add3A_45 : i32
    "tpu.region"() ({
      %run_scoped3A = tpu.sem_alloc : memref<!tpu.dma_semaphore, #tpu.memory_space<semaphore_mem>>
      %dma_start3A_189 = arith.constant 0 : i32
      %dma_start3A_190 = tpu.memref_slice %arg25[%add3A_46, %dma_start3A_189] : memref<10240x128xf32, #tpu.memory_space<vmem_shared>> -> memref<32x128xf32, #tpu.memory_space<vmem_shared>>
      %dma_start3A_191 = arith.constant 0 : i32
      %dma_start3A_192 = tpu.memref_slice %arg25[%add3A_46, %dma_start3A_191] : memref<10240x128xf32, #tpu.memory_space<vmem_shared>> -> memref<32x128xf32, #tpu.memory_space<vmem_shared>>
      tpu.enqueue_dma source(%arg20 : memref<32x128xf32, #tpu.memory_space<vmem>>) target(%dma_start3A_192 : memref<32x128xf32, #tpu.memory_space<vmem_shared>>) target_semaphore(%run_scoped3A : memref<!tpu.dma_semaphore, #tpu.memory_space<semaphore_mem>>)
      %dma_wait3A_193 = arith.constant 0 : i32
      %dma_wait3A_194 = tpu.memref_slice %arg25[%add3A_46, %dma_wait3A_193] : memref<10240x128xf32, #tpu.memory_space<vmem_shared>> -> memref<32x128xf32, #tpu.memory_space<vmem_shared>>
      %dma_wait3A_195 = arith.constant 0 : i32
      %dma_wait3A_196 = tpu.memref_slice %arg25[%add3A_46, %dma_wait3A_195] : memref<10240x128xf32, #tpu.memory_space<vmem_shared>> -> memref<32x128xf32, #tpu.memory_space<vmem_shared>>
      tpu.wait_dma2 semaphore(%run_scoped3A : memref<!tpu.dma_semaphore, #tpu.memory_space<semaphore_mem>>) src(%arg20 : memref<32x128xf32, #tpu.memory_space<vmem>>) dst(%dma_wait3A_196 : memref<32x128xf32, #tpu.memory_space<vmem_shared>>)
      tpu.yield
    }) : () -> ()
    %mul3A_47 = arith.constant 640 : i32
    %mul3A_48 = arith.muli %arg1, %mul3A_47 : i32
    %add3A_49 = arith.constant 320 : i32
    %add3A_50 = arith.addi %mul3A_48, %add3A_49 : i32
    "tpu.region"() ({
      %run_scoped3A = tpu.sem_alloc : memref<!tpu.dma_semaphore, #tpu.memory_space<semaphore_mem>>
      %dma_start3A_189 = arith.constant 0 : i32
      %dma_start3A_190 = tpu.memref_slice %arg25[%add3A_50, %dma_start3A_189] : memref<10240x128xf32, #tpu.memory_space<vmem_shared>> -> memref<32x128xf32, #tpu.memory_space<vmem_shared>>
      %dma_start3A_191 = arith.constant 0 : i32
      %dma_start3A_192 = tpu.memref_slice %arg25[%add3A_50, %dma_start3A_191] : memref<10240x128xf32, #tpu.memory_space<vmem_shared>> -> memref<32x128xf32, #tpu.memory_space<vmem_shared>>
      tpu.enqueue_dma source(%arg20 : memref<32x128xf32, #tpu.memory_space<vmem>>) target(%dma_start3A_192 : memref<32x128xf32, #tpu.memory_space<vmem_shared>>) target_semaphore(%run_scoped3A : memref<!tpu.dma_semaphore, #tpu.memory_space<semaphore_mem>>)
      %dma_wait3A_193 = arith.constant 0 : i32
      %dma_wait3A_194 = tpu.memref_slice %arg25[%add3A_50, %dma_wait3A_193] : memref<10240x128xf32, #tpu.memory_space<vmem_shared>> -> memref<32x128xf32, #tpu.memory_space<vmem_shared>>
      %dma_wait3A_195 = arith.constant 0 : i32
      %dma_wait3A_196 = tpu.memref_slice %arg25[%add3A_50, %dma_wait3A_195] : memref<10240x128xf32, #tpu.memory_space<vmem_shared>> -> memref<32x128xf32, #tpu.memory_space<vmem_shared>>
      tpu.wait_dma2 semaphore(%run_scoped3A : memref<!tpu.dma_semaphore, #tpu.memory_space<semaphore_mem>>) src(%arg20 : memref<32x128xf32, #tpu.memory_space<vmem>>) dst(%dma_wait3A_196 : memref<32x128xf32, #tpu.memory_space<vmem_shared>>)
      tpu.yield
    }) : () -> ()
    %mul3A_51 = arith.constant 640 : i32
    %mul3A_52 = arith.muli %arg1, %mul3A_51 : i32
    %add3A_53 = arith.constant 352 : i32
    %add3A_54 = arith.addi %mul3A_52, %add3A_53 : i32
    "tpu.region"() ({
      %run_scoped3A = tpu.sem_alloc : memref<!tpu.dma_semaphore, #tpu.memory_space<semaphore_mem>>
      %dma_start3A_189 = arith.constant 0 : i32
      %dma_start3A_190 = tpu.memref_slice %arg25[%add3A_54, %dma_start3A_189] : memref<10240x128xf32, #tpu.memory_space<vmem_shared>> -> memref<32x128xf32, #tpu.memory_space<vmem_shared>>
      %dma_start3A_191 = arith.constant 0 : i32
      %dma_start3A_192 = tpu.memref_slice %arg25[%add3A_54, %dma_start3A_191] : memref<10240x128xf32, #tpu.memory_space<vmem_shared>> -> memref<32x128xf32, #tpu.memory_space<vmem_shared>>
      tpu.enqueue_dma source(%arg20 : memref<32x128xf32, #tpu.memory_space<vmem>>) target(%dma_start3A_192 : memref<32x128xf32, #tpu.memory_space<vmem_shared>>) target_semaphore(%run_scoped3A : memref<!tpu.dma_semaphore, #tpu.memory_space<semaphore_mem>>)
      %dma_wait3A_193 = arith.constant 0 : i32
      %dma_wait3A_194 = tpu.memref_slice %arg25[%add3A_54, %dma_wait3A_193] : memref<10240x128xf32, #tpu.memory_space<vmem_shared>> -> memref<32x128xf32, #tpu.memory_space<vmem_shared>>
      %dma_wait3A_195 = arith.constant 0 : i32
      %dma_wait3A_196 = tpu.memref_slice %arg25[%add3A_54, %dma_wait3A_195] : memref<10240x128xf32, #tpu.memory_space<vmem_shared>> -> memref<32x128xf32, #tpu.memory_space<vmem_shared>>
      tpu.wait_dma2 semaphore(%run_scoped3A : memref<!tpu.dma_semaphore, #tpu.memory_space<semaphore_mem>>) src(%arg20 : memref<32x128xf32, #tpu.memory_space<vmem>>) dst(%dma_wait3A_196 : memref<32x128xf32, #tpu.memory_space<vmem_shared>>)
      tpu.yield
    }) : () -> ()
    %mul3A_55 = arith.constant 640 : i32
    %mul3A_56 = arith.muli %arg1, %mul3A_55 : i32
    %add3A_57 = arith.constant 384 : i32
    %add3A_58 = arith.addi %mul3A_56, %add3A_57 : i32
    "tpu.region"() ({
      %run_scoped3A = tpu.sem_alloc : memref<!tpu.dma_semaphore, #tpu.memory_space<semaphore_mem>>
      %dma_start3A_189 = arith.constant 0 : i32
      %dma_start3A_190 = tpu.memref_slice %arg25[%add3A_58, %dma_start3A_189] : memref<10240x128xf32, #tpu.memory_space<vmem_shared>> -> memref<32x128xf32, #tpu.memory_space<vmem_shared>>
      %dma_start3A_191 = arith.constant 0 : i32
      %dma_start3A_192 = tpu.memref_slice %arg25[%add3A_58, %dma_start3A_191] : memref<10240x128xf32, #tpu.memory_space<vmem_shared>> -> memref<32x128xf32, #tpu.memory_space<vmem_shared>>
      tpu.enqueue_dma source(%arg20 : memref<32x128xf32, #tpu.memory_space<vmem>>) target(%dma_start3A_192 : memref<32x128xf32, #tpu.memory_space<vmem_shared>>) target_semaphore(%run_scoped3A : memref<!tpu.dma_semaphore, #tpu.memory_space<semaphore_mem>>)
      %dma_wait3A_193 = arith.constant 0 : i32
      %dma_wait3A_194 = tpu.memref_slice %arg25[%add3A_58, %dma_wait3A_193] : memref<10240x128xf32, #tpu.memory_space<vmem_shared>> -> memref<32x128xf32, #tpu.memory_space<vmem_shared>>
      %dma_wait3A_195 = arith.constant 0 : i32
      %dma_wait3A_196 = tpu.memref_slice %arg25[%add3A_58, %dma_wait3A_195] : memref<10240x128xf32, #tpu.memory_space<vmem_shared>> -> memref<32x128xf32, #tpu.memory_space<vmem_shared>>
      tpu.wait_dma2 semaphore(%run_scoped3A : memref<!tpu.dma_semaphore, #tpu.memory_space<semaphore_mem>>) src(%arg20 : memref<32x128xf32, #tpu.memory_space<vmem>>) dst(%dma_wait3A_196 : memref<32x128xf32, #tpu.memory_space<vmem_shared>>)
      tpu.yield
    }) : () -> ()
    %mul3A_59 = arith.constant 640 : i32
    %mul3A_60 = arith.muli %arg1, %mul3A_59 : i32
    %add3A_61 = arith.constant 416 : i32
    %add3A_62 = arith.addi %mul3A_60, %add3A_61 : i32
    "tpu.region"() ({
      %run_scoped3A = tpu.sem_alloc : memref<!tpu.dma_semaphore, #tpu.memory_space<semaphore_mem>>
      %dma_start3A_189 = arith.constant 0 : i32
      %dma_start3A_190 = tpu.memref_slice %arg25[%add3A_62, %dma_start3A_189] : memref<10240x128xf32, #tpu.memory_space<vmem_shared>> -> memref<32x128xf32, #tpu.memory_space<vmem_shared>>
      %dma_start3A_191 = arith.constant 0 : i32
      %dma_start3A_192 = tpu.memref_slice %arg25[%add3A_62, %dma_start3A_191] : memref<10240x128xf32, #tpu.memory_space<vmem_shared>> -> memref<32x128xf32, #tpu.memory_space<vmem_shared>>
      tpu.enqueue_dma source(%arg20 : memref<32x128xf32, #tpu.memory_space<vmem>>) target(%dma_start3A_192 : memref<32x128xf32, #tpu.memory_space<vmem_shared>>) target_semaphore(%run_scoped3A : memref<!tpu.dma_semaphore, #tpu.memory_space<semaphore_mem>>)
      %dma_wait3A_193 = arith.constant 0 : i32
      %dma_wait3A_194 = tpu.memref_slice %arg25[%add3A_62, %dma_wait3A_193] : memref<10240x128xf32, #tpu.memory_space<vmem_shared>> -> memref<32x128xf32, #tpu.memory_space<vmem_shared>>
      %dma_wait3A_195 = arith.constant 0 : i32
      %dma_wait3A_196 = tpu.memref_slice %arg25[%add3A_62, %dma_wait3A_195] : memref<10240x128xf32, #tpu.memory_space<vmem_shared>> -> memref<32x128xf32, #tpu.memory_space<vmem_shared>>
      tpu.wait_dma2 semaphore(%run_scoped3A : memref<!tpu.dma_semaphore, #tpu.memory_space<semaphore_mem>>) src(%arg20 : memref<32x128xf32, #tpu.memory_space<vmem>>) dst(%dma_wait3A_196 : memref<32x128xf32, #tpu.memory_space<vmem_shared>>)
      tpu.yield
    }) : () -> ()
    %mul3A_63 = arith.constant 640 : i32
    %mul3A_64 = arith.muli %arg1, %mul3A_63 : i32
    %add3A_65 = arith.constant 448 : i32
    %add3A_66 = arith.addi %mul3A_64, %add3A_65 : i32
    "tpu.region"() ({
      %run_scoped3A = tpu.sem_alloc : memref<!tpu.dma_semaphore, #tpu.memory_space<semaphore_mem>>
      %dma_start3A_189 = arith.constant 0 : i32
      %dma_start3A_190 = tpu.memref_slice %arg25[%add3A_66, %dma_start3A_189] : memref<10240x128xf32, #tpu.memory_space<vmem_shared>> -> memref<32x128xf32, #tpu.memory_space<vmem_shared>>
      %dma_start3A_191 = arith.constant 0 : i32
      %dma_start3A_192 = tpu.memref_slice %arg25[%add3A_66, %dma_start3A_191] : memref<10240x128xf32, #tpu.memory_space<vmem_shared>> -> memref<32x128xf32, #tpu.memory_space<vmem_shared>>
      tpu.enqueue_dma source(%arg20 : memref<32x128xf32, #tpu.memory_space<vmem>>) target(%dma_start3A_192 : memref<32x128xf32, #tpu.memory_space<vmem_shared>>) target_semaphore(%run_scoped3A : memref<!tpu.dma_semaphore, #tpu.memory_space<semaphore_mem>>)
      %dma_wait3A_193 = arith.constant 0 : i32
      %dma_wait3A_194 = tpu.memref_slice %arg25[%add3A_66, %dma_wait3A_193] : memref<10240x128xf32, #tpu.memory_space<vmem_shared>> -> memref<32x128xf32, #tpu.memory_space<vmem_shared>>
      %dma_wait3A_195 = arith.constant 0 : i32
      %dma_wait3A_196 = tpu.memref_slice %arg25[%add3A_66, %dma_wait3A_195] : memref<10240x128xf32, #tpu.memory_space<vmem_shared>> -> memref<32x128xf32, #tpu.memory_space<vmem_shared>>
      tpu.wait_dma2 semaphore(%run_scoped3A : memref<!tpu.dma_semaphore, #tpu.memory_space<semaphore_mem>>) src(%arg20 : memref<32x128xf32, #tpu.memory_space<vmem>>) dst(%dma_wait3A_196 : memref<32x128xf32, #tpu.memory_space<vmem_shared>>)
      tpu.yield
    }) : () -> ()
    %mul3A_67 = arith.constant 640 : i32
    %mul3A_68 = arith.muli %arg1, %mul3A_67 : i32
    %add3A_69 = arith.constant 480 : i32
    %add3A_70 = arith.addi %mul3A_68, %add3A_69 : i32
    "tpu.region"() ({
      %run_scoped3A = tpu.sem_alloc : memref<!tpu.dma_semaphore, #tpu.memory_space<semaphore_mem>>
      %dma_start3A_189 = arith.constant 0 : i32
      %dma_start3A_190 = tpu.memref_slice %arg25[%add3A_70, %dma_start3A_189] : memref<10240x128xf32, #tpu.memory_space<vmem_shared>> -> memref<32x128xf32, #tpu.memory_space<vmem_shared>>
      %dma_start3A_191 = arith.constant 0 : i32
      %dma_start3A_192 = tpu.memref_slice %arg25[%add3A_70, %dma_start3A_191] : memref<10240x128xf32, #tpu.memory_space<vmem_shared>> -> memref<32x128xf32, #tpu.memory_space<vmem_shared>>
      tpu.enqueue_dma source(%arg20 : memref<32x128xf32, #tpu.memory_space<vmem>>) target(%dma_start3A_192 : memref<32x128xf32, #tpu.memory_space<vmem_shared>>) target_semaphore(%run_scoped3A : memref<!tpu.dma_semaphore, #tpu.memory_space<semaphore_mem>>)
      %dma_wait3A_193 = arith.constant 0 : i32
      %dma_wait3A_194 = tpu.memref_slice %arg25[%add3A_70, %dma_wait3A_193] : memref<10240x128xf32, #tpu.memory_space<vmem_shared>> -> memref<32x128xf32, #tpu.memory_space<vmem_shared>>
      %dma_wait3A_195 = arith.constant 0 : i32
      %dma_wait3A_196 = tpu.memref_slice %arg25[%add3A_70, %dma_wait3A_195] : memref<10240x128xf32, #tpu.memory_space<vmem_shared>> -> memref<32x128xf32, #tpu.memory_space<vmem_shared>>
      tpu.wait_dma2 semaphore(%run_scoped3A : memref<!tpu.dma_semaphore, #tpu.memory_space<semaphore_mem>>) src(%arg20 : memref<32x128xf32, #tpu.memory_space<vmem>>) dst(%dma_wait3A_196 : memref<32x128xf32, #tpu.memory_space<vmem_shared>>)
      tpu.yield
    }) : () -> ()
    %mul3A_71 = arith.constant 640 : i32
    %mul3A_72 = arith.muli %arg1, %mul3A_71 : i32
    %add3A_73 = arith.constant 512 : i32
    %add3A_74 = arith.addi %mul3A_72, %add3A_73 : i32
    "tpu.region"() ({
      %run_scoped3A = tpu.sem_alloc : memref<!tpu.dma_semaphore, #tpu.memory_space<semaphore_mem>>
      %dma_start3A_189 = arith.constant 0 : i32
      %dma_start3A_190 = tpu.memref_slice %arg25[%add3A_74, %dma_start3A_189] : memref<10240x128xf32, #tpu.memory_space<vmem_shared>> -> memref<32x128xf32, #tpu.memory_space<vmem_shared>>
      %dma_start3A_191 = arith.constant 0 : i32
      %dma_start3A_192 = tpu.memref_slice %arg25[%add3A_74, %dma_start3A_191] : memref<10240x128xf32, #tpu.memory_space<vmem_shared>> -> memref<32x128xf32, #tpu.memory_space<vmem_shared>>
      tpu.enqueue_dma source(%arg20 : memref<32x128xf32, #tpu.memory_space<vmem>>) target(%dma_start3A_192 : memref<32x128xf32, #tpu.memory_space<vmem_shared>>) target_semaphore(%run_scoped3A : memref<!tpu.dma_semaphore, #tpu.memory_space<semaphore_mem>>)
      %dma_wait3A_193 = arith.constant 0 : i32
      %dma_wait3A_194 = tpu.memref_slice %arg25[%add3A_74, %dma_wait3A_193] : memref<10240x128xf32, #tpu.memory_space<vmem_shared>> -> memref<32x128xf32, #tpu.memory_space<vmem_shared>>
      %dma_wait3A_195 = arith.constant 0 : i32
      %dma_wait3A_196 = tpu.memref_slice %arg25[%add3A_74, %dma_wait3A_195] : memref<10240x128xf32, #tpu.memory_space<vmem_shared>> -> memref<32x128xf32, #tpu.memory_space<vmem_shared>>
      tpu.wait_dma2 semaphore(%run_scoped3A : memref<!tpu.dma_semaphore, #tpu.memory_space<semaphore_mem>>) src(%arg20 : memref<32x128xf32, #tpu.memory_space<vmem>>) dst(%dma_wait3A_196 : memref<32x128xf32, #tpu.memory_space<vmem_shared>>)
      tpu.yield
    }) : () -> ()
    %mul3A_75 = arith.constant 640 : i32
    %mul3A_76 = arith.muli %arg1, %mul3A_75 : i32
    %add3A_77 = arith.constant 544 : i32
    %add3A_78 = arith.addi %mul3A_76, %add3A_77 : i32
    "tpu.region"() ({
      %run_scoped3A = tpu.sem_alloc : memref<!tpu.dma_semaphore, #tpu.memory_space<semaphore_mem>>
      %dma_start3A_189 = arith.constant 0 : i32
      %dma_start3A_190 = tpu.memref_slice %arg25[%add3A_78, %dma_start3A_189] : memref<10240x128xf32, #tpu.memory_space<vmem_shared>> -> memref<32x128xf32, #tpu.memory_space<vmem_shared>>
      %dma_start3A_191 = arith.constant 0 : i32
      %dma_start3A_192 = tpu.memref_slice %arg25[%add3A_78, %dma_start3A_191] : memref<10240x128xf32, #tpu.memory_space<vmem_shared>> -> memref<32x128xf32, #tpu.memory_space<vmem_shared>>
      tpu.enqueue_dma source(%arg20 : memref<32x128xf32, #tpu.memory_space<vmem>>) target(%dma_start3A_192 : memref<32x128xf32, #tpu.memory_space<vmem_shared>>) target_semaphore(%run_scoped3A : memref<!tpu.dma_semaphore, #tpu.memory_space<semaphore_mem>>)
      %dma_wait3A_193 = arith.constant 0 : i32
      %dma_wait3A_194 = tpu.memref_slice %arg25[%add3A_78, %dma_wait3A_193] : memref<10240x128xf32, #tpu.memory_space<vmem_shared>> -> memref<32x128xf32, #tpu.memory_space<vmem_shared>>
      %dma_wait3A_195 = arith.constant 0 : i32
      %dma_wait3A_196 = tpu.memref_slice %arg25[%add3A_78, %dma_wait3A_195] : memref<10240x128xf32, #tpu.memory_space<vmem_shared>> -> memref<32x128xf32, #tpu.memory_space<vmem_shared>>
      tpu.wait_dma2 semaphore(%run_scoped3A : memref<!tpu.dma_semaphore, #tpu.memory_space<semaphore_mem>>) src(%arg20 : memref<32x128xf32, #tpu.memory_space<vmem>>) dst(%dma_wait3A_196 : memref<32x128xf32, #tpu.memory_space<vmem_shared>>)
      tpu.yield
    }) : () -> ()
    %mul3A_79 = arith.constant 640 : i32
    %mul3A_80 = arith.muli %arg1, %mul3A_79 : i32
    %add3A_81 = arith.constant 576 : i32
    %add3A_82 = arith.addi %mul3A_80, %add3A_81 : i32
    "tpu.region"() ({
      %run_scoped3A = tpu.sem_alloc : memref<!tpu.dma_semaphore, #tpu.memory_space<semaphore_mem>>
      %dma_start3A_189 = arith.constant 0 : i32
      %dma_start3A_190 = tpu.memref_slice %arg25[%add3A_82, %dma_start3A_189] : memref<10240x128xf32, #tpu.memory_space<vmem_shared>> -> memref<32x128xf32, #tpu.memory_space<vmem_shared>>
      %dma_start3A_191 = arith.constant 0 : i32
      %dma_start3A_192 = tpu.memref_slice %arg25[%add3A_82, %dma_start3A_191] : memref<10240x128xf32, #tpu.memory_space<vmem_shared>> -> memref<32x128xf32, #tpu.memory_space<vmem_shared>>
      tpu.enqueue_dma source(%arg20 : memref<32x128xf32, #tpu.memory_space<vmem>>) target(%dma_start3A_192 : memref<32x128xf32, #tpu.memory_space<vmem_shared>>) target_semaphore(%run_scoped3A : memref<!tpu.dma_semaphore, #tpu.memory_space<semaphore_mem>>)
      %dma_wait3A_193 = arith.constant 0 : i32
      %dma_wait3A_194 = tpu.memref_slice %arg25[%add3A_82, %dma_wait3A_193] : memref<10240x128xf32, #tpu.memory_space<vmem_shared>> -> memref<32x128xf32, #tpu.memory_space<vmem_shared>>
      %dma_wait3A_195 = arith.constant 0 : i32
      %dma_wait3A_196 = tpu.memref_slice %arg25[%add3A_82, %dma_wait3A_195] : memref<10240x128xf32, #tpu.memory_space<vmem_shared>> -> memref<32x128xf32, #tpu.memory_space<vmem_shared>>
      tpu.wait_dma2 semaphore(%run_scoped3A : memref<!tpu.dma_semaphore, #tpu.memory_space<semaphore_mem>>) src(%arg20 : memref<32x128xf32, #tpu.memory_space<vmem>>) dst(%dma_wait3A_196 : memref<32x128xf32, #tpu.memory_space<vmem_shared>>)
      tpu.yield
    }) : () -> ()
    %mul3A_83 = arith.constant 640 : i32
    %mul3A_84 = arith.muli %arg1, %mul3A_83 : i32
    %add3A_85 = arith.constant 608 : i32
    %add3A_86 = arith.addi %mul3A_84, %add3A_85 : i32
    "tpu.region"() ({
      %run_scoped3A = tpu.sem_alloc : memref<!tpu.dma_semaphore, #tpu.memory_space<semaphore_mem>>
      %dma_start3A_189 = arith.constant 0 : i32
      %dma_start3A_190 = tpu.memref_slice %arg25[%add3A_86, %dma_start3A_189] : memref<10240x128xf32, #tpu.memory_space<vmem_shared>> -> memref<32x128xf32, #tpu.memory_space<vmem_shared>>
      %dma_start3A_191 = arith.constant 0 : i32
      %dma_start3A_192 = tpu.memref_slice %arg25[%add3A_86, %dma_start3A_191] : memref<10240x128xf32, #tpu.memory_space<vmem_shared>> -> memref<32x128xf32, #tpu.memory_space<vmem_shared>>
      tpu.enqueue_dma source(%arg20 : memref<32x128xf32, #tpu.memory_space<vmem>>) target(%dma_start3A_192 : memref<32x128xf32, #tpu.memory_space<vmem_shared>>) target_semaphore(%run_scoped3A : memref<!tpu.dma_semaphore, #tpu.memory_space<semaphore_mem>>)
      %dma_wait3A_193 = arith.constant 0 : i32
      %dma_wait3A_194 = tpu.memref_slice %arg25[%add3A_86, %dma_wait3A_193] : memref<10240x128xf32, #tpu.memory_space<vmem_shared>> -> memref<32x128xf32, #tpu.memory_space<vmem_shared>>
      %dma_wait3A_195 = arith.constant 0 : i32
      %dma_wait3A_196 = tpu.memref_slice %arg25[%add3A_86, %dma_wait3A_195] : memref<10240x128xf32, #tpu.memory_space<vmem_shared>> -> memref<32x128xf32, #tpu.memory_space<vmem_shared>>
      tpu.wait_dma2 semaphore(%run_scoped3A : memref<!tpu.dma_semaphore, #tpu.memory_space<semaphore_mem>>) src(%arg20 : memref<32x128xf32, #tpu.memory_space<vmem>>) dst(%dma_wait3A_196 : memref<32x128xf32, #tpu.memory_space<vmem_shared>>)
      tpu.yield
    }) : () -> ()
    %barrier3A = arith.constant 0 : index
    tpu.barrier barrier_id(%barrier3A)
    tpu.enqueue_dma source(%arg7 : memref<16xf32, #tpu.memory_space<hbm>>) target(%arg24 : memref<16xf32, #tpu.memory_space<vmem>>) target_semaphore(%arg26 : memref<!tpu.dma_semaphore, #tpu.memory_space<semaphore_mem>>)
    tpu.wait_dma2 semaphore(%arg26 : memref<!tpu.dma_semaphore, #tpu.memory_space<semaphore_mem>>) src(%arg7 : memref<16xf32, #tpu.memory_space<hbm>>) dst(%arg24 : memref<16xf32, #tpu.memory_space<vmem>>)
    %dma_start3A = arith.constant 0 : i32
    %dma_start3A_87 = arith.constant 0 : i32
    %dma_start3A_88 = tpu.memref_slice %arg2[%add3A, %dma_start3A, %dma_start3A_87] : memref<32x322x32xi32, #tpu.memory_space<hbm>> -> memref<1x1x32xi32, #tpu.memory_space<hbm>>
    %dma_start3A_89 = tpu.memref_squeeze %dma_start3A_88 : memref<1x1x32xi32, #tpu.memory_space<hbm>> -> memref<32xi32, #tpu.memory_space<hbm>>
    %dma_start3A_90 = arith.constant 0 : i32
    %dma_start3A_91 = tpu.memref_slice %arg2[%add3A, %dma_start3A, %dma_start3A_90] : memref<32x322x32xi32, #tpu.memory_space<hbm>> -> memref<1x1x32xi32, #tpu.memory_space<hbm>>
    %dma_start3A_92 = tpu.memref_squeeze %dma_start3A_91 : memref<1x1x32xi32, #tpu.memory_space<hbm>> -> memref<32xi32, #tpu.memory_space<hbm>>
    tpu.enqueue_dma source(%dma_start3A_92 : memref<32xi32, #tpu.memory_space<hbm>>) target(%arg10 : memref<32xi32, #tpu.memory_space<vmem>>) target_semaphore(%arg26 : memref<!tpu.dma_semaphore, #tpu.memory_space<semaphore_mem>>)
    %dma_start3A_93 = arith.constant 0 : i32
    %dma_start3A_94 = arith.constant 0 : i32
    %dma_start3A_95 = tpu.memref_slice %arg3[%add3A, %dma_start3A_93, %dma_start3A_94] : memref<32x322x32xi32, #tpu.memory_space<hbm>> -> memref<1x1x32xi32, #tpu.memory_space<hbm>>
    %dma_start3A_96 = tpu.memref_squeeze %dma_start3A_95 : memref<1x1x32xi32, #tpu.memory_space<hbm>> -> memref<32xi32, #tpu.memory_space<hbm>>
    %dma_start3A_97 = arith.constant 0 : i32
    %dma_start3A_98 = tpu.memref_slice %arg3[%add3A, %dma_start3A_93, %dma_start3A_97] : memref<32x322x32xi32, #tpu.memory_space<hbm>> -> memref<1x1x32xi32, #tpu.memory_space<hbm>>
    %dma_start3A_99 = tpu.memref_squeeze %dma_start3A_98 : memref<1x1x32xi32, #tpu.memory_space<hbm>> -> memref<32xi32, #tpu.memory_space<hbm>>
    tpu.enqueue_dma source(%dma_start3A_99 : memref<32xi32, #tpu.memory_space<hbm>>) target(%arg12 : memref<32xi32, #tpu.memory_space<vmem>>) target_semaphore(%arg26 : memref<!tpu.dma_semaphore, #tpu.memory_space<semaphore_mem>>)
    %dma_start3A_100 = arith.constant 0 : i32
    %dma_start3A_101 = arith.constant 0 : i32
    %dma_start3A_102 = arith.constant 0 : i32
    %dma_start3A_103 = tpu.memref_slice %arg4[%add3A, %dma_start3A_100, %dma_start3A_101, %dma_start3A_102] : memref<32x322x32x16xf32, #tpu.memory_space<hbm>> -> memref<1x1x32x16xf32, #tpu.memory_space<hbm>>
    %dma_start3A_104 = tpu.memref_squeeze %dma_start3A_103 : memref<1x1x32x16xf32, #tpu.memory_space<hbm>> -> memref<32x16xf32, #tpu.memory_space<hbm>>
    %dma_start3A_105 = arith.constant 0 : i32
    %dma_start3A_106 = arith.constant 0 : i32
    %dma_start3A_107 = tpu.memref_slice %arg4[%add3A, %dma_start3A_100, %dma_start3A_105, %dma_start3A_106] : memref<32x322x32x16xf32, #tpu.memory_space<hbm>> -> memref<1x1x32x16xf32, #tpu.memory_space<hbm>>
    %dma_start3A_108 = tpu.memref_squeeze %dma_start3A_107 : memref<1x1x32x16xf32, #tpu.memory_space<hbm>> -> memref<32x16xf32, #tpu.memory_space<hbm>>
    tpu.enqueue_dma source(%dma_start3A_108 : memref<32x16xf32, #tpu.memory_space<hbm>>) target(%arg18 : memref<32x16xf32, #tpu.memory_space<vmem>>) target_semaphore(%arg26 : memref<!tpu.dma_semaphore, #tpu.memory_space<semaphore_mem>>)
    %dma_start3A_109 = arith.constant 1 : i32
    %dma_start3A_110 = arith.constant 0 : i32
    %dma_start3A_111 = tpu.memref_slice %arg2[%add3A, %dma_start3A_109, %dma_start3A_110] : memref<32x322x32xi32, #tpu.memory_space<hbm>> -> memref<1x1x32xi32, #tpu.memory_space<hbm>>
    %dma_start3A_112 = tpu.memref_squeeze %dma_start3A_111 : memref<1x1x32xi32, #tpu.memory_space<hbm>> -> memref<32xi32, #tpu.memory_space<hbm>>
    %dma_start3A_113 = arith.constant 0 : i32
    %dma_start3A_114 = tpu.memref_slice %arg2[%add3A, %dma_start3A_109, %dma_start3A_113] : memref<32x322x32xi32, #tpu.memory_space<hbm>> -> memref<1x1x32xi32, #tpu.memory_space<hbm>>
    %dma_start3A_115 = tpu.memref_squeeze %dma_start3A_114 : memref<1x1x32xi32, #tpu.memory_space<hbm>> -> memref<32xi32, #tpu.memory_space<hbm>>
    tpu.enqueue_dma source(%dma_start3A_115 : memref<32xi32, #tpu.memory_space<hbm>>) target(%arg11 : memref<32xi32, #tpu.memory_space<vmem>>) target_semaphore(%arg27 : memref<!tpu.dma_semaphore, #tpu.memory_space<semaphore_mem>>)
    %dma_start3A_116 = arith.constant 1 : i32
    %dma_start3A_117 = arith.constant 0 : i32
    %dma_start3A_118 = tpu.memref_slice %arg3[%add3A, %dma_start3A_116, %dma_start3A_117] : memref<32x322x32xi32, #tpu.memory_space<hbm>> -> memref<1x1x32xi32, #tpu.memory_space<hbm>>
    %dma_start3A_119 = tpu.memref_squeeze %dma_start3A_118 : memref<1x1x32xi32, #tpu.memory_space<hbm>> -> memref<32xi32, #tpu.memory_space<hbm>>
    %dma_start3A_120 = arith.constant 0 : i32
    %dma_start3A_121 = tpu.memref_slice %arg3[%add3A, %dma_start3A_116, %dma_start3A_120] : memref<32x322x32xi32, #tpu.memory_space<hbm>> -> memref<1x1x32xi32, #tpu.memory_space<hbm>>
    %dma_start3A_122 = tpu.memref_squeeze %dma_start3A_121 : memref<1x1x32xi32, #tpu.memory_space<hbm>> -> memref<32xi32, #tpu.memory_space<hbm>>
    tpu.enqueue_dma source(%dma_start3A_122 : memref<32xi32, #tpu.memory_space<hbm>>) target(%arg13 : memref<32xi32, #tpu.memory_space<vmem>>) target_semaphore(%arg27 : memref<!tpu.dma_semaphore, #tpu.memory_space<semaphore_mem>>)
    %dma_start3A_123 = arith.constant 1 : i32
    %dma_start3A_124 = arith.constant 0 : i32
    %dma_start3A_125 = arith.constant 0 : i32
    %dma_start3A_126 = tpu.memref_slice %arg4[%add3A, %dma_start3A_123, %dma_start3A_124, %dma_start3A_125] : memref<32x322x32x16xf32, #tpu.memory_space<hbm>> -> memref<1x1x32x16xf32, #tpu.memory_space<hbm>>
    %dma_start3A_127 = tpu.memref_squeeze %dma_start3A_126 : memref<1x1x32x16xf32, #tpu.memory_space<hbm>> -> memref<32x16xf32, #tpu.memory_space<hbm>>
    %dma_start3A_128 = arith.constant 0 : i32
    %dma_start3A_129 = arith.constant 0 : i32
    %dma_start3A_130 = tpu.memref_slice %arg4[%add3A, %dma_start3A_123, %dma_start3A_128, %dma_start3A_129] : memref<32x322x32x16xf32, #tpu.memory_space<hbm>> -> memref<1x1x32x16xf32, #tpu.memory_space<hbm>>
    %dma_start3A_131 = tpu.memref_squeeze %dma_start3A_130 : memref<1x1x32x16xf32, #tpu.memory_space<hbm>> -> memref<32x16xf32, #tpu.memory_space<hbm>>
    tpu.enqueue_dma source(%dma_start3A_131 : memref<32x16xf32, #tpu.memory_space<hbm>>) target(%arg19 : memref<32x16xf32, #tpu.memory_space<vmem>>) target_semaphore(%arg27 : memref<!tpu.dma_semaphore, #tpu.memory_space<semaphore_mem>>)
    %scan3A_132 = arith.constant 0 : i32
    %scan3A_133 = arith.constant 0 : i32
    %scan3A_134 = arith.constant 160 : i32
    %scan3A_135 = arith.addi %scan3A_133, %scan3A_134 : i32
    %scan3A_136 = arith.constant 1 : i32
    %scan3A_137 = scf.for %scan3A_189 = %scan3A_133 to %scan3A_135 step %scan3A_136 iter_args(%scan3A_190 = %scan3A_132) -> (i32)  : i32 {
      %mul3A_191 = arith.constant 2 : i32
      %mul3A_192 = arith.muli %scan3A_189, %mul3A_191 : i32
      %dma_wait3A_193 = arith.constant 0 : i32
      %dma_wait3A_194 = arith.constant 0 : i32
      %dma_wait3A_195 = tpu.memref_slice %arg2[%add3A, %dma_wait3A_193, %dma_wait3A_194] : memref<32x322x32xi32, #tpu.memory_space<hbm>> -> memref<1x1x32xi32, #tpu.memory_space<hbm>>
      %dma_wait3A_196 = tpu.memref_squeeze %dma_wait3A_195 : memref<1x1x32xi32, #tpu.memory_space<hbm>> -> memref<32xi32, #tpu.memory_space<hbm>>
      %dma_wait3A_197 = arith.constant 0 : i32
      %dma_wait3A_198 = tpu.memref_slice %arg2[%add3A, %dma_wait3A_193, %dma_wait3A_197] : memref<32x322x32xi32, #tpu.memory_space<hbm>> -> memref<1x1x32xi32, #tpu.memory_space<hbm>>
      %dma_wait3A_199 = tpu.memref_squeeze %dma_wait3A_198 : memref<1x1x32xi32, #tpu.memory_space<hbm>> -> memref<32xi32, #tpu.memory_space<hbm>>
      tpu.wait_dma2 semaphore(%arg26 : memref<!tpu.dma_semaphore, #tpu.memory_space<semaphore_mem>>) src(%dma_wait3A_199 : memref<32xi32, #tpu.memory_space<hbm>>) dst(%arg10 : memref<32xi32, #tpu.memory_space<vmem>>)
      %dma_wait3A_200 = arith.constant 0 : i32
      %dma_wait3A_201 = arith.constant 0 : i32
      %dma_wait3A_202 = tpu.memref_slice %arg3[%add3A, %dma_wait3A_200, %dma_wait3A_201] : memref<32x322x32xi32, #tpu.memory_space<hbm>> -> memref<1x1x32xi32, #tpu.memory_space<hbm>>
      %dma_wait3A_203 = tpu.memref_squeeze %dma_wait3A_202 : memref<1x1x32xi32, #tpu.memory_space<hbm>> -> memref<32xi32, #tpu.memory_space<hbm>>
      %dma_wait3A_204 = arith.constant 0 : i32
      %dma_wait3A_205 = tpu.memref_slice %arg3[%add3A, %dma_wait3A_200, %dma_wait3A_204] : memref<32x322x32xi32, #tpu.memory_space<hbm>> -> memref<1x1x32xi32, #tpu.memory_space<hbm>>
      %dma_wait3A_206 = tpu.memref_squeeze %dma_wait3A_205 : memref<1x1x32xi32, #tpu.memory_space<hbm>> -> memref<32xi32, #tpu.memory_space<hbm>>
      tpu.wait_dma2 semaphore(%arg26 : memref<!tpu.dma_semaphore, #tpu.memory_space<semaphore_mem>>) src(%dma_wait3A_206 : memref<32xi32, #tpu.memory_space<hbm>>) dst(%arg12 : memref<32xi32, #tpu.memory_space<vmem>>)
      %dma_wait3A_207 = arith.constant 0 : i32
      %dma_wait3A_208 = arith.constant 0 : i32
      %dma_wait3A_209 = arith.constant 0 : i32
      %dma_wait3A_210 = tpu.memref_slice %arg4[%add3A, %dma_wait3A_207, %dma_wait3A_208, %dma_wait3A_209] : memref<32x322x32x16xf32, #tpu.memory_space<hbm>> -> memref<1x1x32x16xf32, #tpu.memory_space<hbm>>
      %dma_wait3A_211 = tpu.memref_squeeze %dma_wait3A_210 : memref<1x1x32x16xf32, #tpu.memory_space<hbm>> -> memref<32x16xf32, #tpu.memory_space<hbm>>
      %dma_wait3A_212 = arith.constant 0 : i32
      %dma_wait3A_213 = arith.constant 0 : i32
      %dma_wait3A_214 = tpu.memref_slice %arg4[%add3A, %dma_wait3A_207, %dma_wait3A_212, %dma_wait3A_213] : memref<32x322x32x16xf32, #tpu.memory_space<hbm>> -> memref<1x1x32x16xf32, #tpu.memory_space<hbm>>
      %dma_wait3A_215 = tpu.memref_squeeze %dma_wait3A_214 : memref<1x1x32x16xf32, #tpu.memory_space<hbm>> -> memref<32x16xf32, #tpu.memory_space<hbm>>
      tpu.wait_dma2 semaphore(%arg26 : memref<!tpu.dma_semaphore, #tpu.memory_space<semaphore_mem>>) src(%dma_wait3A_215 : memref<32x16xf32, #tpu.memory_space<hbm>>) dst(%arg18 : memref<32x16xf32, #tpu.memory_space<vmem>>)
      %dma_start3A_216 = arith.constant 0 : i32
      %dma_start3A_217 = arith.constant 0 : i32
      %dma_start3A_218 = tpu.memref_slice %arg5[%dma_start3A_216, %dma_start3A_217] : memref<10240x128xf32, #tpu.memory_space<hbm>> -> memref<10240x128xf32, #tpu.memory_space<hbm>>
      tpu.enqueue_indirect_dma source(%dma_start3A_218 : memref<10240x128xf32, #tpu.memory_space<hbm>>) target(%arg14 : memref<32x128xf32, #tpu.memory_space<vmem>>) offsets(%arg10 : memref<32xi32, #tpu.memory_space<vmem>>) semaphore(%arg28 : memref<!tpu.dma_semaphore, #tpu.memory_space<semaphore_mem>>)
      %dma_start3A_219 = arith.constant 0 : i32
      %dma_start3A_220 = arith.constant 0 : i32
      %dma_start3A_221 = tpu.memref_slice %arg6[%dma_start3A_219, %dma_start3A_220] : memref<10240x128xf32, #tpu.memory_space<hbm>> -> memref<10240x128xf32, #tpu.memory_space<hbm>>
      tpu.enqueue_indirect_dma source(%dma_start3A_221 : memref<10240x128xf32, #tpu.memory_space<hbm>>) target(%arg16 : memref<32x128xf32, #tpu.memory_space<vmem>>) offsets(%arg12 : memref<32xi32, #tpu.memory_space<vmem>>) semaphore(%arg28 : memref<!tpu.dma_semaphore, #tpu.memory_space<semaphore_mem>>)
      %dma_wait3A_222 = arith.constant 0 : i32
      %dma_wait3A_223 = arith.constant 0 : i32
      %dma_wait3A_224 = tpu.memref_slice %arg2[%add3A, %dma_wait3A_222, %dma_wait3A_223] : memref<32x322x32xi32, #tpu.memory_space<hbm>> -> memref<1x1x32xi32, #tpu.memory_space<hbm>>
      %dma_wait3A_225 = tpu.memref_squeeze %dma_wait3A_224 : memref<1x1x32xi32, #tpu.memory_space<hbm>> -> memref<32xi32, #tpu.memory_space<hbm>>
      %dma_wait3A_226 = arith.constant 0 : i32
      %dma_wait3A_227 = tpu.memref_slice %arg2[%add3A, %dma_wait3A_222, %dma_wait3A_226] : memref<32x322x32xi32, #tpu.memory_space<hbm>> -> memref<1x1x32xi32, #tpu.memory_space<hbm>>
      %dma_wait3A_228 = tpu.memref_squeeze %dma_wait3A_227 : memref<1x1x32xi32, #tpu.memory_space<hbm>> -> memref<32xi32, #tpu.memory_space<hbm>>
      tpu.wait_dma2 semaphore(%arg27 : memref<!tpu.dma_semaphore, #tpu.memory_space<semaphore_mem>>) src(%dma_wait3A_228 : memref<32xi32, #tpu.memory_space<hbm>>) dst(%arg11 : memref<32xi32, #tpu.memory_space<vmem>>)
      %dma_wait3A_229 = arith.constant 0 : i32
      %dma_wait3A_230 = arith.constant 0 : i32
      %dma_wait3A_231 = tpu.memref_slice %arg3[%add3A, %dma_wait3A_229, %dma_wait3A_230] : memref<32x322x32xi32, #tpu.memory_space<hbm>> -> memref<1x1x32xi32, #tpu.memory_space<hbm>>
      %dma_wait3A_232 = tpu.memref_squeeze %dma_wait3A_231 : memref<1x1x32xi32, #tpu.memory_space<hbm>> -> memref<32xi32, #tpu.memory_space<hbm>>
      %dma_wait3A_233 = arith.constant 0 : i32
      %dma_wait3A_234 = tpu.memref_slice %arg3[%add3A, %dma_wait3A_229, %dma_wait3A_233] : memref<32x322x32xi32, #tpu.memory_space<hbm>> -> memref<1x1x32xi32, #tpu.memory_space<hbm>>
      %dma_wait3A_235 = tpu.memref_squeeze %dma_wait3A_234 : memref<1x1x32xi32, #tpu.memory_space<hbm>> -> memref<32xi32, #tpu.memory_space<hbm>>
      tpu.wait_dma2 semaphore(%arg27 : memref<!tpu.dma_semaphore, #tpu.memory_space<semaphore_mem>>) src(%dma_wait3A_235 : memref<32xi32, #tpu.memory_space<hbm>>) dst(%arg13 : memref<32xi32, #tpu.memory_space<vmem>>)
      %dma_wait3A_236 = arith.constant 0 : i32
      %dma_wait3A_237 = arith.constant 0 : i32
      %dma_wait3A_238 = arith.constant 0 : i32
      %dma_wait3A_239 = tpu.memref_slice %arg4[%add3A, %dma_wait3A_236, %dma_wait3A_237, %dma_wait3A_238] : memref<32x322x32x16xf32, #tpu.memory_space<hbm>> -> memref<1x1x32x16xf32, #tpu.memory_space<hbm>>
      %dma_wait3A_240 = tpu.memref_squeeze %dma_wait3A_239 : memref<1x1x32x16xf32, #tpu.memory_space<hbm>> -> memref<32x16xf32, #tpu.memory_space<hbm>>
      %dma_wait3A_241 = arith.constant 0 : i32
      %dma_wait3A_242 = arith.constant 0 : i32
      %dma_wait3A_243 = tpu.memref_slice %arg4[%add3A, %dma_wait3A_236, %dma_wait3A_241, %dma_wait3A_242] : memref<32x322x32x16xf32, #tpu.memory_space<hbm>> -> memref<1x1x32x16xf32, #tpu.memory_space<hbm>>
      %dma_wait3A_244 = tpu.memref_squeeze %dma_wait3A_243 : memref<1x1x32x16xf32, #tpu.memory_space<hbm>> -> memref<32x16xf32, #tpu.memory_space<hbm>>
      tpu.wait_dma2 semaphore(%arg27 : memref<!tpu.dma_semaphore, #tpu.memory_space<semaphore_mem>>) src(%dma_wait3A_244 : memref<32x16xf32, #tpu.memory_space<hbm>>) dst(%arg19 : memref<32x16xf32, #tpu.memory_space<vmem>>)
      %dma_start3A_245 = arith.constant 0 : i32
      %dma_start3A_246 = arith.constant 0 : i32
      %dma_start3A_247 = tpu.memref_slice %arg5[%dma_start3A_245, %dma_start3A_246] : memref<10240x128xf32, #tpu.memory_space<hbm>> -> memref<10240x128xf32, #tpu.memory_space<hbm>>
      tpu.enqueue_indirect_dma source(%dma_start3A_247 : memref<10240x128xf32, #tpu.memory_space<hbm>>) target(%arg15 : memref<32x128xf32, #tpu.memory_space<vmem>>) offsets(%arg11 : memref<32xi32, #tpu.memory_space<vmem>>) semaphore(%arg29 : memref<!tpu.dma_semaphore, #tpu.memory_space<semaphore_mem>>)
      %dma_start3A_248 = arith.constant 0 : i32
      %dma_start3A_249 = arith.constant 0 : i32
      %dma_start3A_250 = tpu.memref_slice %arg6[%dma_start3A_248, %dma_start3A_249] : memref<10240x128xf32, #tpu.memory_space<hbm>> -> memref<10240x128xf32, #tpu.memory_space<hbm>>
      tpu.enqueue_indirect_dma source(%dma_start3A_250 : memref<10240x128xf32, #tpu.memory_space<hbm>>) target(%arg17 : memref<32x128xf32, #tpu.memory_space<vmem>>) offsets(%arg13 : memref<32xi32, #tpu.memory_space<vmem>>) semaphore(%arg29 : memref<!tpu.dma_semaphore, #tpu.memory_space<semaphore_mem>>)
      %add3A_251 = arith.constant 0 : i32
      %add3A_252 = arith.addi %mul3A_192, %add3A_251 : i32
      %mul3A_253 = arith.constant 10240 : i32
      %mul3A_254 = arith.muli %add3A, %mul3A_253 : i32
      %mul3A_255 = arith.constant 32 : i32
      %mul3A_256 = arith.muli %add3A_252, %mul3A_255 : i32
      %add3A_257 = arith.addi %mul3A_254, %mul3A_256 : i32
      %dma_wait3A_258 = arith.constant 0 : i32
      %dma_wait3A_259 = arith.constant 0 : i32
      %dma_wait3A_260 = tpu.memref_slice %arg5[%dma_wait3A_258, %dma_wait3A_259] : memref<10240x128xf32, #tpu.memory_space<hbm>> -> memref<32x128xf32, #tpu.memory_space<hbm>>
      %dma_wait3A_261 = arith.constant 0 : i32
      %dma_wait3A_262 = arith.constant 0 : i32
      %dma_wait3A_263 = tpu.memref_slice %arg5[%dma_wait3A_261, %dma_wait3A_262] : memref<10240x128xf32, #tpu.memory_space<hbm>> -> memref<32x128xf32, #tpu.memory_space<hbm>>
      tpu.wait_dma2 semaphore(%arg28 : memref<!tpu.dma_semaphore, #tpu.memory_space<semaphore_mem>>) src(%dma_wait3A_263 : memref<32x128xf32, #tpu.memory_space<hbm>>) dst(%arg14 : memref<32x128xf32, #tpu.memory_space<vmem>>)
      %dma_wait3A_264 = arith.constant 0 : i32
      %dma_wait3A_265 = arith.constant 0 : i32
      %dma_wait3A_266 = tpu.memref_slice %arg5[%dma_wait3A_264, %dma_wait3A_265] : memref<10240x128xf32, #tpu.memory_space<hbm>> -> memref<32x128xf32, #tpu.memory_space<hbm>>
      %dma_wait3A_267 = arith.constant 0 : i32
      %dma_wait3A_268 = arith.constant 0 : i32
      %dma_wait3A_269 = tpu.memref_slice %arg5[%dma_wait3A_267, %dma_wait3A_268] : memref<10240x128xf32, #tpu.memory_space<hbm>> -> memref<32x128xf32, #tpu.memory_space<hbm>>
      tpu.wait_dma2 semaphore(%arg28 : memref<!tpu.dma_semaphore, #tpu.memory_space<semaphore_mem>>) src(%dma_wait3A_269 : memref<32x128xf32, #tpu.memory_space<hbm>>) dst(%arg16 : memref<32x128xf32, #tpu.memory_space<vmem>>)
      %scan3A_270 = arith.constant 0 : i32
      %scan3A_271 = arith.constant 0 : i32
      %scan3A_272 = arith.constant 32 : i32
      %scan3A_273 = arith.addi %scan3A_271, %scan3A_272 : i32
      %scan3A_274 = arith.constant 1 : i32
      %scan3A_275 = scf.for %scan3A_352 = %scan3A_271 to %scan3A_273 step %scan3A_274 iter_args(%scan3A_353 = %scan3A_270) -> (i32)  : i32 {
        %get3A = arith.constant 0 : index
        %get3A_354 = tpu.vector_load %arg24[%get3A] {strides = array<i32>} : memref<16xf32, #tpu.memory_space<vmem>>, vector<16xf32>,
        %get3A_355 = vector.shape_cast %get3A_354 : vector<16xf32> to vector<16xf32>
        %iota3A = tpu.iota {dimensions = array<i32: 0>} : vector<16xi32>
        %get3A_356 = arith.index_cast %scan3A_352 : i32 to index
        %get3A_357 = arith.constant 0 : index
        %get3A_358 = tpu.vector_load %arg18[%get3A_356, %get3A_357] {strides = array<i32>} : memref<32x16xf32, #tpu.memory_space<vmem>>, vector<1x16xf32>,
        %get3A_359 = vector.shape_cast %get3A_358 : vector<1x16xf32> to vector<16xf32>
        %get3A_360 = arith.index_cast %scan3A_352 : i32 to index
        %get3A_361 = arith.constant 0 : index
        %get3A_362 = tpu.vector_load %arg14[%get3A_360, %get3A_361] {strides = array<i32>} : memref<32x128xf32, #tpu.memory_space<vmem>>, vector<1x16xf32>,
        %get3A_363 = vector.shape_cast %get3A_362 : vector<1x16xf32> to vector<16xf32>
        %get3A_364 = arith.index_cast %scan3A_352 : i32 to index
        %get3A_365 = arith.constant 0 : index
        %get3A_366 = tpu.vector_load %arg16[%get3A_364, %get3A_365] {strides = array<i32>} : memref<32x128xf32, #tpu.memory_space<vmem>>, vector<1x16xf32>,
        %get3A_367 = vector.shape_cast %get3A_366 : vector<1x16xf32> to vector<16xf32>
        %add3A_368 = arith.addf %get3A_363, %get3A_367 : vector<16xf32>
        %add3A_369 = arith.addf %add3A_368, %get3A_359 : vector<16xf32>
        %ge3A = arith.constant 0.000000e+00 : f32
        %ge3A_370 = vector.broadcast %ge3A : f32 to vector<16xf32>
        %ge3A_371 = arith.cmpf oge, %add3A_369, %ge3A_370 : vector<16xf32>
        %mul3A_372 = arith.constant 2.000000e-01 : f32
        %mul3A_373 = vector.broadcast %mul3A_372 : f32 to vector<16xf32>
        %mul3A_374 = arith.mulf %mul3A_373, %add3A_369 : vector<16xf32>
        %select_n3A = arith.select %ge3A_371, %add3A_369, %mul3A_374 : vector<16xi1>, vector<16xf32>
        %sub3A = arith.subf %select_n3A, %get3A_355 : vector<16xf32>
        %exp3A = math.exp %sub3A : vector<16xf32>
        %add3A_375 = arith.addi %add3A_257, %scan3A_352 : i32
        %broadcast_in_dim3A = vector.broadcast %add3A_375 : i32 to vector<16xi32>
        %lt3A = arith.constant 320000 : i32
        %lt3A_376 = vector.broadcast %lt3A : i32 to vector<16xi32>
        %lt3A_377 = arith.cmpi slt, %broadcast_in_dim3A, %lt3A_376 : vector<16xi32>
        %jit3A = arith.constant 1.000000e+00 : f32
        %jit3A_378 = arith.constant 0.000000e+00 : f32
        %broadcast_in_dim3A_379 = vector.broadcast %jit3A : f32 to vector<16xf32>
        %broadcast_in_dim3A_380 = vector.broadcast %jit3A_378 : f32 to vector<16xf32>
        %select_n3A_381 = arith.select %lt3A_377, %broadcast_in_dim3A_379, %broadcast_in_dim3A_380 : vector<16xi1>, vector<16xf32>
        %mul3A_382 = arith.mulf %exp3A, %select_n3A_381 : vector<16xf32>
        %lt3A_383 = arith.constant 4 : i32
        %lt3A_384 = vector.broadcast %lt3A_383 : i32 to vector<16xi32>
        %lt3A_385 = arith.cmpi slt, %iota3A, %lt3A_384 : vector<16xi32>
        %jit3A_386 = arith.constant 1.000000e+00 : f32
        %jit3A_387 = arith.constant 0.000000e+00 : f32
        %broadcast_in_dim3A_388 = vector.broadcast %jit3A_386 : f32 to vector<16xf32>
        %broadcast_in_dim3A_389 = vector.broadcast %jit3A_387 : f32 to vector<16xf32>
        %select_n3A_390 = arith.select %lt3A_385, %broadcast_in_dim3A_388, %broadcast_in_dim3A_389 : vector<16xi1>, vector<16xf32>
        %mul3A_391 = arith.mulf %mul3A_382, %select_n3A_390 : vector<16xf32>
        %swap3A = arith.index_cast %scan3A_352 : i32 to index
        %swap3A_392 = arith.constant 0 : index
        %swap3A_393 = tpu.vector_load %arg22[%swap3A, %swap3A_392] {strides = array<i32>} : memref<32x16xf32, #tpu.memory_space<vmem>>, vector<1x16xf32>,
        %swap3A_394 = vector.shape_cast %swap3A_393 : vector<1x16xf32> to vector<16xf32>
        %swap3A_395 = vector.shape_cast %mul3A_391 : vector<16xf32> to vector<1x16xf32>
        tpu.vector_store %arg22[%swap3A, %swap3A_392], %swap3A_395 {strides = array<i32>} : memref<32x16xf32, #tpu.memory_space<vmem>>, vector<1x16xf32>,
        %ge3A_396 = arith.constant 4 : i32
        %ge3A_397 = vector.broadcast %ge3A_396 : i32 to vector<16xi32>
        %ge3A_398 = arith.cmpi sge, %iota3A, %ge3A_397 : vector<16xi32>
        %lt3A_399 = arith.constant 8 : i32
        %lt3A_400 = vector.broadcast %lt3A_399 : i32 to vector<16xi32>
        %lt3A_401 = arith.cmpi slt, %iota3A, %lt3A_400 : vector<16xi32>
        %and3A = arith.andi %ge3A_398, %lt3A_401 : vector<16xi1>
        %jit3A_402 = arith.constant 1.000000e+00 : f32
        %jit3A_403 = arith.constant 0.000000e+00 : f32
        %broadcast_in_dim3A_404 = vector.broadcast %jit3A_402 : f32 to vector<16xf32>
        %broadcast_in_dim3A_405 = vector.broadcast %jit3A_403 : f32 to vector<16xf32>
        %select_n3A_406 = arith.select %and3A, %broadcast_in_dim3A_404, %broadcast_in_dim3A_405 : vector<16xi1>, vector<16xf32>
        %mul3A_407 = arith.mulf %get3A_359, %select_n3A_406 : vector<16xf32>
        %eq3A = arith.constant 8 : i32
        %eq3A_408 = vector.broadcast %eq3A : i32 to vector<16xi32>
        %eq3A_409 = arith.cmpi eq, %iota3A, %eq3A_408 : vector<16xi32>
        %jit3A_410 = arith.constant 1.000000e+00 : f32
        %jit3A_411 = arith.constant 0.000000e+00 : f32
        %broadcast_in_dim3A_412 = vector.broadcast %jit3A_410 : f32 to vector<16xf32>
        %broadcast_in_dim3A_413 = vector.broadcast %jit3A_411 : f32 to vector<16xf32>
        %select_n3A_414 = arith.select %eq3A_409, %broadcast_in_dim3A_412, %broadcast_in_dim3A_413 : vector<16xi1>, vector<16xf32>
        %mul3A_415 = arith.mulf %select_n3A_381, %select_n3A_414 : vector<16xf32>
        %add3A_416 = arith.addf %mul3A_391, %mul3A_407 : vector<16xf32>
        %add3A_417 = arith.addf %add3A_416, %mul3A_415 : vector<16xf32>
        %swap3A_418 = arith.index_cast %scan3A_352 : i32 to index
        %swap3A_419 = arith.constant 0 : index
        %swap3A_420 = tpu.vector_load %arg20[%swap3A_418, %swap3A_419] {strides = array<i32>} : memref<32x128xf32, #tpu.memory_space<vmem>>, vector<1x16xf32>,
        %swap3A_421 = vector.shape_cast %swap3A_420 : vector<1x16xf32> to vector<16xf32>
        %swap3A_422 = vector.shape_cast %add3A_417 : vector<16xf32> to vector<1x16xf32>
        tpu.vector_store %arg20[%swap3A_418, %swap3A_419], %swap3A_422 {strides = array<i32>} : memref<32x128xf32, #tpu.memory_space<vmem>>, vector<1x16xf32>,
        %scan3A_423 = arith.constant 0 : i32
        scf.yield %scan3A_423 : i32
      }
      %scan3A_276 = arith.constant 32 : i32
      "tpu.region"() ({
        %run_scoped3A = tpu.sem_alloc : memref<!tpu.dma_semaphore, #tpu.memory_space<semaphore_mem>>
        %dma_start3A_352 = arith.constant 0 : i32
        %dma_start3A_353 = arith.constant 0 : i32
        %dma_start3A_354 = tpu.memref_slice %arg25[%dma_start3A_352, %dma_start3A_353] : memref<10240x128xf32, #tpu.memory_space<vmem_shared>> -> memref<10240x128xf32, #tpu.memory_space<vmem_shared>>
        tpu.enqueue_indirect_dma source(%arg20 : memref<32x128xf32, #tpu.memory_space<vmem>>) target(%dma_start3A_354 : memref<10240x128xf32, #tpu.memory_space<vmem_shared>>) offsets(%arg12 : memref<32xi32, #tpu.memory_space<vmem>>) semaphore(%run_scoped3A : memref<!tpu.dma_semaphore, #tpu.memory_space<semaphore_mem>>) {add = true}
        %dma_wait3A_355 = arith.constant 0 : i32
        %dma_wait3A_356 = arith.constant 0 : i32
        %dma_wait3A_357 = tpu.memref_slice %arg25[%dma_wait3A_355, %dma_wait3A_356] : memref<10240x128xf32, #tpu.memory_space<vmem_shared>> -> memref<10240x128xf32, #tpu.memory_space<vmem_shared>>
        tpu.wait_indirect_dma semaphore(%run_scoped3A : memref<!tpu.dma_semaphore, #tpu.memory_space<semaphore_mem>>) src(%arg20 : memref<32x128xf32, #tpu.memory_space<vmem>>) dst(%dma_wait3A_357 : memref<10240x128xf32, #tpu.memory_space<vmem_shared>>)
        tpu.yield
      }) : () -> ()
      "tpu.region"() ({
        %run_scoped3A = tpu.sem_alloc : memref<!tpu.dma_semaphore, #tpu.memory_space<semaphore_mem>>
        %dma_start3A_352 = arith.constant 0 : i32
        %dma_start3A_353 = arith.constant 0 : i32
        %dma_start3A_354 = tpu.memref_slice %arg8[%add3A, %add3A_252, %dma_start3A_352, %dma_start3A_353] : memref<32x322x32x16xf32, #tpu.memory_space<hbm>> -> memref<1x1x32x16xf32, #tpu.memory_space<hbm>>
        %dma_start3A_355 = tpu.memref_squeeze %dma_start3A_354 : memref<1x1x32x16xf32, #tpu.memory_space<hbm>> -> memref<32x16xf32, #tpu.memory_space<hbm>>
        %dma_start3A_356 = arith.constant 0 : i32
        %dma_start3A_357 = arith.constant 0 : i32
        %dma_start3A_358 = tpu.memref_slice %arg8[%add3A, %add3A_252, %dma_start3A_356, %dma_start3A_357] : memref<32x322x32x16xf32, #tpu.memory_space<hbm>> -> memref<1x1x32x16xf32, #tpu.memory_space<hbm>>
        %dma_start3A_359 = tpu.memref_squeeze %dma_start3A_358 : memref<1x1x32x16xf32, #tpu.memory_space<hbm>> -> memref<32x16xf32, #tpu.memory_space<hbm>>
        tpu.enqueue_dma source(%arg22 : memref<32x16xf32, #tpu.memory_space<vmem>>) target(%dma_start3A_359 : memref<32x16xf32, #tpu.memory_space<hbm>>) target_semaphore(%run_scoped3A : memref<!tpu.dma_semaphore, #tpu.memory_space<semaphore_mem>>)
        %dma_wait3A_360 = arith.constant 0 : i32
        %dma_wait3A_361 = arith.constant 0 : i32
        %dma_wait3A_362 = tpu.memref_slice %arg8[%add3A, %add3A_252, %dma_wait3A_360, %dma_wait3A_361] : memref<32x322x32x16xf32, #tpu.memory_space<hbm>> -> memref<1x1x32x16xf32, #tpu.memory_space<hbm>>
        %dma_wait3A_363 = tpu.memref_squeeze %dma_wait3A_362 : memref<1x1x32x16xf32, #tpu.memory_space<hbm>> -> memref<32x16xf32, #tpu.memory_space<hbm>>
        %dma_wait3A_364 = arith.constant 0 : i32
        %dma_wait3A_365 = arith.constant 0 : i32
        %dma_wait3A_366 = tpu.memref_slice %arg8[%add3A, %add3A_252, %dma_wait3A_364, %dma_wait3A_365] : memref<32x322x32x16xf32, #tpu.memory_space<hbm>> -> memref<1x1x32x16xf32, #tpu.memory_space<hbm>>
        %dma_wait3A_367 = tpu.memref_squeeze %dma_wait3A_366 : memref<1x1x32x16xf32, #tpu.memory_space<hbm>> -> memref<32x16xf32, #tpu.memory_space<hbm>>
        tpu.wait_dma2 semaphore(%run_scoped3A : memref<!tpu.dma_semaphore, #tpu.memory_space<semaphore_mem>>) src(%arg22 : memref<32x16xf32, #tpu.memory_space<vmem>>) dst(%dma_wait3A_367 : memref<32x16xf32, #tpu.memory_space<hbm>>)
        tpu.yield
      }) : () -> ()
      %add3A_277 = arith.constant 2 : i32
      %add3A_278 = arith.addi %mul3A_192, %add3A_277 : i32
      %add3A_279 = arith.constant 0 : i32
      %add3A_280 = arith.addi %add3A_278, %add3A_279 : i32
      %dma_start3A_281 = arith.constant 0 : i32
      %dma_start3A_282 = tpu.memref_slice %arg2[%add3A, %add3A_280, %dma_start3A_281] : memref<32x322x32xi32, #tpu.memory_space<hbm>> -> memref<1x1x32xi32, #tpu.memory_space<hbm>>
      %dma_start3A_283 = tpu.memref_squeeze %dma_start3A_282 : memref<1x1x32xi32, #tpu.memory_space<hbm>> -> memref<32xi32, #tpu.memory_space<hbm>>
      %dma_start3A_284 = arith.constant 0 : i32
      %dma_start3A_285 = tpu.memref_slice %arg2[%add3A, %add3A_280, %dma_start3A_284] : memref<32x322x32xi32, #tpu.memory_space<hbm>> -> memref<1x1x32xi32, #tpu.memory_space<hbm>>
      %dma_start3A_286 = tpu.memref_squeeze %dma_start3A_285 : memref<1x1x32xi32, #tpu.memory_space<hbm>> -> memref<32xi32, #tpu.memory_space<hbm>>
      tpu.enqueue_dma source(%dma_start3A_286 : memref<32xi32, #tpu.memory_space<hbm>>) target(%arg10 : memref<32xi32, #tpu.memory_space<vmem>>) target_semaphore(%arg26 : memref<!tpu.dma_semaphore, #tpu.memory_space<semaphore_mem>>)
      %dma_start3A_287 = arith.constant 0 : i32
      %dma_start3A_288 = tpu.memref_slice %arg3[%add3A, %add3A_280, %dma_start3A_287] : memref<32x322x32xi32, #tpu.memory_space<hbm>> -> memref<1x1x32xi32, #tpu.memory_space<hbm>>
      %dma_start3A_289 = tpu.memref_squeeze %dma_start3A_288 : memref<1x1x32xi32, #tpu.memory_space<hbm>> -> memref<32xi32, #tpu.memory_space<hbm>>
      %dma_start3A_290 = arith.constant 0 : i32
      %dma_start3A_291 = tpu.memref_slice %arg3[%add3A, %add3A_280, %dma_start3A_290] : memref<32x322x32xi32, #tpu.memory_space<hbm>> -> memref<1x1x32xi32, #tpu.memory_space<hbm>>
      %dma_start3A_292 = tpu.memref_squeeze %dma_start3A_291 : memref<1x1x32xi32, #tpu.memory_space<hbm>> -> memref<32xi32, #tpu.memory_space<hbm>>
      tpu.enqueue_dma source(%dma_start3A_292 : memref<32xi32, #tpu.memory_space<hbm>>) target(%arg12 : memref<32xi32, #tpu.memory_space<vmem>>) target_semaphore(%arg26 : memref<!tpu.dma_semaphore, #tpu.memory_space<semaphore_mem>>)
      %dma_start3A_293 = arith.constant 0 : i32
      %dma_start3A_294 = arith.constant 0 : i32
      %dma_start3A_295 = tpu.memref_slice %arg4[%add3A, %add3A_280, %dma_start3A_293, %dma_start3A_294] : memref<32x322x32x16xf32, #tpu.memory_space<hbm>> -> memref<1x1x32x16xf32, #tpu.memory_space<hbm>>
      %dma_start3A_296 = tpu.memref_squeeze %dma_start3A_295 : memref<1x1x32x16xf32, #tpu.memory_space<hbm>> -> memref<32x16xf32, #tpu.memory_space<hbm>>
      %dma_start3A_297 = arith.constant 0 : i32
      %dma_start3A_298 = arith.constant 0 : i32
      %dma_start3A_299 = tpu.memref_slice %arg4[%add3A, %add3A_280, %dma_start3A_297, %dma_start3A_298] : memref<32x322x32x16xf32, #tpu.memory_space<hbm>> -> memref<1x1x32x16xf32, #tpu.memory_space<hbm>>
      %dma_start3A_300 = tpu.memref_squeeze %dma_start3A_299 : memref<1x1x32x16xf32, #tpu.memory_space<hbm>> -> memref<32x16xf32, #tpu.memory_space<hbm>>
      tpu.enqueue_dma source(%dma_start3A_300 : memref<32x16xf32, #tpu.memory_space<hbm>>) target(%arg18 : memref<32x16xf32, #tpu.memory_space<vmem>>) target_semaphore(%arg26 : memref<!tpu.dma_semaphore, #tpu.memory_space<semaphore_mem>>)
      %add3A_301 = arith.constant 1 : i32
      %add3A_302 = arith.addi %mul3A_192, %add3A_301 : i32
      %mul3A_303 = arith.constant 10240 : i32
      %mul3A_304 = arith.muli %add3A, %mul3A_303 : i32
      %mul3A_305 = arith.constant 32 : i32
      %mul3A_306 = arith.muli %add3A_302, %mul3A_305 : i32
      %add3A_307 = arith.addi %mul3A_304, %mul3A_306 : i32
      %dma_wait3A_308 = arith.constant 0 : i32
      %dma_wait3A_309 = arith.constant 0 : i32
      %dma_wait3A_310 = tpu.memref_slice %arg5[%dma_wait3A_308, %dma_wait3A_309] : memref<10240x128xf32, #tpu.memory_space<hbm>> -> memref<32x128xf32, #tpu.memory_space<hbm>>
      %dma_wait3A_311 = arith.constant 0 : i32
      %dma_wait3A_312 = arith.constant 0 : i32
      %dma_wait3A_313 = tpu.memref_slice %arg5[%dma_wait3A_311, %dma_wait3A_312] : memref<10240x128xf32, #tpu.memory_space<hbm>> -> memref<32x128xf32, #tpu.memory_space<hbm>>
      tpu.wait_dma2 semaphore(%arg29 : memref<!tpu.dma_semaphore, #tpu.memory_space<semaphore_mem>>) src(%dma_wait3A_313 : memref<32x128xf32, #tpu.memory_space<hbm>>) dst(%arg15 : memref<32x128xf32, #tpu.memory_space<vmem>>)
      %dma_wait3A_314 = arith.constant 0 : i32
      %dma_wait3A_315 = arith.constant 0 : i32
      %dma_wait3A_316 = tpu.memref_slice %arg5[%dma_wait3A_314, %dma_wait3A_315] : memref<10240x128xf32, #tpu.memory_space<hbm>> -> memref<32x128xf32, #tpu.memory_space<hbm>>
      %dma_wait3A_317 = arith.constant 0 : i32
      %dma_wait3A_318 = arith.constant 0 : i32
      %dma_wait3A_319 = tpu.memref_slice %arg5[%dma_wait3A_317, %dma_wait3A_318] : memref<10240x128xf32, #tpu.memory_space<hbm>> -> memref<32x128xf32, #tpu.memory_space<hbm>>
      tpu.wait_dma2 semaphore(%arg29 : memref<!tpu.dma_semaphore, #tpu.memory_space<semaphore_mem>>) src(%dma_wait3A_319 : memref<32x128xf32, #tpu.memory_space<hbm>>) dst(%arg17 : memref<32x128xf32, #tpu.memory_space<vmem>>)
      %scan3A_320 = arith.constant 0 : i32
      %scan3A_321 = arith.constant 0 : i32
      %scan3A_322 = arith.constant 32 : i32
      %scan3A_323 = arith.addi %scan3A_321, %scan3A_322 : i32
      %scan3A_324 = arith.constant 1 : i32
      %scan3A_325 = scf.for %scan3A_352 = %scan3A_321 to %scan3A_323 step %scan3A_324 iter_args(%scan3A_353 = %scan3A_320) -> (i32)  : i32 {
        %get3A = arith.constant 0 : index
        %get3A_354 = tpu.vector_load %arg24[%get3A] {strides = array<i32>} : memref<16xf32, #tpu.memory_space<vmem>>, vector<16xf32>,
        %get3A_355 = vector.shape_cast %get3A_354 : vector<16xf32> to vector<16xf32>
        %iota3A = tpu.iota {dimensions = array<i32: 0>} : vector<16xi32>
        %get3A_356 = arith.index_cast %scan3A_352 : i32 to index
        %get3A_357 = arith.constant 0 : index
        %get3A_358 = tpu.vector_load %arg19[%get3A_356, %get3A_357] {strides = array<i32>} : memref<32x16xf32, #tpu.memory_space<vmem>>, vector<1x16xf32>,
        %get3A_359 = vector.shape_cast %get3A_358 : vector<1x16xf32> to vector<16xf32>
        %get3A_360 = arith.index_cast %scan3A_352 : i32 to index
        %get3A_361 = arith.constant 0 : index
        %get3A_362 = tpu.vector_load %arg15[%get3A_360, %get3A_361] {strides = array<i32>} : memref<32x128xf32, #tpu.memory_space<vmem>>, vector<1x16xf32>,
        %get3A_363 = vector.shape_cast %get3A_362 : vector<1x16xf32> to vector<16xf32>
        %get3A_364 = arith.index_cast %scan3A_352 : i32 to index
        %get3A_365 = arith.constant 0 : index
        %get3A_366 = tpu.vector_load %arg17[%get3A_364, %get3A_365] {strides = array<i32>} : memref<32x128xf32, #tpu.memory_space<vmem>>, vector<1x16xf32>,
        %get3A_367 = vector.shape_cast %get3A_366 : vector<1x16xf32> to vector<16xf32>
        %add3A_368 = arith.addf %get3A_363, %get3A_367 : vector<16xf32>
        %add3A_369 = arith.addf %add3A_368, %get3A_359 : vector<16xf32>
        %ge3A = arith.constant 0.000000e+00 : f32
        %ge3A_370 = vector.broadcast %ge3A : f32 to vector<16xf32>
        %ge3A_371 = arith.cmpf oge, %add3A_369, %ge3A_370 : vector<16xf32>
        %mul3A_372 = arith.constant 2.000000e-01 : f32
        %mul3A_373 = vector.broadcast %mul3A_372 : f32 to vector<16xf32>
        %mul3A_374 = arith.mulf %mul3A_373, %add3A_369 : vector<16xf32>
        %select_n3A = arith.select %ge3A_371, %add3A_369, %mul3A_374 : vector<16xi1>, vector<16xf32>
        %sub3A = arith.subf %select_n3A, %get3A_355 : vector<16xf32>
        %exp3A = math.exp %sub3A : vector<16xf32>
        %add3A_375 = arith.addi %add3A_307, %scan3A_352 : i32
        %broadcast_in_dim3A = vector.broadcast %add3A_375 : i32 to vector<16xi32>
        %lt3A = arith.constant 320000 : i32
        %lt3A_376 = vector.broadcast %lt3A : i32 to vector<16xi32>
        %lt3A_377 = arith.cmpi slt, %broadcast_in_dim3A, %lt3A_376 : vector<16xi32>
        %jit3A = arith.constant 1.000000e+00 : f32
        %jit3A_378 = arith.constant 0.000000e+00 : f32
        %broadcast_in_dim3A_379 = vector.broadcast %jit3A : f32 to vector<16xf32>
        %broadcast_in_dim3A_380 = vector.broadcast %jit3A_378 : f32 to vector<16xf32>
        %select_n3A_381 = arith.select %lt3A_377, %broadcast_in_dim3A_379, %broadcast_in_dim3A_380 : vector<16xi1>, vector<16xf32>
        %mul3A_382 = arith.mulf %exp3A, %select_n3A_381 : vector<16xf32>
        %lt3A_383 = arith.constant 4 : i32
        %lt3A_384 = vector.broadcast %lt3A_383 : i32 to vector<16xi32>
        %lt3A_385 = arith.cmpi slt, %iota3A, %lt3A_384 : vector<16xi32>
        %jit3A_386 = arith.constant 1.000000e+00 : f32
        %jit3A_387 = arith.constant 0.000000e+00 : f32
        %broadcast_in_dim3A_388 = vector.broadcast %jit3A_386 : f32 to vector<16xf32>
        %broadcast_in_dim3A_389 = vector.broadcast %jit3A_387 : f32 to vector<16xf32>
        %select_n3A_390 = arith.select %lt3A_385, %broadcast_in_dim3A_388, %broadcast_in_dim3A_389 : vector<16xi1>, vector<16xf32>
        %mul3A_391 = arith.mulf %mul3A_382, %select_n3A_390 : vector<16xf32>
        %swap3A = arith.index_cast %scan3A_352 : i32 to index
        %swap3A_392 = arith.constant 0 : index
        %swap3A_393 = tpu.vector_load %arg23[%swap3A, %swap3A_392] {strides = array<i32>} : memref<32x16xf32, #tpu.memory_space<vmem>>, vector<1x16xf32>,
        %swap3A_394 = vector.shape_cast %swap3A_393 : vector<1x16xf32> to vector<16xf32>
        %swap3A_395 = vector.shape_cast %mul3A_391 : vector<16xf32> to vector<1x16xf32>
        tpu.vector_store %arg23[%swap3A, %swap3A_392], %swap3A_395 {strides = array<i32>} : memref<32x16xf32, #tpu.memory_space<vmem>>, vector<1x16xf32>,
        %ge3A_396 = arith.constant 4 : i32
        %ge3A_397 = vector.broadcast %ge3A_396 : i32 to vector<16xi32>
        %ge3A_398 = arith.cmpi sge, %iota3A, %ge3A_397 : vector<16xi32>
        %lt3A_399 = arith.constant 8 : i32
        %lt3A_400 = vector.broadcast %lt3A_399 : i32 to vector<16xi32>
        %lt3A_401 = arith.cmpi slt, %iota3A, %lt3A_400 : vector<16xi32>
        %and3A = arith.andi %ge3A_398, %lt3A_401 : vector<16xi1>
        %jit3A_402 = arith.constant 1.000000e+00 : f32
        %jit3A_403 = arith.constant 0.000000e+00 : f32
        %broadcast_in_dim3A_404 = vector.broadcast %jit3A_402 : f32 to vector<16xf32>
        %broadcast_in_dim3A_405 = vector.broadcast %jit3A_403 : f32 to vector<16xf32>
        %select_n3A_406 = arith.select %and3A, %broadcast_in_dim3A_404, %broadcast_in_dim3A_405 : vector<16xi1>, vector<16xf32>
        %mul3A_407 = arith.mulf %get3A_359, %select_n3A_406 : vector<16xf32>
        %eq3A = arith.constant 8 : i32
        %eq3A_408 = vector.broadcast %eq3A : i32 to vector<16xi32>
        %eq3A_409 = arith.cmpi eq, %iota3A, %eq3A_408 : vector<16xi32>
        %jit3A_410 = arith.constant 1.000000e+00 : f32
        %jit3A_411 = arith.constant 0.000000e+00 : f32
        %broadcast_in_dim3A_412 = vector.broadcast %jit3A_410 : f32 to vector<16xf32>
        %broadcast_in_dim3A_413 = vector.broadcast %jit3A_411 : f32 to vector<16xf32>
        %select_n3A_414 = arith.select %eq3A_409, %broadcast_in_dim3A_412, %broadcast_in_dim3A_413 : vector<16xi1>, vector<16xf32>
        %mul3A_415 = arith.mulf %select_n3A_381, %select_n3A_414 : vector<16xf32>
        %add3A_416 = arith.addf %mul3A_391, %mul3A_407 : vector<16xf32>
        %add3A_417 = arith.addf %add3A_416, %mul3A_415 : vector<16xf32>
        %swap3A_418 = arith.index_cast %scan3A_352 : i32 to index
        %swap3A_419 = arith.constant 0 : index
        %swap3A_420 = tpu.vector_load %arg21[%swap3A_418, %swap3A_419] {strides = array<i32>} : memref<32x128xf32, #tpu.memory_space<vmem>>, vector<1x16xf32>,
        %swap3A_421 = vector.shape_cast %swap3A_420 : vector<1x16xf32> to vector<16xf32>
        %swap3A_422 = vector.shape_cast %add3A_417 : vector<16xf32> to vector<1x16xf32>
        tpu.vector_store %arg21[%swap3A_418, %swap3A_419], %swap3A_422 {strides = array<i32>} : memref<32x128xf32, #tpu.memory_space<vmem>>, vector<1x16xf32>,
        %scan3A_423 = arith.constant 0 : i32
        scf.yield %scan3A_423 : i32
      }
      %scan3A_326 = arith.constant 32 : i32
      "tpu.region"() ({
        %run_scoped3A = tpu.sem_alloc : memref<!tpu.dma_semaphore, #tpu.memory_space<semaphore_mem>>
        %dma_start3A_352 = arith.constant 0 : i32
        %dma_start3A_353 = arith.constant 0 : i32
        %dma_start3A_354 = tpu.memref_slice %arg25[%dma_start3A_352, %dma_start3A_353] : memref<10240x128xf32, #tpu.memory_space<vmem_shared>> -> memref<10240x128xf32, #tpu.memory_space<vmem_shared>>
        tpu.enqueue_indirect_dma source(%arg21 : memref<32x128xf32, #tpu.memory_space<vmem>>) target(%dma_start3A_354 : memref<10240x128xf32, #tpu.memory_space<vmem_shared>>) offsets(%arg13 : memref<32xi32, #tpu.memory_space<vmem>>) semaphore(%run_scoped3A : memref<!tpu.dma_semaphore, #tpu.memory_space<semaphore_mem>>) {add = true}
        %dma_wait3A_355 = arith.constant 0 : i32
        %dma_wait3A_356 = arith.constant 0 : i32
        %dma_wait3A_357 = tpu.memref_slice %arg25[%dma_wait3A_355, %dma_wait3A_356] : memref<10240x128xf32, #tpu.memory_space<vmem_shared>> -> memref<10240x128xf32, #tpu.memory_space<vmem_shared>>
        tpu.wait_indirect_dma semaphore(%run_scoped3A : memref<!tpu.dma_semaphore, #tpu.memory_space<semaphore_mem>>) src(%arg21 : memref<32x128xf32, #tpu.memory_space<vmem>>) dst(%dma_wait3A_357 : memref<10240x128xf32, #tpu.memory_space<vmem_shared>>)
        tpu.yield
      }) : () -> ()
      "tpu.region"() ({
        %run_scoped3A = tpu.sem_alloc : memref<!tpu.dma_semaphore, #tpu.memory_space<semaphore_mem>>
        %dma_start3A_352 = arith.constant 0 : i32
        %dma_start3A_353 = arith.constant 0 : i32
        %dma_start3A_354 = tpu.memref_slice %arg8[%add3A, %add3A_302, %dma_start3A_352, %dma_start3A_353] : memref<32x322x32x16xf32, #tpu.memory_space<hbm>> -> memref<1x1x32x16xf32, #tpu.memory_space<hbm>>
        %dma_start3A_355 = tpu.memref_squeeze %dma_start3A_354 : memref<1x1x32x16xf32, #tpu.memory_space<hbm>> -> memref<32x16xf32, #tpu.memory_space<hbm>>
        %dma_start3A_356 = arith.constant 0 : i32
        %dma_start3A_357 = arith.constant 0 : i32
        %dma_start3A_358 = tpu.memref_slice %arg8[%add3A, %add3A_302, %dma_start3A_356, %dma_start3A_357] : memref<32x322x32x16xf32, #tpu.memory_space<hbm>> -> memref<1x1x32x16xf32, #tpu.memory_space<hbm>>
        %dma_start3A_359 = tpu.memref_squeeze %dma_start3A_358 : memref<1x1x32x16xf32, #tpu.memory_space<hbm>> -> memref<32x16xf32, #tpu.memory_space<hbm>>
        tpu.enqueue_dma source(%arg23 : memref<32x16xf32, #tpu.memory_space<vmem>>) target(%dma_start3A_359 : memref<32x16xf32, #tpu.memory_space<hbm>>) target_semaphore(%run_scoped3A : memref<!tpu.dma_semaphore, #tpu.memory_space<semaphore_mem>>)
        %dma_wait3A_360 = arith.constant 0 : i32
        %dma_wait3A_361 = arith.constant 0 : i32
        %dma_wait3A_362 = tpu.memref_slice %arg8[%add3A, %add3A_302, %dma_wait3A_360, %dma_wait3A_361] : memref<32x322x32x16xf32, #tpu.memory_space<hbm>> -> memref<1x1x32x16xf32, #tpu.memory_space<hbm>>
        %dma_wait3A_363 = tpu.memref_squeeze %dma_wait3A_362 : memref<1x1x32x16xf32, #tpu.memory_space<hbm>> -> memref<32x16xf32, #tpu.memory_space<hbm>>
        %dma_wait3A_364 = arith.constant 0 : i32
        %dma_wait3A_365 = arith.constant 0 : i32
        %dma_wait3A_366 = tpu.memref_slice %arg8[%add3A, %add3A_302, %dma_wait3A_364, %dma_wait3A_365] : memref<32x322x32x16xf32, #tpu.memory_space<hbm>> -> memref<1x1x32x16xf32, #tpu.memory_space<hbm>>
        %dma_wait3A_367 = tpu.memref_squeeze %dma_wait3A_366 : memref<1x1x32x16xf32, #tpu.memory_space<hbm>> -> memref<32x16xf32, #tpu.memory_space<hbm>>
        tpu.wait_dma2 semaphore(%run_scoped3A : memref<!tpu.dma_semaphore, #tpu.memory_space<semaphore_mem>>) src(%arg23 : memref<32x16xf32, #tpu.memory_space<vmem>>) dst(%dma_wait3A_367 : memref<32x16xf32, #tpu.memory_space<hbm>>)
        tpu.yield
      }) : () -> ()
      %add3A_327 = arith.constant 2 : i32
      %add3A_328 = arith.addi %mul3A_192, %add3A_327 : i32
      %add3A_329 = arith.constant 1 : i32
      %add3A_330 = arith.addi %add3A_328, %add3A_329 : i32
      %dma_start3A_331 = arith.constant 0 : i32
      %dma_start3A_332 = tpu.memref_slice %arg2[%add3A, %add3A_330, %dma_start3A_331] : memref<32x322x32xi32, #tpu.memory_space<hbm>> -> memref<1x1x32xi32, #tpu.memory_space<hbm>>
      %dma_start3A_333 = tpu.memref_squeeze %dma_start3A_332 : memref<1x1x32xi32, #tpu.memory_space<hbm>> -> memref<32xi32, #tpu.memory_space<hbm>>
      %dma_start3A_334 = arith.constant 0 : i32
      %dma_start3A_335 = tpu.memref_slice %arg2[%add3A, %add3A_330, %dma_start3A_334] : memref<32x322x32xi32, #tpu.memory_space<hbm>> -> memref<1x1x32xi32, #tpu.memory_space<hbm>>
      %dma_start3A_336 = tpu.memref_squeeze %dma_start3A_335 : memref<1x1x32xi32, #tpu.memory_space<hbm>> -> memref<32xi32, #tpu.memory_space<hbm>>
      tpu.enqueue_dma source(%dma_start3A_336 : memref<32xi32, #tpu.memory_space<hbm>>) target(%arg11 : memref<32xi32, #tpu.memory_space<vmem>>) target_semaphore(%arg27 : memref<!tpu.dma_semaphore, #tpu.memory_space<semaphore_mem>>)
      %dma_start3A_337 = arith.constant 0 : i32
      %dma_start3A_338 = tpu.memref_slice %arg3[%add3A, %add3A_330, %dma_start3A_337] : memref<32x322x32xi32, #tpu.memory_space<hbm>> -> memref<1x1x32xi32, #tpu.memory_space<hbm>>
      %dma_start3A_339 = tpu.memref_squeeze %dma_start3A_338 : memref<1x1x32xi32, #tpu.memory_space<hbm>> -> memref<32xi32, #tpu.memory_space<hbm>>
      %dma_start3A_340 = arith.constant 0 : i32
      %dma_start3A_341 = tpu.memref_slice %arg3[%add3A, %add3A_330, %dma_start3A_340] : memref<32x322x32xi32, #tpu.memory_space<hbm>> -> memref<1x1x32xi32, #tpu.memory_space<hbm>>
      %dma_start3A_342 = tpu.memref_squeeze %dma_start3A_341 : memref<1x1x32xi32, #tpu.memory_space<hbm>> -> memref<32xi32, #tpu.memory_space<hbm>>
      tpu.enqueue_dma source(%dma_start3A_342 : memref<32xi32, #tpu.memory_space<hbm>>) target(%arg13 : memref<32xi32, #tpu.memory_space<vmem>>) target_semaphore(%arg27 : memref<!tpu.dma_semaphore, #tpu.memory_space<semaphore_mem>>)
      %dma_start3A_343 = arith.constant 0 : i32
      %dma_start3A_344 = arith.constant 0 : i32
      %dma_start3A_345 = tpu.memref_slice %arg4[%add3A, %add3A_330, %dma_start3A_343, %dma_start3A_344] : memref<32x322x32x16xf32, #tpu.memory_space<hbm>> -> memref<1x1x32x16xf32, #tpu.memory_space<hbm>>
      %dma_start3A_346 = tpu.memref_squeeze %dma_start3A_345 : memref<1x1x32x16xf32, #tpu.memory_space<hbm>> -> memref<32x16xf32, #tpu.memory_space<hbm>>
      %dma_start3A_347 = arith.constant 0 : i32
      %dma_start3A_348 = arith.constant 0 : i32
      %dma_start3A_349 = tpu.memref_slice %arg4[%add3A, %add3A_330, %dma_start3A_347, %dma_start3A_348] : memref<32x322x32x16xf32, #tpu.memory_space<hbm>> -> memref<1x1x32x16xf32, #tpu.memory_space<hbm>>
      %dma_start3A_350 = tpu.memref_squeeze %dma_start3A_349 : memref<1x1x32x16xf32, #tpu.memory_space<hbm>> -> memref<32x16xf32, #tpu.memory_space<hbm>>
      tpu.enqueue_dma source(%dma_start3A_350 : memref<32x16xf32, #tpu.memory_space<hbm>>) target(%arg19 : memref<32x16xf32, #tpu.memory_space<vmem>>) target_semaphore(%arg27 : memref<!tpu.dma_semaphore, #tpu.memory_space<semaphore_mem>>)
      %scan3A_351 = arith.constant 0 : i32
      scf.yield %scan3A_351 : i32
    }
    %scan3A_138 = arith.constant 160 : i32
    %dma_wait3A = arith.constant 0 : i32
    %dma_wait3A_139 = arith.constant 0 : i32
    %dma_wait3A_140 = tpu.memref_slice %arg2[%add3A, %dma_wait3A, %dma_wait3A_139] : memref<32x322x32xi32, #tpu.memory_space<hbm>> -> memref<1x1x32xi32, #tpu.memory_space<hbm>>
    %dma_wait3A_141 = tpu.memref_squeeze %dma_wait3A_140 : memref<1x1x32xi32, #tpu.memory_space<hbm>> -> memref<32xi32, #tpu.memory_space<hbm>>
    %dma_wait3A_142 = arith.constant 0 : i32
    %dma_wait3A_143 = tpu.memref_slice %arg2[%add3A, %dma_wait3A, %dma_wait3A_142] : memref<32x322x32xi32, #tpu.memory_space<hbm>> -> memref<1x1x32xi32, #tpu.memory_space<hbm>>
    %dma_wait3A_144 = tpu.memref_squeeze %dma_wait3A_143 : memref<1x1x32xi32, #tpu.memory_space<hbm>> -> memref<32xi32, #tpu.memory_space<hbm>>
    tpu.wait_dma2 semaphore(%arg26 : memref<!tpu.dma_semaphore, #tpu.memory_space<semaphore_mem>>) src(%dma_wait3A_144 : memref<32xi32, #tpu.memory_space<hbm>>) dst(%arg10 : memref<32xi32, #tpu.memory_space<vmem>>)
    %dma_wait3A_145 = arith.constant 0 : i32
    %dma_wait3A_146 = arith.constant 0 : i32
    %dma_wait3A_147 = tpu.memref_slice %arg3[%add3A, %dma_wait3A_145, %dma_wait3A_146] : memref<32x322x32xi32, #tpu.memory_space<hbm>> -> memref<1x1x32xi32, #tpu.memory_space<hbm>>
    %dma_wait3A_148 = tpu.memref_squeeze %dma_wait3A_147 : memref<1x1x32xi32, #tpu.memory_space<hbm>> -> memref<32xi32, #tpu.memory_space<hbm>>
    %dma_wait3A_149 = arith.constant 0 : i32
    %dma_wait3A_150 = tpu.memref_slice %arg3[%add3A, %dma_wait3A_145, %dma_wait3A_149] : memref<32x322x32xi32, #tpu.memory_space<hbm>> -> memref<1x1x32xi32, #tpu.memory_space<hbm>>
    %dma_wait3A_151 = tpu.memref_squeeze %dma_wait3A_150 : memref<1x1x32xi32, #tpu.memory_space<hbm>> -> memref<32xi32, #tpu.memory_space<hbm>>
    tpu.wait_dma2 semaphore(%arg26 : memref<!tpu.dma_semaphore, #tpu.memory_space<semaphore_mem>>) src(%dma_wait3A_151 : memref<32xi32, #tpu.memory_space<hbm>>) dst(%arg12 : memref<32xi32, #tpu.memory_space<vmem>>)
    %dma_wait3A_152 = arith.constant 0 : i32
    %dma_wait3A_153 = arith.constant 0 : i32
    %dma_wait3A_154 = arith.constant 0 : i32
    %dma_wait3A_155 = tpu.memref_slice %arg4[%add3A, %dma_wait3A_152, %dma_wait3A_153, %dma_wait3A_154] : memref<32x322x32x16xf32, #tpu.memory_space<hbm>> -> memref<1x1x32x16xf32, #tpu.memory_space<hbm>>
    %dma_wait3A_156 = tpu.memref_squeeze %dma_wait3A_155 : memref<1x1x32x16xf32, #tpu.memory_space<hbm>> -> memref<32x16xf32, #tpu.memory_space<hbm>>
    %dma_wait3A_157 = arith.constant 0 : i32
    %dma_wait3A_158 = arith.constant 0 : i32
    %dma_wait3A_159 = tpu.memref_slice %arg4[%add3A, %dma_wait3A_152, %dma_wait3A_157, %dma_wait3A_158] : memref<32x322x32x16xf32, #tpu.memory_space<hbm>> -> memref<1x1x32x16xf32, #tpu.memory_space<hbm>>
    %dma_wait3A_160 = tpu.memref_squeeze %dma_wait3A_159 : memref<1x1x32x16xf32, #tpu.memory_space<hbm>> -> memref<32x16xf32, #tpu.memory_space<hbm>>
    tpu.wait_dma2 semaphore(%arg26 : memref<!tpu.dma_semaphore, #tpu.memory_space<semaphore_mem>>) src(%dma_wait3A_160 : memref<32x16xf32, #tpu.memory_space<hbm>>) dst(%arg18 : memref<32x16xf32, #tpu.memory_space<vmem>>)
    %dma_wait3A_161 = arith.constant 0 : i32
    %dma_wait3A_162 = arith.constant 0 : i32
    %dma_wait3A_163 = tpu.memref_slice %arg2[%add3A, %dma_wait3A_161, %dma_wait3A_162] : memref<32x322x32xi32, #tpu.memory_space<hbm>> -> memref<1x1x32xi32, #tpu.memory_space<hbm>>
    %dma_wait3A_164 = tpu.memref_squeeze %dma_wait3A_163 : memref<1x1x32xi32, #tpu.memory_space<hbm>> -> memref<32xi32, #tpu.memory_space<hbm>>
    %dma_wait3A_165 = arith.constant 0 : i32
    %dma_wait3A_166 = tpu.memref_slice %arg2[%add3A, %dma_wait3A_161, %dma_wait3A_165] : memref<32x322x32xi32, #tpu.memory_space<hbm>> -> memref<1x1x32xi32, #tpu.memory_space<hbm>>
    %dma_wait3A_167 = tpu.memref_squeeze %dma_wait3A_166 : memref<1x1x32xi32, #tpu.memory_space<hbm>> -> memref<32xi32, #tpu.memory_space<hbm>>
    tpu.wait_dma2 semaphore(%arg27 : memref<!tpu.dma_semaphore, #tpu.memory_space<semaphore_mem>>) src(%dma_wait3A_167 : memref<32xi32, #tpu.memory_space<hbm>>) dst(%arg11 : memref<32xi32, #tpu.memory_space<vmem>>)
    %dma_wait3A_168 = arith.constant 0 : i32
    %dma_wait3A_169 = arith.constant 0 : i32
    %dma_wait3A_170 = tpu.memref_slice %arg3[%add3A, %dma_wait3A_168, %dma_wait3A_169] : memref<32x322x32xi32, #tpu.memory_space<hbm>> -> memref<1x1x32xi32, #tpu.memory_space<hbm>>
    %dma_wait3A_171 = tpu.memref_squeeze %dma_wait3A_170 : memref<1x1x32xi32, #tpu.memory_space<hbm>> -> memref<32xi32, #tpu.memory_space<hbm>>
    %dma_wait3A_172 = arith.constant 0 : i32
    %dma_wait3A_173 = tpu.memref_slice %arg3[%add3A, %dma_wait3A_168, %dma_wait3A_172] : memref<32x322x32xi32, #tpu.memory_space<hbm>> -> memref<1x1x32xi32, #tpu.memory_space<hbm>>
    %dma_wait3A_174 = tpu.memref_squeeze %dma_wait3A_173 : memref<1x1x32xi32, #tpu.memory_space<hbm>> -> memref<32xi32, #tpu.memory_space<hbm>>
    tpu.wait_dma2 semaphore(%arg27 : memref<!tpu.dma_semaphore, #tpu.memory_space<semaphore_mem>>) src(%dma_wait3A_174 : memref<32xi32, #tpu.memory_space<hbm>>) dst(%arg13 : memref<32xi32, #tpu.memory_space<vmem>>)
    %dma_wait3A_175 = arith.constant 0 : i32
    %dma_wait3A_176 = arith.constant 0 : i32
    %dma_wait3A_177 = arith.constant 0 : i32
    %dma_wait3A_178 = tpu.memref_slice %arg4[%add3A, %dma_wait3A_175, %dma_wait3A_176, %dma_wait3A_177] : memref<32x322x32x16xf32, #tpu.memory_space<hbm>> -> memref<1x1x32x16xf32, #tpu.memory_space<hbm>>
    %dma_wait3A_179 = tpu.memref_squeeze %dma_wait3A_178 : memref<1x1x32x16xf32, #tpu.memory_space<hbm>> -> memref<32x16xf32, #tpu.memory_space<hbm>>
    %dma_wait3A_180 = arith.constant 0 : i32
    %dma_wait3A_181 = arith.constant 0 : i32
    %dma_wait3A_182 = tpu.memref_slice %arg4[%add3A, %dma_wait3A_175, %dma_wait3A_180, %dma_wait3A_181] : memref<32x322x32x16xf32, #tpu.memory_space<hbm>> -> memref<1x1x32x16xf32, #tpu.memory_space<hbm>>
    %dma_wait3A_183 = tpu.memref_squeeze %dma_wait3A_182 : memref<1x1x32x16xf32, #tpu.memory_space<hbm>> -> memref<32x16xf32, #tpu.memory_space<hbm>>
    tpu.wait_dma2 semaphore(%arg27 : memref<!tpu.dma_semaphore, #tpu.memory_space<semaphore_mem>>) src(%dma_wait3A_183 : memref<32x16xf32, #tpu.memory_space<hbm>>) dst(%arg19 : memref<32x16xf32, #tpu.memory_space<vmem>>)
    %barrier3A_184 = arith.constant 0 : index
    tpu.barrier barrier_id(%barrier3A_184)
    %mul3A_185 = arith.constant 640 : i32
    %mul3A_186 = arith.muli %arg1, %mul3A_185 : i32
    %mul3A_187 = arith.constant 640 : i32
    %mul3A_188 = arith.muli %arg1, %mul3A_187 : i32
    "tpu.region"() ({
      %run_scoped3A = tpu.sem_alloc : memref<!tpu.dma_semaphore, #tpu.memory_space<semaphore_mem>>
      %dma_start3A_189 = arith.constant 0 : i32
      %dma_start3A_190 = tpu.memref_slice %arg9[%arg0, %mul3A_188, %dma_start3A_189] : memref<2x10240x128xf32, #tpu.memory_space<hbm>> -> memref<1x640x128xf32, #tpu.memory_space<hbm>>
      %dma_start3A_191 = tpu.memref_squeeze %dma_start3A_190 : memref<1x640x128xf32, #tpu.memory_space<hbm>> -> memref<640x128xf32, #tpu.memory_space<hbm>>
      %dma_start3A_192 = arith.constant 0 : i32
      %dma_start3A_193 = tpu.memref_slice %arg25[%mul3A_186, %dma_start3A_192] : memref<10240x128xf32, #tpu.memory_space<vmem_shared>> -> memref<640x128xf32, #tpu.memory_space<vmem_shared>>
      tpu.enqueue_dma source(%dma_start3A_193 : memref<640x128xf32, #tpu.memory_space<vmem_shared>>) target(%dma_start3A_191 : memref<640x128xf32, #tpu.memory_space<hbm>>) target_semaphore(%run_scoped3A : memref<!tpu.dma_semaphore, #tpu.memory_space<semaphore_mem>>)
      %dma_wait3A_194 = arith.constant 0 : i32
      %dma_wait3A_195 = tpu.memref_slice %arg9[%arg0, %mul3A_188, %dma_wait3A_194] : memref<2x10240x128xf32, #tpu.memory_space<hbm>> -> memref<1x640x128xf32, #tpu.memory_space<hbm>>
      %dma_wait3A_196 = tpu.memref_squeeze %dma_wait3A_195 : memref<1x640x128xf32, #tpu.memory_space<hbm>> -> memref<640x128xf32, #tpu.memory_space<hbm>>
      %dma_wait3A_197 = arith.constant 0 : i32
      %dma_wait3A_198 = tpu.memref_slice %arg25[%mul3A_186, %dma_wait3A_197] : memref<10240x128xf32, #tpu.memory_space<vmem_shared>> -> memref<640x128xf32, #tpu.memory_space<vmem_shared>>
      tpu.wait_dma2 semaphore(%run_scoped3A : memref<!tpu.dma_semaphore, #tpu.memory_space<semaphore_mem>>) src(%dma_wait3A_198 : memref<640x128xf32, #tpu.memory_space<vmem_shared>>) dst(%dma_wait3A_196 : memref<640x128xf32, #tpu.memory_space<hbm>>)
      tpu.yield
    }) : () -> ()
    return
  }
}

#map = affine_map<(d0, d1) -> (0, 0, 0)>
#map1 = affine_map<(d0, d1) -> (0, 0, 0, 0)>
#map2 = affine_map<(d0, d1) -> (0, 0)>
module attributes {stable_mosaic.version = 14 : i64} {
  func.func @_msg_body(%arg0: i32, %arg1: i32, %arg2: memref<32x322x32xi32, #tpu.memory_space<hbm>>, %arg3: memref<32x322x32xi32, #tpu.memory_space<hbm>>, %arg4: memref<32x322x4x128xf32, #tpu.memory_space<hbm>>, %arg5: memref<10240x128xf32, #tpu.memory_space<hbm>>, %arg6: memref<4x10240x128xf32, #tpu.memory_space<hbm>>, %arg7: memref<2x10112x128xf32, #tpu.memory_space<hbm>>, %arg8: memref<32xi32, #tpu.memory_space<vmem>>, %arg9: memref<32xi32, #tpu.memory_space<vmem>>, %arg10: memref<32xi32, #tpu.memory_space<vmem>>, %arg11: memref<32xi32, #tpu.memory_space<vmem>>, %arg12: memref<32xi32, #tpu.memory_space<vmem>>, %arg13: memref<32xi32, #tpu.memory_space<vmem>>, %arg14: memref<4x128xf32, #tpu.memory_space<vmem>>, %arg15: memref<4x128xf32, #tpu.memory_space<vmem>>, %arg16: memref<32x128xf32, #tpu.memory_space<vmem>>, %arg17: memref<32x128xf32, #tpu.memory_space<vmem>>, %arg18: memref<32x128xf32, #tpu.memory_space<vmem>>, %arg19: memref<32x128xf32, #tpu.memory_space<vmem>>, %arg20: memref<32x128xf32, #tpu.memory_space<vmem>>, %arg21: memref<32x128xf32, #tpu.memory_space<vmem>>, %arg22: memref<32x128xf32, #tpu.memory_space<vmem>>, %arg23: memref<32x128xf32, #tpu.memory_space<vmem>>, %arg24: memref<32x128xf32, #tpu.memory_space<vmem>>, %arg25: memref<32x128xf32, #tpu.memory_space<vmem>>, %arg26: memref<10112x128xf32, #tpu.memory_space<vmem_shared>>, %arg27: memref<!tpu.dma_semaphore, #tpu.memory_space<semaphore_mem>>, %arg28: memref<!tpu.dma_semaphore, #tpu.memory_space<semaphore_mem>>, %arg29: memref<!tpu.dma_semaphore, #tpu.memory_space<semaphore_mem>>, %arg30: memref<!tpu.dma_semaphore, #tpu.memory_space<semaphore_mem>>, %arg31: memref<!tpu.dma_semaphore, #tpu.memory_space<semaphore_mem>>, %arg32: memref<!tpu.dma_semaphore, #tpu.memory_space<semaphore_mem>>) attributes {dimension_semantics = [#tpu.dimension_semantics<core_parallel>, #tpu.dimension_semantics<subcore_parallel>], iteration_bounds = array<i64: 2, 16>, scalar_prefetch = 0 : i64, scratch_operands = 25 : i64, tpu.core_type = #tpu.core_type<sc_vector_subcore>, window_params = [{transform_indices = #map}, {transform_indices = #map}, {transform_indices = #map1}, {transform_indices = #map2}, {transform_indices = #map}, {transform_indices = #map}]} {
    %mul3A = arith.constant 2 : i32
    %mul3A_0 = arith.muli %arg1, %mul3A : i32
    %add3A = arith.addi %mul3A_0, %arg0 : i32
    %scan3A = arith.constant 0 : i32
    %scan3A_1 = arith.constant 0 : i32
    %scan3A_2 = arith.constant 32 : i32
    %scan3A_3 = arith.addi %scan3A_1, %scan3A_2 : i32
    %scan3A_4 = arith.constant 1 : i32
    %scan3A_5 = scf.for %scan3A_213 = %scan3A_1 to %scan3A_3 step %scan3A_4 iter_args(%scan3A_214 = %scan3A) -> (i32)  : i32 {
      %broadcast_in_dim3A = arith.constant 0.000000e+00 : f32
      %broadcast_in_dim3A_215 = vector.broadcast %broadcast_in_dim3A : f32 to vector<16xf32>
      %swap3A = arith.index_cast %scan3A_213 : i32 to index
      %swap3A_216 = arith.constant 0 : index
      %swap3A_217 = tpu.vector_load %arg21[%swap3A, %swap3A_216] {strides = array<i32>} : memref<32x128xf32, #tpu.memory_space<vmem>>, vector<1x16xf32>,
      %swap3A_218 = vector.shape_cast %swap3A_217 : vector<1x16xf32> to vector<16xf32>
      %swap3A_219 = vector.shape_cast %broadcast_in_dim3A_215 : vector<16xf32> to vector<1x16xf32>
      tpu.vector_store %arg21[%swap3A, %swap3A_216], %swap3A_219 {strides = array<i32>} : memref<32x128xf32, #tpu.memory_space<vmem>>, vector<1x16xf32>,
      %broadcast_in_dim3A_220 = arith.constant 0.000000e+00 : f32
      %broadcast_in_dim3A_221 = vector.broadcast %broadcast_in_dim3A_220 : f32 to vector<16xf32>
      %swap3A_222 = arith.index_cast %scan3A_213 : i32 to index
      %swap3A_223 = arith.constant 16 : index
      %swap3A_224 = tpu.vector_load %arg21[%swap3A_222, %swap3A_223] {strides = array<i32>} : memref<32x128xf32, #tpu.memory_space<vmem>>, vector<1x16xf32>,
      %swap3A_225 = vector.shape_cast %swap3A_224 : vector<1x16xf32> to vector<16xf32>
      %swap3A_226 = vector.shape_cast %broadcast_in_dim3A_221 : vector<16xf32> to vector<1x16xf32>
      tpu.vector_store %arg21[%swap3A_222, %swap3A_223], %swap3A_226 {strides = array<i32>} : memref<32x128xf32, #tpu.memory_space<vmem>>, vector<1x16xf32>,
      %broadcast_in_dim3A_227 = arith.constant 0.000000e+00 : f32
      %broadcast_in_dim3A_228 = vector.broadcast %broadcast_in_dim3A_227 : f32 to vector<16xf32>
      %swap3A_229 = arith.index_cast %scan3A_213 : i32 to index
      %swap3A_230 = arith.constant 32 : index
      %swap3A_231 = tpu.vector_load %arg21[%swap3A_229, %swap3A_230] {strides = array<i32>} : memref<32x128xf32, #tpu.memory_space<vmem>>, vector<1x16xf32>,
      %swap3A_232 = vector.shape_cast %swap3A_231 : vector<1x16xf32> to vector<16xf32>
      %swap3A_233 = vector.shape_cast %broadcast_in_dim3A_228 : vector<16xf32> to vector<1x16xf32>
      tpu.vector_store %arg21[%swap3A_229, %swap3A_230], %swap3A_233 {strides = array<i32>} : memref<32x128xf32, #tpu.memory_space<vmem>>, vector<1x16xf32>,
      %broadcast_in_dim3A_234 = arith.constant 0.000000e+00 : f32
      %broadcast_in_dim3A_235 = vector.broadcast %broadcast_in_dim3A_234 : f32 to vector<16xf32>
      %swap3A_236 = arith.index_cast %scan3A_213 : i32 to index
      %swap3A_237 = arith.constant 48 : index
      %swap3A_238 = tpu.vector_load %arg21[%swap3A_236, %swap3A_237] {strides = array<i32>} : memref<32x128xf32, #tpu.memory_space<vmem>>, vector<1x16xf32>,
      %swap3A_239 = vector.shape_cast %swap3A_238 : vector<1x16xf32> to vector<16xf32>
      %swap3A_240 = vector.shape_cast %broadcast_in_dim3A_235 : vector<16xf32> to vector<1x16xf32>
      tpu.vector_store %arg21[%swap3A_236, %swap3A_237], %swap3A_240 {strides = array<i32>} : memref<32x128xf32, #tpu.memory_space<vmem>>, vector<1x16xf32>,
      %broadcast_in_dim3A_241 = arith.constant 0.000000e+00 : f32
      %broadcast_in_dim3A_242 = vector.broadcast %broadcast_in_dim3A_241 : f32 to vector<16xf32>
      %swap3A_243 = arith.index_cast %scan3A_213 : i32 to index
      %swap3A_244 = arith.constant 64 : index
      %swap3A_245 = tpu.vector_load %arg21[%swap3A_243, %swap3A_244] {strides = array<i32>} : memref<32x128xf32, #tpu.memory_space<vmem>>, vector<1x16xf32>,
      %swap3A_246 = vector.shape_cast %swap3A_245 : vector<1x16xf32> to vector<16xf32>
      %swap3A_247 = vector.shape_cast %broadcast_in_dim3A_242 : vector<16xf32> to vector<1x16xf32>
      tpu.vector_store %arg21[%swap3A_243, %swap3A_244], %swap3A_247 {strides = array<i32>} : memref<32x128xf32, #tpu.memory_space<vmem>>, vector<1x16xf32>,
      %broadcast_in_dim3A_248 = arith.constant 0.000000e+00 : f32
      %broadcast_in_dim3A_249 = vector.broadcast %broadcast_in_dim3A_248 : f32 to vector<16xf32>
      %swap3A_250 = arith.index_cast %scan3A_213 : i32 to index
      %swap3A_251 = arith.constant 80 : index
      %swap3A_252 = tpu.vector_load %arg21[%swap3A_250, %swap3A_251] {strides = array<i32>} : memref<32x128xf32, #tpu.memory_space<vmem>>, vector<1x16xf32>,
      %swap3A_253 = vector.shape_cast %swap3A_252 : vector<1x16xf32> to vector<16xf32>
      %swap3A_254 = vector.shape_cast %broadcast_in_dim3A_249 : vector<16xf32> to vector<1x16xf32>
      tpu.vector_store %arg21[%swap3A_250, %swap3A_251], %swap3A_254 {strides = array<i32>} : memref<32x128xf32, #tpu.memory_space<vmem>>, vector<1x16xf32>,
      %broadcast_in_dim3A_255 = arith.constant 0.000000e+00 : f32
      %broadcast_in_dim3A_256 = vector.broadcast %broadcast_in_dim3A_255 : f32 to vector<16xf32>
      %swap3A_257 = arith.index_cast %scan3A_213 : i32 to index
      %swap3A_258 = arith.constant 96 : index
      %swap3A_259 = tpu.vector_load %arg21[%swap3A_257, %swap3A_258] {strides = array<i32>} : memref<32x128xf32, #tpu.memory_space<vmem>>, vector<1x16xf32>,
      %swap3A_260 = vector.shape_cast %swap3A_259 : vector<1x16xf32> to vector<16xf32>
      %swap3A_261 = vector.shape_cast %broadcast_in_dim3A_256 : vector<16xf32> to vector<1x16xf32>
      tpu.vector_store %arg21[%swap3A_257, %swap3A_258], %swap3A_261 {strides = array<i32>} : memref<32x128xf32, #tpu.memory_space<vmem>>, vector<1x16xf32>,
      %broadcast_in_dim3A_262 = arith.constant 0.000000e+00 : f32
      %broadcast_in_dim3A_263 = vector.broadcast %broadcast_in_dim3A_262 : f32 to vector<16xf32>
      %swap3A_264 = arith.index_cast %scan3A_213 : i32 to index
      %swap3A_265 = arith.constant 112 : index
      %swap3A_266 = tpu.vector_load %arg21[%swap3A_264, %swap3A_265] {strides = array<i32>} : memref<32x128xf32, #tpu.memory_space<vmem>>, vector<1x16xf32>,
      %swap3A_267 = vector.shape_cast %swap3A_266 : vector<1x16xf32> to vector<16xf32>
      %swap3A_268 = vector.shape_cast %broadcast_in_dim3A_263 : vector<16xf32> to vector<1x16xf32>
      tpu.vector_store %arg21[%swap3A_264, %swap3A_265], %swap3A_268 {strides = array<i32>} : memref<32x128xf32, #tpu.memory_space<vmem>>, vector<1x16xf32>,
      %scan3A_269 = arith.constant 0 : i32
      scf.yield %scan3A_269 : i32
    }
    %scan3A_6 = arith.constant 32 : i32
    %mul3A_7 = arith.constant 632 : i32
    %mul3A_8 = arith.muli %arg1, %mul3A_7 : i32
    %add3A_9 = arith.constant 0 : i32
    %add3A_10 = arith.addi %mul3A_8, %add3A_9 : i32
    "tpu.region"() ({
      %run_scoped3A = tpu.sem_alloc : memref<!tpu.dma_semaphore, #tpu.memory_space<semaphore_mem>>
      %dma_start3A_213 = arith.constant 0 : i32
      %dma_start3A_214 = tpu.memref_slice %arg26[%add3A_10, %dma_start3A_213] : memref<10112x128xf32, #tpu.memory_space<vmem_shared>> -> memref<32x128xf32, #tpu.memory_space<vmem_shared>>
      %dma_start3A_215 = arith.constant 0 : i32
      %dma_start3A_216 = tpu.memref_slice %arg26[%add3A_10, %dma_start3A_215] : memref<10112x128xf32, #tpu.memory_space<vmem_shared>> -> memref<32x128xf32, #tpu.memory_space<vmem_shared>>
      tpu.enqueue_dma source(%arg21 : memref<32x128xf32, #tpu.memory_space<vmem>>) target(%dma_start3A_216 : memref<32x128xf32, #tpu.memory_space<vmem_shared>>) target_semaphore(%run_scoped3A : memref<!tpu.dma_semaphore, #tpu.memory_space<semaphore_mem>>)
      %dma_wait3A_217 = arith.constant 0 : i32
      %dma_wait3A_218 = tpu.memref_slice %arg26[%add3A_10, %dma_wait3A_217] : memref<10112x128xf32, #tpu.memory_space<vmem_shared>> -> memref<32x128xf32, #tpu.memory_space<vmem_shared>>
      %dma_wait3A_219 = arith.constant 0 : i32
      %dma_wait3A_220 = tpu.memref_slice %arg26[%add3A_10, %dma_wait3A_219] : memref<10112x128xf32, #tpu.memory_space<vmem_shared>> -> memref<32x128xf32, #tpu.memory_space<vmem_shared>>
      tpu.wait_dma2 semaphore(%run_scoped3A : memref<!tpu.dma_semaphore, #tpu.memory_space<semaphore_mem>>) src(%arg21 : memref<32x128xf32, #tpu.memory_space<vmem>>) dst(%dma_wait3A_220 : memref<32x128xf32, #tpu.memory_space<vmem_shared>>)
      tpu.yield
    }) : () -> ()
    %mul3A_11 = arith.constant 632 : i32
    %mul3A_12 = arith.muli %arg1, %mul3A_11 : i32
    %add3A_13 = arith.constant 32 : i32
    %add3A_14 = arith.addi %mul3A_12, %add3A_13 : i32
    "tpu.region"() ({
      %run_scoped3A = tpu.sem_alloc : memref<!tpu.dma_semaphore, #tpu.memory_space<semaphore_mem>>
      %dma_start3A_213 = arith.constant 0 : i32
      %dma_start3A_214 = tpu.memref_slice %arg26[%add3A_14, %dma_start3A_213] : memref<10112x128xf32, #tpu.memory_space<vmem_shared>> -> memref<32x128xf32, #tpu.memory_space<vmem_shared>>
      %dma_start3A_215 = arith.constant 0 : i32
      %dma_start3A_216 = tpu.memref_slice %arg26[%add3A_14, %dma_start3A_215] : memref<10112x128xf32, #tpu.memory_space<vmem_shared>> -> memref<32x128xf32, #tpu.memory_space<vmem_shared>>
      tpu.enqueue_dma source(%arg21 : memref<32x128xf32, #tpu.memory_space<vmem>>) target(%dma_start3A_216 : memref<32x128xf32, #tpu.memory_space<vmem_shared>>) target_semaphore(%run_scoped3A : memref<!tpu.dma_semaphore, #tpu.memory_space<semaphore_mem>>)
      %dma_wait3A_217 = arith.constant 0 : i32
      %dma_wait3A_218 = tpu.memref_slice %arg26[%add3A_14, %dma_wait3A_217] : memref<10112x128xf32, #tpu.memory_space<vmem_shared>> -> memref<32x128xf32, #tpu.memory_space<vmem_shared>>
      %dma_wait3A_219 = arith.constant 0 : i32
      %dma_wait3A_220 = tpu.memref_slice %arg26[%add3A_14, %dma_wait3A_219] : memref<10112x128xf32, #tpu.memory_space<vmem_shared>> -> memref<32x128xf32, #tpu.memory_space<vmem_shared>>
      tpu.wait_dma2 semaphore(%run_scoped3A : memref<!tpu.dma_semaphore, #tpu.memory_space<semaphore_mem>>) src(%arg21 : memref<32x128xf32, #tpu.memory_space<vmem>>) dst(%dma_wait3A_220 : memref<32x128xf32, #tpu.memory_space<vmem_shared>>)
      tpu.yield
    }) : () -> ()
    %mul3A_15 = arith.constant 632 : i32
    %mul3A_16 = arith.muli %arg1, %mul3A_15 : i32
    %add3A_17 = arith.constant 64 : i32
    %add3A_18 = arith.addi %mul3A_16, %add3A_17 : i32
    "tpu.region"() ({
      %run_scoped3A = tpu.sem_alloc : memref<!tpu.dma_semaphore, #tpu.memory_space<semaphore_mem>>
      %dma_start3A_213 = arith.constant 0 : i32
      %dma_start3A_214 = tpu.memref_slice %arg26[%add3A_18, %dma_start3A_213] : memref<10112x128xf32, #tpu.memory_space<vmem_shared>> -> memref<32x128xf32, #tpu.memory_space<vmem_shared>>
      %dma_start3A_215 = arith.constant 0 : i32
      %dma_start3A_216 = tpu.memref_slice %arg26[%add3A_18, %dma_start3A_215] : memref<10112x128xf32, #tpu.memory_space<vmem_shared>> -> memref<32x128xf32, #tpu.memory_space<vmem_shared>>
      tpu.enqueue_dma source(%arg21 : memref<32x128xf32, #tpu.memory_space<vmem>>) target(%dma_start3A_216 : memref<32x128xf32, #tpu.memory_space<vmem_shared>>) target_semaphore(%run_scoped3A : memref<!tpu.dma_semaphore, #tpu.memory_space<semaphore_mem>>)
      %dma_wait3A_217 = arith.constant 0 : i32
      %dma_wait3A_218 = tpu.memref_slice %arg26[%add3A_18, %dma_wait3A_217] : memref<10112x128xf32, #tpu.memory_space<vmem_shared>> -> memref<32x128xf32, #tpu.memory_space<vmem_shared>>
      %dma_wait3A_219 = arith.constant 0 : i32
      %dma_wait3A_220 = tpu.memref_slice %arg26[%add3A_18, %dma_wait3A_219] : memref<10112x128xf32, #tpu.memory_space<vmem_shared>> -> memref<32x128xf32, #tpu.memory_space<vmem_shared>>
      tpu.wait_dma2 semaphore(%run_scoped3A : memref<!tpu.dma_semaphore, #tpu.memory_space<semaphore_mem>>) src(%arg21 : memref<32x128xf32, #tpu.memory_space<vmem>>) dst(%dma_wait3A_220 : memref<32x128xf32, #tpu.memory_space<vmem_shared>>)
      tpu.yield
    }) : () -> ()
    %mul3A_19 = arith.constant 632 : i32
    %mul3A_20 = arith.muli %arg1, %mul3A_19 : i32
    %add3A_21 = arith.constant 96 : i32
    %add3A_22 = arith.addi %mul3A_20, %add3A_21 : i32
    "tpu.region"() ({
      %run_scoped3A = tpu.sem_alloc : memref<!tpu.dma_semaphore, #tpu.memory_space<semaphore_mem>>
      %dma_start3A_213 = arith.constant 0 : i32
      %dma_start3A_214 = tpu.memref_slice %arg26[%add3A_22, %dma_start3A_213] : memref<10112x128xf32, #tpu.memory_space<vmem_shared>> -> memref<32x128xf32, #tpu.memory_space<vmem_shared>>
      %dma_start3A_215 = arith.constant 0 : i32
      %dma_start3A_216 = tpu.memref_slice %arg26[%add3A_22, %dma_start3A_215] : memref<10112x128xf32, #tpu.memory_space<vmem_shared>> -> memref<32x128xf32, #tpu.memory_space<vmem_shared>>
      tpu.enqueue_dma source(%arg21 : memref<32x128xf32, #tpu.memory_space<vmem>>) target(%dma_start3A_216 : memref<32x128xf32, #tpu.memory_space<vmem_shared>>) target_semaphore(%run_scoped3A : memref<!tpu.dma_semaphore, #tpu.memory_space<semaphore_mem>>)
      %dma_wait3A_217 = arith.constant 0 : i32
      %dma_wait3A_218 = tpu.memref_slice %arg26[%add3A_22, %dma_wait3A_217] : memref<10112x128xf32, #tpu.memory_space<vmem_shared>> -> memref<32x128xf32, #tpu.memory_space<vmem_shared>>
      %dma_wait3A_219 = arith.constant 0 : i32
      %dma_wait3A_220 = tpu.memref_slice %arg26[%add3A_22, %dma_wait3A_219] : memref<10112x128xf32, #tpu.memory_space<vmem_shared>> -> memref<32x128xf32, #tpu.memory_space<vmem_shared>>
      tpu.wait_dma2 semaphore(%run_scoped3A : memref<!tpu.dma_semaphore, #tpu.memory_space<semaphore_mem>>) src(%arg21 : memref<32x128xf32, #tpu.memory_space<vmem>>) dst(%dma_wait3A_220 : memref<32x128xf32, #tpu.memory_space<vmem_shared>>)
      tpu.yield
    }) : () -> ()
    %mul3A_23 = arith.constant 632 : i32
    %mul3A_24 = arith.muli %arg1, %mul3A_23 : i32
    %add3A_25 = arith.constant 128 : i32
    %add3A_26 = arith.addi %mul3A_24, %add3A_25 : i32
    "tpu.region"() ({
      %run_scoped3A = tpu.sem_alloc : memref<!tpu.dma_semaphore, #tpu.memory_space<semaphore_mem>>
      %dma_start3A_213 = arith.constant 0 : i32
      %dma_start3A_214 = tpu.memref_slice %arg26[%add3A_26, %dma_start3A_213] : memref<10112x128xf32, #tpu.memory_space<vmem_shared>> -> memref<32x128xf32, #tpu.memory_space<vmem_shared>>
      %dma_start3A_215 = arith.constant 0 : i32
      %dma_start3A_216 = tpu.memref_slice %arg26[%add3A_26, %dma_start3A_215] : memref<10112x128xf32, #tpu.memory_space<vmem_shared>> -> memref<32x128xf32, #tpu.memory_space<vmem_shared>>
      tpu.enqueue_dma source(%arg21 : memref<32x128xf32, #tpu.memory_space<vmem>>) target(%dma_start3A_216 : memref<32x128xf32, #tpu.memory_space<vmem_shared>>) target_semaphore(%run_scoped3A : memref<!tpu.dma_semaphore, #tpu.memory_space<semaphore_mem>>)
      %dma_wait3A_217 = arith.constant 0 : i32
      %dma_wait3A_218 = tpu.memref_slice %arg26[%add3A_26, %dma_wait3A_217] : memref<10112x128xf32, #tpu.memory_space<vmem_shared>> -> memref<32x128xf32, #tpu.memory_space<vmem_shared>>
      %dma_wait3A_219 = arith.constant 0 : i32
      %dma_wait3A_220 = tpu.memref_slice %arg26[%add3A_26, %dma_wait3A_219] : memref<10112x128xf32, #tpu.memory_space<vmem_shared>> -> memref<32x128xf32, #tpu.memory_space<vmem_shared>>
      tpu.wait_dma2 semaphore(%run_scoped3A : memref<!tpu.dma_semaphore, #tpu.memory_space<semaphore_mem>>) src(%arg21 : memref<32x128xf32, #tpu.memory_space<vmem>>) dst(%dma_wait3A_220 : memref<32x128xf32, #tpu.memory_space<vmem_shared>>)
      tpu.yield
    }) : () -> ()
    %mul3A_27 = arith.constant 632 : i32
    %mul3A_28 = arith.muli %arg1, %mul3A_27 : i32
    %add3A_29 = arith.constant 160 : i32
    %add3A_30 = arith.addi %mul3A_28, %add3A_29 : i32
    "tpu.region"() ({
      %run_scoped3A = tpu.sem_alloc : memref<!tpu.dma_semaphore, #tpu.memory_space<semaphore_mem>>
      %dma_start3A_213 = arith.constant 0 : i32
      %dma_start3A_214 = tpu.memref_slice %arg26[%add3A_30, %dma_start3A_213] : memref<10112x128xf32, #tpu.memory_space<vmem_shared>> -> memref<32x128xf32, #tpu.memory_space<vmem_shared>>
      %dma_start3A_215 = arith.constant 0 : i32
      %dma_start3A_216 = tpu.memref_slice %arg26[%add3A_30, %dma_start3A_215] : memref<10112x128xf32, #tpu.memory_space<vmem_shared>> -> memref<32x128xf32, #tpu.memory_space<vmem_shared>>
      tpu.enqueue_dma source(%arg21 : memref<32x128xf32, #tpu.memory_space<vmem>>) target(%dma_start3A_216 : memref<32x128xf32, #tpu.memory_space<vmem_shared>>) target_semaphore(%run_scoped3A : memref<!tpu.dma_semaphore, #tpu.memory_space<semaphore_mem>>)
      %dma_wait3A_217 = arith.constant 0 : i32
      %dma_wait3A_218 = tpu.memref_slice %arg26[%add3A_30, %dma_wait3A_217] : memref<10112x128xf32, #tpu.memory_space<vmem_shared>> -> memref<32x128xf32, #tpu.memory_space<vmem_shared>>
      %dma_wait3A_219 = arith.constant 0 : i32
      %dma_wait3A_220 = tpu.memref_slice %arg26[%add3A_30, %dma_wait3A_219] : memref<10112x128xf32, #tpu.memory_space<vmem_shared>> -> memref<32x128xf32, #tpu.memory_space<vmem_shared>>
      tpu.wait_dma2 semaphore(%run_scoped3A : memref<!tpu.dma_semaphore, #tpu.memory_space<semaphore_mem>>) src(%arg21 : memref<32x128xf32, #tpu.memory_space<vmem>>) dst(%dma_wait3A_220 : memref<32x128xf32, #tpu.memory_space<vmem_shared>>)
      tpu.yield
    }) : () -> ()
    %mul3A_31 = arith.constant 632 : i32
    %mul3A_32 = arith.muli %arg1, %mul3A_31 : i32
    %add3A_33 = arith.constant 192 : i32
    %add3A_34 = arith.addi %mul3A_32, %add3A_33 : i32
    "tpu.region"() ({
      %run_scoped3A = tpu.sem_alloc : memref<!tpu.dma_semaphore, #tpu.memory_space<semaphore_mem>>
      %dma_start3A_213 = arith.constant 0 : i32
      %dma_start3A_214 = tpu.memref_slice %arg26[%add3A_34, %dma_start3A_213] : memref<10112x128xf32, #tpu.memory_space<vmem_shared>> -> memref<32x128xf32, #tpu.memory_space<vmem_shared>>
      %dma_start3A_215 = arith.constant 0 : i32
      %dma_start3A_216 = tpu.memref_slice %arg26[%add3A_34, %dma_start3A_215] : memref<10112x128xf32, #tpu.memory_space<vmem_shared>> -> memref<32x128xf32, #tpu.memory_space<vmem_shared>>
      tpu.enqueue_dma source(%arg21 : memref<32x128xf32, #tpu.memory_space<vmem>>) target(%dma_start3A_216 : memref<32x128xf32, #tpu.memory_space<vmem_shared>>) target_semaphore(%run_scoped3A : memref<!tpu.dma_semaphore, #tpu.memory_space<semaphore_mem>>)
      %dma_wait3A_217 = arith.constant 0 : i32
      %dma_wait3A_218 = tpu.memref_slice %arg26[%add3A_34, %dma_wait3A_217] : memref<10112x128xf32, #tpu.memory_space<vmem_shared>> -> memref<32x128xf32, #tpu.memory_space<vmem_shared>>
      %dma_wait3A_219 = arith.constant 0 : i32
      %dma_wait3A_220 = tpu.memref_slice %arg26[%add3A_34, %dma_wait3A_219] : memref<10112x128xf32, #tpu.memory_space<vmem_shared>> -> memref<32x128xf32, #tpu.memory_space<vmem_shared>>
      tpu.wait_dma2 semaphore(%run_scoped3A : memref<!tpu.dma_semaphore, #tpu.memory_space<semaphore_mem>>) src(%arg21 : memref<32x128xf32, #tpu.memory_space<vmem>>) dst(%dma_wait3A_220 : memref<32x128xf32, #tpu.memory_space<vmem_shared>>)
      tpu.yield
    }) : () -> ()
    %mul3A_35 = arith.constant 632 : i32
    %mul3A_36 = arith.muli %arg1, %mul3A_35 : i32
    %add3A_37 = arith.constant 224 : i32
    %add3A_38 = arith.addi %mul3A_36, %add3A_37 : i32
    "tpu.region"() ({
      %run_scoped3A = tpu.sem_alloc : memref<!tpu.dma_semaphore, #tpu.memory_space<semaphore_mem>>
      %dma_start3A_213 = arith.constant 0 : i32
      %dma_start3A_214 = tpu.memref_slice %arg26[%add3A_38, %dma_start3A_213] : memref<10112x128xf32, #tpu.memory_space<vmem_shared>> -> memref<32x128xf32, #tpu.memory_space<vmem_shared>>
      %dma_start3A_215 = arith.constant 0 : i32
      %dma_start3A_216 = tpu.memref_slice %arg26[%add3A_38, %dma_start3A_215] : memref<10112x128xf32, #tpu.memory_space<vmem_shared>> -> memref<32x128xf32, #tpu.memory_space<vmem_shared>>
      tpu.enqueue_dma source(%arg21 : memref<32x128xf32, #tpu.memory_space<vmem>>) target(%dma_start3A_216 : memref<32x128xf32, #tpu.memory_space<vmem_shared>>) target_semaphore(%run_scoped3A : memref<!tpu.dma_semaphore, #tpu.memory_space<semaphore_mem>>)
      %dma_wait3A_217 = arith.constant 0 : i32
      %dma_wait3A_218 = tpu.memref_slice %arg26[%add3A_38, %dma_wait3A_217] : memref<10112x128xf32, #tpu.memory_space<vmem_shared>> -> memref<32x128xf32, #tpu.memory_space<vmem_shared>>
      %dma_wait3A_219 = arith.constant 0 : i32
      %dma_wait3A_220 = tpu.memref_slice %arg26[%add3A_38, %dma_wait3A_219] : memref<10112x128xf32, #tpu.memory_space<vmem_shared>> -> memref<32x128xf32, #tpu.memory_space<vmem_shared>>
      tpu.wait_dma2 semaphore(%run_scoped3A : memref<!tpu.dma_semaphore, #tpu.memory_space<semaphore_mem>>) src(%arg21 : memref<32x128xf32, #tpu.memory_space<vmem>>) dst(%dma_wait3A_220 : memref<32x128xf32, #tpu.memory_space<vmem_shared>>)
      tpu.yield
    }) : () -> ()
    %mul3A_39 = arith.constant 632 : i32
    %mul3A_40 = arith.muli %arg1, %mul3A_39 : i32
    %add3A_41 = arith.constant 256 : i32
    %add3A_42 = arith.addi %mul3A_40, %add3A_41 : i32
    "tpu.region"() ({
      %run_scoped3A = tpu.sem_alloc : memref<!tpu.dma_semaphore, #tpu.memory_space<semaphore_mem>>
      %dma_start3A_213 = arith.constant 0 : i32
      %dma_start3A_214 = tpu.memref_slice %arg26[%add3A_42, %dma_start3A_213] : memref<10112x128xf32, #tpu.memory_space<vmem_shared>> -> memref<32x128xf32, #tpu.memory_space<vmem_shared>>
      %dma_start3A_215 = arith.constant 0 : i32
      %dma_start3A_216 = tpu.memref_slice %arg26[%add3A_42, %dma_start3A_215] : memref<10112x128xf32, #tpu.memory_space<vmem_shared>> -> memref<32x128xf32, #tpu.memory_space<vmem_shared>>
      tpu.enqueue_dma source(%arg21 : memref<32x128xf32, #tpu.memory_space<vmem>>) target(%dma_start3A_216 : memref<32x128xf32, #tpu.memory_space<vmem_shared>>) target_semaphore(%run_scoped3A : memref<!tpu.dma_semaphore, #tpu.memory_space<semaphore_mem>>)
      %dma_wait3A_217 = arith.constant 0 : i32
      %dma_wait3A_218 = tpu.memref_slice %arg26[%add3A_42, %dma_wait3A_217] : memref<10112x128xf32, #tpu.memory_space<vmem_shared>> -> memref<32x128xf32, #tpu.memory_space<vmem_shared>>
      %dma_wait3A_219 = arith.constant 0 : i32
      %dma_wait3A_220 = tpu.memref_slice %arg26[%add3A_42, %dma_wait3A_219] : memref<10112x128xf32, #tpu.memory_space<vmem_shared>> -> memref<32x128xf32, #tpu.memory_space<vmem_shared>>
      tpu.wait_dma2 semaphore(%run_scoped3A : memref<!tpu.dma_semaphore, #tpu.memory_space<semaphore_mem>>) src(%arg21 : memref<32x128xf32, #tpu.memory_space<vmem>>) dst(%dma_wait3A_220 : memref<32x128xf32, #tpu.memory_space<vmem_shared>>)
      tpu.yield
    }) : () -> ()
    %mul3A_43 = arith.constant 632 : i32
    %mul3A_44 = arith.muli %arg1, %mul3A_43 : i32
    %add3A_45 = arith.constant 288 : i32
    %add3A_46 = arith.addi %mul3A_44, %add3A_45 : i32
    "tpu.region"() ({
      %run_scoped3A = tpu.sem_alloc : memref<!tpu.dma_semaphore, #tpu.memory_space<semaphore_mem>>
      %dma_start3A_213 = arith.constant 0 : i32
      %dma_start3A_214 = tpu.memref_slice %arg26[%add3A_46, %dma_start3A_213] : memref<10112x128xf32, #tpu.memory_space<vmem_shared>> -> memref<32x128xf32, #tpu.memory_space<vmem_shared>>
      %dma_start3A_215 = arith.constant 0 : i32
      %dma_start3A_216 = tpu.memref_slice %arg26[%add3A_46, %dma_start3A_215] : memref<10112x128xf32, #tpu.memory_space<vmem_shared>> -> memref<32x128xf32, #tpu.memory_space<vmem_shared>>
      tpu.enqueue_dma source(%arg21 : memref<32x128xf32, #tpu.memory_space<vmem>>) target(%dma_start3A_216 : memref<32x128xf32, #tpu.memory_space<vmem_shared>>) target_semaphore(%run_scoped3A : memref<!tpu.dma_semaphore, #tpu.memory_space<semaphore_mem>>)
      %dma_wait3A_217 = arith.constant 0 : i32
      %dma_wait3A_218 = tpu.memref_slice %arg26[%add3A_46, %dma_wait3A_217] : memref<10112x128xf32, #tpu.memory_space<vmem_shared>> -> memref<32x128xf32, #tpu.memory_space<vmem_shared>>
      %dma_wait3A_219 = arith.constant 0 : i32
      %dma_wait3A_220 = tpu.memref_slice %arg26[%add3A_46, %dma_wait3A_219] : memref<10112x128xf32, #tpu.memory_space<vmem_shared>> -> memref<32x128xf32, #tpu.memory_space<vmem_shared>>
      tpu.wait_dma2 semaphore(%run_scoped3A : memref<!tpu.dma_semaphore, #tpu.memory_space<semaphore_mem>>) src(%arg21 : memref<32x128xf32, #tpu.memory_space<vmem>>) dst(%dma_wait3A_220 : memref<32x128xf32, #tpu.memory_space<vmem_shared>>)
      tpu.yield
    }) : () -> ()
    %mul3A_47 = arith.constant 632 : i32
    %mul3A_48 = arith.muli %arg1, %mul3A_47 : i32
    %add3A_49 = arith.constant 320 : i32
    %add3A_50 = arith.addi %mul3A_48, %add3A_49 : i32
    "tpu.region"() ({
      %run_scoped3A = tpu.sem_alloc : memref<!tpu.dma_semaphore, #tpu.memory_space<semaphore_mem>>
      %dma_start3A_213 = arith.constant 0 : i32
      %dma_start3A_214 = tpu.memref_slice %arg26[%add3A_50, %dma_start3A_213] : memref<10112x128xf32, #tpu.memory_space<vmem_shared>> -> memref<32x128xf32, #tpu.memory_space<vmem_shared>>
      %dma_start3A_215 = arith.constant 0 : i32
      %dma_start3A_216 = tpu.memref_slice %arg26[%add3A_50, %dma_start3A_215] : memref<10112x128xf32, #tpu.memory_space<vmem_shared>> -> memref<32x128xf32, #tpu.memory_space<vmem_shared>>
      tpu.enqueue_dma source(%arg21 : memref<32x128xf32, #tpu.memory_space<vmem>>) target(%dma_start3A_216 : memref<32x128xf32, #tpu.memory_space<vmem_shared>>) target_semaphore(%run_scoped3A : memref<!tpu.dma_semaphore, #tpu.memory_space<semaphore_mem>>)
      %dma_wait3A_217 = arith.constant 0 : i32
      %dma_wait3A_218 = tpu.memref_slice %arg26[%add3A_50, %dma_wait3A_217] : memref<10112x128xf32, #tpu.memory_space<vmem_shared>> -> memref<32x128xf32, #tpu.memory_space<vmem_shared>>
      %dma_wait3A_219 = arith.constant 0 : i32
      %dma_wait3A_220 = tpu.memref_slice %arg26[%add3A_50, %dma_wait3A_219] : memref<10112x128xf32, #tpu.memory_space<vmem_shared>> -> memref<32x128xf32, #tpu.memory_space<vmem_shared>>
      tpu.wait_dma2 semaphore(%run_scoped3A : memref<!tpu.dma_semaphore, #tpu.memory_space<semaphore_mem>>) src(%arg21 : memref<32x128xf32, #tpu.memory_space<vmem>>) dst(%dma_wait3A_220 : memref<32x128xf32, #tpu.memory_space<vmem_shared>>)
      tpu.yield
    }) : () -> ()
    %mul3A_51 = arith.constant 632 : i32
    %mul3A_52 = arith.muli %arg1, %mul3A_51 : i32
    %add3A_53 = arith.constant 352 : i32
    %add3A_54 = arith.addi %mul3A_52, %add3A_53 : i32
    "tpu.region"() ({
      %run_scoped3A = tpu.sem_alloc : memref<!tpu.dma_semaphore, #tpu.memory_space<semaphore_mem>>
      %dma_start3A_213 = arith.constant 0 : i32
      %dma_start3A_214 = tpu.memref_slice %arg26[%add3A_54, %dma_start3A_213] : memref<10112x128xf32, #tpu.memory_space<vmem_shared>> -> memref<32x128xf32, #tpu.memory_space<vmem_shared>>
      %dma_start3A_215 = arith.constant 0 : i32
      %dma_start3A_216 = tpu.memref_slice %arg26[%add3A_54, %dma_start3A_215] : memref<10112x128xf32, #tpu.memory_space<vmem_shared>> -> memref<32x128xf32, #tpu.memory_space<vmem_shared>>
      tpu.enqueue_dma source(%arg21 : memref<32x128xf32, #tpu.memory_space<vmem>>) target(%dma_start3A_216 : memref<32x128xf32, #tpu.memory_space<vmem_shared>>) target_semaphore(%run_scoped3A : memref<!tpu.dma_semaphore, #tpu.memory_space<semaphore_mem>>)
      %dma_wait3A_217 = arith.constant 0 : i32
      %dma_wait3A_218 = tpu.memref_slice %arg26[%add3A_54, %dma_wait3A_217] : memref<10112x128xf32, #tpu.memory_space<vmem_shared>> -> memref<32x128xf32, #tpu.memory_space<vmem_shared>>
      %dma_wait3A_219 = arith.constant 0 : i32
      %dma_wait3A_220 = tpu.memref_slice %arg26[%add3A_54, %dma_wait3A_219] : memref<10112x128xf32, #tpu.memory_space<vmem_shared>> -> memref<32x128xf32, #tpu.memory_space<vmem_shared>>
      tpu.wait_dma2 semaphore(%run_scoped3A : memref<!tpu.dma_semaphore, #tpu.memory_space<semaphore_mem>>) src(%arg21 : memref<32x128xf32, #tpu.memory_space<vmem>>) dst(%dma_wait3A_220 : memref<32x128xf32, #tpu.memory_space<vmem_shared>>)
      tpu.yield
    }) : () -> ()
    %mul3A_55 = arith.constant 632 : i32
    %mul3A_56 = arith.muli %arg1, %mul3A_55 : i32
    %add3A_57 = arith.constant 384 : i32
    %add3A_58 = arith.addi %mul3A_56, %add3A_57 : i32
    "tpu.region"() ({
      %run_scoped3A = tpu.sem_alloc : memref<!tpu.dma_semaphore, #tpu.memory_space<semaphore_mem>>
      %dma_start3A_213 = arith.constant 0 : i32
      %dma_start3A_214 = tpu.memref_slice %arg26[%add3A_58, %dma_start3A_213] : memref<10112x128xf32, #tpu.memory_space<vmem_shared>> -> memref<32x128xf32, #tpu.memory_space<vmem_shared>>
      %dma_start3A_215 = arith.constant 0 : i32
      %dma_start3A_216 = tpu.memref_slice %arg26[%add3A_58, %dma_start3A_215] : memref<10112x128xf32, #tpu.memory_space<vmem_shared>> -> memref<32x128xf32, #tpu.memory_space<vmem_shared>>
      tpu.enqueue_dma source(%arg21 : memref<32x128xf32, #tpu.memory_space<vmem>>) target(%dma_start3A_216 : memref<32x128xf32, #tpu.memory_space<vmem_shared>>) target_semaphore(%run_scoped3A : memref<!tpu.dma_semaphore, #tpu.memory_space<semaphore_mem>>)
      %dma_wait3A_217 = arith.constant 0 : i32
      %dma_wait3A_218 = tpu.memref_slice %arg26[%add3A_58, %dma_wait3A_217] : memref<10112x128xf32, #tpu.memory_space<vmem_shared>> -> memref<32x128xf32, #tpu.memory_space<vmem_shared>>
      %dma_wait3A_219 = arith.constant 0 : i32
      %dma_wait3A_220 = tpu.memref_slice %arg26[%add3A_58, %dma_wait3A_219] : memref<10112x128xf32, #tpu.memory_space<vmem_shared>> -> memref<32x128xf32, #tpu.memory_space<vmem_shared>>
      tpu.wait_dma2 semaphore(%run_scoped3A : memref<!tpu.dma_semaphore, #tpu.memory_space<semaphore_mem>>) src(%arg21 : memref<32x128xf32, #tpu.memory_space<vmem>>) dst(%dma_wait3A_220 : memref<32x128xf32, #tpu.memory_space<vmem_shared>>)
      tpu.yield
    }) : () -> ()
    %mul3A_59 = arith.constant 632 : i32
    %mul3A_60 = arith.muli %arg1, %mul3A_59 : i32
    %add3A_61 = arith.constant 416 : i32
    %add3A_62 = arith.addi %mul3A_60, %add3A_61 : i32
    "tpu.region"() ({
      %run_scoped3A = tpu.sem_alloc : memref<!tpu.dma_semaphore, #tpu.memory_space<semaphore_mem>>
      %dma_start3A_213 = arith.constant 0 : i32
      %dma_start3A_214 = tpu.memref_slice %arg26[%add3A_62, %dma_start3A_213] : memref<10112x128xf32, #tpu.memory_space<vmem_shared>> -> memref<32x128xf32, #tpu.memory_space<vmem_shared>>
      %dma_start3A_215 = arith.constant 0 : i32
      %dma_start3A_216 = tpu.memref_slice %arg26[%add3A_62, %dma_start3A_215] : memref<10112x128xf32, #tpu.memory_space<vmem_shared>> -> memref<32x128xf32, #tpu.memory_space<vmem_shared>>
      tpu.enqueue_dma source(%arg21 : memref<32x128xf32, #tpu.memory_space<vmem>>) target(%dma_start3A_216 : memref<32x128xf32, #tpu.memory_space<vmem_shared>>) target_semaphore(%run_scoped3A : memref<!tpu.dma_semaphore, #tpu.memory_space<semaphore_mem>>)
      %dma_wait3A_217 = arith.constant 0 : i32
      %dma_wait3A_218 = tpu.memref_slice %arg26[%add3A_62, %dma_wait3A_217] : memref<10112x128xf32, #tpu.memory_space<vmem_shared>> -> memref<32x128xf32, #tpu.memory_space<vmem_shared>>
      %dma_wait3A_219 = arith.constant 0 : i32
      %dma_wait3A_220 = tpu.memref_slice %arg26[%add3A_62, %dma_wait3A_219] : memref<10112x128xf32, #tpu.memory_space<vmem_shared>> -> memref<32x128xf32, #tpu.memory_space<vmem_shared>>
      tpu.wait_dma2 semaphore(%run_scoped3A : memref<!tpu.dma_semaphore, #tpu.memory_space<semaphore_mem>>) src(%arg21 : memref<32x128xf32, #tpu.memory_space<vmem>>) dst(%dma_wait3A_220 : memref<32x128xf32, #tpu.memory_space<vmem_shared>>)
      tpu.yield
    }) : () -> ()
    %mul3A_63 = arith.constant 632 : i32
    %mul3A_64 = arith.muli %arg1, %mul3A_63 : i32
    %add3A_65 = arith.constant 448 : i32
    %add3A_66 = arith.addi %mul3A_64, %add3A_65 : i32
    "tpu.region"() ({
      %run_scoped3A = tpu.sem_alloc : memref<!tpu.dma_semaphore, #tpu.memory_space<semaphore_mem>>
      %dma_start3A_213 = arith.constant 0 : i32
      %dma_start3A_214 = tpu.memref_slice %arg26[%add3A_66, %dma_start3A_213] : memref<10112x128xf32, #tpu.memory_space<vmem_shared>> -> memref<32x128xf32, #tpu.memory_space<vmem_shared>>
      %dma_start3A_215 = arith.constant 0 : i32
      %dma_start3A_216 = tpu.memref_slice %arg26[%add3A_66, %dma_start3A_215] : memref<10112x128xf32, #tpu.memory_space<vmem_shared>> -> memref<32x128xf32, #tpu.memory_space<vmem_shared>>
      tpu.enqueue_dma source(%arg21 : memref<32x128xf32, #tpu.memory_space<vmem>>) target(%dma_start3A_216 : memref<32x128xf32, #tpu.memory_space<vmem_shared>>) target_semaphore(%run_scoped3A : memref<!tpu.dma_semaphore, #tpu.memory_space<semaphore_mem>>)
      %dma_wait3A_217 = arith.constant 0 : i32
      %dma_wait3A_218 = tpu.memref_slice %arg26[%add3A_66, %dma_wait3A_217] : memref<10112x128xf32, #tpu.memory_space<vmem_shared>> -> memref<32x128xf32, #tpu.memory_space<vmem_shared>>
      %dma_wait3A_219 = arith.constant 0 : i32
      %dma_wait3A_220 = tpu.memref_slice %arg26[%add3A_66, %dma_wait3A_219] : memref<10112x128xf32, #tpu.memory_space<vmem_shared>> -> memref<32x128xf32, #tpu.memory_space<vmem_shared>>
      tpu.wait_dma2 semaphore(%run_scoped3A : memref<!tpu.dma_semaphore, #tpu.memory_space<semaphore_mem>>) src(%arg21 : memref<32x128xf32, #tpu.memory_space<vmem>>) dst(%dma_wait3A_220 : memref<32x128xf32, #tpu.memory_space<vmem_shared>>)
      tpu.yield
    }) : () -> ()
    %mul3A_67 = arith.constant 632 : i32
    %mul3A_68 = arith.muli %arg1, %mul3A_67 : i32
    %add3A_69 = arith.constant 480 : i32
    %add3A_70 = arith.addi %mul3A_68, %add3A_69 : i32
    "tpu.region"() ({
      %run_scoped3A = tpu.sem_alloc : memref<!tpu.dma_semaphore, #tpu.memory_space<semaphore_mem>>
      %dma_start3A_213 = arith.constant 0 : i32
      %dma_start3A_214 = tpu.memref_slice %arg26[%add3A_70, %dma_start3A_213] : memref<10112x128xf32, #tpu.memory_space<vmem_shared>> -> memref<32x128xf32, #tpu.memory_space<vmem_shared>>
      %dma_start3A_215 = arith.constant 0 : i32
      %dma_start3A_216 = tpu.memref_slice %arg26[%add3A_70, %dma_start3A_215] : memref<10112x128xf32, #tpu.memory_space<vmem_shared>> -> memref<32x128xf32, #tpu.memory_space<vmem_shared>>
      tpu.enqueue_dma source(%arg21 : memref<32x128xf32, #tpu.memory_space<vmem>>) target(%dma_start3A_216 : memref<32x128xf32, #tpu.memory_space<vmem_shared>>) target_semaphore(%run_scoped3A : memref<!tpu.dma_semaphore, #tpu.memory_space<semaphore_mem>>)
      %dma_wait3A_217 = arith.constant 0 : i32
      %dma_wait3A_218 = tpu.memref_slice %arg26[%add3A_70, %dma_wait3A_217] : memref<10112x128xf32, #tpu.memory_space<vmem_shared>> -> memref<32x128xf32, #tpu.memory_space<vmem_shared>>
      %dma_wait3A_219 = arith.constant 0 : i32
      %dma_wait3A_220 = tpu.memref_slice %arg26[%add3A_70, %dma_wait3A_219] : memref<10112x128xf32, #tpu.memory_space<vmem_shared>> -> memref<32x128xf32, #tpu.memory_space<vmem_shared>>
      tpu.wait_dma2 semaphore(%run_scoped3A : memref<!tpu.dma_semaphore, #tpu.memory_space<semaphore_mem>>) src(%arg21 : memref<32x128xf32, #tpu.memory_space<vmem>>) dst(%dma_wait3A_220 : memref<32x128xf32, #tpu.memory_space<vmem_shared>>)
      tpu.yield
    }) : () -> ()
    %mul3A_71 = arith.constant 632 : i32
    %mul3A_72 = arith.muli %arg1, %mul3A_71 : i32
    %add3A_73 = arith.constant 512 : i32
    %add3A_74 = arith.addi %mul3A_72, %add3A_73 : i32
    "tpu.region"() ({
      %run_scoped3A = tpu.sem_alloc : memref<!tpu.dma_semaphore, #tpu.memory_space<semaphore_mem>>
      %dma_start3A_213 = arith.constant 0 : i32
      %dma_start3A_214 = tpu.memref_slice %arg26[%add3A_74, %dma_start3A_213] : memref<10112x128xf32, #tpu.memory_space<vmem_shared>> -> memref<32x128xf32, #tpu.memory_space<vmem_shared>>
      %dma_start3A_215 = arith.constant 0 : i32
      %dma_start3A_216 = tpu.memref_slice %arg26[%add3A_74, %dma_start3A_215] : memref<10112x128xf32, #tpu.memory_space<vmem_shared>> -> memref<32x128xf32, #tpu.memory_space<vmem_shared>>
      tpu.enqueue_dma source(%arg21 : memref<32x128xf32, #tpu.memory_space<vmem>>) target(%dma_start3A_216 : memref<32x128xf32, #tpu.memory_space<vmem_shared>>) target_semaphore(%run_scoped3A : memref<!tpu.dma_semaphore, #tpu.memory_space<semaphore_mem>>)
      %dma_wait3A_217 = arith.constant 0 : i32
      %dma_wait3A_218 = tpu.memref_slice %arg26[%add3A_74, %dma_wait3A_217] : memref<10112x128xf32, #tpu.memory_space<vmem_shared>> -> memref<32x128xf32, #tpu.memory_space<vmem_shared>>
      %dma_wait3A_219 = arith.constant 0 : i32
      %dma_wait3A_220 = tpu.memref_slice %arg26[%add3A_74, %dma_wait3A_219] : memref<10112x128xf32, #tpu.memory_space<vmem_shared>> -> memref<32x128xf32, #tpu.memory_space<vmem_shared>>
      tpu.wait_dma2 semaphore(%run_scoped3A : memref<!tpu.dma_semaphore, #tpu.memory_space<semaphore_mem>>) src(%arg21 : memref<32x128xf32, #tpu.memory_space<vmem>>) dst(%dma_wait3A_220 : memref<32x128xf32, #tpu.memory_space<vmem_shared>>)
      tpu.yield
    }) : () -> ()
    %mul3A_75 = arith.constant 632 : i32
    %mul3A_76 = arith.muli %arg1, %mul3A_75 : i32
    %add3A_77 = arith.constant 544 : i32
    %add3A_78 = arith.addi %mul3A_76, %add3A_77 : i32
    "tpu.region"() ({
      %run_scoped3A = tpu.sem_alloc : memref<!tpu.dma_semaphore, #tpu.memory_space<semaphore_mem>>
      %dma_start3A_213 = arith.constant 0 : i32
      %dma_start3A_214 = tpu.memref_slice %arg26[%add3A_78, %dma_start3A_213] : memref<10112x128xf32, #tpu.memory_space<vmem_shared>> -> memref<32x128xf32, #tpu.memory_space<vmem_shared>>
      %dma_start3A_215 = arith.constant 0 : i32
      %dma_start3A_216 = tpu.memref_slice %arg26[%add3A_78, %dma_start3A_215] : memref<10112x128xf32, #tpu.memory_space<vmem_shared>> -> memref<32x128xf32, #tpu.memory_space<vmem_shared>>
      tpu.enqueue_dma source(%arg21 : memref<32x128xf32, #tpu.memory_space<vmem>>) target(%dma_start3A_216 : memref<32x128xf32, #tpu.memory_space<vmem_shared>>) target_semaphore(%run_scoped3A : memref<!tpu.dma_semaphore, #tpu.memory_space<semaphore_mem>>)
      %dma_wait3A_217 = arith.constant 0 : i32
      %dma_wait3A_218 = tpu.memref_slice %arg26[%add3A_78, %dma_wait3A_217] : memref<10112x128xf32, #tpu.memory_space<vmem_shared>> -> memref<32x128xf32, #tpu.memory_space<vmem_shared>>
      %dma_wait3A_219 = arith.constant 0 : i32
      %dma_wait3A_220 = tpu.memref_slice %arg26[%add3A_78, %dma_wait3A_219] : memref<10112x128xf32, #tpu.memory_space<vmem_shared>> -> memref<32x128xf32, #tpu.memory_space<vmem_shared>>
      tpu.wait_dma2 semaphore(%run_scoped3A : memref<!tpu.dma_semaphore, #tpu.memory_space<semaphore_mem>>) src(%arg21 : memref<32x128xf32, #tpu.memory_space<vmem>>) dst(%dma_wait3A_220 : memref<32x128xf32, #tpu.memory_space<vmem_shared>>)
      tpu.yield
    }) : () -> ()
    %mul3A_79 = arith.constant 632 : i32
    %mul3A_80 = arith.muli %arg1, %mul3A_79 : i32
    %add3A_81 = arith.constant 576 : i32
    %add3A_82 = arith.addi %mul3A_80, %add3A_81 : i32
    "tpu.region"() ({
      %run_scoped3A = tpu.sem_alloc : memref<!tpu.dma_semaphore, #tpu.memory_space<semaphore_mem>>
      %dma_start3A_213 = arith.constant 0 : i32
      %dma_start3A_214 = tpu.memref_slice %arg26[%add3A_82, %dma_start3A_213] : memref<10112x128xf32, #tpu.memory_space<vmem_shared>> -> memref<32x128xf32, #tpu.memory_space<vmem_shared>>
      %dma_start3A_215 = arith.constant 0 : i32
      %dma_start3A_216 = tpu.memref_slice %arg26[%add3A_82, %dma_start3A_215] : memref<10112x128xf32, #tpu.memory_space<vmem_shared>> -> memref<32x128xf32, #tpu.memory_space<vmem_shared>>
      tpu.enqueue_dma source(%arg21 : memref<32x128xf32, #tpu.memory_space<vmem>>) target(%dma_start3A_216 : memref<32x128xf32, #tpu.memory_space<vmem_shared>>) target_semaphore(%run_scoped3A : memref<!tpu.dma_semaphore, #tpu.memory_space<semaphore_mem>>)
      %dma_wait3A_217 = arith.constant 0 : i32
      %dma_wait3A_218 = tpu.memref_slice %arg26[%add3A_82, %dma_wait3A_217] : memref<10112x128xf32, #tpu.memory_space<vmem_shared>> -> memref<32x128xf32, #tpu.memory_space<vmem_shared>>
      %dma_wait3A_219 = arith.constant 0 : i32
      %dma_wait3A_220 = tpu.memref_slice %arg26[%add3A_82, %dma_wait3A_219] : memref<10112x128xf32, #tpu.memory_space<vmem_shared>> -> memref<32x128xf32, #tpu.memory_space<vmem_shared>>
      tpu.wait_dma2 semaphore(%run_scoped3A : memref<!tpu.dma_semaphore, #tpu.memory_space<semaphore_mem>>) src(%arg21 : memref<32x128xf32, #tpu.memory_space<vmem>>) dst(%dma_wait3A_220 : memref<32x128xf32, #tpu.memory_space<vmem_shared>>)
      tpu.yield
    }) : () -> ()
    %mul3A_83 = arith.constant 632 : i32
    %mul3A_84 = arith.muli %arg1, %mul3A_83 : i32
    %add3A_85 = arith.constant 608 : i32
    %add3A_86 = arith.addi %mul3A_84, %add3A_85 : i32
    "tpu.region"() ({
      %run_scoped3A = tpu.sem_alloc : memref<!tpu.dma_semaphore, #tpu.memory_space<semaphore_mem>>
      %dma_start3A_213 = arith.constant 0 : i32
      %dma_start3A_214 = arith.constant 0 : i32
      %dma_start3A_215 = tpu.memref_slice %arg21[%dma_start3A_213, %dma_start3A_214] : memref<32x128xf32, #tpu.memory_space<vmem>> -> memref<24x128xf32, #tpu.memory_space<vmem>>
      %dma_start3A_216 = arith.constant 0 : i32
      %dma_start3A_217 = tpu.memref_slice %arg26[%add3A_86, %dma_start3A_216] : memref<10112x128xf32, #tpu.memory_space<vmem_shared>> -> memref<24x128xf32, #tpu.memory_space<vmem_shared>>
      %dma_start3A_218 = arith.constant 0 : i32
      %dma_start3A_219 = tpu.memref_slice %arg26[%add3A_86, %dma_start3A_218] : memref<10112x128xf32, #tpu.memory_space<vmem_shared>> -> memref<24x128xf32, #tpu.memory_space<vmem_shared>>
      %dma_start3A_220 = arith.constant 0 : i32
      %dma_start3A_221 = arith.constant 0 : i32
      %dma_start3A_222 = tpu.memref_slice %arg21[%dma_start3A_220, %dma_start3A_221] : memref<32x128xf32, #tpu.memory_space<vmem>> -> memref<24x128xf32, #tpu.memory_space<vmem>>
      tpu.enqueue_dma source(%dma_start3A_222 : memref<24x128xf32, #tpu.memory_space<vmem>>) target(%dma_start3A_219 : memref<24x128xf32, #tpu.memory_space<vmem_shared>>) target_semaphore(%run_scoped3A : memref<!tpu.dma_semaphore, #tpu.memory_space<semaphore_mem>>)
      %dma_wait3A_223 = arith.constant 0 : i32
      %dma_wait3A_224 = arith.constant 0 : i32
      %dma_wait3A_225 = tpu.memref_slice %arg21[%dma_wait3A_223, %dma_wait3A_224] : memref<32x128xf32, #tpu.memory_space<vmem>> -> memref<24x128xf32, #tpu.memory_space<vmem>>
      %dma_wait3A_226 = arith.constant 0 : i32
      %dma_wait3A_227 = tpu.memref_slice %arg26[%add3A_86, %dma_wait3A_226] : memref<10112x128xf32, #tpu.memory_space<vmem_shared>> -> memref<24x128xf32, #tpu.memory_space<vmem_shared>>
      %dma_wait3A_228 = arith.constant 0 : i32
      %dma_wait3A_229 = tpu.memref_slice %arg26[%add3A_86, %dma_wait3A_228] : memref<10112x128xf32, #tpu.memory_space<vmem_shared>> -> memref<24x128xf32, #tpu.memory_space<vmem_shared>>
      %dma_wait3A_230 = arith.constant 0 : i32
      %dma_wait3A_231 = arith.constant 0 : i32
      %dma_wait3A_232 = tpu.memref_slice %arg21[%dma_wait3A_230, %dma_wait3A_231] : memref<32x128xf32, #tpu.memory_space<vmem>> -> memref<24x128xf32, #tpu.memory_space<vmem>>
      tpu.wait_dma2 semaphore(%run_scoped3A : memref<!tpu.dma_semaphore, #tpu.memory_space<semaphore_mem>>) src(%dma_wait3A_232 : memref<24x128xf32, #tpu.memory_space<vmem>>) dst(%dma_wait3A_229 : memref<24x128xf32, #tpu.memory_space<vmem_shared>>)
      tpu.yield
    }) : () -> ()
    %barrier3A = arith.constant 0 : index
    tpu.barrier barrier_id(%barrier3A)
    %dma_start3A = arith.constant 0 : i32
    %dma_start3A_87 = arith.constant 0 : i32
    %dma_start3A_88 = tpu.memref_slice %arg2[%add3A, %dma_start3A, %dma_start3A_87] : memref<32x322x32xi32, #tpu.memory_space<hbm>> -> memref<1x1x32xi32, #tpu.memory_space<hbm>>
    %dma_start3A_89 = tpu.memref_squeeze %dma_start3A_88 : memref<1x1x32xi32, #tpu.memory_space<hbm>> -> memref<32xi32, #tpu.memory_space<hbm>>
    %dma_start3A_90 = arith.constant 0 : i32
    %dma_start3A_91 = tpu.memref_slice %arg2[%add3A, %dma_start3A, %dma_start3A_90] : memref<32x322x32xi32, #tpu.memory_space<hbm>> -> memref<1x1x32xi32, #tpu.memory_space<hbm>>
    %dma_start3A_92 = tpu.memref_squeeze %dma_start3A_91 : memref<1x1x32xi32, #tpu.memory_space<hbm>> -> memref<32xi32, #tpu.memory_space<hbm>>
    tpu.enqueue_dma source(%dma_start3A_92 : memref<32xi32, #tpu.memory_space<hbm>>) target(%arg8 : memref<32xi32, #tpu.memory_space<vmem>>) target_semaphore(%arg27 : memref<!tpu.dma_semaphore, #tpu.memory_space<semaphore_mem>>)
    %dma_start3A_93 = arith.constant 0 : i32
    %dma_start3A_94 = arith.constant 0 : i32
    %dma_start3A_95 = tpu.memref_slice %arg3[%add3A, %dma_start3A_93, %dma_start3A_94] : memref<32x322x32xi32, #tpu.memory_space<hbm>> -> memref<1x1x32xi32, #tpu.memory_space<hbm>>
    %dma_start3A_96 = tpu.memref_squeeze %dma_start3A_95 : memref<1x1x32xi32, #tpu.memory_space<hbm>> -> memref<32xi32, #tpu.memory_space<hbm>>
    %dma_start3A_97 = arith.constant 0 : i32
    %dma_start3A_98 = tpu.memref_slice %arg3[%add3A, %dma_start3A_93, %dma_start3A_97] : memref<32x322x32xi32, #tpu.memory_space<hbm>> -> memref<1x1x32xi32, #tpu.memory_space<hbm>>
    %dma_start3A_99 = tpu.memref_squeeze %dma_start3A_98 : memref<1x1x32xi32, #tpu.memory_space<hbm>> -> memref<32xi32, #tpu.memory_space<hbm>>
    tpu.enqueue_dma source(%dma_start3A_99 : memref<32xi32, #tpu.memory_space<hbm>>) target(%arg10 : memref<32xi32, #tpu.memory_space<vmem>>) target_semaphore(%arg27 : memref<!tpu.dma_semaphore, #tpu.memory_space<semaphore_mem>>)
    %dma_start3A_100 = arith.constant 0 : i32
    %dma_start3A_101 = arith.constant 0 : i32
    %dma_start3A_102 = arith.constant 0 : i32
    %dma_start3A_103 = tpu.memref_slice %arg4[%add3A, %dma_start3A_100, %dma_start3A_101, %dma_start3A_102] : memref<32x322x4x128xf32, #tpu.memory_space<hbm>> -> memref<1x1x4x128xf32, #tpu.memory_space<hbm>>
    %dma_start3A_104 = tpu.memref_squeeze %dma_start3A_103 : memref<1x1x4x128xf32, #tpu.memory_space<hbm>> -> memref<4x128xf32, #tpu.memory_space<hbm>>
    %dma_start3A_105 = arith.constant 0 : i32
    %dma_start3A_106 = arith.constant 0 : i32
    %dma_start3A_107 = tpu.memref_slice %arg4[%add3A, %dma_start3A_100, %dma_start3A_105, %dma_start3A_106] : memref<32x322x4x128xf32, #tpu.memory_space<hbm>> -> memref<1x1x4x128xf32, #tpu.memory_space<hbm>>
    %dma_start3A_108 = tpu.memref_squeeze %dma_start3A_107 : memref<1x1x4x128xf32, #tpu.memory_space<hbm>> -> memref<4x128xf32, #tpu.memory_space<hbm>>
    tpu.enqueue_dma source(%dma_start3A_108 : memref<4x128xf32, #tpu.memory_space<hbm>>) target(%arg14 : memref<4x128xf32, #tpu.memory_space<vmem>>) target_semaphore(%arg27 : memref<!tpu.dma_semaphore, #tpu.memory_space<semaphore_mem>>)
    %dma_start3A_109 = arith.constant 1 : i32
    %dma_start3A_110 = arith.constant 0 : i32
    %dma_start3A_111 = tpu.memref_slice %arg2[%add3A, %dma_start3A_109, %dma_start3A_110] : memref<32x322x32xi32, #tpu.memory_space<hbm>> -> memref<1x1x32xi32, #tpu.memory_space<hbm>>
    %dma_start3A_112 = tpu.memref_squeeze %dma_start3A_111 : memref<1x1x32xi32, #tpu.memory_space<hbm>> -> memref<32xi32, #tpu.memory_space<hbm>>
    %dma_start3A_113 = arith.constant 0 : i32
    %dma_start3A_114 = tpu.memref_slice %arg2[%add3A, %dma_start3A_109, %dma_start3A_113] : memref<32x322x32xi32, #tpu.memory_space<hbm>> -> memref<1x1x32xi32, #tpu.memory_space<hbm>>
    %dma_start3A_115 = tpu.memref_squeeze %dma_start3A_114 : memref<1x1x32xi32, #tpu.memory_space<hbm>> -> memref<32xi32, #tpu.memory_space<hbm>>
    tpu.enqueue_dma source(%dma_start3A_115 : memref<32xi32, #tpu.memory_space<hbm>>) target(%arg9 : memref<32xi32, #tpu.memory_space<vmem>>) target_semaphore(%arg28 : memref<!tpu.dma_semaphore, #tpu.memory_space<semaphore_mem>>)
    %dma_start3A_116 = arith.constant 1 : i32
    %dma_start3A_117 = arith.constant 0 : i32
    %dma_start3A_118 = tpu.memref_slice %arg3[%add3A, %dma_start3A_116, %dma_start3A_117] : memref<32x322x32xi32, #tpu.memory_space<hbm>> -> memref<1x1x32xi32, #tpu.memory_space<hbm>>
    %dma_start3A_119 = tpu.memref_squeeze %dma_start3A_118 : memref<1x1x32xi32, #tpu.memory_space<hbm>> -> memref<32xi32, #tpu.memory_space<hbm>>
    %dma_start3A_120 = arith.constant 0 : i32
    %dma_start3A_121 = tpu.memref_slice %arg3[%add3A, %dma_start3A_116, %dma_start3A_120] : memref<32x322x32xi32, #tpu.memory_space<hbm>> -> memref<1x1x32xi32, #tpu.memory_space<hbm>>
    %dma_start3A_122 = tpu.memref_squeeze %dma_start3A_121 : memref<1x1x32xi32, #tpu.memory_space<hbm>> -> memref<32xi32, #tpu.memory_space<hbm>>
    tpu.enqueue_dma source(%dma_start3A_122 : memref<32xi32, #tpu.memory_space<hbm>>) target(%arg11 : memref<32xi32, #tpu.memory_space<vmem>>) target_semaphore(%arg28 : memref<!tpu.dma_semaphore, #tpu.memory_space<semaphore_mem>>)
    %dma_start3A_123 = arith.constant 1 : i32
    %dma_start3A_124 = arith.constant 0 : i32
    %dma_start3A_125 = arith.constant 0 : i32
    %dma_start3A_126 = tpu.memref_slice %arg4[%add3A, %dma_start3A_123, %dma_start3A_124, %dma_start3A_125] : memref<32x322x4x128xf32, #tpu.memory_space<hbm>> -> memref<1x1x4x128xf32, #tpu.memory_space<hbm>>
    %dma_start3A_127 = tpu.memref_squeeze %dma_start3A_126 : memref<1x1x4x128xf32, #tpu.memory_space<hbm>> -> memref<4x128xf32, #tpu.memory_space<hbm>>
    %dma_start3A_128 = arith.constant 0 : i32
    %dma_start3A_129 = arith.constant 0 : i32
    %dma_start3A_130 = tpu.memref_slice %arg4[%add3A, %dma_start3A_123, %dma_start3A_128, %dma_start3A_129] : memref<32x322x4x128xf32, #tpu.memory_space<hbm>> -> memref<1x1x4x128xf32, #tpu.memory_space<hbm>>
    %dma_start3A_131 = tpu.memref_squeeze %dma_start3A_130 : memref<1x1x4x128xf32, #tpu.memory_space<hbm>> -> memref<4x128xf32, #tpu.memory_space<hbm>>
    tpu.enqueue_dma source(%dma_start3A_131 : memref<4x128xf32, #tpu.memory_space<hbm>>) target(%arg15 : memref<4x128xf32, #tpu.memory_space<vmem>>) target_semaphore(%arg28 : memref<!tpu.dma_semaphore, #tpu.memory_space<semaphore_mem>>)
    %dma_start3A_132 = arith.constant 0 : i32
    %dma_start3A_133 = arith.constant 0 : i32
    %dma_start3A_134 = tpu.memref_slice %arg5[%dma_start3A_132, %dma_start3A_133] : memref<10240x128xf32, #tpu.memory_space<hbm>> -> memref<32x128xf32, #tpu.memory_space<hbm>>
    %dma_start3A_135 = arith.constant 0 : i32
    %dma_start3A_136 = arith.constant 0 : i32
    %dma_start3A_137 = tpu.memref_slice %arg5[%dma_start3A_135, %dma_start3A_136] : memref<10240x128xf32, #tpu.memory_space<hbm>> -> memref<32x128xf32, #tpu.memory_space<hbm>>
    tpu.enqueue_dma source(%dma_start3A_137 : memref<32x128xf32, #tpu.memory_space<hbm>>) target(%arg21 : memref<32x128xf32, #tpu.memory_space<vmem>>) target_semaphore(%arg31 : memref<!tpu.dma_semaphore, #tpu.memory_space<semaphore_mem>>)
    %dma_start3A_138 = arith.constant 0 : i32
    %dma_start3A_139 = arith.constant 0 : i32
    %dma_start3A_140 = tpu.memref_slice %arg5[%dma_start3A_138, %dma_start3A_139] : memref<10240x128xf32, #tpu.memory_space<hbm>> -> memref<32x128xf32, #tpu.memory_space<hbm>>
    %dma_start3A_141 = arith.constant 0 : i32
    %dma_start3A_142 = arith.constant 0 : i32
    %dma_start3A_143 = tpu.memref_slice %arg5[%dma_start3A_141, %dma_start3A_142] : memref<10240x128xf32, #tpu.memory_space<hbm>> -> memref<32x128xf32, #tpu.memory_space<hbm>>
    tpu.enqueue_dma source(%dma_start3A_143 : memref<32x128xf32, #tpu.memory_space<hbm>>) target(%arg25 : memref<32x128xf32, #tpu.memory_space<vmem>>) target_semaphore(%arg32 : memref<!tpu.dma_semaphore, #tpu.memory_space<semaphore_mem>>)
    %scan3A_144 = arith.constant 0 : i32
    %scan3A_145 = arith.constant 0 : i32
    %scan3A_146 = arith.constant 160 : i32
    %scan3A_147 = arith.addi %scan3A_145, %scan3A_146 : i32
    %scan3A_148 = arith.constant 1 : i32
    %scan3A_149 = scf.for %scan3A_213 = %scan3A_145 to %scan3A_147 step %scan3A_148 iter_args(%scan3A_214 = %scan3A_144) -> (i32)  : i32 {
      %mul3A_215 = arith.constant 2 : i32
      %mul3A_216 = arith.muli %scan3A_213, %mul3A_215 : i32
      %dma_wait3A_217 = arith.constant 0 : i32
      %dma_wait3A_218 = arith.constant 0 : i32
      %dma_wait3A_219 = tpu.memref_slice %arg5[%dma_wait3A_217, %dma_wait3A_218] : memref<10240x128xf32, #tpu.memory_space<hbm>> -> memref<32x128xf32, #tpu.memory_space<hbm>>
      %dma_wait3A_220 = arith.constant 0 : i32
      %dma_wait3A_221 = arith.constant 0 : i32
      %dma_wait3A_222 = tpu.memref_slice %arg5[%dma_wait3A_220, %dma_wait3A_221] : memref<10240x128xf32, #tpu.memory_space<hbm>> -> memref<32x128xf32, #tpu.memory_space<hbm>>
      tpu.wait_dma2 semaphore(%arg31 : memref<!tpu.dma_semaphore, #tpu.memory_space<semaphore_mem>>) src(%dma_wait3A_222 : memref<32x128xf32, #tpu.memory_space<hbm>>) dst(%arg21 : memref<32x128xf32, #tpu.memory_space<vmem>>)
      %dma_wait3A_223 = arith.constant 0 : i32
      %dma_wait3A_224 = arith.constant 0 : i32
      %dma_wait3A_225 = tpu.memref_slice %arg2[%add3A, %dma_wait3A_223, %dma_wait3A_224] : memref<32x322x32xi32, #tpu.memory_space<hbm>> -> memref<1x1x32xi32, #tpu.memory_space<hbm>>
      %dma_wait3A_226 = tpu.memref_squeeze %dma_wait3A_225 : memref<1x1x32xi32, #tpu.memory_space<hbm>> -> memref<32xi32, #tpu.memory_space<hbm>>
      %dma_wait3A_227 = arith.constant 0 : i32
      %dma_wait3A_228 = tpu.memref_slice %arg2[%add3A, %dma_wait3A_223, %dma_wait3A_227] : memref<32x322x32xi32, #tpu.memory_space<hbm>> -> memref<1x1x32xi32, #tpu.memory_space<hbm>>
      %dma_wait3A_229 = tpu.memref_squeeze %dma_wait3A_228 : memref<1x1x32xi32, #tpu.memory_space<hbm>> -> memref<32xi32, #tpu.memory_space<hbm>>
      tpu.wait_dma2 semaphore(%arg27 : memref<!tpu.dma_semaphore, #tpu.memory_space<semaphore_mem>>) src(%dma_wait3A_229 : memref<32xi32, #tpu.memory_space<hbm>>) dst(%arg8 : memref<32xi32, #tpu.memory_space<vmem>>)
      %dma_wait3A_230 = arith.constant 0 : i32
      %dma_wait3A_231 = arith.constant 0 : i32
      %dma_wait3A_232 = tpu.memref_slice %arg3[%add3A, %dma_wait3A_230, %dma_wait3A_231] : memref<32x322x32xi32, #tpu.memory_space<hbm>> -> memref<1x1x32xi32, #tpu.memory_space<hbm>>
      %dma_wait3A_233 = tpu.memref_squeeze %dma_wait3A_232 : memref<1x1x32xi32, #tpu.memory_space<hbm>> -> memref<32xi32, #tpu.memory_space<hbm>>
      %dma_wait3A_234 = arith.constant 0 : i32
      %dma_wait3A_235 = tpu.memref_slice %arg3[%add3A, %dma_wait3A_230, %dma_wait3A_234] : memref<32x322x32xi32, #tpu.memory_space<hbm>> -> memref<1x1x32xi32, #tpu.memory_space<hbm>>
      %dma_wait3A_236 = tpu.memref_squeeze %dma_wait3A_235 : memref<1x1x32xi32, #tpu.memory_space<hbm>> -> memref<32xi32, #tpu.memory_space<hbm>>
      tpu.wait_dma2 semaphore(%arg27 : memref<!tpu.dma_semaphore, #tpu.memory_space<semaphore_mem>>) src(%dma_wait3A_236 : memref<32xi32, #tpu.memory_space<hbm>>) dst(%arg10 : memref<32xi32, #tpu.memory_space<vmem>>)
      %dma_wait3A_237 = arith.constant 0 : i32
      %dma_wait3A_238 = arith.constant 0 : i32
      %dma_wait3A_239 = arith.constant 0 : i32
      %dma_wait3A_240 = tpu.memref_slice %arg4[%add3A, %dma_wait3A_237, %dma_wait3A_238, %dma_wait3A_239] : memref<32x322x4x128xf32, #tpu.memory_space<hbm>> -> memref<1x1x4x128xf32, #tpu.memory_space<hbm>>
      %dma_wait3A_241 = tpu.memref_squeeze %dma_wait3A_240 : memref<1x1x4x128xf32, #tpu.memory_space<hbm>> -> memref<4x128xf32, #tpu.memory_space<hbm>>
      %dma_wait3A_242 = arith.constant 0 : i32
      %dma_wait3A_243 = arith.constant 0 : i32
      %dma_wait3A_244 = tpu.memref_slice %arg4[%add3A, %dma_wait3A_237, %dma_wait3A_242, %dma_wait3A_243] : memref<32x322x4x128xf32, #tpu.memory_space<hbm>> -> memref<1x1x4x128xf32, #tpu.memory_space<hbm>>
      %dma_wait3A_245 = tpu.memref_squeeze %dma_wait3A_244 : memref<1x1x4x128xf32, #tpu.memory_space<hbm>> -> memref<4x128xf32, #tpu.memory_space<hbm>>
      tpu.wait_dma2 semaphore(%arg27 : memref<!tpu.dma_semaphore, #tpu.memory_space<semaphore_mem>>) src(%dma_wait3A_245 : memref<4x128xf32, #tpu.memory_space<hbm>>) dst(%arg14 : memref<4x128xf32, #tpu.memory_space<vmem>>)
      %add3A_246 = arith.constant 0 : i32
      %add3A_247 = arith.addi %mul3A_216, %add3A_246 : i32
      %dma_start3A_248 = arith.constant 0 : i32
      %dma_start3A_249 = tpu.memref_slice %arg3[%add3A, %add3A_247, %dma_start3A_248] : memref<32x322x32xi32, #tpu.memory_space<hbm>> -> memref<1x1x32xi32, #tpu.memory_space<hbm>>
      %dma_start3A_250 = tpu.memref_squeeze %dma_start3A_249 : memref<1x1x32xi32, #tpu.memory_space<hbm>> -> memref<32xi32, #tpu.memory_space<hbm>>
      %dma_start3A_251 = arith.constant 0 : i32
      %dma_start3A_252 = tpu.memref_slice %arg3[%add3A, %add3A_247, %dma_start3A_251] : memref<32x322x32xi32, #tpu.memory_space<hbm>> -> memref<1x1x32xi32, #tpu.memory_space<hbm>>
      %dma_start3A_253 = tpu.memref_squeeze %dma_start3A_252 : memref<1x1x32xi32, #tpu.memory_space<hbm>> -> memref<32xi32, #tpu.memory_space<hbm>>
      tpu.enqueue_dma source(%dma_start3A_253 : memref<32xi32, #tpu.memory_space<hbm>>) target(%arg12 : memref<32xi32, #tpu.memory_space<vmem>>) target_semaphore(%arg29 : memref<!tpu.dma_semaphore, #tpu.memory_space<semaphore_mem>>)
      %dma_start3A_254 = arith.constant 0 : i32
      %dma_start3A_255 = arith.constant 0 : i32
      %dma_start3A_256 = arith.constant 0 : i32
      %dma_start3A_257 = tpu.memref_slice %arg6[%dma_start3A_254, %dma_start3A_255, %dma_start3A_256] : memref<4x10240x128xf32, #tpu.memory_space<hbm>> -> memref<1x10240x128xf32, #tpu.memory_space<hbm>>
      %dma_start3A_258 = tpu.memref_squeeze %dma_start3A_257 : memref<1x10240x128xf32, #tpu.memory_space<hbm>> -> memref<10240x128xf32, #tpu.memory_space<hbm>>
      %dma_start3A_259 = arith.constant 0 : i32
      %dma_start3A_260 = arith.constant 0 : i32
      %dma_start3A_261 = tpu.memref_slice %dma_start3A_258[%dma_start3A_259, %dma_start3A_260] : memref<10240x128xf32, #tpu.memory_space<hbm>> -> memref<10240x128xf32, #tpu.memory_space<hbm>>
      tpu.enqueue_indirect_dma source(%dma_start3A_261 : memref<10240x128xf32, #tpu.memory_space<hbm>>) target(%arg18 : memref<32x128xf32, #tpu.memory_space<vmem>>) offsets(%arg8 : memref<32xi32, #tpu.memory_space<vmem>>) semaphore(%arg29 : memref<!tpu.dma_semaphore, #tpu.memory_space<semaphore_mem>>)
      %dma_start3A_262 = arith.constant 1 : i32
      %dma_start3A_263 = arith.constant 0 : i32
      %dma_start3A_264 = arith.constant 0 : i32
      %dma_start3A_265 = tpu.memref_slice %arg6[%dma_start3A_262, %dma_start3A_263, %dma_start3A_264] : memref<4x10240x128xf32, #tpu.memory_space<hbm>> -> memref<1x10240x128xf32, #tpu.memory_space<hbm>>
      %dma_start3A_266 = tpu.memref_squeeze %dma_start3A_265 : memref<1x10240x128xf32, #tpu.memory_space<hbm>> -> memref<10240x128xf32, #tpu.memory_space<hbm>>
      %dma_start3A_267 = arith.constant 0 : i32
      %dma_start3A_268 = arith.constant 0 : i32
      %dma_start3A_269 = tpu.memref_slice %dma_start3A_266[%dma_start3A_267, %dma_start3A_268] : memref<10240x128xf32, #tpu.memory_space<hbm>> -> memref<10240x128xf32, #tpu.memory_space<hbm>>
      tpu.enqueue_indirect_dma source(%dma_start3A_269 : memref<10240x128xf32, #tpu.memory_space<hbm>>) target(%arg19 : memref<32x128xf32, #tpu.memory_space<vmem>>) offsets(%arg8 : memref<32xi32, #tpu.memory_space<vmem>>) semaphore(%arg29 : memref<!tpu.dma_semaphore, #tpu.memory_space<semaphore_mem>>)
      %dma_start3A_270 = arith.constant 2 : i32
      %dma_start3A_271 = arith.constant 0 : i32
      %dma_start3A_272 = arith.constant 0 : i32
      %dma_start3A_273 = tpu.memref_slice %arg6[%dma_start3A_270, %dma_start3A_271, %dma_start3A_272] : memref<4x10240x128xf32, #tpu.memory_space<hbm>> -> memref<1x10240x128xf32, #tpu.memory_space<hbm>>
      %dma_start3A_274 = tpu.memref_squeeze %dma_start3A_273 : memref<1x10240x128xf32, #tpu.memory_space<hbm>> -> memref<10240x128xf32, #tpu.memory_space<hbm>>
      %dma_start3A_275 = arith.constant 0 : i32
      %dma_start3A_276 = arith.constant 0 : i32
      %dma_start3A_277 = tpu.memref_slice %dma_start3A_274[%dma_start3A_275, %dma_start3A_276] : memref<10240x128xf32, #tpu.memory_space<hbm>> -> memref<10240x128xf32, #tpu.memory_space<hbm>>
      tpu.enqueue_indirect_dma source(%dma_start3A_277 : memref<10240x128xf32, #tpu.memory_space<hbm>>) target(%arg20 : memref<32x128xf32, #tpu.memory_space<vmem>>) offsets(%arg8 : memref<32xi32, #tpu.memory_space<vmem>>) semaphore(%arg29 : memref<!tpu.dma_semaphore, #tpu.memory_space<semaphore_mem>>)
      %dma_start3A_278 = arith.constant 3 : i32
      %dma_start3A_279 = arith.constant 0 : i32
      %dma_start3A_280 = arith.constant 0 : i32
      %dma_start3A_281 = tpu.memref_slice %arg6[%dma_start3A_278, %dma_start3A_279, %dma_start3A_280] : memref<4x10240x128xf32, #tpu.memory_space<hbm>> -> memref<1x10240x128xf32, #tpu.memory_space<hbm>>
      %dma_start3A_282 = tpu.memref_squeeze %dma_start3A_281 : memref<1x10240x128xf32, #tpu.memory_space<hbm>> -> memref<10240x128xf32, #tpu.memory_space<hbm>>
      %dma_start3A_283 = arith.constant 0 : i32
      %dma_start3A_284 = arith.constant 0 : i32
      %dma_start3A_285 = tpu.memref_slice %dma_start3A_282[%dma_start3A_283, %dma_start3A_284] : memref<10240x128xf32, #tpu.memory_space<hbm>> -> memref<10240x128xf32, #tpu.memory_space<hbm>>
      tpu.enqueue_indirect_dma source(%dma_start3A_285 : memref<10240x128xf32, #tpu.memory_space<hbm>>) target(%arg21 : memref<32x128xf32, #tpu.memory_space<vmem>>) offsets(%arg8 : memref<32xi32, #tpu.memory_space<vmem>>) semaphore(%arg29 : memref<!tpu.dma_semaphore, #tpu.memory_space<semaphore_mem>>)
      %dma_start3A_286 = arith.constant 0 : i32
      %dma_start3A_287 = arith.constant 0 : i32
      %dma_start3A_288 = tpu.memref_slice %arg5[%dma_start3A_286, %dma_start3A_287] : memref<10240x128xf32, #tpu.memory_space<hbm>> -> memref<10240x128xf32, #tpu.memory_space<hbm>>
      tpu.enqueue_indirect_dma source(%dma_start3A_288 : memref<10240x128xf32, #tpu.memory_space<hbm>>) target(%arg16 : memref<32x128xf32, #tpu.memory_space<vmem>>) offsets(%arg10 : memref<32xi32, #tpu.memory_space<vmem>>) semaphore(%arg29 : memref<!tpu.dma_semaphore, #tpu.memory_space<semaphore_mem>>)
      %dma_wait3A_289 = arith.constant 0 : i32
      %dma_wait3A_290 = arith.constant 0 : i32
      %dma_wait3A_291 = tpu.memref_slice %arg5[%dma_wait3A_289, %dma_wait3A_290] : memref<10240x128xf32, #tpu.memory_space<hbm>> -> memref<32x128xf32, #tpu.memory_space<hbm>>
      %dma_wait3A_292 = arith.constant 0 : i32
      %dma_wait3A_293 = arith.constant 0 : i32
      %dma_wait3A_294 = tpu.memref_slice %arg5[%dma_wait3A_292, %dma_wait3A_293] : memref<10240x128xf32, #tpu.memory_space<hbm>> -> memref<32x128xf32, #tpu.memory_space<hbm>>
      tpu.wait_dma2 semaphore(%arg32 : memref<!tpu.dma_semaphore, #tpu.memory_space<semaphore_mem>>) src(%dma_wait3A_294 : memref<32x128xf32, #tpu.memory_space<hbm>>) dst(%arg25 : memref<32x128xf32, #tpu.memory_space<vmem>>)
      %dma_wait3A_295 = arith.constant 0 : i32
      %dma_wait3A_296 = arith.constant 0 : i32
      %dma_wait3A_297 = tpu.memref_slice %arg2[%add3A, %dma_wait3A_295, %dma_wait3A_296] : memref<32x322x32xi32, #tpu.memory_space<hbm>> -> memref<1x1x32xi32, #tpu.memory_space<hbm>>
      %dma_wait3A_298 = tpu.memref_squeeze %dma_wait3A_297 : memref<1x1x32xi32, #tpu.memory_space<hbm>> -> memref<32xi32, #tpu.memory_space<hbm>>
      %dma_wait3A_299 = arith.constant 0 : i32
      %dma_wait3A_300 = tpu.memref_slice %arg2[%add3A, %dma_wait3A_295, %dma_wait3A_299] : memref<32x322x32xi32, #tpu.memory_space<hbm>> -> memref<1x1x32xi32, #tpu.memory_space<hbm>>
      %dma_wait3A_301 = tpu.memref_squeeze %dma_wait3A_300 : memref<1x1x32xi32, #tpu.memory_space<hbm>> -> memref<32xi32, #tpu.memory_space<hbm>>
      tpu.wait_dma2 semaphore(%arg28 : memref<!tpu.dma_semaphore, #tpu.memory_space<semaphore_mem>>) src(%dma_wait3A_301 : memref<32xi32, #tpu.memory_space<hbm>>) dst(%arg9 : memref<32xi32, #tpu.memory_space<vmem>>)
      %dma_wait3A_302 = arith.constant 0 : i32
      %dma_wait3A_303 = arith.constant 0 : i32
      %dma_wait3A_304 = tpu.memref_slice %arg3[%add3A, %dma_wait3A_302, %dma_wait3A_303] : memref<32x322x32xi32, #tpu.memory_space<hbm>> -> memref<1x1x32xi32, #tpu.memory_space<hbm>>
      %dma_wait3A_305 = tpu.memref_squeeze %dma_wait3A_304 : memref<1x1x32xi32, #tpu.memory_space<hbm>> -> memref<32xi32, #tpu.memory_space<hbm>>
      %dma_wait3A_306 = arith.constant 0 : i32
      %dma_wait3A_307 = tpu.memref_slice %arg3[%add3A, %dma_wait3A_302, %dma_wait3A_306] : memref<32x322x32xi32, #tpu.memory_space<hbm>> -> memref<1x1x32xi32, #tpu.memory_space<hbm>>
      %dma_wait3A_308 = tpu.memref_squeeze %dma_wait3A_307 : memref<1x1x32xi32, #tpu.memory_space<hbm>> -> memref<32xi32, #tpu.memory_space<hbm>>
      tpu.wait_dma2 semaphore(%arg28 : memref<!tpu.dma_semaphore, #tpu.memory_space<semaphore_mem>>) src(%dma_wait3A_308 : memref<32xi32, #tpu.memory_space<hbm>>) dst(%arg11 : memref<32xi32, #tpu.memory_space<vmem>>)
      %dma_wait3A_309 = arith.constant 0 : i32
      %dma_wait3A_310 = arith.constant 0 : i32
      %dma_wait3A_311 = arith.constant 0 : i32
      %dma_wait3A_312 = tpu.memref_slice %arg4[%add3A, %dma_wait3A_309, %dma_wait3A_310, %dma_wait3A_311] : memref<32x322x4x128xf32, #tpu.memory_space<hbm>> -> memref<1x1x4x128xf32, #tpu.memory_space<hbm>>
      %dma_wait3A_313 = tpu.memref_squeeze %dma_wait3A_312 : memref<1x1x4x128xf32, #tpu.memory_space<hbm>> -> memref<4x128xf32, #tpu.memory_space<hbm>>
      %dma_wait3A_314 = arith.constant 0 : i32
      %dma_wait3A_315 = arith.constant 0 : i32
      %dma_wait3A_316 = tpu.memref_slice %arg4[%add3A, %dma_wait3A_309, %dma_wait3A_314, %dma_wait3A_315] : memref<32x322x4x128xf32, #tpu.memory_space<hbm>> -> memref<1x1x4x128xf32, #tpu.memory_space<hbm>>
      %dma_wait3A_317 = tpu.memref_squeeze %dma_wait3A_316 : memref<1x1x4x128xf32, #tpu.memory_space<hbm>> -> memref<4x128xf32, #tpu.memory_space<hbm>>
      tpu.wait_dma2 semaphore(%arg28 : memref<!tpu.dma_semaphore, #tpu.memory_space<semaphore_mem>>) src(%dma_wait3A_317 : memref<4x128xf32, #tpu.memory_space<hbm>>) dst(%arg15 : memref<4x128xf32, #tpu.memory_space<vmem>>)
      %add3A_318 = arith.constant 1 : i32
      %add3A_319 = arith.addi %mul3A_216, %add3A_318 : i32
      %dma_start3A_320 = arith.constant 0 : i32
      %dma_start3A_321 = tpu.memref_slice %arg3[%add3A, %add3A_319, %dma_start3A_320] : memref<32x322x32xi32, #tpu.memory_space<hbm>> -> memref<1x1x32xi32, #tpu.memory_space<hbm>>
      %dma_start3A_322 = tpu.memref_squeeze %dma_start3A_321 : memref<1x1x32xi32, #tpu.memory_space<hbm>> -> memref<32xi32, #tpu.memory_space<hbm>>
      %dma_start3A_323 = arith.constant 0 : i32
      %dma_start3A_324 = tpu.memref_slice %arg3[%add3A, %add3A_319, %dma_start3A_323] : memref<32x322x32xi32, #tpu.memory_space<hbm>> -> memref<1x1x32xi32, #tpu.memory_space<hbm>>
      %dma_start3A_325 = tpu.memref_squeeze %dma_start3A_324 : memref<1x1x32xi32, #tpu.memory_space<hbm>> -> memref<32xi32, #tpu.memory_space<hbm>>
      tpu.enqueue_dma source(%dma_start3A_325 : memref<32xi32, #tpu.memory_space<hbm>>) target(%arg13 : memref<32xi32, #tpu.memory_space<vmem>>) target_semaphore(%arg30 : memref<!tpu.dma_semaphore, #tpu.memory_space<semaphore_mem>>)
      %dma_start3A_326 = arith.constant 0 : i32
      %dma_start3A_327 = arith.constant 0 : i32
      %dma_start3A_328 = arith.constant 0 : i32
      %dma_start3A_329 = tpu.memref_slice %arg6[%dma_start3A_326, %dma_start3A_327, %dma_start3A_328] : memref<4x10240x128xf32, #tpu.memory_space<hbm>> -> memref<1x10240x128xf32, #tpu.memory_space<hbm>>
      %dma_start3A_330 = tpu.memref_squeeze %dma_start3A_329 : memref<1x10240x128xf32, #tpu.memory_space<hbm>> -> memref<10240x128xf32, #tpu.memory_space<hbm>>
      %dma_start3A_331 = arith.constant 0 : i32
      %dma_start3A_332 = arith.constant 0 : i32
      %dma_start3A_333 = tpu.memref_slice %dma_start3A_330[%dma_start3A_331, %dma_start3A_332] : memref<10240x128xf32, #tpu.memory_space<hbm>> -> memref<10240x128xf32, #tpu.memory_space<hbm>>
      tpu.enqueue_indirect_dma source(%dma_start3A_333 : memref<10240x128xf32, #tpu.memory_space<hbm>>) target(%arg22 : memref<32x128xf32, #tpu.memory_space<vmem>>) offsets(%arg9 : memref<32xi32, #tpu.memory_space<vmem>>) semaphore(%arg30 : memref<!tpu.dma_semaphore, #tpu.memory_space<semaphore_mem>>)
      %dma_start3A_334 = arith.constant 1 : i32
      %dma_start3A_335 = arith.constant 0 : i32
      %dma_start3A_336 = arith.constant 0 : i32
      %dma_start3A_337 = tpu.memref_slice %arg6[%dma_start3A_334, %dma_start3A_335, %dma_start3A_336] : memref<4x10240x128xf32, #tpu.memory_space<hbm>> -> memref<1x10240x128xf32, #tpu.memory_space<hbm>>
      %dma_start3A_338 = tpu.memref_squeeze %dma_start3A_337 : memref<1x10240x128xf32, #tpu.memory_space<hbm>> -> memref<10240x128xf32, #tpu.memory_space<hbm>>
      %dma_start3A_339 = arith.constant 0 : i32
      %dma_start3A_340 = arith.constant 0 : i32
      %dma_start3A_341 = tpu.memref_slice %dma_start3A_338[%dma_start3A_339, %dma_start3A_340] : memref<10240x128xf32, #tpu.memory_space<hbm>> -> memref<10240x128xf32, #tpu.memory_space<hbm>>
      tpu.enqueue_indirect_dma source(%dma_start3A_341 : memref<10240x128xf32, #tpu.memory_space<hbm>>) target(%arg23 : memref<32x128xf32, #tpu.memory_space<vmem>>) offsets(%arg9 : memref<32xi32, #tpu.memory_space<vmem>>) semaphore(%arg30 : memref<!tpu.dma_semaphore, #tpu.memory_space<semaphore_mem>>)
      %dma_start3A_342 = arith.constant 2 : i32
      %dma_start3A_343 = arith.constant 0 : i32
      %dma_start3A_344 = arith.constant 0 : i32
      %dma_start3A_345 = tpu.memref_slice %arg6[%dma_start3A_342, %dma_start3A_343, %dma_start3A_344] : memref<4x10240x128xf32, #tpu.memory_space<hbm>> -> memref<1x10240x128xf32, #tpu.memory_space<hbm>>
      %dma_start3A_346 = tpu.memref_squeeze %dma_start3A_345 : memref<1x10240x128xf32, #tpu.memory_space<hbm>> -> memref<10240x128xf32, #tpu.memory_space<hbm>>
      %dma_start3A_347 = arith.constant 0 : i32
      %dma_start3A_348 = arith.constant 0 : i32
      %dma_start3A_349 = tpu.memref_slice %dma_start3A_346[%dma_start3A_347, %dma_start3A_348] : memref<10240x128xf32, #tpu.memory_space<hbm>> -> memref<10240x128xf32, #tpu.memory_space<hbm>>
      tpu.enqueue_indirect_dma source(%dma_start3A_349 : memref<10240x128xf32, #tpu.memory_space<hbm>>) target(%arg24 : memref<32x128xf32, #tpu.memory_space<vmem>>) offsets(%arg9 : memref<32xi32, #tpu.memory_space<vmem>>) semaphore(%arg30 : memref<!tpu.dma_semaphore, #tpu.memory_space<semaphore_mem>>)
      %dma_start3A_350 = arith.constant 3 : i32
      %dma_start3A_351 = arith.constant 0 : i32
      %dma_start3A_352 = arith.constant 0 : i32
      %dma_start3A_353 = tpu.memref_slice %arg6[%dma_start3A_350, %dma_start3A_351, %dma_start3A_352] : memref<4x10240x128xf32, #tpu.memory_space<hbm>> -> memref<1x10240x128xf32, #tpu.memory_space<hbm>>
      %dma_start3A_354 = tpu.memref_squeeze %dma_start3A_353 : memref<1x10240x128xf32, #tpu.memory_space<hbm>> -> memref<10240x128xf32, #tpu.memory_space<hbm>>
      %dma_start3A_355 = arith.constant 0 : i32
      %dma_start3A_356 = arith.constant 0 : i32
      %dma_start3A_357 = tpu.memref_slice %dma_start3A_354[%dma_start3A_355, %dma_start3A_356] : memref<10240x128xf32, #tpu.memory_space<hbm>> -> memref<10240x128xf32, #tpu.memory_space<hbm>>
      tpu.enqueue_indirect_dma source(%dma_start3A_357 : memref<10240x128xf32, #tpu.memory_space<hbm>>) target(%arg25 : memref<32x128xf32, #tpu.memory_space<vmem>>) offsets(%arg9 : memref<32xi32, #tpu.memory_space<vmem>>) semaphore(%arg30 : memref<!tpu.dma_semaphore, #tpu.memory_space<semaphore_mem>>)
      %dma_start3A_358 = arith.constant 0 : i32
      %dma_start3A_359 = arith.constant 0 : i32
      %dma_start3A_360 = tpu.memref_slice %arg5[%dma_start3A_358, %dma_start3A_359] : memref<10240x128xf32, #tpu.memory_space<hbm>> -> memref<10240x128xf32, #tpu.memory_space<hbm>>
      tpu.enqueue_indirect_dma source(%dma_start3A_360 : memref<10240x128xf32, #tpu.memory_space<hbm>>) target(%arg17 : memref<32x128xf32, #tpu.memory_space<vmem>>) offsets(%arg11 : memref<32xi32, #tpu.memory_space<vmem>>) semaphore(%arg30 : memref<!tpu.dma_semaphore, #tpu.memory_space<semaphore_mem>>)
      %dma_wait3A_361 = arith.constant 0 : i32
      %dma_wait3A_362 = arith.constant 0 : i32
      %dma_wait3A_363 = tpu.memref_slice %arg5[%dma_wait3A_361, %dma_wait3A_362] : memref<10240x128xf32, #tpu.memory_space<hbm>> -> memref<32x128xf32, #tpu.memory_space<hbm>>
      %dma_wait3A_364 = arith.constant 0 : i32
      %dma_wait3A_365 = arith.constant 0 : i32
      %dma_wait3A_366 = tpu.memref_slice %arg5[%dma_wait3A_364, %dma_wait3A_365] : memref<10240x128xf32, #tpu.memory_space<hbm>> -> memref<32x128xf32, #tpu.memory_space<hbm>>
      tpu.wait_dma2 semaphore(%arg29 : memref<!tpu.dma_semaphore, #tpu.memory_space<semaphore_mem>>) src(%dma_wait3A_366 : memref<32x128xf32, #tpu.memory_space<hbm>>) dst(%arg18 : memref<32x128xf32, #tpu.memory_space<vmem>>)
      %dma_wait3A_367 = arith.constant 0 : i32
      %dma_wait3A_368 = arith.constant 0 : i32
      %dma_wait3A_369 = tpu.memref_slice %arg5[%dma_wait3A_367, %dma_wait3A_368] : memref<10240x128xf32, #tpu.memory_space<hbm>> -> memref<32x128xf32, #tpu.memory_space<hbm>>
      %dma_wait3A_370 = arith.constant 0 : i32
      %dma_wait3A_371 = arith.constant 0 : i32
      %dma_wait3A_372 = tpu.memref_slice %arg5[%dma_wait3A_370, %dma_wait3A_371] : memref<10240x128xf32, #tpu.memory_space<hbm>> -> memref<32x128xf32, #tpu.memory_space<hbm>>
      tpu.wait_dma2 semaphore(%arg29 : memref<!tpu.dma_semaphore, #tpu.memory_space<semaphore_mem>>) src(%dma_wait3A_372 : memref<32x128xf32, #tpu.memory_space<hbm>>) dst(%arg19 : memref<32x128xf32, #tpu.memory_space<vmem>>)
      %dma_wait3A_373 = arith.constant 0 : i32
      %dma_wait3A_374 = arith.constant 0 : i32
      %dma_wait3A_375 = tpu.memref_slice %arg5[%dma_wait3A_373, %dma_wait3A_374] : memref<10240x128xf32, #tpu.memory_space<hbm>> -> memref<32x128xf32, #tpu.memory_space<hbm>>
      %dma_wait3A_376 = arith.constant 0 : i32
      %dma_wait3A_377 = arith.constant 0 : i32
      %dma_wait3A_378 = tpu.memref_slice %arg5[%dma_wait3A_376, %dma_wait3A_377] : memref<10240x128xf32, #tpu.memory_space<hbm>> -> memref<32x128xf32, #tpu.memory_space<hbm>>
      tpu.wait_dma2 semaphore(%arg29 : memref<!tpu.dma_semaphore, #tpu.memory_space<semaphore_mem>>) src(%dma_wait3A_378 : memref<32x128xf32, #tpu.memory_space<hbm>>) dst(%arg20 : memref<32x128xf32, #tpu.memory_space<vmem>>)
      %dma_wait3A_379 = arith.constant 0 : i32
      %dma_wait3A_380 = arith.constant 0 : i32
      %dma_wait3A_381 = tpu.memref_slice %arg5[%dma_wait3A_379, %dma_wait3A_380] : memref<10240x128xf32, #tpu.memory_space<hbm>> -> memref<32x128xf32, #tpu.memory_space<hbm>>
      %dma_wait3A_382 = arith.constant 0 : i32
      %dma_wait3A_383 = arith.constant 0 : i32
      %dma_wait3A_384 = tpu.memref_slice %arg5[%dma_wait3A_382, %dma_wait3A_383] : memref<10240x128xf32, #tpu.memory_space<hbm>> -> memref<32x128xf32, #tpu.memory_space<hbm>>
      tpu.wait_dma2 semaphore(%arg29 : memref<!tpu.dma_semaphore, #tpu.memory_space<semaphore_mem>>) src(%dma_wait3A_384 : memref<32x128xf32, #tpu.memory_space<hbm>>) dst(%arg21 : memref<32x128xf32, #tpu.memory_space<vmem>>)
      %dma_wait3A_385 = arith.constant 0 : i32
      %dma_wait3A_386 = arith.constant 0 : i32
      %dma_wait3A_387 = tpu.memref_slice %arg5[%dma_wait3A_385, %dma_wait3A_386] : memref<10240x128xf32, #tpu.memory_space<hbm>> -> memref<32x128xf32, #tpu.memory_space<hbm>>
      %dma_wait3A_388 = arith.constant 0 : i32
      %dma_wait3A_389 = arith.constant 0 : i32
      %dma_wait3A_390 = tpu.memref_slice %arg5[%dma_wait3A_388, %dma_wait3A_389] : memref<10240x128xf32, #tpu.memory_space<hbm>> -> memref<32x128xf32, #tpu.memory_space<hbm>>
      tpu.wait_dma2 semaphore(%arg29 : memref<!tpu.dma_semaphore, #tpu.memory_space<semaphore_mem>>) src(%dma_wait3A_390 : memref<32x128xf32, #tpu.memory_space<hbm>>) dst(%arg16 : memref<32x128xf32, #tpu.memory_space<vmem>>)
      %dma_wait3A_391 = arith.constant 0 : i32
      %dma_wait3A_392 = arith.constant 0 : i32
      %dma_wait3A_393 = tpu.memref_slice %arg3[%add3A, %dma_wait3A_391, %dma_wait3A_392] : memref<32x322x32xi32, #tpu.memory_space<hbm>> -> memref<1x1x32xi32, #tpu.memory_space<hbm>>
      %dma_wait3A_394 = tpu.memref_squeeze %dma_wait3A_393 : memref<1x1x32xi32, #tpu.memory_space<hbm>> -> memref<32xi32, #tpu.memory_space<hbm>>
      %dma_wait3A_395 = arith.constant 0 : i32
      %dma_wait3A_396 = tpu.memref_slice %arg3[%add3A, %dma_wait3A_391, %dma_wait3A_395] : memref<32x322x32xi32, #tpu.memory_space<hbm>> -> memref<1x1x32xi32, #tpu.memory_space<hbm>>
      %dma_wait3A_397 = tpu.memref_squeeze %dma_wait3A_396 : memref<1x1x32xi32, #tpu.memory_space<hbm>> -> memref<32xi32, #tpu.memory_space<hbm>>
      tpu.wait_dma2 semaphore(%arg29 : memref<!tpu.dma_semaphore, #tpu.memory_space<semaphore_mem>>) src(%dma_wait3A_397 : memref<32xi32, #tpu.memory_space<hbm>>) dst(%arg12 : memref<32xi32, #tpu.memory_space<vmem>>)
      %scan3A_398 = arith.constant 0 : i32
      %scan3A_399 = arith.constant 0 : i32
      %scan3A_400 = arith.constant 32 : i32
      %scan3A_401 = arith.addi %scan3A_399, %scan3A_400 : i32
      %scan3A_402 = arith.constant 1 : i32
      %scan3A_403 = scf.for %scan3A_504 = %scan3A_399 to %scan3A_401 step %scan3A_402 iter_args(%scan3A_505 = %scan3A_398) -> (i32)  : i32 {
        %jit3A = arith.constant 8 : i32
        %div3A = arith.divsi %scan3A_504, %jit3A : i32
        %sign3A = arith.constant 0 : i32
        %sign3A_506 = arith.cmpi sgt, %scan3A_504, %sign3A : i32
        %sign3A_507 = arith.extui %sign3A_506 : i1 to i32
        %sign3A_508 = arith.constant 0 : i32
        %sign3A_509 = arith.cmpi slt, %scan3A_504, %sign3A_508 : i32
        %sign3A_510 = arith.extui %sign3A_509 : i1 to i32
        %sign3A_511 = arith.subi %sign3A_507, %sign3A_510 : i32
        %sign3A_512 = arith.constant 0 : i32
        %sign3A_513 = arith.cmpi sgt, %jit3A, %sign3A_512 : i32
        %sign3A_514 = arith.extui %sign3A_513 : i1 to i32
        %sign3A_515 = arith.constant 0 : i32
        %sign3A_516 = arith.cmpi slt, %jit3A, %sign3A_515 : i32
        %sign3A_517 = arith.extui %sign3A_516 : i1 to i32
        %sign3A_518 = arith.subi %sign3A_514, %sign3A_517 : i32
        %ne3A = arith.cmpi ne, %sign3A_511, %sign3A_518 : i32
        %rem3A = arith.remsi %scan3A_504, %jit3A : i32
        %ne3A_519 = arith.constant 0 : i32
        %ne3A_520 = arith.cmpi ne, %rem3A, %ne3A_519 : i32
        %and3A = arith.andi %ne3A, %ne3A_520 : i1
        %sub3A = arith.constant 1 : i32
        %sub3A_521 = arith.subi %div3A, %sub3A : i32
        %select_n3A = arith.select %and3A, %sub3A_521, %div3A : i32
        %jit3A_522 = arith.constant 8 : i32
        %eq3A = arith.constant 0 : i32
        %eq3A_523 = arith.cmpi eq, %jit3A_522, %eq3A : i32
        %jit3A_524 = arith.constant 1 : i32
        %select_n3A_525 = arith.select %eq3A_523, %jit3A_524, %jit3A_522 : i32
        %rem3A_526 = arith.remsi %scan3A_504, %select_n3A_525 : i32
        %ne3A_527 = arith.constant 0 : i32
        %ne3A_528 = arith.cmpi ne, %rem3A_526, %ne3A_527 : i32
        %lt3A = arith.constant 0 : i32
        %lt3A_529 = arith.cmpi slt, %rem3A_526, %lt3A : i32
        %lt3A_530 = arith.constant 0 : i32
        %lt3A_531 = arith.cmpi slt, %select_n3A_525, %lt3A_530 : i32
        %ne3A_532 = arith.xori %lt3A_529, %lt3A_531 : i1
        %and3A_533 = arith.andi %ne3A_532, %ne3A_528 : i1
        %add3A_534 = arith.addi %rem3A_526, %select_n3A_525 : i32
        %select_n3A_535 = arith.select %and3A_533, %add3A_534, %rem3A_526 : i32
        %mul3A_536 = arith.constant 16 : i32
        %mul3A_537 = arith.muli %select_n3A_535, %mul3A_536 : i32
        %get3A = arith.index_cast %select_n3A : i32 to index
        %get3A_538 = arith.index_cast %mul3A_537 : i32 to index
        %get3A_539 = tpu.vector_load %arg14[%get3A, %get3A_538] {strides = array<i32>} : memref<4x128xf32, #tpu.memory_space<vmem>>, vector<1x16xf32>,
        %get3A_540 = vector.shape_cast %get3A_539 : vector<1x16xf32> to vector<16xf32>
        %get3A_541 = arith.index_cast %scan3A_504 : i32 to index
        %get3A_542 = arith.constant 0 : index
        %get3A_543 = tpu.vector_load %arg16[%get3A_541, %get3A_542] {strides = array<i32>} : memref<32x128xf32, #tpu.memory_space<vmem>>, vector<1x16xf32>,
        %get3A_544 = vector.shape_cast %get3A_543 : vector<1x16xf32> to vector<16xf32>
        %mul3A_545 = arith.mulf %get3A_540, %get3A_544 : vector<16xf32>
        %slice3A = vector.extract_strided_slice %mul3A_545 {offsets = [0], sizes = [1], strides = [1]} : vector<16xf32> to vector<1xf32>
        %squeeze3A = vector.extract %slice3A[0] : f32 from vector<1xf32>
        %broadcast_in_dim3A = vector.broadcast %squeeze3A : f32 to vector<16xf32>
        %slice3A_546 = vector.extract_strided_slice %mul3A_545 {offsets = [1], sizes = [1], strides = [1]} : vector<16xf32> to vector<1xf32>
        %squeeze3A_547 = vector.extract %slice3A_546[0] : f32 from vector<1xf32>
        %broadcast_in_dim3A_548 = vector.broadcast %squeeze3A_547 : f32 to vector<16xf32>
        %slice3A_549 = vector.extract_strided_slice %mul3A_545 {offsets = [2], sizes = [1], strides = [1]} : vector<16xf32> to vector<1xf32>
        %squeeze3A_550 = vector.extract %slice3A_549[0] : f32 from vector<1xf32>
        %broadcast_in_dim3A_551 = vector.broadcast %squeeze3A_550 : f32 to vector<16xf32>
        %slice3A_552 = vector.extract_strided_slice %mul3A_545 {offsets = [3], sizes = [1], strides = [1]} : vector<16xf32> to vector<1xf32>
        %squeeze3A_553 = vector.extract %slice3A_552[0] : f32 from vector<1xf32>
        %broadcast_in_dim3A_554 = vector.broadcast %squeeze3A_553 : f32 to vector<16xf32>
        %get3A_555 = arith.index_cast %scan3A_504 : i32 to index
        %get3A_556 = arith.constant 0 : index
        %get3A_557 = tpu.vector_load %arg18[%get3A_555, %get3A_556] {strides = array<i32>} : memref<32x128xf32, #tpu.memory_space<vmem>>, vector<1x16xf32>,
        %get3A_558 = vector.shape_cast %get3A_557 : vector<1x16xf32> to vector<16xf32>
        %mul3A_559 = arith.mulf %get3A_558, %broadcast_in_dim3A : vector<16xf32>
        %get3A_560 = arith.index_cast %scan3A_504 : i32 to index
        %get3A_561 = arith.constant 0 : index
        %get3A_562 = tpu.vector_load %arg19[%get3A_560, %get3A_561] {strides = array<i32>} : memref<32x128xf32, #tpu.memory_space<vmem>>, vector<1x16xf32>,
        %get3A_563 = vector.shape_cast %get3A_562 : vector<1x16xf32> to vector<16xf32>
        %mul3A_564 = arith.mulf %get3A_563, %broadcast_in_dim3A_548 : vector<16xf32>
        %add3A_565 = arith.addf %mul3A_559, %mul3A_564 : vector<16xf32>
        %get3A_566 = arith.index_cast %scan3A_504 : i32 to index
        %get3A_567 = arith.constant 0 : index
        %get3A_568 = tpu.vector_load %arg20[%get3A_566, %get3A_567] {strides = array<i32>} : memref<32x128xf32, #tpu.memory_space<vmem>>, vector<1x16xf32>,
        %get3A_569 = vector.shape_cast %get3A_568 : vector<1x16xf32> to vector<16xf32>
        %mul3A_570 = arith.mulf %get3A_569, %broadcast_in_dim3A_551 : vector<16xf32>
        %add3A_571 = arith.addf %add3A_565, %mul3A_570 : vector<16xf32>
        %get3A_572 = arith.index_cast %scan3A_504 : i32 to index
        %get3A_573 = arith.constant 0 : index
        %get3A_574 = tpu.vector_load %arg21[%get3A_572, %get3A_573] {strides = array<i32>} : memref<32x128xf32, #tpu.memory_space<vmem>>, vector<1x16xf32>,
        %get3A_575 = vector.shape_cast %get3A_574 : vector<1x16xf32> to vector<16xf32>
        %mul3A_576 = arith.mulf %get3A_575, %broadcast_in_dim3A_554 : vector<16xf32>
        %add3A_577 = arith.addf %add3A_571, %mul3A_576 : vector<16xf32>
        %swap3A = arith.index_cast %scan3A_504 : i32 to index
        %swap3A_578 = arith.constant 0 : index
        %swap3A_579 = tpu.vector_load %arg21[%swap3A, %swap3A_578] {strides = array<i32>} : memref<32x128xf32, #tpu.memory_space<vmem>>, vector<1x16xf32>,
        %swap3A_580 = vector.shape_cast %swap3A_579 : vector<1x16xf32> to vector<16xf32>
        %swap3A_581 = vector.shape_cast %add3A_577 : vector<16xf32> to vector<1x16xf32>
        tpu.vector_store %arg21[%swap3A, %swap3A_578], %swap3A_581 {strides = array<i32>} : memref<32x128xf32, #tpu.memory_space<vmem>>, vector<1x16xf32>,
        %get3A_582 = arith.index_cast %scan3A_504 : i32 to index
        %get3A_583 = arith.constant 16 : index
        %get3A_584 = tpu.vector_load %arg18[%get3A_582, %get3A_583] {strides = array<i32>} : memref<32x128xf32, #tpu.memory_space<vmem>>, vector<1x16xf32>,
        %get3A_585 = vector.shape_cast %get3A_584 : vector<1x16xf32> to vector<16xf32>
        %mul3A_586 = arith.mulf %get3A_585, %broadcast_in_dim3A : vector<16xf32>
        %get3A_587 = arith.index_cast %scan3A_504 : i32 to index
        %get3A_588 = arith.constant 16 : index
        %get3A_589 = tpu.vector_load %arg19[%get3A_587, %get3A_588] {strides = array<i32>} : memref<32x128xf32, #tpu.memory_space<vmem>>, vector<1x16xf32>,
        %get3A_590 = vector.shape_cast %get3A_589 : vector<1x16xf32> to vector<16xf32>
        %mul3A_591 = arith.mulf %get3A_590, %broadcast_in_dim3A_548 : vector<16xf32>
        %add3A_592 = arith.addf %mul3A_586, %mul3A_591 : vector<16xf32>
        %get3A_593 = arith.index_cast %scan3A_504 : i32 to index
        %get3A_594 = arith.constant 16 : index
        %get3A_595 = tpu.vector_load %arg20[%get3A_593, %get3A_594] {strides = array<i32>} : memref<32x128xf32, #tpu.memory_space<vmem>>, vector<1x16xf32>,
        %get3A_596 = vector.shape_cast %get3A_595 : vector<1x16xf32> to vector<16xf32>
        %mul3A_597 = arith.mulf %get3A_596, %broadcast_in_dim3A_551 : vector<16xf32>
        %add3A_598 = arith.addf %add3A_592, %mul3A_597 : vector<16xf32>
        %get3A_599 = arith.index_cast %scan3A_504 : i32 to index
        %get3A_600 = arith.constant 16 : index
        %get3A_601 = tpu.vector_load %arg21[%get3A_599, %get3A_600] {strides = array<i32>} : memref<32x128xf32, #tpu.memory_space<vmem>>, vector<1x16xf32>,
        %get3A_602 = vector.shape_cast %get3A_601 : vector<1x16xf32> to vector<16xf32>
        %mul3A_603 = arith.mulf %get3A_602, %broadcast_in_dim3A_554 : vector<16xf32>
        %add3A_604 = arith.addf %add3A_598, %mul3A_603 : vector<16xf32>
        %swap3A_605 = arith.index_cast %scan3A_504 : i32 to index
        %swap3A_606 = arith.constant 16 : index
        %swap3A_607 = tpu.vector_load %arg21[%swap3A_605, %swap3A_606] {strides = array<i32>} : memref<32x128xf32, #tpu.memory_space<vmem>>, vector<1x16xf32>,
        %swap3A_608 = vector.shape_cast %swap3A_607 : vector<1x16xf32> to vector<16xf32>
        %swap3A_609 = vector.shape_cast %add3A_604 : vector<16xf32> to vector<1x16xf32>
        tpu.vector_store %arg21[%swap3A_605, %swap3A_606], %swap3A_609 {strides = array<i32>} : memref<32x128xf32, #tpu.memory_space<vmem>>, vector<1x16xf32>,
        %get3A_610 = arith.index_cast %scan3A_504 : i32 to index
        %get3A_611 = arith.constant 32 : index
        %get3A_612 = tpu.vector_load %arg18[%get3A_610, %get3A_611] {strides = array<i32>} : memref<32x128xf32, #tpu.memory_space<vmem>>, vector<1x16xf32>,
        %get3A_613 = vector.shape_cast %get3A_612 : vector<1x16xf32> to vector<16xf32>
        %mul3A_614 = arith.mulf %get3A_613, %broadcast_in_dim3A : vector<16xf32>
        %get3A_615 = arith.index_cast %scan3A_504 : i32 to index
        %get3A_616 = arith.constant 32 : index
        %get3A_617 = tpu.vector_load %arg19[%get3A_615, %get3A_616] {strides = array<i32>} : memref<32x128xf32, #tpu.memory_space<vmem>>, vector<1x16xf32>,
        %get3A_618 = vector.shape_cast %get3A_617 : vector<1x16xf32> to vector<16xf32>
        %mul3A_619 = arith.mulf %get3A_618, %broadcast_in_dim3A_548 : vector<16xf32>
        %add3A_620 = arith.addf %mul3A_614, %mul3A_619 : vector<16xf32>
        %get3A_621 = arith.index_cast %scan3A_504 : i32 to index
        %get3A_622 = arith.constant 32 : index
        %get3A_623 = tpu.vector_load %arg20[%get3A_621, %get3A_622] {strides = array<i32>} : memref<32x128xf32, #tpu.memory_space<vmem>>, vector<1x16xf32>,
        %get3A_624 = vector.shape_cast %get3A_623 : vector<1x16xf32> to vector<16xf32>
        %mul3A_625 = arith.mulf %get3A_624, %broadcast_in_dim3A_551 : vector<16xf32>
        %add3A_626 = arith.addf %add3A_620, %mul3A_625 : vector<16xf32>
        %get3A_627 = arith.index_cast %scan3A_504 : i32 to index
        %get3A_628 = arith.constant 32 : index
        %get3A_629 = tpu.vector_load %arg21[%get3A_627, %get3A_628] {strides = array<i32>} : memref<32x128xf32, #tpu.memory_space<vmem>>, vector<1x16xf32>,
        %get3A_630 = vector.shape_cast %get3A_629 : vector<1x16xf32> to vector<16xf32>
        %mul3A_631 = arith.mulf %get3A_630, %broadcast_in_dim3A_554 : vector<16xf32>
        %add3A_632 = arith.addf %add3A_626, %mul3A_631 : vector<16xf32>
        %swap3A_633 = arith.index_cast %scan3A_504 : i32 to index
        %swap3A_634 = arith.constant 32 : index
        %swap3A_635 = tpu.vector_load %arg21[%swap3A_633, %swap3A_634] {strides = array<i32>} : memref<32x128xf32, #tpu.memory_space<vmem>>, vector<1x16xf32>,
        %swap3A_636 = vector.shape_cast %swap3A_635 : vector<1x16xf32> to vector<16xf32>
        %swap3A_637 = vector.shape_cast %add3A_632 : vector<16xf32> to vector<1x16xf32>
        tpu.vector_store %arg21[%swap3A_633, %swap3A_634], %swap3A_637 {strides = array<i32>} : memref<32x128xf32, #tpu.memory_space<vmem>>, vector<1x16xf32>,
        %get3A_638 = arith.index_cast %scan3A_504 : i32 to index
        %get3A_639 = arith.constant 48 : index
        %get3A_640 = tpu.vector_load %arg18[%get3A_638, %get3A_639] {strides = array<i32>} : memref<32x128xf32, #tpu.memory_space<vmem>>, vector<1x16xf32>,
        %get3A_641 = vector.shape_cast %get3A_640 : vector<1x16xf32> to vector<16xf32>
        %mul3A_642 = arith.mulf %get3A_641, %broadcast_in_dim3A : vector<16xf32>
        %get3A_643 = arith.index_cast %scan3A_504 : i32 to index
        %get3A_644 = arith.constant 48 : index
        %get3A_645 = tpu.vector_load %arg19[%get3A_643, %get3A_644] {strides = array<i32>} : memref<32x128xf32, #tpu.memory_space<vmem>>, vector<1x16xf32>,
        %get3A_646 = vector.shape_cast %get3A_645 : vector<1x16xf32> to vector<16xf32>
        %mul3A_647 = arith.mulf %get3A_646, %broadcast_in_dim3A_548 : vector<16xf32>
        %add3A_648 = arith.addf %mul3A_642, %mul3A_647 : vector<16xf32>
        %get3A_649 = arith.index_cast %scan3A_504 : i32 to index
        %get3A_650 = arith.constant 48 : index
        %get3A_651 = tpu.vector_load %arg20[%get3A_649, %get3A_650] {strides = array<i32>} : memref<32x128xf32, #tpu.memory_space<vmem>>, vector<1x16xf32>,
        %get3A_652 = vector.shape_cast %get3A_651 : vector<1x16xf32> to vector<16xf32>
        %mul3A_653 = arith.mulf %get3A_652, %broadcast_in_dim3A_551 : vector<16xf32>
        %add3A_654 = arith.addf %add3A_648, %mul3A_653 : vector<16xf32>
        %get3A_655 = arith.index_cast %scan3A_504 : i32 to index
        %get3A_656 = arith.constant 48 : index
        %get3A_657 = tpu.vector_load %arg21[%get3A_655, %get3A_656] {strides = array<i32>} : memref<32x128xf32, #tpu.memory_space<vmem>>, vector<1x16xf32>,
        %get3A_658 = vector.shape_cast %get3A_657 : vector<1x16xf32> to vector<16xf32>
        %mul3A_659 = arith.mulf %get3A_658, %broadcast_in_dim3A_554 : vector<16xf32>
        %add3A_660 = arith.addf %add3A_654, %mul3A_659 : vector<16xf32>
        %swap3A_661 = arith.index_cast %scan3A_504 : i32 to index
        %swap3A_662 = arith.constant 48 : index
        %swap3A_663 = tpu.vector_load %arg21[%swap3A_661, %swap3A_662] {strides = array<i32>} : memref<32x128xf32, #tpu.memory_space<vmem>>, vector<1x16xf32>,
        %swap3A_664 = vector.shape_cast %swap3A_663 : vector<1x16xf32> to vector<16xf32>
        %swap3A_665 = vector.shape_cast %add3A_660 : vector<16xf32> to vector<1x16xf32>
        tpu.vector_store %arg21[%swap3A_661, %swap3A_662], %swap3A_665 {strides = array<i32>} : memref<32x128xf32, #tpu.memory_space<vmem>>, vector<1x16xf32>,
        %get3A_666 = arith.index_cast %scan3A_504 : i32 to index
        %get3A_667 = arith.constant 64 : index
        %get3A_668 = tpu.vector_load %arg18[%get3A_666, %get3A_667] {strides = array<i32>} : memref<32x128xf32, #tpu.memory_space<vmem>>, vector<1x16xf32>,
        %get3A_669 = vector.shape_cast %get3A_668 : vector<1x16xf32> to vector<16xf32>
        %mul3A_670 = arith.mulf %get3A_669, %broadcast_in_dim3A : vector<16xf32>
        %get3A_671 = arith.index_cast %scan3A_504 : i32 to index
        %get3A_672 = arith.constant 64 : index
        %get3A_673 = tpu.vector_load %arg19[%get3A_671, %get3A_672] {strides = array<i32>} : memref<32x128xf32, #tpu.memory_space<vmem>>, vector<1x16xf32>,
        %get3A_674 = vector.shape_cast %get3A_673 : vector<1x16xf32> to vector<16xf32>
        %mul3A_675 = arith.mulf %get3A_674, %broadcast_in_dim3A_548 : vector<16xf32>
        %add3A_676 = arith.addf %mul3A_670, %mul3A_675 : vector<16xf32>
        %get3A_677 = arith.index_cast %scan3A_504 : i32 to index
        %get3A_678 = arith.constant 64 : index
        %get3A_679 = tpu.vector_load %arg20[%get3A_677, %get3A_678] {strides = array<i32>} : memref<32x128xf32, #tpu.memory_space<vmem>>, vector<1x16xf32>,
        %get3A_680 = vector.shape_cast %get3A_679 : vector<1x16xf32> to vector<16xf32>
        %mul3A_681 = arith.mulf %get3A_680, %broadcast_in_dim3A_551 : vector<16xf32>
        %add3A_682 = arith.addf %add3A_676, %mul3A_681 : vector<16xf32>
        %get3A_683 = arith.index_cast %scan3A_504 : i32 to index
        %get3A_684 = arith.constant 64 : index
        %get3A_685 = tpu.vector_load %arg21[%get3A_683, %get3A_684] {strides = array<i32>} : memref<32x128xf32, #tpu.memory_space<vmem>>, vector<1x16xf32>,
        %get3A_686 = vector.shape_cast %get3A_685 : vector<1x16xf32> to vector<16xf32>
        %mul3A_687 = arith.mulf %get3A_686, %broadcast_in_dim3A_554 : vector<16xf32>
        %add3A_688 = arith.addf %add3A_682, %mul3A_687 : vector<16xf32>
        %swap3A_689 = arith.index_cast %scan3A_504 : i32 to index
        %swap3A_690 = arith.constant 64 : index
        %swap3A_691 = tpu.vector_load %arg21[%swap3A_689, %swap3A_690] {strides = array<i32>} : memref<32x128xf32, #tpu.memory_space<vmem>>, vector<1x16xf32>,
        %swap3A_692 = vector.shape_cast %swap3A_691 : vector<1x16xf32> to vector<16xf32>
        %swap3A_693 = vector.shape_cast %add3A_688 : vector<16xf32> to vector<1x16xf32>
        tpu.vector_store %arg21[%swap3A_689, %swap3A_690], %swap3A_693 {strides = array<i32>} : memref<32x128xf32, #tpu.memory_space<vmem>>, vector<1x16xf32>,
        %get3A_694 = arith.index_cast %scan3A_504 : i32 to index
        %get3A_695 = arith.constant 80 : index
        %get3A_696 = tpu.vector_load %arg18[%get3A_694, %get3A_695] {strides = array<i32>} : memref<32x128xf32, #tpu.memory_space<vmem>>, vector<1x16xf32>,
        %get3A_697 = vector.shape_cast %get3A_696 : vector<1x16xf32> to vector<16xf32>
        %mul3A_698 = arith.mulf %get3A_697, %broadcast_in_dim3A : vector<16xf32>
        %get3A_699 = arith.index_cast %scan3A_504 : i32 to index
        %get3A_700 = arith.constant 80 : index
        %get3A_701 = tpu.vector_load %arg19[%get3A_699, %get3A_700] {strides = array<i32>} : memref<32x128xf32, #tpu.memory_space<vmem>>, vector<1x16xf32>,
        %get3A_702 = vector.shape_cast %get3A_701 : vector<1x16xf32> to vector<16xf32>
        %mul3A_703 = arith.mulf %get3A_702, %broadcast_in_dim3A_548 : vector<16xf32>
        %add3A_704 = arith.addf %mul3A_698, %mul3A_703 : vector<16xf32>
        %get3A_705 = arith.index_cast %scan3A_504 : i32 to index
        %get3A_706 = arith.constant 80 : index
        %get3A_707 = tpu.vector_load %arg20[%get3A_705, %get3A_706] {strides = array<i32>} : memref<32x128xf32, #tpu.memory_space<vmem>>, vector<1x16xf32>,
        %get3A_708 = vector.shape_cast %get3A_707 : vector<1x16xf32> to vector<16xf32>
        %mul3A_709 = arith.mulf %get3A_708, %broadcast_in_dim3A_551 : vector<16xf32>
        %add3A_710 = arith.addf %add3A_704, %mul3A_709 : vector<16xf32>
        %get3A_711 = arith.index_cast %scan3A_504 : i32 to index
        %get3A_712 = arith.constant 80 : index
        %get3A_713 = tpu.vector_load %arg21[%get3A_711, %get3A_712] {strides = array<i32>} : memref<32x128xf32, #tpu.memory_space<vmem>>, vector<1x16xf32>,
        %get3A_714 = vector.shape_cast %get3A_713 : vector<1x16xf32> to vector<16xf32>
        %mul3A_715 = arith.mulf %get3A_714, %broadcast_in_dim3A_554 : vector<16xf32>
        %add3A_716 = arith.addf %add3A_710, %mul3A_715 : vector<16xf32>
        %swap3A_717 = arith.index_cast %scan3A_504 : i32 to index
        %swap3A_718 = arith.constant 80 : index
        %swap3A_719 = tpu.vector_load %arg21[%swap3A_717, %swap3A_718] {strides = array<i32>} : memref<32x128xf32, #tpu.memory_space<vmem>>, vector<1x16xf32>,
        %swap3A_720 = vector.shape_cast %swap3A_719 : vector<1x16xf32> to vector<16xf32>
        %swap3A_721 = vector.shape_cast %add3A_716 : vector<16xf32> to vector<1x16xf32>
        tpu.vector_store %arg21[%swap3A_717, %swap3A_718], %swap3A_721 {strides = array<i32>} : memref<32x128xf32, #tpu.memory_space<vmem>>, vector<1x16xf32>,
        %get3A_722 = arith.index_cast %scan3A_504 : i32 to index
        %get3A_723 = arith.constant 96 : index
        %get3A_724 = tpu.vector_load %arg18[%get3A_722, %get3A_723] {strides = array<i32>} : memref<32x128xf32, #tpu.memory_space<vmem>>, vector<1x16xf32>,
        %get3A_725 = vector.shape_cast %get3A_724 : vector<1x16xf32> to vector<16xf32>
        %mul3A_726 = arith.mulf %get3A_725, %broadcast_in_dim3A : vector<16xf32>
        %get3A_727 = arith.index_cast %scan3A_504 : i32 to index
        %get3A_728 = arith.constant 96 : index
        %get3A_729 = tpu.vector_load %arg19[%get3A_727, %get3A_728] {strides = array<i32>} : memref<32x128xf32, #tpu.memory_space<vmem>>, vector<1x16xf32>,
        %get3A_730 = vector.shape_cast %get3A_729 : vector<1x16xf32> to vector<16xf32>
        %mul3A_731 = arith.mulf %get3A_730, %broadcast_in_dim3A_548 : vector<16xf32>
        %add3A_732 = arith.addf %mul3A_726, %mul3A_731 : vector<16xf32>
        %get3A_733 = arith.index_cast %scan3A_504 : i32 to index
        %get3A_734 = arith.constant 96 : index
        %get3A_735 = tpu.vector_load %arg20[%get3A_733, %get3A_734] {strides = array<i32>} : memref<32x128xf32, #tpu.memory_space<vmem>>, vector<1x16xf32>,
        %get3A_736 = vector.shape_cast %get3A_735 : vector<1x16xf32> to vector<16xf32>
        %mul3A_737 = arith.mulf %get3A_736, %broadcast_in_dim3A_551 : vector<16xf32>
        %add3A_738 = arith.addf %add3A_732, %mul3A_737 : vector<16xf32>
        %get3A_739 = arith.index_cast %scan3A_504 : i32 to index
        %get3A_740 = arith.constant 96 : index
        %get3A_741 = tpu.vector_load %arg21[%get3A_739, %get3A_740] {strides = array<i32>} : memref<32x128xf32, #tpu.memory_space<vmem>>, vector<1x16xf32>,
        %get3A_742 = vector.shape_cast %get3A_741 : vector<1x16xf32> to vector<16xf32>
        %mul3A_743 = arith.mulf %get3A_742, %broadcast_in_dim3A_554 : vector<16xf32>
        %add3A_744 = arith.addf %add3A_738, %mul3A_743 : vector<16xf32>
        %swap3A_745 = arith.index_cast %scan3A_504 : i32 to index
        %swap3A_746 = arith.constant 96 : index
        %swap3A_747 = tpu.vector_load %arg21[%swap3A_745, %swap3A_746] {strides = array<i32>} : memref<32x128xf32, #tpu.memory_space<vmem>>, vector<1x16xf32>,
        %swap3A_748 = vector.shape_cast %swap3A_747 : vector<1x16xf32> to vector<16xf32>
        %swap3A_749 = vector.shape_cast %add3A_744 : vector<16xf32> to vector<1x16xf32>
        tpu.vector_store %arg21[%swap3A_745, %swap3A_746], %swap3A_749 {strides = array<i32>} : memref<32x128xf32, #tpu.memory_space<vmem>>, vector<1x16xf32>,
        %get3A_750 = arith.index_cast %scan3A_504 : i32 to index
        %get3A_751 = arith.constant 112 : index
        %get3A_752 = tpu.vector_load %arg18[%get3A_750, %get3A_751] {strides = array<i32>} : memref<32x128xf32, #tpu.memory_space<vmem>>, vector<1x16xf32>,
        %get3A_753 = vector.shape_cast %get3A_752 : vector<1x16xf32> to vector<16xf32>
        %mul3A_754 = arith.mulf %get3A_753, %broadcast_in_dim3A : vector<16xf32>
        %get3A_755 = arith.index_cast %scan3A_504 : i32 to index
        %get3A_756 = arith.constant 112 : index
        %get3A_757 = tpu.vector_load %arg19[%get3A_755, %get3A_756] {strides = array<i32>} : memref<32x128xf32, #tpu.memory_space<vmem>>, vector<1x16xf32>,
        %get3A_758 = vector.shape_cast %get3A_757 : vector<1x16xf32> to vector<16xf32>
        %mul3A_759 = arith.mulf %get3A_758, %broadcast_in_dim3A_548 : vector<16xf32>
        %add3A_760 = arith.addf %mul3A_754, %mul3A_759 : vector<16xf32>
        %get3A_761 = arith.index_cast %scan3A_504 : i32 to index
        %get3A_762 = arith.constant 112 : index
        %get3A_763 = tpu.vector_load %arg20[%get3A_761, %get3A_762] {strides = array<i32>} : memref<32x128xf32, #tpu.memory_space<vmem>>, vector<1x16xf32>,
        %get3A_764 = vector.shape_cast %get3A_763 : vector<1x16xf32> to vector<16xf32>
        %mul3A_765 = arith.mulf %get3A_764, %broadcast_in_dim3A_551 : vector<16xf32>
        %add3A_766 = arith.addf %add3A_760, %mul3A_765 : vector<16xf32>
        %get3A_767 = arith.index_cast %scan3A_504 : i32 to index
        %get3A_768 = arith.constant 112 : index
        %get3A_769 = tpu.vector_load %arg21[%get3A_767, %get3A_768] {strides = array<i32>} : memref<32x128xf32, #tpu.memory_space<vmem>>, vector<1x16xf32>,
        %get3A_770 = vector.shape_cast %get3A_769 : vector<1x16xf32> to vector<16xf32>
        %mul3A_771 = arith.mulf %get3A_770, %broadcast_in_dim3A_554 : vector<16xf32>
        %add3A_772 = arith.addf %add3A_766, %mul3A_771 : vector<16xf32>
        %swap3A_773 = arith.index_cast %scan3A_504 : i32 to index
        %swap3A_774 = arith.constant 112 : index
        %swap3A_775 = tpu.vector_load %arg21[%swap3A_773, %swap3A_774] {strides = array<i32>} : memref<32x128xf32, #tpu.memory_space<vmem>>, vector<1x16xf32>,
        %swap3A_776 = vector.shape_cast %swap3A_775 : vector<1x16xf32> to vector<16xf32>
        %swap3A_777 = vector.shape_cast %add3A_772 : vector<16xf32> to vector<1x16xf32>
        tpu.vector_store %arg21[%swap3A_773, %swap3A_774], %swap3A_777 {strides = array<i32>} : memref<32x128xf32, #tpu.memory_space<vmem>>, vector<1x16xf32>,
        %scan3A_778 = arith.constant 0 : i32
        scf.yield %scan3A_778 : i32
      }
      %scan3A_404 = arith.constant 32 : i32
      %dma_start3A_405 = arith.constant 0 : i32
      %dma_start3A_406 = arith.constant 0 : i32
      %dma_start3A_407 = tpu.memref_slice %arg26[%dma_start3A_405, %dma_start3A_406] : memref<10112x128xf32, #tpu.memory_space<vmem_shared>> -> memref<10112x128xf32, #tpu.memory_space<vmem_shared>>
      tpu.enqueue_indirect_dma source(%arg21 : memref<32x128xf32, #tpu.memory_space<vmem>>) target(%dma_start3A_407 : memref<10112x128xf32, #tpu.memory_space<vmem_shared>>) offsets(%arg12 : memref<32xi32, #tpu.memory_space<vmem>>) semaphore(%arg31 : memref<!tpu.dma_semaphore, #tpu.memory_space<semaphore_mem>>) {add = true}
      %add3A_408 = arith.constant 2 : i32
      %add3A_409 = arith.addi %mul3A_216, %add3A_408 : i32
      %add3A_410 = arith.constant 0 : i32
      %add3A_411 = arith.addi %add3A_409, %add3A_410 : i32
      %dma_start3A_412 = arith.constant 0 : i32
      %dma_start3A_413 = tpu.memref_slice %arg2[%add3A, %add3A_411, %dma_start3A_412] : memref<32x322x32xi32, #tpu.memory_space<hbm>> -> memref<1x1x32xi32, #tpu.memory_space<hbm>>
      %dma_start3A_414 = tpu.memref_squeeze %dma_start3A_413 : memref<1x1x32xi32, #tpu.memory_space<hbm>> -> memref<32xi32, #tpu.memory_space<hbm>>
      %dma_start3A_415 = arith.constant 0 : i32
      %dma_start3A_416 = tpu.memref_slice %arg2[%add3A, %add3A_411, %dma_start3A_415] : memref<32x322x32xi32, #tpu.memory_space<hbm>> -> memref<1x1x32xi32, #tpu.memory_space<hbm>>
      %dma_start3A_417 = tpu.memref_squeeze %dma_start3A_416 : memref<1x1x32xi32, #tpu.memory_space<hbm>> -> memref<32xi32, #tpu.memory_space<hbm>>
      tpu.enqueue_dma source(%dma_start3A_417 : memref<32xi32, #tpu.memory_space<hbm>>) target(%arg8 : memref<32xi32, #tpu.memory_space<vmem>>) target_semaphore(%arg27 : memref<!tpu.dma_semaphore, #tpu.memory_space<semaphore_mem>>)
      %dma_start3A_418 = arith.constant 0 : i32
      %dma_start3A_419 = tpu.memref_slice %arg3[%add3A, %add3A_411, %dma_start3A_418] : memref<32x322x32xi32, #tpu.memory_space<hbm>> -> memref<1x1x32xi32, #tpu.memory_space<hbm>>
      %dma_start3A_420 = tpu.memref_squeeze %dma_start3A_419 : memref<1x1x32xi32, #tpu.memory_space<hbm>> -> memref<32xi32, #tpu.memory_space<hbm>>
      %dma_start3A_421 = arith.constant 0 : i32
      %dma_start3A_422 = tpu.memref_slice %arg3[%add3A, %add3A_411, %dma_start3A_421] : memref<32x322x32xi32, #tpu.memory_space<hbm>> -> memref<1x1x32xi32, #tpu.memory_space<hbm>>
      %dma_start3A_423 = tpu.memref_squeeze %dma_start3A_422 : memref<1x1x32xi32, #tpu.memory_space<hbm>> -> memref<32xi32, #tpu.memory_space<hbm>>
      tpu.enqueue_dma source(%dma_start3A_423 : memref<32xi32, #tpu.memory_space<hbm>>) target(%arg10 : memref<32xi32, #tpu.memory_space<vmem>>) target_semaphore(%arg27 : memref<!tpu.dma_semaphore, #tpu.memory_space<semaphore_mem>>)
      %dma_start3A_424 = arith.constant 0 : i32
      %dma_start3A_425 = arith.constant 0 : i32
      %dma_start3A_426 = tpu.memref_slice %arg4[%add3A, %add3A_411, %dma_start3A_424, %dma_start3A_425] : memref<32x322x4x128xf32, #tpu.memory_space<hbm>> -> memref<1x1x4x128xf32, #tpu.memory_space<hbm>>
      %dma_start3A_427 = tpu.memref_squeeze %dma_start3A_426 : memref<1x1x4x128xf32, #tpu.memory_space<hbm>> -> memref<4x128xf32, #tpu.memory_space<hbm>>
      %dma_start3A_428 = arith.constant 0 : i32
      %dma_start3A_429 = arith.constant 0 : i32
      %dma_start3A_430 = tpu.memref_slice %arg4[%add3A, %add3A_411, %dma_start3A_428, %dma_start3A_429] : memref<32x322x4x128xf32, #tpu.memory_space<hbm>> -> memref<1x1x4x128xf32, #tpu.memory_space<hbm>>
      %dma_start3A_431 = tpu.memref_squeeze %dma_start3A_430 : memref<1x1x4x128xf32, #tpu.memory_space<hbm>> -> memref<4x128xf32, #tpu.memory_space<hbm>>
      tpu.enqueue_dma source(%dma_start3A_431 : memref<4x128xf32, #tpu.memory_space<hbm>>) target(%arg14 : memref<4x128xf32, #tpu.memory_space<vmem>>) target_semaphore(%arg27 : memref<!tpu.dma_semaphore, #tpu.memory_space<semaphore_mem>>)
      %dma_wait3A_432 = arith.constant 0 : i32
      %dma_wait3A_433 = arith.constant 0 : i32
      %dma_wait3A_434 = tpu.memref_slice %arg5[%dma_wait3A_432, %dma_wait3A_433] : memref<10240x128xf32, #tpu.memory_space<hbm>> -> memref<32x128xf32, #tpu.memory_space<hbm>>
      %dma_wait3A_435 = arith.constant 0 : i32
      %dma_wait3A_436 = arith.constant 0 : i32
      %dma_wait3A_437 = tpu.memref_slice %arg5[%dma_wait3A_435, %dma_wait3A_436] : memref<10240x128xf32, #tpu.memory_space<hbm>> -> memref<32x128xf32, #tpu.memory_space<hbm>>
      tpu.wait_dma2 semaphore(%arg30 : memref<!tpu.dma_semaphore, #tpu.memory_space<semaphore_mem>>) src(%dma_wait3A_437 : memref<32x128xf32, #tpu.memory_space<hbm>>) dst(%arg22 : memref<32x128xf32, #tpu.memory_space<vmem>>)
      %dma_wait3A_438 = arith.constant 0 : i32
      %dma_wait3A_439 = arith.constant 0 : i32
      %dma_wait3A_440 = tpu.memref_slice %arg5[%dma_wait3A_438, %dma_wait3A_439] : memref<10240x128xf32, #tpu.memory_space<hbm>> -> memref<32x128xf32, #tpu.memory_space<hbm>>
      %dma_wait3A_441 = arith.constant 0 : i32
      %dma_wait3A_442 = arith.constant 0 : i32
      %dma_wait3A_443 = tpu.memref_slice %arg5[%dma_wait3A_441, %dma_wait3A_442] : memref<10240x128xf32, #tpu.memory_space<hbm>> -> memref<32x128xf32, #tpu.memory_space<hbm>>
      tpu.wait_dma2 semaphore(%arg30 : memref<!tpu.dma_semaphore, #tpu.memory_space<semaphore_mem>>) src(%dma_wait3A_443 : memref<32x128xf32, #tpu.memory_space<hbm>>) dst(%arg23 : memref<32x128xf32, #tpu.memory_space<vmem>>)
      %dma_wait3A_444 = arith.constant 0 : i32
      %dma_wait3A_445 = arith.constant 0 : i32
      %dma_wait3A_446 = tpu.memref_slice %arg5[%dma_wait3A_444, %dma_wait3A_445] : memref<10240x128xf32, #tpu.memory_space<hbm>> -> memref<32x128xf32, #tpu.memory_space<hbm>>
      %dma_wait3A_447 = arith.constant 0 : i32
      %dma_wait3A_448 = arith.constant 0 : i32
      %dma_wait3A_449 = tpu.memref_slice %arg5[%dma_wait3A_447, %dma_wait3A_448] : memref<10240x128xf32, #tpu.memory_space<hbm>> -> memref<32x128xf32, #tpu.memory_space<hbm>>
      tpu.wait_dma2 semaphore(%arg30 : memref<!tpu.dma_semaphore, #tpu.memory_space<semaphore_mem>>) src(%dma_wait3A_449 : memref<32x128xf32, #tpu.memory_space<hbm>>) dst(%arg24 : memref<32x128xf32, #tpu.memory_space<vmem>>)
      %dma_wait3A_450 = arith.constant 0 : i32
      %dma_wait3A_451 = arith.constant 0 : i32
      %dma_wait3A_452 = tpu.memref_slice %arg5[%dma_wait3A_450, %dma_wait3A_451] : memref<10240x128xf32, #tpu.memory_space<hbm>> -> memref<32x128xf32, #tpu.memory_space<hbm>>
      %dma_wait3A_453 = arith.constant 0 : i32
      %dma_wait3A_454 = arith.constant 0 : i32
      %dma_wait3A_455 = tpu.memref_slice %arg5[%dma_wait3A_453, %dma_wait3A_454] : memref<10240x128xf32, #tpu.memory_space<hbm>> -> memref<32x128xf32, #tpu.memory_space<hbm>>
      tpu.wait_dma2 semaphore(%arg30 : memref<!tpu.dma_semaphore, #tpu.memory_space<semaphore_mem>>) src(%dma_wait3A_455 : memref<32x128xf32, #tpu.memory_space<hbm>>) dst(%arg25 : memref<32x128xf32, #tpu.memory_space<vmem>>)
      %dma_wait3A_456 = arith.constant 0 : i32
      %dma_wait3A_457 = arith.constant 0 : i32
      %dma_wait3A_458 = tpu.memref_slice %arg5[%dma_wait3A_456, %dma_wait3A_457] : memref<10240x128xf32, #tpu.memory_space<hbm>> -> memref<32x128xf32, #tpu.memory_space<hbm>>
      %dma_wait3A_459 = arith.constant 0 : i32
      %dma_wait3A_460 = arith.constant 0 : i32
      %dma_wait3A_461 = tpu.memref_slice %arg5[%dma_wait3A_459, %dma_wait3A_460] : memref<10240x128xf32, #tpu.memory_space<hbm>> -> memref<32x128xf32, #tpu.memory_space<hbm>>
      tpu.wait_dma2 semaphore(%arg30 : memref<!tpu.dma_semaphore, #tpu.memory_space<semaphore_mem>>) src(%dma_wait3A_461 : memref<32x128xf32, #tpu.memory_space<hbm>>) dst(%arg17 : memref<32x128xf32, #tpu.memory_space<vmem>>)
      %dma_wait3A_462 = arith.constant 0 : i32
      %dma_wait3A_463 = arith.constant 0 : i32
      %dma_wait3A_464 = tpu.memref_slice %arg3[%add3A, %dma_wait3A_462, %dma_wait3A_463] : memref<32x322x32xi32, #tpu.memory_space<hbm>> -> memref<1x1x32xi32, #tpu.memory_space<hbm>>
      %dma_wait3A_465 = tpu.memref_squeeze %dma_wait3A_464 : memref<1x1x32xi32, #tpu.memory_space<hbm>> -> memref<32xi32, #tpu.memory_space<hbm>>
      %dma_wait3A_466 = arith.constant 0 : i32
      %dma_wait3A_467 = tpu.memref_slice %arg3[%add3A, %dma_wait3A_462, %dma_wait3A_466] : memref<32x322x32xi32, #tpu.memory_space<hbm>> -> memref<1x1x32xi32, #tpu.memory_space<hbm>>
      %dma_wait3A_468 = tpu.memref_squeeze %dma_wait3A_467 : memref<1x1x32xi32, #tpu.memory_space<hbm>> -> memref<32xi32, #tpu.memory_space<hbm>>
      tpu.wait_dma2 semaphore(%arg30 : memref<!tpu.dma_semaphore, #tpu.memory_space<semaphore_mem>>) src(%dma_wait3A_468 : memref<32xi32, #tpu.memory_space<hbm>>) dst(%arg13 : memref<32xi32, #tpu.memory_space<vmem>>)
      %scan3A_469 = arith.constant 0 : i32
      %scan3A_470 = arith.constant 0 : i32
      %scan3A_471 = arith.constant 32 : i32
      %scan3A_472 = arith.addi %scan3A_470, %scan3A_471 : i32
      %scan3A_473 = arith.constant 1 : i32
      %scan3A_474 = scf.for %scan3A_504 = %scan3A_470 to %scan3A_472 step %scan3A_473 iter_args(%scan3A_505 = %scan3A_469) -> (i32)  : i32 {
        %jit3A = arith.constant 8 : i32
        %div3A = arith.divsi %scan3A_504, %jit3A : i32
        %sign3A = arith.constant 0 : i32
        %sign3A_506 = arith.cmpi sgt, %scan3A_504, %sign3A : i32
        %sign3A_507 = arith.extui %sign3A_506 : i1 to i32
        %sign3A_508 = arith.constant 0 : i32
        %sign3A_509 = arith.cmpi slt, %scan3A_504, %sign3A_508 : i32
        %sign3A_510 = arith.extui %sign3A_509 : i1 to i32
        %sign3A_511 = arith.subi %sign3A_507, %sign3A_510 : i32
        %sign3A_512 = arith.constant 0 : i32
        %sign3A_513 = arith.cmpi sgt, %jit3A, %sign3A_512 : i32
        %sign3A_514 = arith.extui %sign3A_513 : i1 to i32
        %sign3A_515 = arith.constant 0 : i32
        %sign3A_516 = arith.cmpi slt, %jit3A, %sign3A_515 : i32
        %sign3A_517 = arith.extui %sign3A_516 : i1 to i32
        %sign3A_518 = arith.subi %sign3A_514, %sign3A_517 : i32
        %ne3A = arith.cmpi ne, %sign3A_511, %sign3A_518 : i32
        %rem3A = arith.remsi %scan3A_504, %jit3A : i32
        %ne3A_519 = arith.constant 0 : i32
        %ne3A_520 = arith.cmpi ne, %rem3A, %ne3A_519 : i32
        %and3A = arith.andi %ne3A, %ne3A_520 : i1
        %sub3A = arith.constant 1 : i32
        %sub3A_521 = arith.subi %div3A, %sub3A : i32
        %select_n3A = arith.select %and3A, %sub3A_521, %div3A : i32
        %jit3A_522 = arith.constant 8 : i32
        %eq3A = arith.constant 0 : i32
        %eq3A_523 = arith.cmpi eq, %jit3A_522, %eq3A : i32
        %jit3A_524 = arith.constant 1 : i32
        %select_n3A_525 = arith.select %eq3A_523, %jit3A_524, %jit3A_522 : i32
        %rem3A_526 = arith.remsi %scan3A_504, %select_n3A_525 : i32
        %ne3A_527 = arith.constant 0 : i32
        %ne3A_528 = arith.cmpi ne, %rem3A_526, %ne3A_527 : i32
        %lt3A = arith.constant 0 : i32
        %lt3A_529 = arith.cmpi slt, %rem3A_526, %lt3A : i32
        %lt3A_530 = arith.constant 0 : i32
        %lt3A_531 = arith.cmpi slt, %select_n3A_525, %lt3A_530 : i32
        %ne3A_532 = arith.xori %lt3A_529, %lt3A_531 : i1
        %and3A_533 = arith.andi %ne3A_532, %ne3A_528 : i1
        %add3A_534 = arith.addi %rem3A_526, %select_n3A_525 : i32
        %select_n3A_535 = arith.select %and3A_533, %add3A_534, %rem3A_526 : i32
        %mul3A_536 = arith.constant 16 : i32
        %mul3A_537 = arith.muli %select_n3A_535, %mul3A_536 : i32
        %get3A = arith.index_cast %select_n3A : i32 to index
        %get3A_538 = arith.index_cast %mul3A_537 : i32 to index
        %get3A_539 = tpu.vector_load %arg15[%get3A, %get3A_538] {strides = array<i32>} : memref<4x128xf32, #tpu.memory_space<vmem>>, vector<1x16xf32>,
        %get3A_540 = vector.shape_cast %get3A_539 : vector<1x16xf32> to vector<16xf32>
        %get3A_541 = arith.index_cast %scan3A_504 : i32 to index
        %get3A_542 = arith.constant 0 : index
        %get3A_543 = tpu.vector_load %arg17[%get3A_541, %get3A_542] {strides = array<i32>} : memref<32x128xf32, #tpu.memory_space<vmem>>, vector<1x16xf32>,
        %get3A_544 = vector.shape_cast %get3A_543 : vector<1x16xf32> to vector<16xf32>
        %mul3A_545 = arith.mulf %get3A_540, %get3A_544 : vector<16xf32>
        %slice3A = vector.extract_strided_slice %mul3A_545 {offsets = [0], sizes = [1], strides = [1]} : vector<16xf32> to vector<1xf32>
        %squeeze3A = vector.extract %slice3A[0] : f32 from vector<1xf32>
        %broadcast_in_dim3A = vector.broadcast %squeeze3A : f32 to vector<16xf32>
        %slice3A_546 = vector.extract_strided_slice %mul3A_545 {offsets = [1], sizes = [1], strides = [1]} : vector<16xf32> to vector<1xf32>
        %squeeze3A_547 = vector.extract %slice3A_546[0] : f32 from vector<1xf32>
        %broadcast_in_dim3A_548 = vector.broadcast %squeeze3A_547 : f32 to vector<16xf32>
        %slice3A_549 = vector.extract_strided_slice %mul3A_545 {offsets = [2], sizes = [1], strides = [1]} : vector<16xf32> to vector<1xf32>
        %squeeze3A_550 = vector.extract %slice3A_549[0] : f32 from vector<1xf32>
        %broadcast_in_dim3A_551 = vector.broadcast %squeeze3A_550 : f32 to vector<16xf32>
        %slice3A_552 = vector.extract_strided_slice %mul3A_545 {offsets = [3], sizes = [1], strides = [1]} : vector<16xf32> to vector<1xf32>
        %squeeze3A_553 = vector.extract %slice3A_552[0] : f32 from vector<1xf32>
        %broadcast_in_dim3A_554 = vector.broadcast %squeeze3A_553 : f32 to vector<16xf32>
        %get3A_555 = arith.index_cast %scan3A_504 : i32 to index
        %get3A_556 = arith.constant 0 : index
        %get3A_557 = tpu.vector_load %arg22[%get3A_555, %get3A_556] {strides = array<i32>} : memref<32x128xf32, #tpu.memory_space<vmem>>, vector<1x16xf32>,
        %get3A_558 = vector.shape_cast %get3A_557 : vector<1x16xf32> to vector<16xf32>
        %mul3A_559 = arith.mulf %get3A_558, %broadcast_in_dim3A : vector<16xf32>
        %get3A_560 = arith.index_cast %scan3A_504 : i32 to index
        %get3A_561 = arith.constant 0 : index
        %get3A_562 = tpu.vector_load %arg23[%get3A_560, %get3A_561] {strides = array<i32>} : memref<32x128xf32, #tpu.memory_space<vmem>>, vector<1x16xf32>,
        %get3A_563 = vector.shape_cast %get3A_562 : vector<1x16xf32> to vector<16xf32>
        %mul3A_564 = arith.mulf %get3A_563, %broadcast_in_dim3A_548 : vector<16xf32>
        %add3A_565 = arith.addf %mul3A_559, %mul3A_564 : vector<16xf32>
        %get3A_566 = arith.index_cast %scan3A_504 : i32 to index
        %get3A_567 = arith.constant 0 : index
        %get3A_568 = tpu.vector_load %arg24[%get3A_566, %get3A_567] {strides = array<i32>} : memref<32x128xf32, #tpu.memory_space<vmem>>, vector<1x16xf32>,
        %get3A_569 = vector.shape_cast %get3A_568 : vector<1x16xf32> to vector<16xf32>
        %mul3A_570 = arith.mulf %get3A_569, %broadcast_in_dim3A_551 : vector<16xf32>
        %add3A_571 = arith.addf %add3A_565, %mul3A_570 : vector<16xf32>
        %get3A_572 = arith.index_cast %scan3A_504 : i32 to index
        %get3A_573 = arith.constant 0 : index
        %get3A_574 = tpu.vector_load %arg25[%get3A_572, %get3A_573] {strides = array<i32>} : memref<32x128xf32, #tpu.memory_space<vmem>>, vector<1x16xf32>,
        %get3A_575 = vector.shape_cast %get3A_574 : vector<1x16xf32> to vector<16xf32>
        %mul3A_576 = arith.mulf %get3A_575, %broadcast_in_dim3A_554 : vector<16xf32>
        %add3A_577 = arith.addf %add3A_571, %mul3A_576 : vector<16xf32>
        %swap3A = arith.index_cast %scan3A_504 : i32 to index
        %swap3A_578 = arith.constant 0 : index
        %swap3A_579 = tpu.vector_load %arg25[%swap3A, %swap3A_578] {strides = array<i32>} : memref<32x128xf32, #tpu.memory_space<vmem>>, vector<1x16xf32>,
        %swap3A_580 = vector.shape_cast %swap3A_579 : vector<1x16xf32> to vector<16xf32>
        %swap3A_581 = vector.shape_cast %add3A_577 : vector<16xf32> to vector<1x16xf32>
        tpu.vector_store %arg25[%swap3A, %swap3A_578], %swap3A_581 {strides = array<i32>} : memref<32x128xf32, #tpu.memory_space<vmem>>, vector<1x16xf32>,
        %get3A_582 = arith.index_cast %scan3A_504 : i32 to index
        %get3A_583 = arith.constant 16 : index
        %get3A_584 = tpu.vector_load %arg22[%get3A_582, %get3A_583] {strides = array<i32>} : memref<32x128xf32, #tpu.memory_space<vmem>>, vector<1x16xf32>,
        %get3A_585 = vector.shape_cast %get3A_584 : vector<1x16xf32> to vector<16xf32>
        %mul3A_586 = arith.mulf %get3A_585, %broadcast_in_dim3A : vector<16xf32>
        %get3A_587 = arith.index_cast %scan3A_504 : i32 to index
        %get3A_588 = arith.constant 16 : index
        %get3A_589 = tpu.vector_load %arg23[%get3A_587, %get3A_588] {strides = array<i32>} : memref<32x128xf32, #tpu.memory_space<vmem>>, vector<1x16xf32>,
        %get3A_590 = vector.shape_cast %get3A_589 : vector<1x16xf32> to vector<16xf32>
        %mul3A_591 = arith.mulf %get3A_590, %broadcast_in_dim3A_548 : vector<16xf32>
        %add3A_592 = arith.addf %mul3A_586, %mul3A_591 : vector<16xf32>
        %get3A_593 = arith.index_cast %scan3A_504 : i32 to index
        %get3A_594 = arith.constant 16 : index
        %get3A_595 = tpu.vector_load %arg24[%get3A_593, %get3A_594] {strides = array<i32>} : memref<32x128xf32, #tpu.memory_space<vmem>>, vector<1x16xf32>,
        %get3A_596 = vector.shape_cast %get3A_595 : vector<1x16xf32> to vector<16xf32>
        %mul3A_597 = arith.mulf %get3A_596, %broadcast_in_dim3A_551 : vector<16xf32>
        %add3A_598 = arith.addf %add3A_592, %mul3A_597 : vector<16xf32>
        %get3A_599 = arith.index_cast %scan3A_504 : i32 to index
        %get3A_600 = arith.constant 16 : index
        %get3A_601 = tpu.vector_load %arg25[%get3A_599, %get3A_600] {strides = array<i32>} : memref<32x128xf32, #tpu.memory_space<vmem>>, vector<1x16xf32>,
        %get3A_602 = vector.shape_cast %get3A_601 : vector<1x16xf32> to vector<16xf32>
        %mul3A_603 = arith.mulf %get3A_602, %broadcast_in_dim3A_554 : vector<16xf32>
        %add3A_604 = arith.addf %add3A_598, %mul3A_603 : vector<16xf32>
        %swap3A_605 = arith.index_cast %scan3A_504 : i32 to index
        %swap3A_606 = arith.constant 16 : index
        %swap3A_607 = tpu.vector_load %arg25[%swap3A_605, %swap3A_606] {strides = array<i32>} : memref<32x128xf32, #tpu.memory_space<vmem>>, vector<1x16xf32>,
        %swap3A_608 = vector.shape_cast %swap3A_607 : vector<1x16xf32> to vector<16xf32>
        %swap3A_609 = vector.shape_cast %add3A_604 : vector<16xf32> to vector<1x16xf32>
        tpu.vector_store %arg25[%swap3A_605, %swap3A_606], %swap3A_609 {strides = array<i32>} : memref<32x128xf32, #tpu.memory_space<vmem>>, vector<1x16xf32>,
        %get3A_610 = arith.index_cast %scan3A_504 : i32 to index
        %get3A_611 = arith.constant 32 : index
        %get3A_612 = tpu.vector_load %arg22[%get3A_610, %get3A_611] {strides = array<i32>} : memref<32x128xf32, #tpu.memory_space<vmem>>, vector<1x16xf32>,
        %get3A_613 = vector.shape_cast %get3A_612 : vector<1x16xf32> to vector<16xf32>
        %mul3A_614 = arith.mulf %get3A_613, %broadcast_in_dim3A : vector<16xf32>
        %get3A_615 = arith.index_cast %scan3A_504 : i32 to index
        %get3A_616 = arith.constant 32 : index
        %get3A_617 = tpu.vector_load %arg23[%get3A_615, %get3A_616] {strides = array<i32>} : memref<32x128xf32, #tpu.memory_space<vmem>>, vector<1x16xf32>,
        %get3A_618 = vector.shape_cast %get3A_617 : vector<1x16xf32> to vector<16xf32>
        %mul3A_619 = arith.mulf %get3A_618, %broadcast_in_dim3A_548 : vector<16xf32>
        %add3A_620 = arith.addf %mul3A_614, %mul3A_619 : vector<16xf32>
        %get3A_621 = arith.index_cast %scan3A_504 : i32 to index
        %get3A_622 = arith.constant 32 : index
        %get3A_623 = tpu.vector_load %arg24[%get3A_621, %get3A_622] {strides = array<i32>} : memref<32x128xf32, #tpu.memory_space<vmem>>, vector<1x16xf32>,
        %get3A_624 = vector.shape_cast %get3A_623 : vector<1x16xf32> to vector<16xf32>
        %mul3A_625 = arith.mulf %get3A_624, %broadcast_in_dim3A_551 : vector<16xf32>
        %add3A_626 = arith.addf %add3A_620, %mul3A_625 : vector<16xf32>
        %get3A_627 = arith.index_cast %scan3A_504 : i32 to index
        %get3A_628 = arith.constant 32 : index
        %get3A_629 = tpu.vector_load %arg25[%get3A_627, %get3A_628] {strides = array<i32>} : memref<32x128xf32, #tpu.memory_space<vmem>>, vector<1x16xf32>,
        %get3A_630 = vector.shape_cast %get3A_629 : vector<1x16xf32> to vector<16xf32>
        %mul3A_631 = arith.mulf %get3A_630, %broadcast_in_dim3A_554 : vector<16xf32>
        %add3A_632 = arith.addf %add3A_626, %mul3A_631 : vector<16xf32>
        %swap3A_633 = arith.index_cast %scan3A_504 : i32 to index
        %swap3A_634 = arith.constant 32 : index
        %swap3A_635 = tpu.vector_load %arg25[%swap3A_633, %swap3A_634] {strides = array<i32>} : memref<32x128xf32, #tpu.memory_space<vmem>>, vector<1x16xf32>,
        %swap3A_636 = vector.shape_cast %swap3A_635 : vector<1x16xf32> to vector<16xf32>
        %swap3A_637 = vector.shape_cast %add3A_632 : vector<16xf32> to vector<1x16xf32>
        tpu.vector_store %arg25[%swap3A_633, %swap3A_634], %swap3A_637 {strides = array<i32>} : memref<32x128xf32, #tpu.memory_space<vmem>>, vector<1x16xf32>,
        %get3A_638 = arith.index_cast %scan3A_504 : i32 to index
        %get3A_639 = arith.constant 48 : index
        %get3A_640 = tpu.vector_load %arg22[%get3A_638, %get3A_639] {strides = array<i32>} : memref<32x128xf32, #tpu.memory_space<vmem>>, vector<1x16xf32>,
        %get3A_641 = vector.shape_cast %get3A_640 : vector<1x16xf32> to vector<16xf32>
        %mul3A_642 = arith.mulf %get3A_641, %broadcast_in_dim3A : vector<16xf32>
        %get3A_643 = arith.index_cast %scan3A_504 : i32 to index
        %get3A_644 = arith.constant 48 : index
        %get3A_645 = tpu.vector_load %arg23[%get3A_643, %get3A_644] {strides = array<i32>} : memref<32x128xf32, #tpu.memory_space<vmem>>, vector<1x16xf32>,
        %get3A_646 = vector.shape_cast %get3A_645 : vector<1x16xf32> to vector<16xf32>
        %mul3A_647 = arith.mulf %get3A_646, %broadcast_in_dim3A_548 : vector<16xf32>
        %add3A_648 = arith.addf %mul3A_642, %mul3A_647 : vector<16xf32>
        %get3A_649 = arith.index_cast %scan3A_504 : i32 to index
        %get3A_650 = arith.constant 48 : index
        %get3A_651 = tpu.vector_load %arg24[%get3A_649, %get3A_650] {strides = array<i32>} : memref<32x128xf32, #tpu.memory_space<vmem>>, vector<1x16xf32>,
        %get3A_652 = vector.shape_cast %get3A_651 : vector<1x16xf32> to vector<16xf32>
        %mul3A_653 = arith.mulf %get3A_652, %broadcast_in_dim3A_551 : vector<16xf32>
        %add3A_654 = arith.addf %add3A_648, %mul3A_653 : vector<16xf32>
        %get3A_655 = arith.index_cast %scan3A_504 : i32 to index
        %get3A_656 = arith.constant 48 : index
        %get3A_657 = tpu.vector_load %arg25[%get3A_655, %get3A_656] {strides = array<i32>} : memref<32x128xf32, #tpu.memory_space<vmem>>, vector<1x16xf32>,
        %get3A_658 = vector.shape_cast %get3A_657 : vector<1x16xf32> to vector<16xf32>
        %mul3A_659 = arith.mulf %get3A_658, %broadcast_in_dim3A_554 : vector<16xf32>
        %add3A_660 = arith.addf %add3A_654, %mul3A_659 : vector<16xf32>
        %swap3A_661 = arith.index_cast %scan3A_504 : i32 to index
        %swap3A_662 = arith.constant 48 : index
        %swap3A_663 = tpu.vector_load %arg25[%swap3A_661, %swap3A_662] {strides = array<i32>} : memref<32x128xf32, #tpu.memory_space<vmem>>, vector<1x16xf32>,
        %swap3A_664 = vector.shape_cast %swap3A_663 : vector<1x16xf32> to vector<16xf32>
        %swap3A_665 = vector.shape_cast %add3A_660 : vector<16xf32> to vector<1x16xf32>
        tpu.vector_store %arg25[%swap3A_661, %swap3A_662], %swap3A_665 {strides = array<i32>} : memref<32x128xf32, #tpu.memory_space<vmem>>, vector<1x16xf32>,
        %get3A_666 = arith.index_cast %scan3A_504 : i32 to index
        %get3A_667 = arith.constant 64 : index
        %get3A_668 = tpu.vector_load %arg22[%get3A_666, %get3A_667] {strides = array<i32>} : memref<32x128xf32, #tpu.memory_space<vmem>>, vector<1x16xf32>,
        %get3A_669 = vector.shape_cast %get3A_668 : vector<1x16xf32> to vector<16xf32>
        %mul3A_670 = arith.mulf %get3A_669, %broadcast_in_dim3A : vector<16xf32>
        %get3A_671 = arith.index_cast %scan3A_504 : i32 to index
        %get3A_672 = arith.constant 64 : index
        %get3A_673 = tpu.vector_load %arg23[%get3A_671, %get3A_672] {strides = array<i32>} : memref<32x128xf32, #tpu.memory_space<vmem>>, vector<1x16xf32>,
        %get3A_674 = vector.shape_cast %get3A_673 : vector<1x16xf32> to vector<16xf32>
        %mul3A_675 = arith.mulf %get3A_674, %broadcast_in_dim3A_548 : vector<16xf32>
        %add3A_676 = arith.addf %mul3A_670, %mul3A_675 : vector<16xf32>
        %get3A_677 = arith.index_cast %scan3A_504 : i32 to index
        %get3A_678 = arith.constant 64 : index
        %get3A_679 = tpu.vector_load %arg24[%get3A_677, %get3A_678] {strides = array<i32>} : memref<32x128xf32, #tpu.memory_space<vmem>>, vector<1x16xf32>,
        %get3A_680 = vector.shape_cast %get3A_679 : vector<1x16xf32> to vector<16xf32>
        %mul3A_681 = arith.mulf %get3A_680, %broadcast_in_dim3A_551 : vector<16xf32>
        %add3A_682 = arith.addf %add3A_676, %mul3A_681 : vector<16xf32>
        %get3A_683 = arith.index_cast %scan3A_504 : i32 to index
        %get3A_684 = arith.constant 64 : index
        %get3A_685 = tpu.vector_load %arg25[%get3A_683, %get3A_684] {strides = array<i32>} : memref<32x128xf32, #tpu.memory_space<vmem>>, vector<1x16xf32>,
        %get3A_686 = vector.shape_cast %get3A_685 : vector<1x16xf32> to vector<16xf32>
        %mul3A_687 = arith.mulf %get3A_686, %broadcast_in_dim3A_554 : vector<16xf32>
        %add3A_688 = arith.addf %add3A_682, %mul3A_687 : vector<16xf32>
        %swap3A_689 = arith.index_cast %scan3A_504 : i32 to index
        %swap3A_690 = arith.constant 64 : index
        %swap3A_691 = tpu.vector_load %arg25[%swap3A_689, %swap3A_690] {strides = array<i32>} : memref<32x128xf32, #tpu.memory_space<vmem>>, vector<1x16xf32>,
        %swap3A_692 = vector.shape_cast %swap3A_691 : vector<1x16xf32> to vector<16xf32>
        %swap3A_693 = vector.shape_cast %add3A_688 : vector<16xf32> to vector<1x16xf32>
        tpu.vector_store %arg25[%swap3A_689, %swap3A_690], %swap3A_693 {strides = array<i32>} : memref<32x128xf32, #tpu.memory_space<vmem>>, vector<1x16xf32>,
        %get3A_694 = arith.index_cast %scan3A_504 : i32 to index
        %get3A_695 = arith.constant 80 : index
        %get3A_696 = tpu.vector_load %arg22[%get3A_694, %get3A_695] {strides = array<i32>} : memref<32x128xf32, #tpu.memory_space<vmem>>, vector<1x16xf32>,
        %get3A_697 = vector.shape_cast %get3A_696 : vector<1x16xf32> to vector<16xf32>
        %mul3A_698 = arith.mulf %get3A_697, %broadcast_in_dim3A : vector<16xf32>
        %get3A_699 = arith.index_cast %scan3A_504 : i32 to index
        %get3A_700 = arith.constant 80 : index
        %get3A_701 = tpu.vector_load %arg23[%get3A_699, %get3A_700] {strides = array<i32>} : memref<32x128xf32, #tpu.memory_space<vmem>>, vector<1x16xf32>,
        %get3A_702 = vector.shape_cast %get3A_701 : vector<1x16xf32> to vector<16xf32>
        %mul3A_703 = arith.mulf %get3A_702, %broadcast_in_dim3A_548 : vector<16xf32>
        %add3A_704 = arith.addf %mul3A_698, %mul3A_703 : vector<16xf32>
        %get3A_705 = arith.index_cast %scan3A_504 : i32 to index
        %get3A_706 = arith.constant 80 : index
        %get3A_707 = tpu.vector_load %arg24[%get3A_705, %get3A_706] {strides = array<i32>} : memref<32x128xf32, #tpu.memory_space<vmem>>, vector<1x16xf32>,
        %get3A_708 = vector.shape_cast %get3A_707 : vector<1x16xf32> to vector<16xf32>
        %mul3A_709 = arith.mulf %get3A_708, %broadcast_in_dim3A_551 : vector<16xf32>
        %add3A_710 = arith.addf %add3A_704, %mul3A_709 : vector<16xf32>
        %get3A_711 = arith.index_cast %scan3A_504 : i32 to index
        %get3A_712 = arith.constant 80 : index
        %get3A_713 = tpu.vector_load %arg25[%get3A_711, %get3A_712] {strides = array<i32>} : memref<32x128xf32, #tpu.memory_space<vmem>>, vector<1x16xf32>,
        %get3A_714 = vector.shape_cast %get3A_713 : vector<1x16xf32> to vector<16xf32>
        %mul3A_715 = arith.mulf %get3A_714, %broadcast_in_dim3A_554 : vector<16xf32>
        %add3A_716 = arith.addf %add3A_710, %mul3A_715 : vector<16xf32>
        %swap3A_717 = arith.index_cast %scan3A_504 : i32 to index
        %swap3A_718 = arith.constant 80 : index
        %swap3A_719 = tpu.vector_load %arg25[%swap3A_717, %swap3A_718] {strides = array<i32>} : memref<32x128xf32, #tpu.memory_space<vmem>>, vector<1x16xf32>,
        %swap3A_720 = vector.shape_cast %swap3A_719 : vector<1x16xf32> to vector<16xf32>
        %swap3A_721 = vector.shape_cast %add3A_716 : vector<16xf32> to vector<1x16xf32>
        tpu.vector_store %arg25[%swap3A_717, %swap3A_718], %swap3A_721 {strides = array<i32>} : memref<32x128xf32, #tpu.memory_space<vmem>>, vector<1x16xf32>,
        %get3A_722 = arith.index_cast %scan3A_504 : i32 to index
        %get3A_723 = arith.constant 96 : index
        %get3A_724 = tpu.vector_load %arg22[%get3A_722, %get3A_723] {strides = array<i32>} : memref<32x128xf32, #tpu.memory_space<vmem>>, vector<1x16xf32>,
        %get3A_725 = vector.shape_cast %get3A_724 : vector<1x16xf32> to vector<16xf32>
        %mul3A_726 = arith.mulf %get3A_725, %broadcast_in_dim3A : vector<16xf32>
        %get3A_727 = arith.index_cast %scan3A_504 : i32 to index
        %get3A_728 = arith.constant 96 : index
        %get3A_729 = tpu.vector_load %arg23[%get3A_727, %get3A_728] {strides = array<i32>} : memref<32x128xf32, #tpu.memory_space<vmem>>, vector<1x16xf32>,
        %get3A_730 = vector.shape_cast %get3A_729 : vector<1x16xf32> to vector<16xf32>
        %mul3A_731 = arith.mulf %get3A_730, %broadcast_in_dim3A_548 : vector<16xf32>
        %add3A_732 = arith.addf %mul3A_726, %mul3A_731 : vector<16xf32>
        %get3A_733 = arith.index_cast %scan3A_504 : i32 to index
        %get3A_734 = arith.constant 96 : index
        %get3A_735 = tpu.vector_load %arg24[%get3A_733, %get3A_734] {strides = array<i32>} : memref<32x128xf32, #tpu.memory_space<vmem>>, vector<1x16xf32>,
        %get3A_736 = vector.shape_cast %get3A_735 : vector<1x16xf32> to vector<16xf32>
        %mul3A_737 = arith.mulf %get3A_736, %broadcast_in_dim3A_551 : vector<16xf32>
        %add3A_738 = arith.addf %add3A_732, %mul3A_737 : vector<16xf32>
        %get3A_739 = arith.index_cast %scan3A_504 : i32 to index
        %get3A_740 = arith.constant 96 : index
        %get3A_741 = tpu.vector_load %arg25[%get3A_739, %get3A_740] {strides = array<i32>} : memref<32x128xf32, #tpu.memory_space<vmem>>, vector<1x16xf32>,
        %get3A_742 = vector.shape_cast %get3A_741 : vector<1x16xf32> to vector<16xf32>
        %mul3A_743 = arith.mulf %get3A_742, %broadcast_in_dim3A_554 : vector<16xf32>
        %add3A_744 = arith.addf %add3A_738, %mul3A_743 : vector<16xf32>
        %swap3A_745 = arith.index_cast %scan3A_504 : i32 to index
        %swap3A_746 = arith.constant 96 : index
        %swap3A_747 = tpu.vector_load %arg25[%swap3A_745, %swap3A_746] {strides = array<i32>} : memref<32x128xf32, #tpu.memory_space<vmem>>, vector<1x16xf32>,
        %swap3A_748 = vector.shape_cast %swap3A_747 : vector<1x16xf32> to vector<16xf32>
        %swap3A_749 = vector.shape_cast %add3A_744 : vector<16xf32> to vector<1x16xf32>
        tpu.vector_store %arg25[%swap3A_745, %swap3A_746], %swap3A_749 {strides = array<i32>} : memref<32x128xf32, #tpu.memory_space<vmem>>, vector<1x16xf32>,
        %get3A_750 = arith.index_cast %scan3A_504 : i32 to index
        %get3A_751 = arith.constant 112 : index
        %get3A_752 = tpu.vector_load %arg22[%get3A_750, %get3A_751] {strides = array<i32>} : memref<32x128xf32, #tpu.memory_space<vmem>>, vector<1x16xf32>,
        %get3A_753 = vector.shape_cast %get3A_752 : vector<1x16xf32> to vector<16xf32>
        %mul3A_754 = arith.mulf %get3A_753, %broadcast_in_dim3A : vector<16xf32>
        %get3A_755 = arith.index_cast %scan3A_504 : i32 to index
        %get3A_756 = arith.constant 112 : index
        %get3A_757 = tpu.vector_load %arg23[%get3A_755, %get3A_756] {strides = array<i32>} : memref<32x128xf32, #tpu.memory_space<vmem>>, vector<1x16xf32>,
        %get3A_758 = vector.shape_cast %get3A_757 : vector<1x16xf32> to vector<16xf32>
        %mul3A_759 = arith.mulf %get3A_758, %broadcast_in_dim3A_548 : vector<16xf32>
        %add3A_760 = arith.addf %mul3A_754, %mul3A_759 : vector<16xf32>
        %get3A_761 = arith.index_cast %scan3A_504 : i32 to index
        %get3A_762 = arith.constant 112 : index
        %get3A_763 = tpu.vector_load %arg24[%get3A_761, %get3A_762] {strides = array<i32>} : memref<32x128xf32, #tpu.memory_space<vmem>>, vector<1x16xf32>,
        %get3A_764 = vector.shape_cast %get3A_763 : vector<1x16xf32> to vector<16xf32>
        %mul3A_765 = arith.mulf %get3A_764, %broadcast_in_dim3A_551 : vector<16xf32>
        %add3A_766 = arith.addf %add3A_760, %mul3A_765 : vector<16xf32>
        %get3A_767 = arith.index_cast %scan3A_504 : i32 to index
        %get3A_768 = arith.constant 112 : index
        %get3A_769 = tpu.vector_load %arg25[%get3A_767, %get3A_768] {strides = array<i32>} : memref<32x128xf32, #tpu.memory_space<vmem>>, vector<1x16xf32>,
        %get3A_770 = vector.shape_cast %get3A_769 : vector<1x16xf32> to vector<16xf32>
        %mul3A_771 = arith.mulf %get3A_770, %broadcast_in_dim3A_554 : vector<16xf32>
        %add3A_772 = arith.addf %add3A_766, %mul3A_771 : vector<16xf32>
        %swap3A_773 = arith.index_cast %scan3A_504 : i32 to index
        %swap3A_774 = arith.constant 112 : index
        %swap3A_775 = tpu.vector_load %arg25[%swap3A_773, %swap3A_774] {strides = array<i32>} : memref<32x128xf32, #tpu.memory_space<vmem>>, vector<1x16xf32>,
        %swap3A_776 = vector.shape_cast %swap3A_775 : vector<1x16xf32> to vector<16xf32>
        %swap3A_777 = vector.shape_cast %add3A_772 : vector<16xf32> to vector<1x16xf32>
        tpu.vector_store %arg25[%swap3A_773, %swap3A_774], %swap3A_777 {strides = array<i32>} : memref<32x128xf32, #tpu.memory_space<vmem>>, vector<1x16xf32>,
        %scan3A_778 = arith.constant 0 : i32
        scf.yield %scan3A_778 : i32
      }
      %scan3A_475 = arith.constant 32 : i32
      %dma_start3A_476 = arith.constant 0 : i32
      %dma_start3A_477 = arith.constant 0 : i32
      %dma_start3A_478 = tpu.memref_slice %arg26[%dma_start3A_476, %dma_start3A_477] : memref<10112x128xf32, #tpu.memory_space<vmem_shared>> -> memref<10112x128xf32, #tpu.memory_space<vmem_shared>>
      tpu.enqueue_indirect_dma source(%arg25 : memref<32x128xf32, #tpu.memory_space<vmem>>) target(%dma_start3A_478 : memref<10112x128xf32, #tpu.memory_space<vmem_shared>>) offsets(%arg13 : memref<32xi32, #tpu.memory_space<vmem>>) semaphore(%arg32 : memref<!tpu.dma_semaphore, #tpu.memory_space<semaphore_mem>>) {add = true}
      %add3A_479 = arith.constant 2 : i32
      %add3A_480 = arith.addi %mul3A_216, %add3A_479 : i32
      %add3A_481 = arith.constant 1 : i32
      %add3A_482 = arith.addi %add3A_480, %add3A_481 : i32
      %dma_start3A_483 = arith.constant 0 : i32
      %dma_start3A_484 = tpu.memref_slice %arg2[%add3A, %add3A_482, %dma_start3A_483] : memref<32x322x32xi32, #tpu.memory_space<hbm>> -> memref<1x1x32xi32, #tpu.memory_space<hbm>>
      %dma_start3A_485 = tpu.memref_squeeze %dma_start3A_484 : memref<1x1x32xi32, #tpu.memory_space<hbm>> -> memref<32xi32, #tpu.memory_space<hbm>>
      %dma_start3A_486 = arith.constant 0 : i32
      %dma_start3A_487 = tpu.memref_slice %arg2[%add3A, %add3A_482, %dma_start3A_486] : memref<32x322x32xi32, #tpu.memory_space<hbm>> -> memref<1x1x32xi32, #tpu.memory_space<hbm>>
      %dma_start3A_488 = tpu.memref_squeeze %dma_start3A_487 : memref<1x1x32xi32, #tpu.memory_space<hbm>> -> memref<32xi32, #tpu.memory_space<hbm>>
      tpu.enqueue_dma source(%dma_start3A_488 : memref<32xi32, #tpu.memory_space<hbm>>) target(%arg9 : memref<32xi32, #tpu.memory_space<vmem>>) target_semaphore(%arg28 : memref<!tpu.dma_semaphore, #tpu.memory_space<semaphore_mem>>)
      %dma_start3A_489 = arith.constant 0 : i32
      %dma_start3A_490 = tpu.memref_slice %arg3[%add3A, %add3A_482, %dma_start3A_489] : memref<32x322x32xi32, #tpu.memory_space<hbm>> -> memref<1x1x32xi32, #tpu.memory_space<hbm>>
      %dma_start3A_491 = tpu.memref_squeeze %dma_start3A_490 : memref<1x1x32xi32, #tpu.memory_space<hbm>> -> memref<32xi32, #tpu.memory_space<hbm>>
      %dma_start3A_492 = arith.constant 0 : i32
      %dma_start3A_493 = tpu.memref_slice %arg3[%add3A, %add3A_482, %dma_start3A_492] : memref<32x322x32xi32, #tpu.memory_space<hbm>> -> memref<1x1x32xi32, #tpu.memory_space<hbm>>
      %dma_start3A_494 = tpu.memref_squeeze %dma_start3A_493 : memref<1x1x32xi32, #tpu.memory_space<hbm>> -> memref<32xi32, #tpu.memory_space<hbm>>
      tpu.enqueue_dma source(%dma_start3A_494 : memref<32xi32, #tpu.memory_space<hbm>>) target(%arg11 : memref<32xi32, #tpu.memory_space<vmem>>) target_semaphore(%arg28 : memref<!tpu.dma_semaphore, #tpu.memory_space<semaphore_mem>>)
      %dma_start3A_495 = arith.constant 0 : i32
      %dma_start3A_496 = arith.constant 0 : i32
      %dma_start3A_497 = tpu.memref_slice %arg4[%add3A, %add3A_482, %dma_start3A_495, %dma_start3A_496] : memref<32x322x4x128xf32, #tpu.memory_space<hbm>> -> memref<1x1x4x128xf32, #tpu.memory_space<hbm>>
      %dma_start3A_498 = tpu.memref_squeeze %dma_start3A_497 : memref<1x1x4x128xf32, #tpu.memory_space<hbm>> -> memref<4x128xf32, #tpu.memory_space<hbm>>
      %dma_start3A_499 = arith.constant 0 : i32
      %dma_start3A_500 = arith.constant 0 : i32
      %dma_start3A_501 = tpu.memref_slice %arg4[%add3A, %add3A_482, %dma_start3A_499, %dma_start3A_500] : memref<32x322x4x128xf32, #tpu.memory_space<hbm>> -> memref<1x1x4x128xf32, #tpu.memory_space<hbm>>
      %dma_start3A_502 = tpu.memref_squeeze %dma_start3A_501 : memref<1x1x4x128xf32, #tpu.memory_space<hbm>> -> memref<4x128xf32, #tpu.memory_space<hbm>>
      tpu.enqueue_dma source(%dma_start3A_502 : memref<4x128xf32, #tpu.memory_space<hbm>>) target(%arg15 : memref<4x128xf32, #tpu.memory_space<vmem>>) target_semaphore(%arg28 : memref<!tpu.dma_semaphore, #tpu.memory_space<semaphore_mem>>)
      %scan3A_503 = arith.constant 0 : i32
      scf.yield %scan3A_503 : i32
    }
    %scan3A_150 = arith.constant 160 : i32
    %dma_wait3A = arith.constant 0 : i32
    %dma_wait3A_151 = arith.constant 0 : i32
    %dma_wait3A_152 = tpu.memref_slice %arg2[%add3A, %dma_wait3A, %dma_wait3A_151] : memref<32x322x32xi32, #tpu.memory_space<hbm>> -> memref<1x1x32xi32, #tpu.memory_space<hbm>>
    %dma_wait3A_153 = tpu.memref_squeeze %dma_wait3A_152 : memref<1x1x32xi32, #tpu.memory_space<hbm>> -> memref<32xi32, #tpu.memory_space<hbm>>
    %dma_wait3A_154 = arith.constant 0 : i32
    %dma_wait3A_155 = tpu.memref_slice %arg2[%add3A, %dma_wait3A, %dma_wait3A_154] : memref<32x322x32xi32, #tpu.memory_space<hbm>> -> memref<1x1x32xi32, #tpu.memory_space<hbm>>
    %dma_wait3A_156 = tpu.memref_squeeze %dma_wait3A_155 : memref<1x1x32xi32, #tpu.memory_space<hbm>> -> memref<32xi32, #tpu.memory_space<hbm>>
    tpu.wait_dma2 semaphore(%arg27 : memref<!tpu.dma_semaphore, #tpu.memory_space<semaphore_mem>>) src(%dma_wait3A_156 : memref<32xi32, #tpu.memory_space<hbm>>) dst(%arg8 : memref<32xi32, #tpu.memory_space<vmem>>)
    %dma_wait3A_157 = arith.constant 0 : i32
    %dma_wait3A_158 = arith.constant 0 : i32
    %dma_wait3A_159 = tpu.memref_slice %arg3[%add3A, %dma_wait3A_157, %dma_wait3A_158] : memref<32x322x32xi32, #tpu.memory_space<hbm>> -> memref<1x1x32xi32, #tpu.memory_space<hbm>>
    %dma_wait3A_160 = tpu.memref_squeeze %dma_wait3A_159 : memref<1x1x32xi32, #tpu.memory_space<hbm>> -> memref<32xi32, #tpu.memory_space<hbm>>
    %dma_wait3A_161 = arith.constant 0 : i32
    %dma_wait3A_162 = tpu.memref_slice %arg3[%add3A, %dma_wait3A_157, %dma_wait3A_161] : memref<32x322x32xi32, #tpu.memory_space<hbm>> -> memref<1x1x32xi32, #tpu.memory_space<hbm>>
    %dma_wait3A_163 = tpu.memref_squeeze %dma_wait3A_162 : memref<1x1x32xi32, #tpu.memory_space<hbm>> -> memref<32xi32, #tpu.memory_space<hbm>>
    tpu.wait_dma2 semaphore(%arg27 : memref<!tpu.dma_semaphore, #tpu.memory_space<semaphore_mem>>) src(%dma_wait3A_163 : memref<32xi32, #tpu.memory_space<hbm>>) dst(%arg10 : memref<32xi32, #tpu.memory_space<vmem>>)
    %dma_wait3A_164 = arith.constant 0 : i32
    %dma_wait3A_165 = arith.constant 0 : i32
    %dma_wait3A_166 = arith.constant 0 : i32
    %dma_wait3A_167 = tpu.memref_slice %arg4[%add3A, %dma_wait3A_164, %dma_wait3A_165, %dma_wait3A_166] : memref<32x322x4x128xf32, #tpu.memory_space<hbm>> -> memref<1x1x4x128xf32, #tpu.memory_space<hbm>>
    %dma_wait3A_168 = tpu.memref_squeeze %dma_wait3A_167 : memref<1x1x4x128xf32, #tpu.memory_space<hbm>> -> memref<4x128xf32, #tpu.memory_space<hbm>>
    %dma_wait3A_169 = arith.constant 0 : i32
    %dma_wait3A_170 = arith.constant 0 : i32
    %dma_wait3A_171 = tpu.memref_slice %arg4[%add3A, %dma_wait3A_164, %dma_wait3A_169, %dma_wait3A_170] : memref<32x322x4x128xf32, #tpu.memory_space<hbm>> -> memref<1x1x4x128xf32, #tpu.memory_space<hbm>>
    %dma_wait3A_172 = tpu.memref_squeeze %dma_wait3A_171 : memref<1x1x4x128xf32, #tpu.memory_space<hbm>> -> memref<4x128xf32, #tpu.memory_space<hbm>>
    tpu.wait_dma2 semaphore(%arg27 : memref<!tpu.dma_semaphore, #tpu.memory_space<semaphore_mem>>) src(%dma_wait3A_172 : memref<4x128xf32, #tpu.memory_space<hbm>>) dst(%arg14 : memref<4x128xf32, #tpu.memory_space<vmem>>)
    %dma_wait3A_173 = arith.constant 0 : i32
    %dma_wait3A_174 = arith.constant 0 : i32
    %dma_wait3A_175 = tpu.memref_slice %arg2[%add3A, %dma_wait3A_173, %dma_wait3A_174] : memref<32x322x32xi32, #tpu.memory_space<hbm>> -> memref<1x1x32xi32, #tpu.memory_space<hbm>>
    %dma_wait3A_176 = tpu.memref_squeeze %dma_wait3A_175 : memref<1x1x32xi32, #tpu.memory_space<hbm>> -> memref<32xi32, #tpu.memory_space<hbm>>
    %dma_wait3A_177 = arith.constant 0 : i32
    %dma_wait3A_178 = tpu.memref_slice %arg2[%add3A, %dma_wait3A_173, %dma_wait3A_177] : memref<32x322x32xi32, #tpu.memory_space<hbm>> -> memref<1x1x32xi32, #tpu.memory_space<hbm>>
    %dma_wait3A_179 = tpu.memref_squeeze %dma_wait3A_178 : memref<1x1x32xi32, #tpu.memory_space<hbm>> -> memref<32xi32, #tpu.memory_space<hbm>>
    tpu.wait_dma2 semaphore(%arg28 : memref<!tpu.dma_semaphore, #tpu.memory_space<semaphore_mem>>) src(%dma_wait3A_179 : memref<32xi32, #tpu.memory_space<hbm>>) dst(%arg9 : memref<32xi32, #tpu.memory_space<vmem>>)
    %dma_wait3A_180 = arith.constant 0 : i32
    %dma_wait3A_181 = arith.constant 0 : i32
    %dma_wait3A_182 = tpu.memref_slice %arg3[%add3A, %dma_wait3A_180, %dma_wait3A_181] : memref<32x322x32xi32, #tpu.memory_space<hbm>> -> memref<1x1x32xi32, #tpu.memory_space<hbm>>
    %dma_wait3A_183 = tpu.memref_squeeze %dma_wait3A_182 : memref<1x1x32xi32, #tpu.memory_space<hbm>> -> memref<32xi32, #tpu.memory_space<hbm>>
    %dma_wait3A_184 = arith.constant 0 : i32
    %dma_wait3A_185 = tpu.memref_slice %arg3[%add3A, %dma_wait3A_180, %dma_wait3A_184] : memref<32x322x32xi32, #tpu.memory_space<hbm>> -> memref<1x1x32xi32, #tpu.memory_space<hbm>>
    %dma_wait3A_186 = tpu.memref_squeeze %dma_wait3A_185 : memref<1x1x32xi32, #tpu.memory_space<hbm>> -> memref<32xi32, #tpu.memory_space<hbm>>
    tpu.wait_dma2 semaphore(%arg28 : memref<!tpu.dma_semaphore, #tpu.memory_space<semaphore_mem>>) src(%dma_wait3A_186 : memref<32xi32, #tpu.memory_space<hbm>>) dst(%arg11 : memref<32xi32, #tpu.memory_space<vmem>>)
    %dma_wait3A_187 = arith.constant 0 : i32
    %dma_wait3A_188 = arith.constant 0 : i32
    %dma_wait3A_189 = arith.constant 0 : i32
    %dma_wait3A_190 = tpu.memref_slice %arg4[%add3A, %dma_wait3A_187, %dma_wait3A_188, %dma_wait3A_189] : memref<32x322x4x128xf32, #tpu.memory_space<hbm>> -> memref<1x1x4x128xf32, #tpu.memory_space<hbm>>
    %dma_wait3A_191 = tpu.memref_squeeze %dma_wait3A_190 : memref<1x1x4x128xf32, #tpu.memory_space<hbm>> -> memref<4x128xf32, #tpu.memory_space<hbm>>
    %dma_wait3A_192 = arith.constant 0 : i32
    %dma_wait3A_193 = arith.constant 0 : i32
    %dma_wait3A_194 = tpu.memref_slice %arg4[%add3A, %dma_wait3A_187, %dma_wait3A_192, %dma_wait3A_193] : memref<32x322x4x128xf32, #tpu.memory_space<hbm>> -> memref<1x1x4x128xf32, #tpu.memory_space<hbm>>
    %dma_wait3A_195 = tpu.memref_squeeze %dma_wait3A_194 : memref<1x1x4x128xf32, #tpu.memory_space<hbm>> -> memref<4x128xf32, #tpu.memory_space<hbm>>
    tpu.wait_dma2 semaphore(%arg28 : memref<!tpu.dma_semaphore, #tpu.memory_space<semaphore_mem>>) src(%dma_wait3A_195 : memref<4x128xf32, #tpu.memory_space<hbm>>) dst(%arg15 : memref<4x128xf32, #tpu.memory_space<vmem>>)
    %dma_wait3A_196 = arith.constant 0 : i32
    %dma_wait3A_197 = arith.constant 0 : i32
    %dma_wait3A_198 = tpu.memref_slice %arg5[%dma_wait3A_196, %dma_wait3A_197] : memref<10240x128xf32, #tpu.memory_space<hbm>> -> memref<32x128xf32, #tpu.memory_space<hbm>>
    %dma_wait3A_199 = arith.constant 0 : i32
    %dma_wait3A_200 = arith.constant 0 : i32
    %dma_wait3A_201 = tpu.memref_slice %arg5[%dma_wait3A_199, %dma_wait3A_200] : memref<10240x128xf32, #tpu.memory_space<hbm>> -> memref<32x128xf32, #tpu.memory_space<hbm>>
    tpu.wait_dma2 semaphore(%arg31 : memref<!tpu.dma_semaphore, #tpu.memory_space<semaphore_mem>>) src(%dma_wait3A_201 : memref<32x128xf32, #tpu.memory_space<hbm>>) dst(%arg21 : memref<32x128xf32, #tpu.memory_space<vmem>>)
    %dma_wait3A_202 = arith.constant 0 : i32
    %dma_wait3A_203 = arith.constant 0 : i32
    %dma_wait3A_204 = tpu.memref_slice %arg5[%dma_wait3A_202, %dma_wait3A_203] : memref<10240x128xf32, #tpu.memory_space<hbm>> -> memref<32x128xf32, #tpu.memory_space<hbm>>
    %dma_wait3A_205 = arith.constant 0 : i32
    %dma_wait3A_206 = arith.constant 0 : i32
    %dma_wait3A_207 = tpu.memref_slice %arg5[%dma_wait3A_205, %dma_wait3A_206] : memref<10240x128xf32, #tpu.memory_space<hbm>> -> memref<32x128xf32, #tpu.memory_space<hbm>>
    tpu.wait_dma2 semaphore(%arg32 : memref<!tpu.dma_semaphore, #tpu.memory_space<semaphore_mem>>) src(%dma_wait3A_207 : memref<32x128xf32, #tpu.memory_space<hbm>>) dst(%arg25 : memref<32x128xf32, #tpu.memory_space<vmem>>)
    %barrier3A_208 = arith.constant 0 : index
    tpu.barrier barrier_id(%barrier3A_208)
    %mul3A_209 = arith.constant 632 : i32
    %mul3A_210 = arith.muli %arg1, %mul3A_209 : i32
    %mul3A_211 = arith.constant 632 : i32
    %mul3A_212 = arith.muli %arg1, %mul3A_211 : i32
    "tpu.region"() ({
      %run_scoped3A = tpu.sem_alloc : memref<!tpu.dma_semaphore, #tpu.memory_space<semaphore_mem>>
      %dma_start3A_213 = arith.constant 0 : i32
      %dma_start3A_214 = tpu.memref_slice %arg7[%arg0, %mul3A_212, %dma_start3A_213] : memref<2x10112x128xf32, #tpu.memory_space<hbm>> -> memref<1x632x128xf32, #tpu.memory_space<hbm>>
      %dma_start3A_215 = tpu.memref_squeeze %dma_start3A_214 : memref<1x632x128xf32, #tpu.memory_space<hbm>> -> memref<632x128xf32, #tpu.memory_space<hbm>>
      %dma_start3A_216 = arith.constant 0 : i32
      %dma_start3A_217 = tpu.memref_slice %arg26[%mul3A_210, %dma_start3A_216] : memref<10112x128xf32, #tpu.memory_space<vmem_shared>> -> memref<632x128xf32, #tpu.memory_space<vmem_shared>>
      tpu.enqueue_dma source(%dma_start3A_217 : memref<632x128xf32, #tpu.memory_space<vmem_shared>>) target(%dma_start3A_215 : memref<632x128xf32, #tpu.memory_space<hbm>>) target_semaphore(%run_scoped3A : memref<!tpu.dma_semaphore, #tpu.memory_space<semaphore_mem>>)
      %dma_wait3A_218 = arith.constant 0 : i32
      %dma_wait3A_219 = tpu.memref_slice %arg7[%arg0, %mul3A_212, %dma_wait3A_218] : memref<2x10112x128xf32, #tpu.memory_space<hbm>> -> memref<1x632x128xf32, #tpu.memory_space<hbm>>
      %dma_wait3A_220 = tpu.memref_squeeze %dma_wait3A_219 : memref<1x632x128xf32, #tpu.memory_space<hbm>> -> memref<632x128xf32, #tpu.memory_space<hbm>>
      %dma_wait3A_221 = arith.constant 0 : i32
      %dma_wait3A_222 = tpu.memref_slice %arg26[%mul3A_210, %dma_wait3A_221] : memref<10112x128xf32, #tpu.memory_space<vmem_shared>> -> memref<632x128xf32, #tpu.memory_space<vmem_shared>>
      tpu.wait_dma2 semaphore(%run_scoped3A : memref<!tpu.dma_semaphore, #tpu.memory_space<semaphore_mem>>) src(%dma_wait3A_222 : memref<632x128xf32, #tpu.memory_space<vmem_shared>>) dst(%dma_wait3A_220 : memref<632x128xf32, #tpu.memory_space<hbm>>)
      tpu.yield
    }) : () -> ()
    return
  }
}

module attributes {stable_mosaic.version = 14 : i64} {
  func.func @_proj_body(%arg0: i32, %arg1: memref<640x128xf32, #tpu.memory_space<vmem>>, %arg2: memref<128x512xf32, #tpu.memory_space<vmem>>, %arg3: memref<512x256xf32, #tpu.memory_space<vmem>>, %arg4: memref<4x640x128xf32, #tpu.memory_space<vmem>>, %arg5: memref<640x128xf32, #tpu.memory_space<vmem>>, %arg6: memref<640x128xf32, #tpu.memory_space<vmem>>, %arg7: memref<1x1x256xf32, #tpu.memory_space<vmem>>) attributes {dimension_semantics = [#tpu.dimension_semantics<arbitrary>], iteration_bounds = array<i64: 16>, scalar_prefetch = 0 : i64, scratch_operands = 0 : i64, tpu.core_type = #tpu.core_type<tc>, window_params = [{transform_indices = @transform_0, window_bounds = array<i64: 640, 128>}, {pipeline_mode = #tpu.pipeline_mode<synchronous>, transform_indices = @transform_1, window_bounds = array<i64: 128, 512>}, {pipeline_mode = #tpu.pipeline_mode<synchronous>, transform_indices = @transform_2, window_bounds = array<i64: 512, 256>}, {transform_indices = @transform_3, window_bounds = array<i64: 4, 640, 128>}, {transform_indices = @transform_4, window_bounds = array<i64: 640, 128>}, {transform_indices = @transform_5, window_bounds = array<i64: 640, 128>}, {transform_indices = @transform_6, window_bounds = array<i64: 1, 1, 256>}]} {
    %get3A = arith.constant 0 : index
    %get3A_0 = arith.constant 0 : index
    %get3A_1 = vector.load %arg1[%get3A, %get3A_0] : memref<640x128xf32, #tpu.memory_space<vmem>>, vector<640x128xf32>
    %get3A_2 = arith.constant 0 : index
    %get3A_3 = arith.constant 0 : index
    %get3A_4 = vector.load %arg2[%get3A_2, %get3A_3] : memref<128x512xf32, #tpu.memory_space<vmem>>, vector<128x512xf32>
    %dot_general3A = arith.constant dense<0.000000e+00> : vector<640x512xf32>
    %dot_general3A_5 = tpu.matmul %get3A_1, %get3A_4, %dot_general3A {dimension_numbers = #tpu.dot_dimension_numbers<[1], [0], [0], [1], [0, 0, 1, 1], [], []>, transpose_lhs_hint = false} : vector<640x128xf32>, vector<128x512xf32>, vector<640x512xf32> -> vector<640x512xf32>
    %get3A_6 = arith.constant 0 : index
    %get3A_7 = arith.constant 0 : index
    %get3A_8 = vector.load %arg3[%get3A_6, %get3A_7] : memref<512x256xf32, #tpu.memory_space<vmem>>, vector<512x256xf32>
    %dot_general3A_9 = arith.constant dense<0.000000e+00> : vector<640x256xf32>
    %dot_general3A_10 = tpu.matmul %dot_general3A_5, %get3A_8, %dot_general3A_9 {dimension_numbers = #tpu.dot_dimension_numbers<[1], [0], [0], [1], [0, 0, 1, 1], [], []>, transpose_lhs_hint = false} : vector<640x512xf32>, vector<512x256xf32>, vector<640x256xf32> -> vector<640x256xf32>
    %slice3A = vector.extract_strided_slice %dot_general3A_10 {offsets = [0, 0], sizes = [640, 128], strides = [1, 1]} : vector<640x256xf32> to vector<640x128xf32>
    %swap3A = arith.constant 0 : index
    %swap3A_11 = arith.constant 0 : index
    %swap3A_12 = vector.load %arg5[%swap3A, %swap3A_11] : memref<640x128xf32, #tpu.memory_space<vmem>>, vector<640x128xf32>
    tpu.vector_store %arg5[%swap3A, %swap3A_11], %slice3A {strides = array<i32>} : memref<640x128xf32, #tpu.memory_space<vmem>>, vector<640x128xf32>,
    %slice3A_13 = vector.extract_strided_slice %dot_general3A_10 {offsets = [0, 128], sizes = [640, 128], strides = [1, 1]} : vector<640x256xf32> to vector<640x128xf32>
    %swap3A_14 = arith.constant 0 : index
    %swap3A_15 = arith.constant 0 : index
    %swap3A_16 = vector.load %arg6[%swap3A_14, %swap3A_15] : memref<640x128xf32, #tpu.memory_space<vmem>>, vector<640x128xf32>
    tpu.vector_store %arg6[%swap3A_14, %swap3A_15], %slice3A_13 {strides = array<i32>} : memref<640x128xf32, #tpu.memory_space<vmem>>, vector<640x128xf32>,
    %reduce_max3A = arith.constant dense<0xFF800000> : vector<256xf32>
    %reduce_max3A_17 = vector.multi_reduction <maximumf>, %dot_general3A_10, %reduce_max3A [0] : vector<640x256xf32> to vector<256xf32>
    %broadcast_in_dim3A = vector.shape_cast %reduce_max3A_17 : vector<256xf32> to vector<1x256xf32>
    %broadcast_in_dim3A_18 = vector.shape_cast %broadcast_in_dim3A : vector<1x256xf32> to vector<1x1x256xf32>
    %swap3A_19 = arith.constant 0 : index
    %swap3A_20 = arith.constant 0 : index
    %swap3A_21 = arith.constant 0 : index
    %swap3A_22 = vector.load %arg7[%swap3A_19, %swap3A_20, %swap3A_21] : memref<1x1x256xf32, #tpu.memory_space<vmem>>, vector<1x1x256xf32>
    tpu.vector_store %arg7[%swap3A_19, %swap3A_20, %swap3A_21], %broadcast_in_dim3A_18 {strides = array<i32>} : memref<1x1x256xf32, #tpu.memory_space<vmem>>, vector<1x1x256xf32>,
    %slice3A_23 = vector.extract_strided_slice %dot_general3A_5 {offsets = [0, 0], sizes = [640, 128], strides = [1, 1]} : vector<640x512xf32> to vector<640x128xf32>
    %swap3A_24 = arith.constant 0 : index
    %swap3A_25 = arith.constant 0 : index
    %swap3A_26 = arith.constant 0 : index
    %swap3A_27 = vector.load %arg4[%swap3A_24, %swap3A_25, %swap3A_26] : memref<4x640x128xf32, #tpu.memory_space<vmem>>, vector<1x640x128xf32>
    %swap3A_28 = vector.shape_cast %swap3A_27 : vector<1x640x128xf32> to vector<640x128xf32>
    %swap3A_29 = vector.shape_cast %slice3A_23 : vector<640x128xf32> to vector<1x640x128xf32>
    tpu.vector_store %arg4[%swap3A_24, %swap3A_25, %swap3A_26], %swap3A_29 {strides = array<i32>} : memref<4x640x128xf32, #tpu.memory_space<vmem>>, vector<1x640x128xf32>,
    %slice3A_30 = vector.extract_strided_slice %dot_general3A_5 {offsets = [0, 128], sizes = [640, 128], strides = [1, 1]} : vector<640x512xf32> to vector<640x128xf32>
    %swap3A_31 = arith.constant 1 : index
    %swap3A_32 = arith.constant 0 : index
    %swap3A_33 = arith.constant 0 : index
    %swap3A_34 = vector.load %arg4[%swap3A_31, %swap3A_32, %swap3A_33] : memref<4x640x128xf32, #tpu.memory_space<vmem>>, vector<1x640x128xf32>
    %swap3A_35 = vector.shape_cast %swap3A_34 : vector<1x640x128xf32> to vector<640x128xf32>
    %swap3A_36 = vector.shape_cast %slice3A_30 : vector<640x128xf32> to vector<1x640x128xf32>
    tpu.vector_store %arg4[%swap3A_31, %swap3A_32, %swap3A_33], %swap3A_36 {strides = array<i32>} : memref<4x640x128xf32, #tpu.memory_space<vmem>>, vector<1x640x128xf32>,
    %slice3A_37 = vector.extract_strided_slice %dot_general3A_5 {offsets = [0, 256], sizes = [640, 128], strides = [1, 1]} : vector<640x512xf32> to vector<640x128xf32>
    %swap3A_38 = arith.constant 2 : index
    %swap3A_39 = arith.constant 0 : index
    %swap3A_40 = arith.constant 0 : index
    %swap3A_41 = vector.load %arg4[%swap3A_38, %swap3A_39, %swap3A_40] : memref<4x640x128xf32, #tpu.memory_space<vmem>>, vector<1x640x128xf32>
    %swap3A_42 = vector.shape_cast %swap3A_41 : vector<1x640x128xf32> to vector<640x128xf32>
    %swap3A_43 = vector.shape_cast %slice3A_37 : vector<640x128xf32> to vector<1x640x128xf32>
    tpu.vector_store %arg4[%swap3A_38, %swap3A_39, %swap3A_40], %swap3A_43 {strides = array<i32>} : memref<4x640x128xf32, #tpu.memory_space<vmem>>, vector<1x640x128xf32>,
    %slice3A_44 = vector.extract_strided_slice %dot_general3A_5 {offsets = [0, 384], sizes = [640, 128], strides = [1, 1]} : vector<640x512xf32> to vector<640x128xf32>
    %swap3A_45 = arith.constant 3 : index
    %swap3A_46 = arith.constant 0 : index
    %swap3A_47 = arith.constant 0 : index
    %swap3A_48 = vector.load %arg4[%swap3A_45, %swap3A_46, %swap3A_47] : memref<4x640x128xf32, #tpu.memory_space<vmem>>, vector<1x640x128xf32>
    %swap3A_49 = vector.shape_cast %swap3A_48 : vector<1x640x128xf32> to vector<640x128xf32>
    %swap3A_50 = vector.shape_cast %slice3A_44 : vector<640x128xf32> to vector<1x640x128xf32>
    tpu.vector_store %arg4[%swap3A_45, %swap3A_46, %swap3A_47], %swap3A_50 {strides = array<i32>} : memref<4x640x128xf32, #tpu.memory_space<vmem>>, vector<1x640x128xf32>,
    return
  }
  func.func @transform_0(%arg0: i32) -> (i32, i32) {
    %c0_i32 = arith.constant 0 : i32
    %c0_i32_0 = arith.constant 0 : i32
    return %arg0, %c0_i32 : i32, i32
  }
  func.func @transform_1(%arg0: i32) -> (i32, i32) {
    %c0_i32 = arith.constant 0 : i32
    %c0_i32_0 = arith.constant 0 : i32
    %c0_i32_1 = arith.constant 0 : i32
    return %c0_i32, %c0_i32_0 : i32, i32
  }
  func.func @transform_2(%arg0: i32) -> (i32, i32) {
    %c0_i32 = arith.constant 0 : i32
    %c0_i32_0 = arith.constant 0 : i32
    %c0_i32_1 = arith.constant 0 : i32
    return %c0_i32, %c0_i32_0 : i32, i32
  }
  func.func @transform_3(%arg0: i32) -> (i32, i32, i32) {
    %c0_i32 = arith.constant 0 : i32
    %c0_i32_0 = arith.constant 0 : i32
    %c0_i32_1 = arith.constant 0 : i32
    return %c0_i32, %arg0, %c0_i32_0 : i32, i32, i32
  }
  func.func @transform_4(%arg0: i32) -> (i32, i32) {
    %c0_i32 = arith.constant 0 : i32
    %c0_i32_0 = arith.constant 0 : i32
    return %arg0, %c0_i32 : i32, i32
  }
  func.func @transform_5(%arg0: i32) -> (i32, i32) {
    %c0_i32 = arith.constant 0 : i32
    %c0_i32_0 = arith.constant 0 : i32
    return %arg0, %c0_i32 : i32, i32
  }
  func.func @transform_6(%arg0: i32) -> (i32, i32, i32) {
    %c0_i32 = arith.constant 0 : i32
    %c0_i32_0 = arith.constant 0 : i32
    %c0_i32_1 = arith.constant 0 : i32
    return %arg0, %c0_i32, %c0_i32_0 : i32, i32, i32
  }
}

</mosaic_0001>

<sc_bundles>
// kernel: kernel.5.cloned.1.call-start
scs
__scs_entry_jumppad:
0x0: {  	(pc) =	sbr.rel $0x88, $3  }
0x1: {  	(tag) =	ssettag $0x0;
	lr =	simm.s32 $0x1  }
0x2: {  	[smem:$0x3F99] =	sst lr;
	_ =	strace $0xD0000000  }
0x3: {  	_ = 	snop  }
0x4: {  	_ = 	snop  }
0x5: {  	_ = 	snop  }
0x6: {  	_ = 	snop  }
0x7: {  	_ = 	snop  }
__scs_overlays_trampoline_lowered:
0x8: {  	[smem:$0x3FA8] =	sst s0  }
0x9: {  	[smem:$0x3FA9] =	sst s1  }
0xa: {  	[smem:$0x3FAA] =	sst s2  }
0xb: {  	[smem:$0x3FAB] =	sst s3  }
0xc: {  	[smem:$0x3FAC] =	sst s4  }
0xd: {  	[smem:$0x3FAD] =	sst s5  }
0xe: {  	[smem:$0x3FAE] =	sst s6  }
0xf: {  	[smem:$0x3FAF] =	sst s7  }
0x10: {  	[smem:$0x3FB0] =	sst s8  }
0x11: {  	[smem:$0x3FB1] =	sst s9;
	s0 =	simm.s32 @!p0 $0x0  }
0x12: {  	s1 =	sld [smem:$0x3F97];
	s0 =	simm.s32 @p0 $0x1  }
0x13: {  	[smem:$0x3FB2] =	sst s0;
	s0 =	simm.s32 @!p1 $0x0  }
0x14: {  	s2 =	sld [smem:$0x3F96];
	s0 =	simm.s32 @p1 $0x1  }
0x15: {  	[smem:$0x3FB3] =	sst s0;
	s0 =	simm.s32 @!p2 $0x0  }
0x16: {  	s3 =	sld [smem:$0x3FDB];
	s0 =	simm.s32 @p2 $0x1  }
0x17: {  	s4 =	simm.s32 $0x1BF5;
	[smem:$0x3FB5] =	sst s0  }
0x18: {  	s0 =	sld [smem:$0x3F98];
	_ =	swait.ge [sflag:s4], $0x0  }
0x19: {  	s7 =	sld [smem:$0x3F99]  }
0x1a: {  	s8 =	sadd.s32 $0xFFFFE003, lr  }
0x1b: {  	s9 =	sadd.s32 $0xFFFFFEF7, lr;
	s5 =	simm.s32 $0xFFFFFFFF;
	p2 =	slt.u32 s8, $0xFFFFF086  }
0x1c: {  	p1 =	slt.u32 s9, $0xF7A;
	s5 =	simm.s32 @!p2 $0x0  }
0x1d: {  	s5 =	simm.s32 @p1 $0x1;
	p0 =	seq.s32 s7, s2  }
0x1e: {  	s7 =	smul.u32 @!p0 $0xF7A, s2;
	p2 =	seq.s32 @!p0 s5, $0x0  }
0x1f: {  	s9 =	smul.u32 $0xF7A, s1;
	s8 =	simm.s32 @!p0 $0x1BF5;
	p2 =	por !p2, p0  }
0x20: {  	[sflag:s8] =	ssyncset.s32 @!p0 $0xFFFFF086;
	s6 =	sadd.s32 @!p0 s3, s7;
	s7 =	simm.s32 @!p0 $0x108  }
0x21: {  	s3 =	sadd.s32 s3, s9;
	s6 =	sadd.s32 @!p0 $0x88, s6;
	s7 =	simm.s32 @p2 $0x1082  }
0x22: {  	[simem:s7], [sflag:s8] =	dma.local @!p0 [hbm:s6], $0xF7A  }
0x23: {  	s9 =	sor.u32 $0xD0000000, s2;
	s6 =	simm.s32 $0x108;
	_ =	swait.ge @!p0 [sflag:s8], $0x0  }
0x24: {  	s3 =	sadd.s32 $0x88, s3;
	s6 =	simm.s32 @!p1 $0x1082;
	[sflag:s4] =	ssyncset.s32 $0xFFFFF086  }
0x25: {  	[simem:s6], [sflag:s4] =	dma.local [hbm:s3], $0xF7A  }
0x26: {  	[smem:$0x3F99] =	sst s1;
	(tag) =	ssettag s2;
	_ =	strace s9  }
0x27: {  	s1 =	sld [smem:$0x3FA9]  }
0x28: {  	s2 =	sld [smem:$0x3FAA]  }
0x29: {  	s4 =	sld [smem:$0x3FAC]  }
0x2a: {  	p0 =	seq.s32 s5, $0x0;
	s5 =	sld [smem:$0x3FAD]  }
0x2b: {  	s6 =	sld [smem:$0x3FAE]  }
0x2c: {  	s7 =	sld [smem:$0x3FAF]  }
0x2d: {  	s3 =	simm.s32 $0x108;
	s8 =	sld [smem:$0x3FB0]  }
0x2e: {  	s3 =	simm.s32 @!p0 $0x1082;
	s9 =	sld [smem:$0x3FB1]  }
0x2f: {  	lr =	sadd.s32 s0, s3;
	s0 =	sld [smem:$0x3FA8]  }
0x30: {  	s3 =	sld [smem:$0x3FAB]  }
0x31: {  	[smem:$0x3FB4] =	sst s10  }
0x32: {  	s10 =	sld [smem:$0x3FB2];
	_ =	sdelay $0x3  }
0x33: {  	p0 =	seq.s32 s10, $0x1;
	s10 =	sld [smem:$0x3FB4];
	_ =	sdelay $0x3  }
0x34: {  	[smem:$0x3FB4] =	sst s10  }
0x35: {  	s10 =	sld [smem:$0x3FB3];
	_ =	sdelay $0x3  }
0x36: {  	p1 =	seq.s32 s10, $0x1;
	s10 =	sld [smem:$0x3FB4];
	_ =	sdelay $0x3  }
0x37: {  	[smem:$0x3FB4] =	sst s10  }
0x38: {  	s10 =	sld [smem:$0x3FB5]  }
0x39: {  	_ = 	snop;
	(pc) =	sbr.ind lr, $3  }
0x3a: {  	_ = 	snop  }
0x3b: {  	_ = 	snop  }
0x3c: {  	p2 =	seq.s32 s10, $0x1;
	s10 =	sld [smem:$0x3FB4]  }
0x3d: {  	_ =	shalt  }
0x3e: {  	_ =	shalt  }
0x3f: {  	_ =	shalt  }
0x40: {  	_ =	shalt  }
0x41: {  	_ =	shalt  }
0x42: {  	_ =	shalt  }
0x43: {  	_ =	shalt  }
0x44: {  	_ =	shalt  }
0x45: {  	_ =	shalt  }
0x46: {  	_ =	shalt  }
0x47: {  	_ =	shalt  }
0x48: {  	_ =	shalt  }
0x49: {  	_ =	shalt  }
0x4a: {  	_ =	shalt  }
0x4b: {  	_ =	shalt  }
0x4c: {  	_ =	shalt  }
0x4d: {  	_ =	shalt  }
0x4e: {  	_ =	shalt  }
0x4f: {  	_ =	shalt  }
0x50: {  	_ =	shalt  }
0x51: {  	_ =	shalt  }
0x52: {  	_ =	shalt  }
0x53: {  	_ =	shalt  }
0x54: {  	_ =	shalt  }
0x55: {  	_ =	shalt  }
0x56: {  	_ =	shalt  }
0x57: {  	_ =	shalt  }
0x58: {  	_ =	shalt  }
0x59: {  	_ =	shalt  }
0x5a: {  	_ =	shalt  }
0x5b: {  	_ =	shalt  }
0x5c: {  	_ =	shalt  }
0x5d: {  	_ =	shalt  }
0x5e: {  	_ =	shalt  }
0x5f: {  	_ =	shalt  }
0x60: {  	_ =	shalt  }
0x61: {  	_ =	shalt  }
0x62: {  	_ =	shalt  }
0x63: {  	_ =	shalt  }
0x64: {  	_ =	shalt  }
0x65: {  	_ =	shalt  }
0x66: {  	_ =	shalt  }
0x67: {  	_ =	shalt  }
0x68: {  	_ =	shalt  }
0x69: {  	_ =	shalt  }
0x6a: {  	_ =	shalt  }
0x6b: {  	_ =	shalt  }
0x6c: {  	_ =	shalt  }
0x6d: {  	_ =	shalt  }
0x6e: {  	_ =	shalt  }
0x6f: {  	_ =	shalt  }
0x70: {  	_ =	shalt  }
0x71: {  	_ =	shalt  }
0x72: {  	_ =	shalt  }
0x73: {  	_ =	shalt  }
0x74: {  	_ =	shalt  }
0x75: {  	_ =	shalt  }
0x76: {  	_ =	shalt  }
0x77: {  	_ =	shalt  }
0x78: {  	_ =	shalt  }
0x79: {  	_ =	shalt  }
0x7a: {  	_ =	shalt  }
0x7b: {  	_ =	shalt  }
0x7c: {  	_ =	shalt  }
0x7d: {  	_ =	shalt  }
0x7e: {  	_ =	shalt  }
0x7f: {  	_ =	shalt  }
0x80: {  	_ =	shalt  }
0x81: {  	_ =	shalt  }
0x82: {  	_ =	shalt  }
0x83: {  	_ =	shalt  }
0x84: {  	_ =	shalt  }
0x85: {  	_ =	shalt  }
0x86: {  	_ =	shalt  }
0x87: {  	_ =	shalt  }
.Lfunc_end0:
.L_simem_size_0:
called_computation_lowered:
.L_overlay_start_0:
0x88: {  	s2 =	sld [smem:$0x3FD9]  }
0x89: {  	s3 =	sld [smem:$0x3FFE];
	_ =	sdelay $0x1  }
0x8a: {  	s1 =	srdreg.scid  }
0x8b: {  	s0 =	sand.u32 $0x1, s1  }
0x8c: {  	s16 =	sshll.u32 s0, $0xA;
	s2 =	sadd.s32 s3, s2  }
0x8d: {  	s2 =	sadd.s32 s2, s16  }
0x8e: {  	[smem:$0x3FC0] =	sst s2  }
0x8f: {  	_ = 	snop  }
0x90: {  	(tm) =	ssettm $0x1  }
0x91: {  	s17 =	sld [smem:$0x3FFB];
	_ =	sdelay $0x3  }
0x92: {  	_ =	strace s17  }
0x93: {  	s2 =	sld [smem:$0x3FFC];
	_ =	sdelay $0x3  }
0x94: {  	_ =	strace s2  }
0x95: {  	s2 =	sld [smem:$0x3FFD];
	_ =	sdelay $0x3  }
0x96: {  	_ =	strace s2  }
0x97: {  	_ =	strace $0x8FFFFFFF  }
0x98: {  	s18 =	sld [smem:$0x3FDB];
	_ =	sdelay $0x1  }
0x99: {  	s19 =	simm.s32 $_scs_section_size  }
0x9a: {  	s4 =	simm.s32 $_size__tile_overlayer_lowered;
	s5 =	simm.s32 $_tile_overlayer_lowered  }
0x9b: {  	s22 =	simm.s32 $0x1BFF;
	s21 =	sshll.u32 s5, $0x1;
	s2 =	sadd.s32 s19, s18  }
0x9c: {  	s6 =	simm.s32 $0x0;
	s20 =	sshll.u32 s4, $0x1;
	s4 =	sadd.s32 s21, s2  }
0x9d: {  	[timem:s6], [sflag:s22] =	dma.local [hbm:s4], s20  }
0x9e: {  	_ =	swait.ge [sflag:s22], s20  }
0x9f: {  	s3 =	ssub.s32 $0x0, s20;
	[sflag:s22] =	ssyncset.done $0x0  }
0xa0: {  	[sflag:s22] =	ssyncadd.s32 s3;
	_ =	sdelay $0x1  }
0xa1: {  	s23 =	simm.s32 $0x1B8B  }
0xa2: {  	_ =	swait.ge [sflag:s23], $0x1  }
0xa3: {  	[sflag:s23] =	ssyncset.done $0x0  }
0xa4: {  	s25 =	simm.s32 $0x1B8E;
	s24 =	sld [smem:$0x3FFE];
	[sflag:s23] =	ssyncadd.s32 $0xFFFFFFFF  }
0xa5: {  	s26 =	simm.s32 $execute0_lowered;
	[smem:$0x3FD2] =	sst s25  }
0xa6: {  	s4 =	sshll.u32 s26, $0x1;
	_ =	strace $0x80000046;
	[dreg:$0x1] =	wrdreg $0xFFFFFFFF  }
0xa7: {  	s28 =	simm.s32 $_size_execute0_lowered;
	s2 =	sadd.s32 s2, s4;
	[dreg:$0x0] =	wrdreg $0x0  }
0xa8: {  	s4 =	sshll.u32 s28, $0x1;
	[dreg:$0x2] =	wrdreg s2  }
0xa9: {  	[dreg:$0x3] =	wrdreg s4  }
0xaa: {  	[dreg:$0x4] =	wrdreg $0xC0  }
0xab: {  	_ =	task [dreg:s6], $0x5FFFF  }
0xac: {  	[dreg:$0x1] =	wrdreg $0xFFFFFFFF  }
0xad: {  	[dreg:$0x0] =	wrdreg $0x60  }
0xae: {  	[dreg:$0x2] =	wrdreg s24  }
0xaf: {  	[dreg:$0x3] =	wrdreg $0xA2800  }
0xb0: {  	[dreg:$0x4] =	wrdreg $0x9  }
0xb1: {  	_ =	task.clear_ibuf [dreg:s6], $0x5FFFF;
	_ =	strace $0x90000046  }
0xb2: {  	s29 =	simm.s32 $0x9;
	_ =	strace $0x80000048  }
0xb3: {  	_ =	swait.ge [sflag:s29], $0x1  }
0xb4: {  	[sflag:s29] =	ssyncadd.s32 $0xFFFFFFFF  }
0xb5: {  	_ =	strace $0x90000048  }
0xb6: {  	_ =	sfence  }
0xb7: {  	s30 =	sld [smem:$0x0];
	_ =	sdelay $0x2  }
0xb8: {  	s31 =	sshll.u32 s1, $0xD;
	s1 =	sshrl.u32 s1, $0x2  }
0xb9: {  	s3 =	sand.u32 $0x4000, s31;
	s1 =	sadd.s32 s1, s30  }
0xba: {  	s0 =	sor.u32 s3, s0;
	s1 =	sshll.u32 s1, $0x11  }
0xbb: {  	s0 =	sor.u32 s1, s0  }
0xbc: {  	s0 =	sadd.s32 $0x8F2B, s0  }
0xbd: {  	[sflag:s0] =	ssyncadd.remote.s32 $0x1  }
0xbe: {  	_ =	sfence.sel $0xFFFF  }
0xbf: {  	[dreg:$0x0] =	wrdreg $0xFFFFFFFF;
	(pc) =	sbr.abs _section_cstart, $3  }
0xc0: {  	[dreg:$0x1] =	wrdreg $0xFFFFFFFF  }
0xc1: {  	_ =	task.clear_ibuf [dreg:s6], $0x2FFFF;
	_ =	strace $0x9FFFFFFF  }
0xc2: {  	(tm) =	ssettm $0x7FFFFFFF  }
0xc3: {  	_ =	shalt  }
tec
execute0_lowered:
.L_overlay_start_1:
0x0: {  	(tag) =	ssettag $0x1  }
0x1: {  	s0 =	rddreg [dreg:$0x0]  }
0x2: {  	s1 =	rddreg [dreg:$0x1];
	s3 =	simm.s32 $0x0;
	s2 =	srdreg.scid  }
0x3: {  	s15 =	stileid.u32;
	[smem:$0x7FF] =	sst s3  }
0x4: {  	s2 =	sand.u32 $0x1, s2;
	s10 =	smul.u32 $0x14000, s15;
	s6 =	sadd.s32 $0x6E2E00, s0  }
0x5: {  	s4 =	sadd.s32 $0xE00, s0;
	s7 =	sadd.s32 $0x1BAE00, s0;
	s11 =	smul.u32 $0x50000, s15  }
0x6: {  	s5 =	sadd.s32 $0x29E00, s0;
	s8 =	sadd.s32 $0x192E00, s0;
	s22 =	sadd.s32 $0x800, s0  }
0x7: {  	s23 =	sshll.u32 s15, $0x1;
	s30 =	smul.u32 $0x5000, s15;
	s11 =	sshrl.u32 s11, $0x2  }
0x8: {  	_ =	strace $0x80000047;
	[dreg:$0x3] =	wrdreg s22;
	s16 =	sadd.s32 s11, s1  }
0x9: {  	s9 =	smul.u32 $0x140000, s2;
	s24 =	sadd.s32 $0x1000, s16;
	[dreg:$0x4] =	wrdreg s16  }
0xa: {  	s13 =	ssub.s32 $0x2, s2;
	s25 =	sadd.s32 $0x2000, s16;
	[dreg:$0x5] =	wrdreg s24  }
0xb: {  	s14 =	sshrl.u32 s13, $0x1;
	s26 =	sadd.s32 $0x3000, s16;
	[dreg:$0x6] =	wrdreg s25  }
0xc: {  	s11 =	ssub.s32 s13, s14;
	s17 =	sadd.s32 $0x4000, s16;
	[dreg:$0x7] =	wrdreg s26  }
0xd: {  	s9 =	sadd.s32 s10, s9;
	[dreg:$0x8] =	wrdreg s17;
	s24 =	smax.u32 s11, $0x1  }
0xe: {  	s10 =	sadd.s32 $0xBEAE00, s0;
	s25 =	sadd.s32 $0x5000, s16;
	[dreg:$0x10] =	wrdreg s24  }
0xf: {  	s9 =	sshrl.u32 s9, $0x3;
	s26 =	sadd.s32 $0x6000, s16;
	[dreg:$0x11] =	wrdreg s25  }
0x10: {  	s0 =	sadd.s32 s9, s0;
	s11 =	sadd.s32 $0x9000, s16;
	[dreg:$0x12] =	wrdreg s26  }
0x11: {  	s9 =	sor.u32 s2, s23;
	s17 =	sadd.s32 $0xB000, s16;
	[dreg:$0x15] =	wrdreg s11  }
0x12: {  	s12 =	smul.u32 $0xA400, s9;
	s0 =	sadd.s32 $0x52E00, s0;
	[dreg:$0x17] =	wrdreg s17  }
0x13: {  	s14 =	smul.u32 $0x142000, s9;
	s9 =	sadd.s32 $0x8000, s16;
	[dreg:$0xf] =	wrdreg s0  }
0x14: {  	s2 =	smul.u32 $0x2800, s2;
	s24 =	sadd.s32 $0x12000, s16;
	[dreg:$0x14] =	wrdreg s9  }
0x15: {  	s25 =	sadd.s32 $0x13000, s16;
	[dreg:$0x1e] =	wrdreg s24  }
0x16: {  	s2 =	sadd.s32 s2, s30;
	s30 =	sadd.s32 $0x7000, s16;
	[dreg:$0x1f] =	wrdreg s25  }
0x17: {  	[dreg:$0x13] =	wrdreg s30  }
0x18: {  	s18 =	sshrl.u32 s12, $0x3;
	[dreg:$0xc] =	wrdreg s2;
	s30 =	sor.u32 $0x20, s2  }
0x19: {  	s19 =	sadd.s32 s4, s18;
	[smem:$0x7FD] =	sst s30  }
0x1a: {  	s21 =	sshrl.u32 s14, $0x3;
	s20 =	sadd.s32 s5, s18;
	[dreg:$0x9] =	wrdreg s19  }
0x1b: {  	s13 =	sor.u32 $0x10, s18;
	s18 =	sadd.s32 $0xC000, s16;
	[dreg:$0xa] =	wrdreg s20  }
0x1c: {  	s15 =	sadd.s32 s6, s21;
	s21 =	sadd.s32 $0xF000, s16;
	[dreg:$0x18] =	wrdreg s18  }
0x1d: {  	s28 =	simm.s32 $0x1;
	s29 =	simm.s32 $0x100;
	[dreg:$0x1b] =	wrdreg s21  }
0x1e: {  	s31 =	simm.s32 $0x80;
	s22 =	sadd.s32 s4, s13;
	[dreg:$0xb] =	wrdreg s15  }
0x1f: {  	s11 =	simm.s32 $0x0;
	s23 =	sadd.s32 s5, s13;
	[dreg:$0xd] =	wrdreg s22  }
0x20: {  	s25 =	simm.s32 $0x6200;
	s13 =	sadd.s32 $0xA000, s16;
	[dreg:$0xe] =	wrdreg s23  }
0x21: {  	s0 =	simm.s32 $0x180;
	s19 =	sadd.s32 $0xD000, s16;
	[dreg:$0x16] =	wrdreg s13  }
0x22: {  	s9 =	simm.s32 $0x20;
	s20 =	sadd.s32 $0xE000, s16;
	[dreg:$0x19] =	wrdreg s19  }
0x23: {  	s26 =	sadd.s32 $0x200, s15;
	s18 =	simm.s32 $0x3;
	[dreg:$0x1a] =	wrdreg s20  }
0x24: {  	v0 =	vimm.f32 $0.0e+00;
	vm0 =	vcmask $0xF00;
	s21 =	simm.s32 $0x9200;
	s22 =	sadd.s32 $0x10000, s16;
	[smem:$0x7FC] =	sst s26  }
0x25: {  	vm15 =	vcmask $0x1F10;
	vm1 =	vcmask $0x2320;
	v3 =	vimm.f32 $1.000000000e+00;
	s23 =	sadd.s32 $0x11000, s16;
	s26 =	simm.s32 $0x5;
	[dreg:$0x1c] =	wrdreg s22  }
0x26: {  	v1 =	vsel vm0, $0x3F800000, v0;
	v2 =	vsel vm15, $0x3F800000, v0;
	v4 =	vsel vm1, $0x3F800000, v0;
	s20 =	simm.s32 $0x2;
	[dreg:$0x1d] =	wrdreg s23;
	s22 =	simm.s32 $0x4  }
.LBB2_1:
0x27: {  	[smem:$0x7FB] =	sst s11;
	s2 =	simm.s32 $0x0;
	s11 =	simm.s32 $0x200  }
.LBB2_2:
0x28: {  	p0 =	sne.s32 s11, $0x3E00;
	[tilespmem:s2+$0x6270] =	vst v0  }
0x29: {  	[tilespmem:s2+$0x6200] =	vst v0  }
0x2a: {  	[tilespmem:s2+$0x6210] =	vst v0  }
.Ltmp0:
0x2b: {  	[tilespmem:s2+$0x6220] =	vst v0;
	(pc) =	sbr.rel @p0 .LBB2_2-.Ltmp0, $4  }
0x2c: {  	[tilespmem:s2+$0x6230] =	vst v0  }
0x2d: {  	[tilespmem:s2+$0x6240] =	vst v0  }
0x2e: {  	[tilespmem:s2+$0x6250] =	vst v0  }
0x2f: {  	[tilespmem:s2+$0x6260] =	vst v0;
	s2 =	sshra.s32 s11, $0x2;
	s11 =	sadd.s32 $0x200, s11  }
0x30: {  	[tilespmem:s2+$0x6270] =	vst v0  }
0x31: {  	[tilespmem:s2+$0x6200] =	vst v0  }
0x32: {  	[tilespmem:s2+$0x6210] =	vst v0  }
0x33: {  	[tilespmem:s2+$0x6220] =	vst v0  }
0x34: {  	[tilespmem:s2+$0x6230] =	vst v0  }
0x35: {  	[tilespmem:s2+$0x6240] =	vst v0  }
0x36: {  	[tilespmem:s2+$0x6250] =	vst v0  }
0x37: {  	[tilespmem:s2+$0x6260] =	vst v0  }
0x38: {  	[spmem:s16] =	stream.linear.scatter [tilespmem:s25], [sflag:$0x5], $0x1000, $0x38;
	[tilespmem:$0x1E280] =	vst v63  }
0x39: {  	_ =	swait.ge [sflag:s26], $0x1000  }
0x3a: {  	[sflag:s26] =	ssyncset.done $0x0  }
0x3b: {  	s16 =	rddreg [dreg:$0x5];
	[sflag:s26] =	ssyncadd.s32 $0xFFFFF000  }
0x3c: {  	[spmem:s16] =	stream.linear.scatter [tilespmem:s25], [sflag:$0x5], $0x1000, $0x38;
	[tilespmem:$0x1E280] =	vst v63  }
0x3d: {  	_ =	swait.ge [sflag:s26], $0x1000  }
0x3e: {  	[sflag:s26] =	ssyncset.done $0x0  }
0x3f: {  	s17 =	rddreg [dreg:$0x6];
	[sflag:s26] =	ssyncadd.s32 $0xFFFFF000  }
0x40: {  	[spmem:s17] =	stream.linear.scatter [tilespmem:s25], [sflag:$0x5], $0x1000, $0x38;
	[tilespmem:$0x1E280] =	vst v63  }
0x41: {  	_ =	swait.ge [sflag:s26], $0x1000  }
0x42: {  	[sflag:s26] =	ssyncset.done $0x0  }
0x43: {  	s19 =	rddreg [dreg:$0x7];
	[sflag:s26] =	ssyncadd.s32 $0xFFFFF000  }
0x44: {  	[spmem:s19] =	stream.linear.scatter [tilespmem:s25], [sflag:$0x5], $0x1000, $0x38;
	[tilespmem:$0x1E280] =	vst v63  }
0x45: {  	_ =	swait.ge [sflag:s26], $0x1000  }
0x46: {  	[sflag:s26] =	ssyncset.done $0x0  }
0x47: {  	s23 =	rddreg [dreg:$0x8];
	[sflag:s26] =	ssyncadd.s32 $0xFFFFF000  }
0x48: {  	[spmem:s23] =	stream.linear.scatter [tilespmem:s25], [sflag:$0x5], $0x1000, $0x38;
	[tilespmem:$0x1E280] =	vst v63  }
0x49: {  	_ =	swait.ge [sflag:s26], $0x1000  }
0x4a: {  	[sflag:s26] =	ssyncset.done $0x0  }
0x4b: {  	s24 =	rddreg [dreg:$0x11];
	[sflag:s26] =	ssyncadd.s32 $0xFFFFF000  }
0x4c: {  	[spmem:s24] =	stream.linear.scatter [tilespmem:s25], [sflag:$0x5], $0x1000, $0x38;
	[tilespmem:$0x1E280] =	vst v63  }
0x4d: {  	_ =	swait.ge [sflag:s26], $0x1000  }
0x4e: {  	[sflag:s26] =	ssyncset.done $0x0  }
0x4f: {  	s11 =	rddreg [dreg:$0x12];
	[sflag:s26] =	ssyncadd.s32 $0xFFFFF000  }
0x50: {  	[spmem:s11] =	stream.linear.scatter [tilespmem:s25], [sflag:$0x5], $0x1000, $0x38;
	[tilespmem:$0x1E280] =	vst v63  }
0x51: {  	_ =	swait.ge [sflag:s26], $0x1000  }
0x52: {  	[sflag:s26] =	ssyncset.done $0x0  }
0x53: {  	s13 =	rddreg [dreg:$0x13];
	[sflag:s26] =	ssyncadd.s32 $0xFFFFF000  }
0x54: {  	[spmem:s13] =	stream.linear.scatter [tilespmem:s25], [sflag:$0x5], $0x1000, $0x38;
	[tilespmem:$0x1E280] =	vst v63  }
0x55: {  	_ =	swait.ge [sflag:s26], $0x1000  }
0x56: {  	[sflag:s26] =	ssyncset.done $0x0  }
0x57: {  	s15 =	rddreg [dreg:$0x14];
	[sflag:s26] =	ssyncadd.s32 $0xFFFFF000  }
0x58: {  	[spmem:s15] =	stream.linear.scatter [tilespmem:s25], [sflag:$0x5], $0x1000, $0x38;
	[tilespmem:$0x1E280] =	vst v63  }
0x59: {  	_ =	swait.ge [sflag:s26], $0x1000  }
0x5a: {  	[sflag:s26] =	ssyncset.done $0x0  }
0x5b: {  	s16 =	rddreg [dreg:$0x15];
	[sflag:s26] =	ssyncadd.s32 $0xFFFFF000  }
0x5c: {  	[spmem:s16] =	stream.linear.scatter [tilespmem:s25], [sflag:$0x5], $0x1000, $0x38;
	[tilespmem:$0x1E280] =	vst v63  }
0x5d: {  	_ =	swait.ge [sflag:s26], $0x1000  }
0x5e: {  	[sflag:s26] =	ssyncset.done $0x0  }
0x5f: {  	s17 =	rddreg [dreg:$0x16];
	[sflag:s26] =	ssyncadd.s32 $0xFFFFF000  }
0x60: {  	[spmem:s17] =	stream.linear.scatter [tilespmem:s25], [sflag:$0x5], $0x1000, $0x38;
	[tilespmem:$0x1E280] =	vst v63  }
0x61: {  	_ =	swait.ge [sflag:s26], $0x1000  }
0x62: {  	[sflag:s26] =	ssyncset.done $0x0  }
0x63: {  	s19 =	rddreg [dreg:$0x17];
	[sflag:s26] =	ssyncadd.s32 $0xFFFFF000  }
0x64: {  	[spmem:s19] =	stream.linear.scatter [tilespmem:s25], [sflag:$0x5], $0x1000, $0x38;
	[tilespmem:$0x1E280] =	vst v63  }
0x65: {  	_ =	swait.ge [sflag:s26], $0x1000  }
0x66: {  	[sflag:s26] =	ssyncset.done $0x0  }
0x67: {  	s23 =	rddreg [dreg:$0x18];
	[sflag:s26] =	ssyncadd.s32 $0xFFFFF000  }
0x68: {  	[spmem:s23] =	stream.linear.scatter [tilespmem:s25], [sflag:$0x5], $0x1000, $0x38;
	[tilespmem:$0x1E280] =	vst v63  }
0x69: {  	_ =	swait.ge [sflag:s26], $0x1000  }
0x6a: {  	[sflag:s26] =	ssyncset.done $0x0  }
0x6b: {  	s24 =	rddreg [dreg:$0x19];
	[sflag:s26] =	ssyncadd.s32 $0xFFFFF000  }
0x6c: {  	[spmem:s24] =	stream.linear.scatter [tilespmem:s25], [sflag:$0x5], $0x1000, $0x38;
	[tilespmem:$0x1E280] =	vst v63  }
0x6d: {  	_ =	swait.ge [sflag:s26], $0x1000  }
0x6e: {  	[sflag:s26] =	ssyncset.done $0x0  }
0x6f: {  	s11 =	rddreg [dreg:$0x1a];
	[sflag:s26] =	ssyncadd.s32 $0xFFFFF000  }
0x70: {  	[spmem:s11] =	stream.linear.scatter [tilespmem:s25], [sflag:$0x5], $0x1000, $0x38;
	[tilespmem:$0x1E280] =	vst v63  }
0x71: {  	_ =	swait.ge [sflag:s26], $0x1000  }
0x72: {  	[sflag:s26] =	ssyncset.done $0x0  }
0x73: {  	s13 =	rddreg [dreg:$0x1b];
	[sflag:s26] =	ssyncadd.s32 $0xFFFFF000  }
0x74: {  	[spmem:s13] =	stream.linear.scatter [tilespmem:s25], [sflag:$0x5], $0x1000, $0x38;
	[tilespmem:$0x1E280] =	vst v63  }
0x75: {  	_ =	swait.ge [sflag:s26], $0x1000  }
0x76: {  	[sflag:s26] =	ssyncset.done $0x0  }
0x77: {  	s15 =	rddreg [dreg:$0x1c];
	[sflag:s26] =	ssyncadd.s32 $0xFFFFF000  }
0x78: {  	[spmem:s15] =	stream.linear.scatter [tilespmem:s25], [sflag:$0x5], $0x1000, $0x38;
	[tilespmem:$0x1E280] =	vst v63  }
0x79: {  	_ =	swait.ge [sflag:s26], $0x1000  }
0x7a: {  	[sflag:s26] =	ssyncset.done $0x0  }
0x7b: {  	s16 =	rddreg [dreg:$0x1d];
	[sflag:s26] =	ssyncadd.s32 $0xFFFFF000  }
0x7c: {  	[spmem:s16] =	stream.linear.scatter [tilespmem:s25], [sflag:$0x5], $0x1000, $0x38;
	[tilespmem:$0x1E280] =	vst v63  }
0x7d: {  	_ =	swait.ge [sflag:s26], $0x1000  }
0x7e: {  	[sflag:s26] =	ssyncset.done $0x0  }
0x7f: {  	s17 =	rddreg [dreg:$0x1e];
	[sflag:s26] =	ssyncadd.s32 $0xFFFFF000  }
0x80: {  	[spmem:s17] =	stream.linear.scatter [tilespmem:s25], [sflag:$0x5], $0x1000, $0x38;
	[tilespmem:$0x1E280] =	vst v63  }
0x81: {  	_ =	swait.ge [sflag:s26], $0x1000  }
0x82: {  	[sflag:s26] =	ssyncset.done $0x0  }
0x83: {  	s19 =	rddreg [dreg:$0x1f];
	[sflag:s26] =	ssyncadd.s32 $0xFFFFF000  }
0x84: {  	[spmem:s19] =	stream.linear.scatter [tilespmem:s25], [sflag:$0x5], $0x1000, $0x38;
	[tilespmem:$0x1E280] =	vst v63  }
0x85: {  	_ =	swait.ge [sflag:s26], $0x1000  }
0x86: {  	[sflag:s26] =	ssyncset.done $0x0  }
0x87: {  	[sflag:s26] =	ssyncadd.s32 $0xFFFFF000  }
0x88: {  	[bflag:$0x0] =	sbarrier.arrive $0xFFFF  }
0x89: {  	s11 =	simm.s32 $0x0;
	s13 =	simm.s32 $0xA200;
	s23 =	rddreg [dreg:$0x3]  }
0x8a: {  	[tilespmem:s13], [sflag:$0x1] =	stream.linear.gather [hbm4b:s23+s11], $0x80, $0x38;
	[tilespmem:$0x1E280] =	vst v63  }
0x8b: {  	_ =	swait.ge [sflag:s28], $0x80  }
0x8c: {  	s24 =	rddreg [dreg:$0x9]  }
0x8d: {  	[sflag:s28] =	ssyncset.done $0x0;
	s13 =	rddreg [dreg:$0xa]  }
0x8e: {  	s15 =	rddreg [dreg:$0xb];
	[sflag:s28] =	ssyncadd.s32 $0xFFFFFF80  }
0x8f: {  	[tilespmem:s11], [sflag:$0x1] =	stream.linear.gather [hbm4b:s24+s11], $0x80, $0x38;
	[tilespmem:$0x1E280] =	vst v63  }
0x90: {  	s17 =	rddreg [dreg:$0xd]  }
0x91: {  	[tilespmem:s29], [sflag:$0x1] =	stream.linear.gather [hbm4b:s13+s11], $0x80, $0x38;
	[tilespmem:$0x1E280] =	vst v63  }
0x92: {  	s16 =	simm.s32 $0x4200;
	s19 =	rddreg [dreg:$0xe]  }
0x93: {  	[tilespmem:s16], [sflag:$0x1] =	stream.linear.gather [hbm4b:s15+s11], $0x1000, $0x38;
	[tilespmem:$0x1E280] =	vst v63  }
0x94: {  	s23 =	sld [smem:$0x7FC]  }
0x95: {  	[tilespmem:s31], [sflag:$0x2] =	stream.linear.gather [hbm4b:s17+s11], $0x80, $0x38;
	[tilespmem:$0x1E280] =	vst v63  }
0x96: {  	s30 =	sld [smem:$0x7FD]  }
0x97: {  	[tilespmem:s0], [sflag:$0x2] =	stream.linear.gather [hbm4b:s19+s11], $0x80, $0x38;
	[tilespmem:$0x1E280] =	vst v63  }
0x98: {  	s24 =	simm.s32 $0x5200;
	s13 =	rddreg [dreg:$0xc];
	s15 =	simm.s32 $0x0  }
0x99: {  	[tilespmem:s24], [sflag:$0x2] =	stream.linear.gather [hbm4b:s23+s11], $0x1000, $0x38;
	[tilespmem:$0x1E280] =	vst v63  }
.LBB2_4:
0x9a: {  	_ =	swait.ge [sflag:s28], $0x80  }
0x9b: {  	[sflag:s28] =	ssyncset.done $0x0  }
0x9c: {  	[sflag:s28] =	ssyncadd.s32 $0xFFFFFF80  }
0x9d: {  	_ =	swait.ge [sflag:s28], $0x80  }
0x9e: {  	[sflag:s28] =	ssyncset.done $0x0  }
0x9f: {  	[sflag:s28] =	ssyncadd.s32 $0xFFFFFF80  }
0xa0: {  	_ =	swait.ge [sflag:s28], $0x1000  }
0xa1: {  	[sflag:s28] =	ssyncset.done $0x0  }
0xa2: {  	s2 =	simm.s32 $0x200;
	[sflag:s28] =	ssyncadd.s32 $0xFFFFF000  }
0xa3: {  	[tilespmem:s2], [sflag:$0x3] =	stream.indirect.gather [hbm4b:s7+s9], $0x80, s11, s9, $0xb8;
	[tilespmem:$0x1E280] =	vst v63  }
0xa4: {  	s19 =	simm.s32 $0x2200  }
0xa5: {  	[tilespmem:s19], [sflag:$0x3] =	stream.indirect.gather [hbm4b:s8+s9], $0x80, s29, s9, $0xb8;
	[tilespmem:$0x1E280] =	vst v63  }
0xa6: {  	_ =	swait.ge [sflag:s20], $0x80  }
0xa7: {  	[sflag:s20] =	ssyncset.done $0x0  }
0xa8: {  	[sflag:s20] =	ssyncadd.s32 $0xFFFFFF80  }
0xa9: {  	_ =	swait.ge [sflag:s20], $0x80  }
0xaa: {  	[sflag:s20] =	ssyncset.done $0x0  }
0xab: {  	[sflag:s20] =	ssyncadd.s32 $0xFFFFFF80  }
0xac: {  	_ =	swait.ge [sflag:s20], $0x1000  }
0xad: {  	[sflag:s20] =	ssyncset.done $0x0  }
0xae: {  	s23 =	simm.s32 $0x1200;
	[sflag:s20] =	ssyncadd.s32 $0xFFFFF000  }
0xaf: {  	[tilespmem:s23], [sflag:$0x4] =	stream.indirect.gather [hbm4b:s7+s9], $0x80, s31, s9, $0xb8;
	[tilespmem:$0x1E280] =	vst v63  }
0xb0: {  	s24 =	simm.s32 $0x3200  }
0xb1: {  	[tilespmem:s24], [sflag:$0x4] =	stream.indirect.gather [hbm4b:s8+s9], $0x80, s0, s9, $0xb8;
	[tilespmem:$0x1E280] =	vst v63  }
0xb2: {  	_ =	swait.ge [sflag:s18], $0x1000  }
0xb3: {  	[sflag:s18] =	ssyncset.done $0x0  }
0xb4: {  	[sflag:s18] =	ssyncadd.s32 $0xFFFFF000  }
0xb5: {  	_ =	swait.ge [sflag:s18], $0x1000  }
0xb6: {  	[sflag:s18] =	ssyncset.done $0x0  }
0xb7: {  	s16 =	simm.s32 $0x0;
	[sflag:s18] =	ssyncadd.s32 $0xFFFFF000  }
0xb8: {  	v6 =	vld [tilespmem:s16+$0x200]  }
0xb9: {  	v7 =	vld [tilespmem:s16+$0x2200];
	_ =	sdelay $0x1  }
0xba: {  	v5 =	vld [tilespmem:s16+$0x4200];
	_ =	sdelay $0x2  }
0xbb: {  	v6 =	vadd.f32 v7, v6;
	_ =	sdelay $0x1  }
0xbc: {  	v7 =	vld [tilespmem:$0xA200];
	v6 =	vadd.f32 v6, v5;
	_ =	sdelay $0x1  }
0xbd: {  	v8 =	vmul.f32 $2.000000030e-01, v6  }
0xbe: {  	vm0 =	vge.f32 v6, $0.0e+00  }
0xbf: {  	v6 =	vsel vm0, v6, v8  }
0xc0: {  	v6 =	vsub.f32 v6, v7;
	_ =	sdelay $0x1  }
0xc1: {  	v6 =	vmul.f32 $1.442695020e+00, v6;
	_ =	sdelay $0x1  }
0xc2: {  	(erf) = vpow2.f32 v6;
	_ =	sdelay $0x7  }
0xc3: {  	p0 =	slt.s32 s13, $0x4E200  }
0xc4: {  	v6 =	vpsel !p0, $0x0, v3;
	v7 =	vpop (erf)  }
0xc5: {  	s2 =	simm.s32 $0x80;
	v8 =	vmul.f32 v7, v6  }
0xc6: {  	s17 =	smov.u32 s13;
	s19 =	simm.s32 $0x400;
	v7 =	vld [tilespmem:s2+$0x200]  }
.LBB2_5:
0xc7: {  	p0 =	sne.s32 s19, $0x3E00;
	v9 =	vld [tilespmem:s2+$0x2200];
	v8 =	vmul.f32 v1, v8;
	v10 =	vmul.f32 v2, v5;
	_ =	sdelay $0x1  }
0xc8: {  	v6 =	vmul.f32 v4, v6;
	v5 =	vld [tilespmem:s2+$0x4200];
	[tilespmem:s16+$0x8200] =	vst v8;
	v8 =	vadd.f32 v8, v10;
	_ =	sdelay $0x1  }
0xc9: {  	v6 =	vadd.f32 v8, v6  }
0xca: {  	v7 =	vadd.f32 v9, v7  }
0xcb: {  	[tilespmem:s16+$0x6200] =	vst v6;
	s16 =	smov.u32 s2  }
0xcc: {  	v6 =	vld [tilespmem:$0xA200];
	v7 =	vadd.f32 v7, v5;
	_ =	sdelay $0x1  }
0xcd: {  	v8 =	vmul.f32 $2.000000030e-01, v7  }
0xce: {  	vm0 =	vge.f32 v7, $0.0e+00  }
0xcf: {  	v7 =	vsel vm0, v7, v8  }
0xd0: {  	v6 =	vsub.f32 v7, v6;
	_ =	sdelay $0x1  }
0xd1: {  	v6 =	vmul.f32 $1.442695020e+00, v6;
	_ =	sdelay $0x1  }
0xd2: {  	(erf) = vpow2.f32 v6;
	_ =	sdelay $0x6  }
.Ltmp1:
0xd3: {  	s17 =	sadd.s32 $0x1, s17;
	(pc) =	sbr.rel @p0 .LBB2_5-.Ltmp1, $4  }
0xd4: {  	p1 =	slt.s32 s17, $0x4E200  }
0xd5: {  	v6 =	vpsel !p1, $0x0, v3;
	v7 =	vpop (erf)  }
0xd6: {  	s2 =	sshra.s32 s19, $0x2;
	v8 =	vmul.f32 v7, v6  }
0xd7: {  	s19 =	sadd.s32 $0x200, s19;
	v7 =	vld [tilespmem:s2+$0x200]  }
0xd8: {  	v9 =	vld [tilespmem:s2+$0x2200];
	v8 =	vmul.f32 v1, v8;
	v5 =	vmul.f32 v2, v5;
	_ =	sdelay $0x1  }
0xd9: {  	v10 =	vld [tilespmem:s2+$0x4200];
	v6 =	vmul.f32 v4, v6;
	v5 =	vadd.f32 v8, v5;
	_ =	sdelay $0x1  }
0xda: {  	v5 =	vadd.f32 v5, v6  }
0xdb: {  	[tilespmem:s16+$0x8200] =	vst v8;
	v6 =	vadd.f32 v9, v7  }
0xdc: {  	[tilespmem:s16+$0x6200] =	vst v5  }
0xdd: {  	v5 =	vld [tilespmem:$0xA200];
	v6 =	vadd.f32 v6, v10;
	_ =	sdelay $0x1  }
0xde: {  	v7 =	vmul.f32 $2.000000030e-01, v6  }
0xdf: {  	vm0 =	vge.f32 v6, $0.0e+00  }
0xe0: {  	v6 =	vsel vm0, v6, v7  }
0xe1: {  	v5 =	vsub.f32 v6, v5;
	_ =	sdelay $0x1  }
0xe2: {  	v5 =	vmul.f32 $1.442695020e+00, v5;
	_ =	sdelay $0x1  }
0xe3: {  	(erf) = vpow2.f32 v5;
	_ =	sdelay $0x6  }
0xe4: {  	s19 =	sadd.s32 $0x1, s17  }
0xe5: {  	p0 =	slt.s32 s19, $0x4E200  }
0xe6: {  	v5 =	vpsel !p0, $0x0, v3;
	v6 =	vpop (erf)  }
0xe7: {  	v6 =	vmul.f32 v6, v5;
	_ =	sdelay $0x1  }
0xe8: {  	v7 =	vmul.f32 v2, v10;
	v6 =	vmul.f32 v1, v6;
	_ =	sdelay $0x1  }
0xe9: {  	v5 =	vmul.f32 v4, v5;
	v7 =	vadd.f32 v6, v7;
	_ =	sdelay $0x1  }
0xea: {  	v5 =	vadd.f32 v7, v5  }
0xeb: {  	[tilespmem:s2+$0x8200] =	vst v6  }
0xec: {  	s23 =	sshll.u32 s15, $0xD;
	[tilespmem:s2+$0x6200] =	vst v5  }
0xed: {  	[spmem:s1] =	stream.indirect.scatter.add.f32 [tilespmem:s25], [sflag:$0x5], $0x80, s29, s9, $0xb8;
	[tilespmem:$0x1E280] =	vst v63  }
0xee: {  	s17 =	simm.s32 $0x0;
	s2 =	sadd.s32 s14, s23;
	_ =	swait.ge [sflag:s26], $0x1000  }
0xef: {  	s19 =	simm.s32 $0x8200;
	s2 =	sshrl.u32 s2, $0x3;
	[sflag:s26] =	ssyncset.done $0x0  }
0xf0: {  	s16 =	sshll.u32 s15, $0x1;
	s2 =	sadd.s32 s10, s2;
	[sflag:s26] =	ssyncadd.s32 $0xFFFFF000  }
0xf1: {  	[hbm4b:s2+s17] =	stream.linear.scatter [tilespmem:s19], [sflag:$0x5], $0x1000, $0x38;
	[tilespmem:$0x1E280] =	vst v63  }
0xf2: {  	s2 =	sadd.s32 $0x2, s16  }
0xf3: {  	s24 =	sshll.u32 s2, $0x7  }
0xf4: {  	s23 =	sand.u32 $0x1FC00, s24  }
0xf5: {  	s19 =	sand.u32 $0x300, s24;
	s23 =	sadd.s32 s12, s23  }
0xf6: {  	_ =	swait.ge [sflag:s26], $0x1000;
	s19 =	sor.u32 s19, s23  }
0xf7: {  	s2 =	sshll.u32 s2, $0xC;
	[sflag:s26] =	ssyncset.done $0x0;
	s19 =	sshrl.u32 s19, $0x3  }
0xf8: {  	s2 =	sadd.s32 s14, s2;
	[sflag:s26] =	ssyncadd.s32 $0xFFFFF000;
	s24 =	sadd.s32 s4, s19  }
0xf9: {  	[tilespmem:s17], [sflag:$0x1] =	stream.linear.gather [hbm4b:s24+s17], $0x80, $0x38;
	[tilespmem:$0x1E280] =	vst v63  }
0xfa: {  	s2 =	sshrl.u32 s2, $0x3;
	s19 =	sadd.s32 s5, s19  }
0xfb: {  	[tilespmem:s29], [sflag:$0x1] =	stream.linear.gather [hbm4b:s19+s17], $0x80, $0x38;
	[tilespmem:$0x1E280] =	vst v63  }
0xfc: {  	s2 =	sadd.s32 s6, s2;
	s24 =	simm.s32 $0x4200  }
0xfd: {  	[tilespmem:s24], [sflag:$0x1] =	stream.linear.gather [hbm4b:s2+s17], $0x1000, $0x38;
	[tilespmem:$0x1E280] =	vst v63  }
0xfe: {  	_ =	swait.ge [sflag:s22], $0x1000  }
0xff: {  	[sflag:s22] =	ssyncset.done $0x0  }
0x100: {  	[sflag:s22] =	ssyncadd.s32 $0xFFFFF000  }
0x101: {  	_ =	swait.ge [sflag:s22], $0x1000  }
0x102: {  	[sflag:s22] =	ssyncset.done $0x0  }
0x103: {  	s19 =	simm.s32 $0x0;
	[sflag:s22] =	ssyncadd.s32 $0xFFFFF000  }
0x104: {  	v6 =	vld [tilespmem:s19+$0x1200]  }
0x105: {  	v7 =	vld [tilespmem:s19+$0x3200];
	_ =	sdelay $0x1  }
0x106: {  	v5 =	vld [tilespmem:s19+$0x5200];
	_ =	sdelay $0x2  }
0x107: {  	v6 =	vadd.f32 v7, v6;
	_ =	sdelay $0x1  }
0x108: {  	v7 =	vld [tilespmem:$0xA200];
	v6 =	vadd.f32 v6, v5;
	_ =	sdelay $0x1  }
0x109: {  	v8 =	vmul.f32 $2.000000030e-01, v6  }
0x10a: {  	vm15 =	vge.f32 v6, $0.0e+00  }
0x10b: {  	v6 =	vsel vm15, v6, v8  }
0x10c: {  	v6 =	vsub.f32 v6, v7;
	_ =	sdelay $0x1  }
0x10d: {  	v6 =	vmul.f32 $1.442695020e+00, v6;
	_ =	sdelay $0x1  }
0x10e: {  	(erf) = vpow2.f32 v6;
	_ =	sdelay $0x7  }
0x10f: {  	p6 =	slt.s32 s30, $0x4E200  }
0x110: {  	v6 =	vpsel !p6, $0x0, v3;
	v7 =	vpop (erf)  }
0x111: {  	s2 =	simm.s32 $0x80;
	v8 =	vmul.f32 v7, v6  }
0x112: {  	s23 =	simm.s32 $0x400;
	s17 =	sshllo.u32 s15, $0x1;
	s24 =	smov.u32 s30;
	v7 =	vld [tilespmem:s2+$0x1200]  }
.LBB2_7:
0x113: {  	p0 =	sne.s32 s23, $0x3E00;
	v9 =	vld [tilespmem:s2+$0x3200];
	v8 =	vmul.f32 v1, v8;
	v10 =	vmul.f32 v2, v5;
	_ =	sdelay $0x1  }
0x114: {  	v6 =	vmul.f32 v4, v6;
	v5 =	vld [tilespmem:s2+$0x5200];
	[tilespmem:s19+$0x9200] =	vst v8;
	v8 =	vadd.f32 v8, v10;
	_ =	sdelay $0x1  }
0x115: {  	v6 =	vadd.f32 v8, v6  }
0x116: {  	v7 =	vadd.f32 v9, v7  }
0x117: {  	[tilespmem:s19+$0x7200] =	vst v6;
	s19 =	smov.u32 s2  }
0x118: {  	v6 =	vld [tilespmem:$0xA200];
	v7 =	vadd.f32 v7, v5;
	_ =	sdelay $0x1  }
0x119: {  	v8 =	vmul.f32 $2.000000030e-01, v7  }
0x11a: {  	vm0 =	vge.f32 v7, $0.0e+00  }
0x11b: {  	v7 =	vsel vm0, v7, v8  }
0x11c: {  	v6 =	vsub.f32 v7, v6;
	_ =	sdelay $0x1  }
0x11d: {  	v6 =	vmul.f32 $1.442695020e+00, v6;
	_ =	sdelay $0x1  }
0x11e: {  	(erf) = vpow2.f32 v6;
	_ =	sdelay $0x6  }
.Ltmp2:
0x11f: {  	s24 =	sadd.s32 $0x1, s24;
	(pc) =	sbr.rel @p0 .LBB2_7-.Ltmp2, $4  }
0x120: {  	p1 =	slt.s32 s24, $0x4E200  }
0x121: {  	v6 =	vpsel !p1, $0x0, v3;
	v7 =	vpop (erf)  }
0x122: {  	s2 =	sshra.s32 s23, $0x2;
	v8 =	vmul.f32 v7, v6  }
0x123: {  	s23 =	sadd.s32 $0x200, s23;
	v7 =	vld [tilespmem:s2+$0x1200]  }
0x124: {  	v9 =	vld [tilespmem:s2+$0x3200];
	v8 =	vmul.f32 v1, v8;
	v5 =	vmul.f32 v2, v5;
	_ =	sdelay $0x1  }
0x125: {  	v10 =	vld [tilespmem:s2+$0x5200];
	v6 =	vmul.f32 v4, v6;
	v5 =	vadd.f32 v8, v5;
	_ =	sdelay $0x1  }
0x126: {  	v5 =	vadd.f32 v5, v6  }
0x127: {  	[tilespmem:s19+$0x9200] =	vst v8;
	v6 =	vadd.f32 v9, v7  }
0x128: {  	[tilespmem:s19+$0x7200] =	vst v5  }
0x129: {  	v5 =	vld [tilespmem:$0xA200];
	v6 =	vadd.f32 v6, v10;
	_ =	sdelay $0x1  }
0x12a: {  	v7 =	vmul.f32 $2.000000030e-01, v6  }
0x12b: {  	vm0 =	vge.f32 v6, $0.0e+00  }
0x12c: {  	v6 =	vsel vm0, v6, v7  }
0x12d: {  	v5 =	vsub.f32 v6, v5;
	_ =	sdelay $0x1  }
0x12e: {  	v5 =	vmul.f32 $1.442695020e+00, v5;
	_ =	sdelay $0x1  }
0x12f: {  	(erf) = vpow2.f32 v5;
	_ =	sdelay $0x6  }
0x130: {  	s24 =	sadd.s32 $0x1, s24  }
0x131: {  	p0 =	slt.s32 s24, $0x4E200  }
0x132: {  	v5 =	vpsel !p0, $0x0, v3;
	v6 =	vpop (erf)  }
0x133: {  	v6 =	vmul.f32 v6, v5;
	_ =	sdelay $0x1  }
0x134: {  	v7 =	vmul.f32 v2, v10;
	v6 =	vmul.f32 v1, v6;
	_ =	sdelay $0x1  }
0x135: {  	v5 =	vmul.f32 v4, v5;
	v7 =	vadd.f32 v6, v7;
	_ =	sdelay $0x1  }
0x136: {  	v5 =	vadd.f32 v7, v5  }
0x137: {  	s23 =	sshll.u32 s17, $0xC;
	[tilespmem:s2+$0x9200] =	vst v6  }
0x138: {  	s24 =	sadd.s32 $0x3, s16;
	s19 =	simm.s32 $0x7200;
	[tilespmem:s2+$0x7200] =	vst v5;
	s2 =	sadd.s32 s14, s23  }
0x139: {  	[spmem:s1] =	stream.indirect.scatter.add.f32 [tilespmem:s19], [sflag:$0x5], $0x80, s0, s9, $0xb8;
	[tilespmem:$0x1E280] =	vst v63  }
0x13a: {  	s16 =	sshll.u32 s24, $0x7;
	s2 =	sshrl.u32 s2, $0x3;
	_ =	swait.ge [sflag:s26], $0x1000  }
0x13b: {  	s19 =	sand.u32 $0x1FC00, s16;
	s16 =	sand.u32 $0x380, s16;
	[sflag:s26] =	ssyncset.done $0x0  }
0x13c: {  	s2 =	sadd.s32 s10, s2;
	s17 =	sadd.s32 s12, s19;
	[sflag:s26] =	ssyncadd.s32 $0xFFFFF000  }
0x13d: {  	[hbm4b:s2+s3] =	stream.linear.scatter [tilespmem:s21], [sflag:$0x5], $0x1000, $0x38;
	[tilespmem:$0x1E280] =	vst v63  }
0x13e: {  	s15 =	sadd.s32 $0x1, s15;
	s16 =	sor.u32 s16, s17;
	_ =	swait.ge [sflag:s26], $0x1000  }
0x13f: {  	p0 =	sne.s32 s15, $0xA0;
	s16 =	sshrl.u32 s16, $0x3;
	[sflag:s26] =	ssyncset.done $0x0  }
0x140: {  	s23 =	sadd.s32 s4, s16;
	s2 =	sshll.u32 s24, $0xC;
	[sflag:s26] =	ssyncadd.s32 $0xFFFFF000  }
0x141: {  	[tilespmem:s31], [sflag:$0x2] =	stream.linear.gather [hbm4b:s23+s3], $0x80, $0x38;
	[tilespmem:$0x1E280] =	vst v63  }
.Ltmp3:
0x142: {  	s2 =	sadd.s32 s14, s2;
	(pc) =	sbr.rel @p0 .LBB2_4-.Ltmp3, $4  }
0x143: {  	s13 =	sadd.s32 $0x40, s13;
	s16 =	sadd.s32 s5, s16;
	s2 =	sshrl.u32 s2, $0x3  }
0x144: {  	[tilespmem:s0], [sflag:$0x2] =	stream.linear.gather [hbm4b:s16+s3], $0x80, $0x38;
	[tilespmem:$0x1E280] =	vst v63  }
0x145: {  	s30 =	sadd.s32 $0x40, s30;
	s24 =	simm.s32 $0x5200;
	s2 =	sadd.s32 s6, s2  }
0x146: {  	[tilespmem:s24], [sflag:$0x2] =	stream.linear.gather [hbm4b:s2+s3], $0x1000, $0x38;
	[tilespmem:$0x1E280] =	vst v63  }
0x147: {  	_ =	swait.ge [sflag:s28], $0x80  }
0x148: {  	[sflag:s28] =	ssyncset.done $0x0  }
0x149: {  	[sflag:s28] =	ssyncadd.s32 $0xFFFFFF80  }
0x14a: {  	_ =	swait.ge [sflag:s28], $0x80  }
0x14b: {  	[sflag:s28] =	ssyncset.done $0x0  }
0x14c: {  	[sflag:s28] =	ssyncadd.s32 $0xFFFFFF80  }
0x14d: {  	_ =	swait.ge [sflag:s28], $0x1000  }
0x14e: {  	[sflag:s28] =	ssyncset.done $0x0  }
0x14f: {  	[sflag:s28] =	ssyncadd.s32 $0xFFFFF000  }
0x150: {  	_ =	swait.ge [sflag:s20], $0x80  }
0x151: {  	[sflag:s20] =	ssyncset.done $0x0  }
0x152: {  	[sflag:s20] =	ssyncadd.s32 $0xFFFFFF80  }
0x153: {  	_ =	swait.ge [sflag:s20], $0x80  }
0x154: {  	[sflag:s20] =	ssyncset.done $0x0  }
0x155: {  	[sflag:s20] =	ssyncadd.s32 $0xFFFFFF80  }
0x156: {  	_ =	swait.ge [sflag:s20], $0x1000  }
0x157: {  	[sflag:s20] =	ssyncset.done $0x0  }
0x158: {  	[sflag:s20] =	ssyncadd.s32 $0xFFFFF000  }
0x159: {  	s2 =	stileid.u32;
	[bflag:$0x0] =	sbarrier.arrive $0xFFFF  }
0x15a: {  	s2 =	sshll.u32 s2, $0x6;
	s16 =	rddreg [dreg:$0x4]  }
0x15b: {  	s2 =	sor.u32 $0x1C05, s2;
	s13 =	rddreg [dreg:$0xf];
	s11 =	sshrl.u32 s16, $0x3  }
0x15c: {  	[hbm:s13], [sflag:s2] =	dma.local [spmem:s11], $0x2800  }
0x15d: {  	_ =	swait.ge [sflag:s26], $0x2800  }
0x15e: {  	s24 =	sld [smem:$0x7FB];
	_ =	sdelay $0x2  }
0x15f: {  	s30 =	rddreg [dreg:$0x10];
	s11 =	sadd.s32 $0x1, s24  }
0x160: {  	p0 =	sne.s32 s11, s30  }
.Ltmp4:
0x161: {  	_ = 	snop;
	(pc) =	sbr.rel @p0 .LBB2_1-.Ltmp4, $3  }
0x162: {  	_ =	sdelay $0x1  }
0x163: {  	[sflag:s26] =	ssyncset.done $0x0  }
0x164: {  	[sflag:s26] =	ssyncadd.s32 $0xFFFFD800  }
0x165: {  	_ =	sfence.sel $0x180000  }
0x166: {  	[bflag:$0x0] =	sbarrier.arrive $0xFFFF  }
0x167: {  	_ =	strace $0x90000047  }
0x168: {  	s0 =	stileid.u32;
	[bflag:$0x2] =	sbarrier.arrive $0xFFFF  }
0x169: {  	p0 =	sne.s32 s0, $0x0;
	s0 =	rddreg [dreg:$0x2]  }
0x16a: {  	s0 =	sadd.s32 @!p0 $0x100000, s0  }
0x16b: {  	[sflag:s0] =	ssyncadd.tile.s32 @!p0 $0x1;
	_ =	shalt  }
.Lfunc_end2:
_tile_overlayer_lowered:
.L_overlay_start_2:
0x16c: {  	(tag) =	ssettag $0x2  }
0x16d: {  	s0 =	rddreg [dreg:$0x0];
	s2 =	stileid.u32  }
0x16e: {  	s1 =	rddreg [dreg:$0x1];
	p0 =	sne.s32 s2, $0x0  }
0x16f: {  	s3 =	rddreg [dreg:$0x2];
	[bflag:$0x3] =	sbarrier.arrive $0xFFFF;
	s2 =	simm.s32 @!p0 $0x1C05  }
0x170: {  	[timem:s3], [sflag:s2] =	dma.local @!p0 [hbm:s0], s1  }
0x171: {  	s0 =	simm.s32 @!p0 $0x5  }
0x172: {  	_ =	swait.ge @!p0 [sflag:s0], s1  }
0x173: {  	s1 =	ssub.s32 @!p0 $0x0, s1;
	[sflag:s0] =	ssyncset.done @!p0 $0x0  }
0x174: {  	[sflag:s0] =	ssyncadd.s32 @!p0 s1  }
0x175: {  	[bflag:$0x3] =	sbarrier.arrive $0xFFFF  }
0x176: {  	_ =	shalt  }

// kernel: kernel.8.cloned.1.call-start
scs
__scs_entry_jumppad:
0x0: {  	(pc) =	sbr.rel $0x88, $3  }
0x1: {  	(tag) =	ssettag $0x0;
	lr =	simm.s32 $0x1  }
0x2: {  	[smem:$0x3F99] =	sst lr;
	_ =	strace $0xD0000000  }
0x3: {  	_ = 	snop  }
0x4: {  	_ = 	snop  }
0x5: {  	_ = 	snop  }
0x6: {  	_ = 	snop  }
0x7: {  	_ = 	snop  }
__scs_overlays_trampoline_lowered:
0x8: {  	[smem:$0x3FA8] =	sst s0  }
0x9: {  	[smem:$0x3FA9] =	sst s1  }
0xa: {  	[smem:$0x3FAA] =	sst s2  }
0xb: {  	[smem:$0x3FAB] =	sst s3  }
0xc: {  	[smem:$0x3FAC] =	sst s4  }
0xd: {  	[smem:$0x3FAD] =	sst s5  }
0xe: {  	[smem:$0x3FAE] =	sst s6  }
0xf: {  	[smem:$0x3FAF] =	sst s7  }
0x10: {  	[smem:$0x3FB0] =	sst s8  }
0x11: {  	[smem:$0x3FB1] =	sst s9;
	s0 =	simm.s32 @!p0 $0x0  }
0x12: {  	s1 =	sld [smem:$0x3F97];
	s0 =	simm.s32 @p0 $0x1  }
0x13: {  	[smem:$0x3FB2] =	sst s0;
	s0 =	simm.s32 @!p1 $0x0  }
0x14: {  	s2 =	sld [smem:$0x3F96];
	s0 =	simm.s32 @p1 $0x1  }
0x15: {  	[smem:$0x3FB3] =	sst s0;
	s0 =	simm.s32 @!p2 $0x0  }
0x16: {  	s3 =	sld [smem:$0x3FDB];
	s0 =	simm.s32 @p2 $0x1  }
0x17: {  	s4 =	simm.s32 $0x1BF5;
	[smem:$0x3FB5] =	sst s0  }
0x18: {  	s0 =	sld [smem:$0x3F98];
	_ =	swait.ge [sflag:s4], $0x0  }
0x19: {  	s7 =	sld [smem:$0x3F99]  }
0x1a: {  	s8 =	sadd.s32 $0xFFFFE003, lr  }
0x1b: {  	s9 =	sadd.s32 $0xFFFFFEF7, lr;
	s5 =	simm.s32 $0xFFFFFFFF;
	p2 =	slt.u32 s8, $0xFFFFF086  }
0x1c: {  	p1 =	slt.u32 s9, $0xF7A;
	s5 =	simm.s32 @!p2 $0x0  }
0x1d: {  	s5 =	simm.s32 @p1 $0x1;
	p0 =	seq.s32 s7, s2  }
0x1e: {  	s7 =	smul.u32 @!p0 $0xF7A, s2;
	p2 =	seq.s32 @!p0 s5, $0x0  }
0x1f: {  	s9 =	smul.u32 $0xF7A, s1;
	s8 =	simm.s32 @!p0 $0x1BF5;
	p2 =	por !p2, p0  }
0x20: {  	[sflag:s8] =	ssyncset.s32 @!p0 $0xFFFFF086;
	s6 =	sadd.s32 @!p0 s3, s7;
	s7 =	simm.s32 @!p0 $0x108  }
0x21: {  	s3 =	sadd.s32 s3, s9;
	s6 =	sadd.s32 @!p0 $0x88, s6;
	s7 =	simm.s32 @p2 $0x1082  }
0x22: {  	[simem:s7], [sflag:s8] =	dma.local @!p0 [hbm:s6], $0xF7A  }
0x23: {  	s9 =	sor.u32 $0xD0000000, s2;
	s6 =	simm.s32 $0x108;
	_ =	swait.ge @!p0 [sflag:s8], $0x0  }
0x24: {  	s3 =	sadd.s32 $0x88, s3;
	s6 =	simm.s32 @!p1 $0x1082;
	[sflag:s4] =	ssyncset.s32 $0xFFFFF086  }
0x25: {  	[simem:s6], [sflag:s4] =	dma.local [hbm:s3], $0xF7A  }
0x26: {  	[smem:$0x3F99] =	sst s1;
	(tag) =	ssettag s2;
	_ =	strace s9  }
0x27: {  	s1 =	sld [smem:$0x3FA9]  }
0x28: {  	s2 =	sld [smem:$0x3FAA]  }
0x29: {  	s4 =	sld [smem:$0x3FAC]  }
0x2a: {  	p0 =	seq.s32 s5, $0x0;
	s5 =	sld [smem:$0x3FAD]  }
0x2b: {  	s6 =	sld [smem:$0x3FAE]  }
0x2c: {  	s7 =	sld [smem:$0x3FAF]  }
0x2d: {  	s3 =	simm.s32 $0x108;
	s8 =	sld [smem:$0x3FB0]  }
0x2e: {  	s3 =	simm.s32 @!p0 $0x1082;
	s9 =	sld [smem:$0x3FB1]  }
0x2f: {  	lr =	sadd.s32 s0, s3;
	s0 =	sld [smem:$0x3FA8]  }
0x30: {  	s3 =	sld [smem:$0x3FAB]  }
0x31: {  	[smem:$0x3FB4] =	sst s10  }
0x32: {  	s10 =	sld [smem:$0x3FB2];
	_ =	sdelay $0x3  }
0x33: {  	p0 =	seq.s32 s10, $0x1;
	s10 =	sld [smem:$0x3FB4];
	_ =	sdelay $0x3  }
0x34: {  	[smem:$0x3FB4] =	sst s10  }
0x35: {  	s10 =	sld [smem:$0x3FB3];
	_ =	sdelay $0x3  }
0x36: {  	p1 =	seq.s32 s10, $0x1;
	s10 =	sld [smem:$0x3FB4];
	_ =	sdelay $0x3  }
0x37: {  	[smem:$0x3FB4] =	sst s10  }
0x38: {  	s10 =	sld [smem:$0x3FB5]  }
0x39: {  	_ = 	snop;
	(pc) =	sbr.ind lr, $3  }
0x3a: {  	_ = 	snop  }
0x3b: {  	_ = 	snop  }
0x3c: {  	p2 =	seq.s32 s10, $0x1;
	s10 =	sld [smem:$0x3FB4]  }
0x3d: {  	_ =	shalt  }
0x3e: {  	_ =	shalt  }
0x3f: {  	_ =	shalt  }
0x40: {  	_ =	shalt  }
0x41: {  	_ =	shalt  }
0x42: {  	_ =	shalt  }
0x43: {  	_ =	shalt  }
0x44: {  	_ =	shalt  }
0x45: {  	_ =	shalt  }
0x46: {  	_ =	shalt  }
0x47: {  	_ =	shalt  }
0x48: {  	_ =	shalt  }
0x49: {  	_ =	shalt  }
0x4a: {  	_ =	shalt  }
0x4b: {  	_ =	shalt  }
0x4c: {  	_ =	shalt  }
0x4d: {  	_ =	shalt  }
0x4e: {  	_ =	shalt  }
0x4f: {  	_ =	shalt  }
0x50: {  	_ =	shalt  }
0x51: {  	_ =	shalt  }
0x52: {  	_ =	shalt  }
0x53: {  	_ =	shalt  }
0x54: {  	_ =	shalt  }
0x55: {  	_ =	shalt  }
0x56: {  	_ =	shalt  }
0x57: {  	_ =	shalt  }
0x58: {  	_ =	shalt  }
0x59: {  	_ =	shalt  }
0x5a: {  	_ =	shalt  }
0x5b: {  	_ =	shalt  }
0x5c: {  	_ =	shalt  }
0x5d: {  	_ =	shalt  }
0x5e: {  	_ =	shalt  }
0x5f: {  	_ =	shalt  }
0x60: {  	_ =	shalt  }
0x61: {  	_ =	shalt  }
0x62: {  	_ =	shalt  }
0x63: {  	_ =	shalt  }
0x64: {  	_ =	shalt  }
0x65: {  	_ =	shalt  }
0x66: {  	_ =	shalt  }
0x67: {  	_ =	shalt  }
0x68: {  	_ =	shalt  }
0x69: {  	_ =	shalt  }
0x6a: {  	_ =	shalt  }
0x6b: {  	_ =	shalt  }
0x6c: {  	_ =	shalt  }
0x6d: {  	_ =	shalt  }
0x6e: {  	_ =	shalt  }
0x6f: {  	_ =	shalt  }
0x70: {  	_ =	shalt  }
0x71: {  	_ =	shalt  }
0x72: {  	_ =	shalt  }
0x73: {  	_ =	shalt  }
0x74: {  	_ =	shalt  }
0x75: {  	_ =	shalt  }
0x76: {  	_ =	shalt  }
0x77: {  	_ =	shalt  }
0x78: {  	_ =	shalt  }
0x79: {  	_ =	shalt  }
0x7a: {  	_ =	shalt  }
0x7b: {  	_ =	shalt  }
0x7c: {  	_ =	shalt  }
0x7d: {  	_ =	shalt  }
0x7e: {  	_ =	shalt  }
0x7f: {  	_ =	shalt  }
0x80: {  	_ =	shalt  }
0x81: {  	_ =	shalt  }
0x82: {  	_ =	shalt  }
0x83: {  	_ =	shalt  }
0x84: {  	_ =	shalt  }
0x85: {  	_ =	shalt  }
0x86: {  	_ =	shalt  }
0x87: {  	_ =	shalt  }
.Lfunc_end0:
.L_simem_size_0:
called_computation.1_lowered:
.L_overlay_start_0:
0x88: {  	s2 =	sld [smem:$0x3FD9]  }
0x89: {  	s3 =	sld [smem:$0x3FFE];
	_ =	sdelay $0x1  }
0x8a: {  	s1 =	srdreg.scid  }
0x8b: {  	s0 =	sand.u32 $0x1, s1  }
0x8c: {  	s16 =	sshll.u32 s0, $0xA;
	s2 =	sadd.s32 s3, s2  }
0x8d: {  	s2 =	sadd.s32 s2, s16  }
0x8e: {  	[smem:$0x3FC0] =	sst s2  }
0x8f: {  	_ = 	snop  }
0x90: {  	(tm) =	ssettm $0x1  }
0x91: {  	s17 =	sld [smem:$0x3FFB];
	_ =	sdelay $0x3  }
0x92: {  	_ =	strace s17  }
0x93: {  	s2 =	sld [smem:$0x3FFC];
	_ =	sdelay $0x3  }
0x94: {  	_ =	strace s2  }
0x95: {  	s2 =	sld [smem:$0x3FFD];
	_ =	sdelay $0x3  }
0x96: {  	_ =	strace s2  }
0x97: {  	_ =	strace $0x8FFFFFFF  }
0x98: {  	s18 =	sld [smem:$0x3FDB];
	_ =	sdelay $0x1  }
0x99: {  	s19 =	simm.s32 $_scs_section_size  }
0x9a: {  	s4 =	simm.s32 $_size__tile_overlayer_lowered;
	s5 =	simm.s32 $_tile_overlayer_lowered  }
0x9b: {  	s22 =	simm.s32 $0x1BFF;
	s21 =	sshll.u32 s5, $0x1;
	s2 =	sadd.s32 s19, s18  }
0x9c: {  	s6 =	simm.s32 $0x0;
	s20 =	sshll.u32 s4, $0x1;
	s4 =	sadd.s32 s21, s2  }
0x9d: {  	[timem:s6], [sflag:s22] =	dma.local [hbm:s4], s20  }
0x9e: {  	_ =	swait.ge [sflag:s22], s20  }
0x9f: {  	s3 =	ssub.s32 $0x0, s20;
	[sflag:s22] =	ssyncset.done $0x0  }
0xa0: {  	[sflag:s22] =	ssyncadd.s32 s3;
	_ =	sdelay $0x1  }
0xa1: {  	s23 =	simm.s32 $0x1B8B  }
0xa2: {  	_ =	swait.ge [sflag:s23], $0x1  }
0xa3: {  	[sflag:s23] =	ssyncset.done $0x0  }
0xa4: {  	s25 =	simm.s32 $0x1B8E;
	s24 =	sld [smem:$0x3FFE];
	[sflag:s23] =	ssyncadd.s32 $0xFFFFFFFF  }
0xa5: {  	s26 =	simm.s32 $execute0_lowered;
	[smem:$0x3FD2] =	sst s25  }
0xa6: {  	s4 =	sshll.u32 s26, $0x1;
	_ =	strace $0x80000049;
	[dreg:$0x1] =	wrdreg $0xFFFFFFFF  }
0xa7: {  	s28 =	simm.s32 $_size_execute0_lowered;
	s2 =	sadd.s32 s2, s4;
	[dreg:$0x0] =	wrdreg $0x0  }
0xa8: {  	s4 =	sshll.u32 s28, $0x1;
	[dreg:$0x2] =	wrdreg s2  }
0xa9: {  	[dreg:$0x3] =	wrdreg s4  }
0xaa: {  	[dreg:$0x4] =	wrdreg $0xC0  }
0xab: {  	_ =	task [dreg:s6], $0x5FFFF  }
0xac: {  	[dreg:$0x1] =	wrdreg $0xFFFFFFFF  }
0xad: {  	[dreg:$0x0] =	wrdreg $0x60  }
0xae: {  	[dreg:$0x2] =	wrdreg s24  }
0xaf: {  	[dreg:$0x3] =	wrdreg $0xA7000  }
0xb0: {  	[dreg:$0x4] =	wrdreg $0x9  }
0xb1: {  	_ =	task.clear_ibuf [dreg:s6], $0x5FFFF;
	_ =	strace $0x90000049  }
0xb2: {  	s29 =	simm.s32 $0x9;
	_ =	strace $0x8000004B  }
0xb3: {  	_ =	swait.ge [sflag:s29], $0x1  }
0xb4: {  	[sflag:s29] =	ssyncadd.s32 $0xFFFFFFFF  }
0xb5: {  	_ =	strace $0x9000004B  }
0xb6: {  	_ =	sfence  }
0xb7: {  	s30 =	sld [smem:$0x0];
	_ =	sdelay $0x2  }
0xb8: {  	s31 =	sshll.u32 s1, $0xD;
	s1 =	sshrl.u32 s1, $0x2  }
0xb9: {  	s3 =	sand.u32 $0x4000, s31;
	s1 =	sadd.s32 s1, s30  }
0xba: {  	s0 =	sor.u32 s3, s0;
	s1 =	sshll.u32 s1, $0x11  }
0xbb: {  	s0 =	sor.u32 s1, s0  }
0xbc: {  	s0 =	sadd.s32 $0x8F2B, s0  }
0xbd: {  	[sflag:s0] =	ssyncadd.remote.s32 $0x1  }
0xbe: {  	_ =	sfence.sel $0xFFFF  }
0xbf: {  	[dreg:$0x0] =	wrdreg $0xFFFFFFFF;
	(pc) =	sbr.abs _section_cstart, $3  }
0xc0: {  	[dreg:$0x1] =	wrdreg $0xFFFFFFFF  }
0xc1: {  	_ =	task.clear_ibuf [dreg:s6], $0x2FFFF;
	_ =	strace $0x9FFFFFFF  }
0xc2: {  	(tm) =	ssettm $0x7FFFFFFF  }
0xc3: {  	_ =	shalt  }
tec
execute0_lowered:
.L_overlay_start_1:
0x0: {  	(tag) =	ssettag $0x1  }
0x1: {  	s0 =	rddreg [dreg:$0x0]  }
0x2: {  	s3 =	rddreg [dreg:$0x1];
	s1 =	srdreg.scid  }
0x3: {  	s4 =	simm.s32 $0x0;
	s10 =	stileid.u32;
	s30 =	simm.s32 $0x80  }
0x4: {  	s1 =	sand.u32 $0x1, s1;
	[smem:$0x7FF] =	sst s4;
	s9 =	smul.u32 $0x4F000, s10  }
0x5: {  	s7 =	smul.u32 $0x13C00, s10;
	s4 =	sadd.s32 $0xE00, s0;
	s5 =	sadd.s32 $0x29E00, s0  }
0x6: {  	s6 =	sadd.s32 $0x1E2E00, s0;
	s8 =	sadd.s32 $0xF2E00, s0;
	s9 =	sshrl.u32 s9, $0x2  }
0x7: {  	s10 =	sshll.u32 s10, $0x1;
	s2 =	smul.u32 $0x13C000, s1;
	s14 =	sadd.s32 s9, s3  }
0x8: {  	_ =	strace $0x8000004A;
	s20 =	sadd.s32 $0x1000, s14;
	[dreg:$0x3] =	wrdreg s14  }
0x9: {  	s11 =	ssub.s32 $0x2, s1;
	s21 =	sadd.s32 $0x2000, s14;
	[dreg:$0x4] =	wrdreg s20  }
0xa: {  	s12 =	sshrl.u32 s11, $0x1;
	s22 =	sadd.s32 $0x3000, s14;
	[dreg:$0x5] =	wrdreg s21  }
0xb: {  	s19 =	ssub.s32 s11, s12;
	s24 =	sadd.s32 $0x4000, s14;
	[dreg:$0x6] =	wrdreg s22  }
0xc: {  	s1 =	sor.u32 s1, s10;
	s31 =	smax.u32 s19, $0x1;
	[dreg:$0x7] =	wrdreg s24  }
0xd: {  	s10 =	smul.u32 $0xA400, s1;
	s9 =	sadd.s32 $0x7000, s14;
	[dreg:$0xe] =	wrdreg s31  }
0xe: {  	s2 =	sadd.s32 s7, s2;
	s15 =	sadd.s32 $0x9000, s14;
	[dreg:$0x11] =	wrdreg s9  }
0xf: {  	s7 =	sadd.s32 $0x192E00, s0;
	s16 =	sadd.s32 $0xA000, s14;
	[dreg:$0x13] =	wrdreg s15  }
0x10: {  	s12 =	smul.u32 $0x28400, s1;
	s17 =	sadd.s32 $0xB000, s14;
	[dreg:$0x14] =	wrdreg s16  }
0x11: {  	s2 =	sshrl.u32 s2, $0x3;
	s18 =	sadd.s32 $0xC000, s14;
	[dreg:$0x15] =	wrdreg s17  }
0x12: {  	s23 =	sshrl.u32 s10, $0x3;
	s19 =	sadd.s32 $0xD000, s14;
	[dreg:$0x16] =	wrdreg s18  }
0x13: {  	s2 =	sadd.s32 s2, s0;
	s25 =	sadd.s32 s4, s23;
	[dreg:$0x17] =	wrdreg s19  }
0x14: {  	s26 =	sshrl.u32 s12, $0x3;
	s13 =	sadd.s32 s5, s23;
	[dreg:$0x8] =	wrdreg s25  }
0x15: {  	s1 =	sor.u32 $0x10, s23;
	s22 =	sadd.s32 $0xE000, s14;
	[dreg:$0x9] =	wrdreg s13  }
0x16: {  	s20 =	sadd.s32 $0x11AE00, s0;
	s24 =	sadd.s32 $0xF000, s14;
	[dreg:$0x18] =	wrdreg s22  }
0x17: {  	s21 =	sadd.s32 $0x142E00, s0;
	s28 =	sadd.s32 s4, s1;
	[dreg:$0x19] =	wrdreg s24  }
0x18: {  	s23 =	sadd.s32 $0x16AE00, s0;
	s1 =	sadd.s32 s5, s1;
	[dreg:$0xb] =	wrdreg s28  }
0x19: {  	s18 =	simm.s32 $0x180;
	s29 =	sadd.s32 $0x52E00, s2;
	[dreg:$0xc] =	wrdreg s1  }
0x1a: {  	s15 =	simm.s32 $0x20;
	s2 =	sadd.s32 $0x6000, s14;
	[dreg:$0xd] =	wrdreg s29  }
0x1b: {  	s9 =	simm.s32 $0x3;
	s13 =	sadd.s32 $0x8000, s14;
	[dreg:$0x10] =	wrdreg s2  }
0x1c: {  	s16 =	simm.s32 $0x4;
	s25 =	sadd.s32 $0x10000, s14;
	[dreg:$0x12] =	wrdreg s13  }
0x1d: {  	s11 =	sadd.s32 s6, s26;
	s26 =	sadd.s32 $0x11000, s14;
	[dreg:$0x1a] =	wrdreg s25  }
0x1e: {  	s17 =	simm.s32 $0x0;
	s22 =	simm.s32 $0x6;
	[dreg:$0x1b] =	wrdreg s26  }
0x1f: {  	s24 =	simm.s32 $0x2;
	s1 =	sadd.s32 $0x5000, s14;
	[dreg:$0xa] =	wrdreg s11  }
0x20: {  	s28 =	sadd.s32 $0x12000, s14;
	s29 =	sadd.s32 $0x13000, s14;
	[dreg:$0xf] =	wrdreg s1  }
0x21: {  	s31 =	sadd.s32 $0x40, s11;
	s2 =	simm.s32 $0x7;
	[dreg:$0x1c] =	wrdreg s28  }
0x22: {  	s25 =	simm.s32 $0x9700;
	s13 =	simm.s32 $0x1;
	[dreg:$0x1d] =	wrdreg s29  }
0x23: {  	v0 =	vimm.f32 $0.0e+00;
	s26 =	simm.s32 $0x280;
	[dreg:$0x1e] =	wrdreg s31;
	s1 =	simm.s32 $0x0  }
.LBB2_1:
0x24: {  	[dreg:$0x1f] =	wrdreg s1;
	s0 =	simm.s32 $0x0;
	s1 =	simm.s32 $0x200  }
.LBB2_2:
0x25: {  	p0 =	sne.s32 s1, $0x3E00;
	[tilespmem:s0+$0x5770] =	vst v0  }
0x26: {  	[tilespmem:s0+$0x5700] =	vst v0  }
0x27: {  	[tilespmem:s0+$0x5710] =	vst v0  }
.Ltmp0:
0x28: {  	[tilespmem:s0+$0x5720] =	vst v0;
	(pc) =	sbr.rel @p0 .LBB2_2-.Ltmp0, $4  }
0x29: {  	[tilespmem:s0+$0x5730] =	vst v0  }
0x2a: {  	[tilespmem:s0+$0x5740] =	vst v0  }
0x2b: {  	[tilespmem:s0+$0x5750] =	vst v0  }
0x2c: {  	[tilespmem:s0+$0x5760] =	vst v0;
	s0 =	sshra.s32 s1, $0x2;
	s1 =	sadd.s32 $0x200, s1  }
0x2d: {  	[tilespmem:s0+$0x5770] =	vst v0  }
0x2e: {  	[tilespmem:s0+$0x5700] =	vst v0  }
0x2f: {  	[tilespmem:s0+$0x5710] =	vst v0  }
0x30: {  	[tilespmem:s0+$0x5720] =	vst v0  }
0x31: {  	[tilespmem:s0+$0x5730] =	vst v0  }
0x32: {  	[tilespmem:s0+$0x5740] =	vst v0  }
0x33: {  	[tilespmem:s0+$0x5750] =	vst v0  }
0x34: {  	[tilespmem:s0+$0x5760] =	vst v0;
	s1 =	simm.s32 $0x5700  }
0x35: {  	[spmem:s14] =	stream.linear.scatter [tilespmem:s1], [sflag:$0x7], $0x1000, $0x38;
	[tilespmem:$0x1E300] =	vst v63  }
0x36: {  	_ =	swait.ge [sflag:s2], $0x1000  }
0x37: {  	[sflag:s2] =	ssyncset.done $0x0  }
0x38: {  	s19 =	rddreg [dreg:$0x4];
	[sflag:s2] =	ssyncadd.s32 $0xFFFFF000  }
0x39: {  	[spmem:s19] =	stream.linear.scatter [tilespmem:s1], [sflag:$0x7], $0x1000, $0x38;
	[tilespmem:$0x1E300] =	vst v63  }
0x3a: {  	_ =	swait.ge [sflag:s2], $0x1000  }
0x3b: {  	[sflag:s2] =	ssyncset.done $0x0  }
0x3c: {  	s28 =	rddreg [dreg:$0x5];
	[sflag:s2] =	ssyncadd.s32 $0xFFFFF000  }
0x3d: {  	[spmem:s28] =	stream.linear.scatter [tilespmem:s1], [sflag:$0x7], $0x1000, $0x38;
	[tilespmem:$0x1E300] =	vst v63  }
0x3e: {  	_ =	swait.ge [sflag:s2], $0x1000  }
0x3f: {  	[sflag:s2] =	ssyncset.done $0x0  }
0x40: {  	s29 =	rddreg [dreg:$0x6];
	[sflag:s2] =	ssyncadd.s32 $0xFFFFF000  }
0x41: {  	[spmem:s29] =	stream.linear.scatter [tilespmem:s1], [sflag:$0x7], $0x1000, $0x38;
	[tilespmem:$0x1E300] =	vst v63  }
0x42: {  	_ =	swait.ge [sflag:s2], $0x1000  }
0x43: {  	[sflag:s2] =	ssyncset.done $0x0  }
0x44: {  	s31 =	rddreg [dreg:$0x7];
	[sflag:s2] =	ssyncadd.s32 $0xFFFFF000  }
0x45: {  	[spmem:s31] =	stream.linear.scatter [tilespmem:s1], [sflag:$0x7], $0x1000, $0x38;
	[tilespmem:$0x1E300] =	vst v63  }
0x46: {  	_ =	swait.ge [sflag:s2], $0x1000  }
0x47: {  	[sflag:s2] =	ssyncset.done $0x0  }
0x48: {  	s11 =	rddreg [dreg:$0xf];
	[sflag:s2] =	ssyncadd.s32 $0xFFFFF000  }
0x49: {  	[spmem:s11] =	stream.linear.scatter [tilespmem:s1], [sflag:$0x7], $0x1000, $0x38;
	[tilespmem:$0x1E300] =	vst v63  }
0x4a: {  	_ =	swait.ge [sflag:s2], $0x1000  }
0x4b: {  	[sflag:s2] =	ssyncset.done $0x0  }
0x4c: {  	s14 =	rddreg [dreg:$0x10];
	[sflag:s2] =	ssyncadd.s32 $0xFFFFF000  }
0x4d: {  	[spmem:s14] =	stream.linear.scatter [tilespmem:s1], [sflag:$0x7], $0x1000, $0x38;
	[tilespmem:$0x1E300] =	vst v63  }
0x4e: {  	_ =	swait.ge [sflag:s2], $0x1000  }
0x4f: {  	[sflag:s2] =	ssyncset.done $0x0  }
0x50: {  	s19 =	rddreg [dreg:$0x11];
	[sflag:s2] =	ssyncadd.s32 $0xFFFFF000  }
0x51: {  	[spmem:s19] =	stream.linear.scatter [tilespmem:s1], [sflag:$0x7], $0x1000, $0x38;
	[tilespmem:$0x1E300] =	vst v63  }
0x52: {  	_ =	swait.ge [sflag:s2], $0x1000  }
0x53: {  	[sflag:s2] =	ssyncset.done $0x0  }
0x54: {  	s28 =	rddreg [dreg:$0x12];
	[sflag:s2] =	ssyncadd.s32 $0xFFFFF000  }
0x55: {  	[spmem:s28] =	stream.linear.scatter [tilespmem:s1], [sflag:$0x7], $0x1000, $0x38;
	[tilespmem:$0x1E300] =	vst v63  }
0x56: {  	_ =	swait.ge [sflag:s2], $0x1000  }
0x57: {  	[sflag:s2] =	ssyncset.done $0x0  }
0x58: {  	s29 =	rddreg [dreg:$0x13];
	[sflag:s2] =	ssyncadd.s32 $0xFFFFF000  }
0x59: {  	[spmem:s29] =	stream.linear.scatter [tilespmem:s1], [sflag:$0x7], $0x1000, $0x38;
	[tilespmem:$0x1E300] =	vst v63  }
0x5a: {  	_ =	swait.ge [sflag:s2], $0x1000  }
0x5b: {  	[sflag:s2] =	ssyncset.done $0x0  }
0x5c: {  	s31 =	rddreg [dreg:$0x14];
	[sflag:s2] =	ssyncadd.s32 $0xFFFFF000  }
0x5d: {  	[spmem:s31] =	stream.linear.scatter [tilespmem:s1], [sflag:$0x7], $0x1000, $0x38;
	[tilespmem:$0x1E300] =	vst v63  }
0x5e: {  	_ =	swait.ge [sflag:s2], $0x1000  }
0x5f: {  	[sflag:s2] =	ssyncset.done $0x0  }
0x60: {  	s11 =	rddreg [dreg:$0x15];
	[sflag:s2] =	ssyncadd.s32 $0xFFFFF000  }
0x61: {  	[spmem:s11] =	stream.linear.scatter [tilespmem:s1], [sflag:$0x7], $0x1000, $0x38;
	[tilespmem:$0x1E300] =	vst v63  }
0x62: {  	_ =	swait.ge [sflag:s2], $0x1000  }
0x63: {  	[sflag:s2] =	ssyncset.done $0x0  }
0x64: {  	s14 =	rddreg [dreg:$0x16];
	[sflag:s2] =	ssyncadd.s32 $0xFFFFF000  }
0x65: {  	[spmem:s14] =	stream.linear.scatter [tilespmem:s1], [sflag:$0x7], $0x1000, $0x38;
	[tilespmem:$0x1E300] =	vst v63  }
0x66: {  	_ =	swait.ge [sflag:s2], $0x1000  }
0x67: {  	[sflag:s2] =	ssyncset.done $0x0  }
0x68: {  	s19 =	rddreg [dreg:$0x17];
	[sflag:s2] =	ssyncadd.s32 $0xFFFFF000  }
0x69: {  	[spmem:s19] =	stream.linear.scatter [tilespmem:s1], [sflag:$0x7], $0x1000, $0x38;
	[tilespmem:$0x1E300] =	vst v63  }
0x6a: {  	_ =	swait.ge [sflag:s2], $0x1000  }
0x6b: {  	[sflag:s2] =	ssyncset.done $0x0  }
0x6c: {  	s28 =	rddreg [dreg:$0x18];
	[sflag:s2] =	ssyncadd.s32 $0xFFFFF000  }
0x6d: {  	[spmem:s28] =	stream.linear.scatter [tilespmem:s1], [sflag:$0x7], $0x1000, $0x38;
	[tilespmem:$0x1E300] =	vst v63  }
0x6e: {  	_ =	swait.ge [sflag:s2], $0x1000  }
0x6f: {  	[sflag:s2] =	ssyncset.done $0x0  }
0x70: {  	s29 =	rddreg [dreg:$0x19];
	[sflag:s2] =	ssyncadd.s32 $0xFFFFF000  }
0x71: {  	[spmem:s29] =	stream.linear.scatter [tilespmem:s1], [sflag:$0x7], $0x1000, $0x38;
	[tilespmem:$0x1E300] =	vst v63  }
0x72: {  	_ =	swait.ge [sflag:s2], $0x1000  }
0x73: {  	[sflag:s2] =	ssyncset.done $0x0  }
0x74: {  	s31 =	rddreg [dreg:$0x1a];
	[sflag:s2] =	ssyncadd.s32 $0xFFFFF000  }
0x75: {  	[spmem:s31] =	stream.linear.scatter [tilespmem:s1], [sflag:$0x7], $0x1000, $0x38;
	[tilespmem:$0x1E300] =	vst v63  }
0x76: {  	_ =	swait.ge [sflag:s2], $0x1000  }
0x77: {  	[sflag:s2] =	ssyncset.done $0x0  }
0x78: {  	s11 =	rddreg [dreg:$0x1b];
	[sflag:s2] =	ssyncadd.s32 $0xFFFFF000  }
0x79: {  	[spmem:s11] =	stream.linear.scatter [tilespmem:s1], [sflag:$0x7], $0x1000, $0x38;
	[tilespmem:$0x1E300] =	vst v63  }
0x7a: {  	_ =	swait.ge [sflag:s2], $0x1000  }
0x7b: {  	[sflag:s2] =	ssyncset.done $0x0  }
0x7c: {  	s14 =	rddreg [dreg:$0x1c];
	[sflag:s2] =	ssyncadd.s32 $0xFFFFF000  }
0x7d: {  	[spmem:s14] =	stream.linear.scatter [tilespmem:s1], [sflag:$0x7], $0x1000, $0x38;
	[tilespmem:$0x1E300] =	vst v63  }
0x7e: {  	_ =	swait.ge [sflag:s2], $0x1000  }
0x7f: {  	[sflag:s2] =	ssyncset.done $0x0  }
0x80: {  	s19 =	rddreg [dreg:$0x1d];
	[sflag:s2] =	ssyncadd.s32 $0xFFFFF000  }
0x81: {  	[spmem:s19] =	stream.linear.scatter [tilespmem:s1], [sflag:$0x7], $0xC00, $0x38;
	[tilespmem:$0x1E300] =	vst v63  }
0x82: {  	_ =	swait.ge [sflag:s2], $0xC00  }
0x83: {  	[sflag:s2] =	ssyncset.done $0x0  }
0x84: {  	[sflag:s2] =	ssyncadd.s32 $0xFFFFF400  }
0x85: {  	[bflag:$0x0] =	sbarrier.arrive $0xFFFF  }
0x86: {  	s28 =	rddreg [dreg:$0x8]  }
0x87: {  	[tilespmem:s17], [sflag:$0x1] =	stream.linear.gather [hbm4b:s28+s17], $0x80, $0x38;
	[tilespmem:$0x1E300] =	vst v63  }
0x88: {  	s31 =	simm.s32 $0x100;
	s29 =	rddreg [dreg:$0x9]  }
0x89: {  	[tilespmem:s31], [sflag:$0x1] =	stream.linear.gather [hbm4b:s29+s17], $0x80, $0x38;
	[tilespmem:$0x1E300] =	vst v63  }
0x8a: {  	s14 =	simm.s32 $0x300;
	s11 =	rddreg [dreg:$0xa]  }
0x8b: {  	[tilespmem:s14], [sflag:$0x1] =	stream.linear.gather [hbm4b:s11+s17], $0x200, $0x38;
	[tilespmem:$0x1E300] =	vst v63  }
0x8c: {  	s19 =	rddreg [dreg:$0xb]  }
0x8d: {  	[tilespmem:s30], [sflag:$0x2] =	stream.linear.gather [hbm4b:s19+s17], $0x80, $0x38;
	[tilespmem:$0x1E300] =	vst v63  }
0x8e: {  	s28 =	rddreg [dreg:$0xc]  }
0x8f: {  	[tilespmem:s18], [sflag:$0x2] =	stream.linear.gather [hbm4b:s28+s17], $0x80, $0x38;
	[tilespmem:$0x1E300] =	vst v63  }
0x90: {  	s29 =	rddreg [dreg:$0x1e];
	s31 =	simm.s32 $0x500  }
0x91: {  	[tilespmem:s31], [sflag:$0x2] =	stream.linear.gather [hbm4b:s29+s17], $0x200, $0x38;
	[tilespmem:$0x1E300] =	vst v63  }
0x92: {  	_ = 	snop  }
0x93: {  	[tilespmem:s1], [sflag:$0x5] =	stream.linear.gather [hbm4b:s7+s17], $0x1000, $0x38;
	[tilespmem:$0x1E300] =	vst v63  }
0x94: {  	s19 =	simm.s32 $0x0  }
0x95: {  	[tilespmem:s25], [sflag:$0x6] =	stream.linear.gather [hbm4b:s7+s17], $0x1000, $0x38;
	[tilespmem:$0x1E300] =	vst v63  }
.LBB2_4:
0x96: {  	s0 =	simm.s32 $0x5  }
0x97: {  	_ =	swait.ge [sflag:s0], $0x1000  }
0x98: {  	[sflag:s0] =	ssyncset.done $0x0  }
0x99: {  	[sflag:s0] =	ssyncadd.s32 $0xFFFFF000  }
0x9a: {  	_ =	swait.ge [sflag:s13], $0x80  }
0x9b: {  	[sflag:s13] =	ssyncset.done $0x0  }
0x9c: {  	[sflag:s13] =	ssyncadd.s32 $0xFFFFFF80  }
0x9d: {  	s14 =	sshll.u32 s19, $0x8;
	_ =	swait.ge [sflag:s13], $0x80  }
0x9e: {  	s1 =	sand.u32 $0xFC00, s14;
	[sflag:s13] =	ssyncset.done $0x0  }
0x9f: {  	s1 =	sadd.s32 s10, s1;
	s0 =	sand.u32 $0x300, s14;
	[sflag:s13] =	ssyncadd.s32 $0xFFFFFF80  }
0xa0: {  	s0 =	sor.u32 s0, s1;
	_ =	swait.ge [sflag:s13], $0x200  }
0xa1: {  	s0 =	sshrl.u32 s0, $0x3;
	[sflag:s13] =	ssyncset.done $0x0  }
0xa2: {  	s2 =	simm.s32 $0x200;
	s0 =	sadd.s32 s5, s0;
	[sflag:s13] =	ssyncadd.s32 $0xFFFFFE00  }
0xa3: {  	[tilespmem:s2], [sflag:$0x3] =	stream.linear.gather [hbm4b:s0+s17], $0x80, $0x38;
	[tilespmem:$0x1E300] =	vst v63  }
0xa4: {  	s11 =	simm.s32 $0x2700  }
0xa5: {  	[tilespmem:s11], [sflag:$0x3] =	stream.indirect.gather [hbm4b:s8+s15], $0x80, s17, s15, $0xb8;
	[tilespmem:$0x1E300] =	vst v63  }
0xa6: {  	s14 =	simm.s32 $0x3700  }
0xa7: {  	[tilespmem:s14], [sflag:$0x3] =	stream.indirect.gather [hbm4b:s20+s15], $0x80, s17, s15, $0xb8;
	[tilespmem:$0x1E300] =	vst v63  }
0xa8: {  	s2 =	simm.s32 $0x4700  }
0xa9: {  	[tilespmem:s2], [sflag:$0x3] =	stream.indirect.gather [hbm4b:s21+s15], $0x80, s17, s15, $0xb8;
	[tilespmem:$0x1E300] =	vst v63  }
0xaa: {  	s11 =	simm.s32 $0x5700  }
0xab: {  	[tilespmem:s11], [sflag:$0x3] =	stream.indirect.gather [hbm4b:s23+s15], $0x80, s17, s15, $0xb8;
	[tilespmem:$0x1E300] =	vst v63  }
0xac: {  	s29 =	simm.s32 $0x700;
	s14 =	simm.s32 $0x100  }
0xad: {  	[tilespmem:s29], [sflag:$0x3] =	stream.indirect.gather [hbm4b:s7+s15], $0x80, s14, s15, $0xb8;
	[tilespmem:$0x1E300] =	vst v63  }
0xae: {  	_ =	swait.ge [sflag:s22], $0x1000  }
0xaf: {  	[sflag:s22] =	ssyncset.done $0x0  }
0xb0: {  	[sflag:s22] =	ssyncadd.s32 $0xFFFFF000  }
0xb1: {  	_ =	swait.ge [sflag:s24], $0x80  }
0xb2: {  	[sflag:s24] =	ssyncset.done $0x0  }
0xb3: {  	[sflag:s24] =	ssyncadd.s32 $0xFFFFFF80  }
0xb4: {  	_ =	swait.ge [sflag:s24], $0x80  }
0xb5: {  	[sflag:s24] =	ssyncset.done $0x0  }
0xb6: {  	[sflag:s24] =	ssyncadd.s32 $0xFFFFFF80  }
0xb7: {  	_ =	swait.ge [sflag:s24], $0x200  }
0xb8: {  	[sflag:s24] =	ssyncset.done $0x0  }
0xb9: {  	s0 =	sadd.s32 $0x10, s0;
	[sflag:s24] =	ssyncadd.s32 $0xFFFFFE00  }
0xba: {  	[tilespmem:s26], [sflag:$0x4] =	stream.linear.gather [hbm4b:s0+s17], $0x80, $0x38;
	[tilespmem:$0x1E300] =	vst v63  }
0xbb: {  	s1 =	simm.s32 $0x6700  }
0xbc: {  	[tilespmem:s1], [sflag:$0x4] =	stream.indirect.gather [hbm4b:s8+s15], $0x80, s30, s15, $0xb8;
	[tilespmem:$0x1E300] =	vst v63  }
0xbd: {  	s2 =	simm.s32 $0x7700  }
0xbe: {  	[tilespmem:s2], [sflag:$0x4] =	stream.indirect.gather [hbm4b:s20+s15], $0x80, s30, s15, $0xb8;
	[tilespmem:$0x1E300] =	vst v63  }
0xbf: {  	s11 =	simm.s32 $0x8700  }
0xc0: {  	[tilespmem:s11], [sflag:$0x4] =	stream.indirect.gather [hbm4b:s21+s15], $0x80, s30, s15, $0xb8;
	[tilespmem:$0x1E300] =	vst v63  }
0xc1: {  	_ = 	snop  }
0xc2: {  	[tilespmem:s25], [sflag:$0x4] =	stream.indirect.gather [hbm4b:s23+s15], $0x80, s30, s15, $0xb8;
	[tilespmem:$0x1E300] =	vst v63  }
0xc3: {  	s14 =	simm.s32 $0x1700  }
0xc4: {  	[tilespmem:s14], [sflag:$0x4] =	stream.indirect.gather [hbm4b:s7+s15], $0x80, s18, s15, $0xb8;
	[tilespmem:$0x1E300] =	vst v63  }
0xc5: {  	_ =	swait.ge [sflag:s9], $0x1000  }
0xc6: {  	[sflag:s9] =	ssyncset.done $0x0  }
0xc7: {  	[sflag:s9] =	ssyncadd.s32 $0xFFFFF000  }
0xc8: {  	_ =	swait.ge [sflag:s9], $0x1000  }
0xc9: {  	[sflag:s9] =	ssyncset.done $0x0  }
0xca: {  	[sflag:s9] =	ssyncadd.s32 $0xFFFFF000  }
0xcb: {  	_ =	swait.ge [sflag:s9], $0x1000  }
0xcc: {  	[sflag:s9] =	ssyncset.done $0x0  }
0xcd: {  	[sflag:s9] =	ssyncadd.s32 $0xFFFFF000  }
0xce: {  	_ =	swait.ge [sflag:s9], $0x1000  }
0xcf: {  	[sflag:s9] =	ssyncset.done $0x0  }
0xd0: {  	[sflag:s9] =	ssyncadd.s32 $0xFFFFF000  }
0xd1: {  	_ =	swait.ge [sflag:s9], $0x1000  }
0xd2: {  	[sflag:s9] =	ssyncset.done $0x0  }
0xd3: {  	[sflag:s9] =	ssyncadd.s32 $0xFFFFF000  }
0xd4: {  	s18 =	sand.u32 $0x600, s17;
	_ =	swait.ge [sflag:s9], $0x80  }
0xd5: {  	s25 =	sand.u32 $0x70, s17;
	s0 =	sshrl.u32 s18, $0x2;
	[sflag:s9] =	ssyncset.done $0x0  }
0xd6: {  	s0 =	sor.u32 s25, s0;
	[sflag:s9] =	ssyncadd.s32 $0xFFFFFF80  }
0xd7: {  	v1 =	vld [tilespmem:s0+$0x300]  }
0xd8: {  	v2 =	vld [tilespmem:s29+$0x0];
	_ =	sdelay $0x1  }
0xd9: {  	s26 =	simm.s32 $0x3740  }
0xda: {  	s14 =	simm.s32 $0x2740;
	v5 =	vld [tilespmem:s26+$0xFFFFFFC0]  }
0xdb: {  	v6 =	vld [tilespmem:s14+$0xFFFFFFC0]  }
0xdc: {  	s2 =	simm.s32 $0x4740;
	v1 =	vmul.f32 v2, v1  }
0xdd: {  	v7 =	vld [tilespmem:s2+$0xFFFFFFC0]  }
0xde: {  	s0 =	simm.s32 $0x5740;
	v3 =	vbroadcast v1, $0x0;
	v4 =	vbroadcast v1, $0x1  }
0xdf: {  	v8 =	vld [tilespmem:s0+$0xFFFFFFC0];
	v2 =	vbroadcast v1, $0x2  }
0xe0: {  	v6 =	vmul.f32 v3, v6;
	v5 =	vmul.f32 v4, v5;
	_ =	sdelay $0x1  }
0xe1: {  	v1 =	vbroadcast v1, $0x3;
	v5 =	vadd.f32 v5, v6;
	v6 =	vmul.f32 v7, v2;
	_ =	sdelay $0x1  }
0xe2: {  	v5 =	vadd.f32 v6, v5;
	v6 =	vmul.f32 v8, v1;
	_ =	sdelay $0x1  }
0xe3: {  	v5 =	vadd.f32 v6, v5;
	_ =	sdelay $0x1  }
0xe4: {  	[tilespmem:s0+$0xFFFFFFC0] =	vst v5  }
0xe5: {  	v5 =	vld [tilespmem:s14+$0xFFFFFFD0]  }
0xe6: {  	v6 =	vld [tilespmem:s26+$0xFFFFFFD0];
	_ =	sdelay $0x1  }
0xe7: {  	v7 =	vld [tilespmem:s2+$0xFFFFFFD0];
	_ =	sdelay $0x1  }
0xe8: {  	v8 =	vld [tilespmem:s0+$0xFFFFFFD0]  }
0xe9: {  	v5 =	vmul.f32 v5, v3;
	v6 =	vmul.f32 v6, v4;
	_ =	sdelay $0x1  }
0xea: {  	v5 =	vadd.f32 v6, v5;
	v6 =	vmul.f32 v7, v2;
	_ =	sdelay $0x1  }
0xeb: {  	v5 =	vadd.f32 v6, v5;
	v6 =	vmul.f32 v8, v1;
	_ =	sdelay $0x1  }
0xec: {  	v5 =	vadd.f32 v6, v5;
	_ =	sdelay $0x1  }
0xed: {  	[tilespmem:s0+$0xFFFFFFD0] =	vst v5  }
0xee: {  	v5 =	vld [tilespmem:s14+$0xFFFFFFE0]  }
0xef: {  	v6 =	vld [tilespmem:s26+$0xFFFFFFE0];
	_ =	sdelay $0x1  }
0xf0: {  	v7 =	vld [tilespmem:s2+$0xFFFFFFE0];
	_ =	sdelay $0x1  }
0xf1: {  	v8 =	vld [tilespmem:s0+$0xFFFFFFE0]  }
0xf2: {  	v5 =	vmul.f32 v5, v3;
	v6 =	vmul.f32 v6, v4;
	_ =	sdelay $0x1  }
0xf3: {  	v5 =	vadd.f32 v6, v5;
	v6 =	vmul.f32 v7, v2;
	_ =	sdelay $0x1  }
0xf4: {  	v5 =	vadd.f32 v6, v5;
	v6 =	vmul.f32 v8, v1;
	_ =	sdelay $0x1  }
0xf5: {  	v5 =	vadd.f32 v6, v5;
	_ =	sdelay $0x1  }
0xf6: {  	[tilespmem:s0+$0xFFFFFFE0] =	vst v5  }
0xf7: {  	v5 =	vld [tilespmem:s14+$0xFFFFFFF0]  }
0xf8: {  	v6 =	vld [tilespmem:s26+$0xFFFFFFF0];
	_ =	sdelay $0x1  }
0xf9: {  	v7 =	vld [tilespmem:s2+$0xFFFFFFF0];
	_ =	sdelay $0x1  }
0xfa: {  	v8 =	vld [tilespmem:s0+$0xFFFFFFF0]  }
0xfb: {  	v5 =	vmul.f32 v5, v3;
	v6 =	vmul.f32 v6, v4;
	_ =	sdelay $0x1  }
0xfc: {  	v7 =	vmul.f32 v7, v2;
	v5 =	vadd.f32 v6, v5;
	_ =	sdelay $0x1  }
0xfd: {  	v6 =	vmul.f32 v8, v1;
	v5 =	vadd.f32 v7, v5;
	_ =	sdelay $0x1  }
0xfe: {  	v5 =	vadd.f32 v6, v5;
	_ =	sdelay $0x1  }
0xff: {  	[tilespmem:s0+$0xFFFFFFF0] =	vst v5  }
0x100: {  	v5 =	vld [tilespmem:s14+$0x0]  }
0x101: {  	v6 =	vld [tilespmem:s26+$0x0];
	_ =	sdelay $0x1  }
0x102: {  	v7 =	vld [tilespmem:s2+$0x0];
	_ =	sdelay $0x1  }
0x103: {  	v8 =	vld [tilespmem:s0+$0x0]  }
0x104: {  	v5 =	vmul.f32 v5, v3;
	v6 =	vmul.f32 v6, v4;
	_ =	sdelay $0x1  }
0x105: {  	v7 =	vmul.f32 v7, v2;
	v5 =	vadd.f32 v6, v5;
	_ =	sdelay $0x1  }
0x106: {  	v6 =	vmul.f32 v8, v1;
	v5 =	vadd.f32 v7, v5;
	_ =	sdelay $0x1  }
0x107: {  	v6 =	vadd.f32 v6, v5;
	_ =	sdelay $0x1  }
0x108: {  	[tilespmem:s0+$0x0] =	vst v6  }
0x109: {  	v6 =	vld [tilespmem:s14+$0x10]  }
0x10a: {  	v7 =	vld [tilespmem:s26+$0x10];
	_ =	sdelay $0x1  }
0x10b: {  	v8 =	vld [tilespmem:s2+$0x10];
	_ =	sdelay $0x1  }
0x10c: {  	v9 =	vld [tilespmem:s0+$0x10]  }
0x10d: {  	v6 =	vmul.f32 v6, v3;
	v7 =	vmul.f32 v7, v4;
	_ =	sdelay $0x1  }
0x10e: {  	v8 =	vmul.f32 v8, v2;
	v6 =	vadd.f32 v7, v6;
	_ =	sdelay $0x1  }
0x10f: {  	v7 =	vmul.f32 v9, v1;
	v6 =	vadd.f32 v8, v6;
	_ =	sdelay $0x1  }
0x110: {  	v6 =	vadd.f32 v7, v6;
	_ =	sdelay $0x1  }
0x111: {  	[tilespmem:s0+$0x10] =	vst v6  }
0x112: {  	v6 =	vld [tilespmem:s14+$0x20]  }
0x113: {  	v7 =	vld [tilespmem:s26+$0x20];
	_ =	sdelay $0x1  }
0x114: {  	v8 =	vld [tilespmem:s2+$0x20];
	_ =	sdelay $0x1  }
0x115: {  	v9 =	vld [tilespmem:s0+$0x20]  }
0x116: {  	v6 =	vmul.f32 v6, v3;
	v7 =	vmul.f32 v7, v4;
	_ =	sdelay $0x1  }
0x117: {  	v8 =	vmul.f32 v8, v2;
	v6 =	vadd.f32 v7, v6;
	_ =	sdelay $0x1  }
0x118: {  	v7 =	vmul.f32 v9, v1;
	v6 =	vadd.f32 v8, v6;
	_ =	sdelay $0x1  }
0x119: {  	v6 =	vadd.f32 v7, v6;
	_ =	sdelay $0x1  }
0x11a: {  	[tilespmem:s0+$0x20] =	vst v6  }
0x11b: {  	v6 =	vld [tilespmem:s14+$0x30]  }
0x11c: {  	v7 =	vld [tilespmem:s26+$0x30]  }
0x11d: {  	v8 =	vld [tilespmem:s2+$0x30]  }
0x11e: {  	s28 =	simm.s32 $0x27C0;
	s31 =	simm.s32 $0x0;
	s1 =	simm.s32 $0x5740  }
0x11f: {  	s18 =	simm.s32 $0x47C0;
	v5 =	vld [tilespmem:s0+$0x30];
	s14 =	simm.s32 $0x40;
	s26 =	simm.s32 $0x37C0  }
.LBB2_5:
0x120: {  	s31 =	sadd.s32 $0x10, s31;
	s29 =	sadd.s32 $0x80, s29;
	s0 =	sadd.s32 $0x80, s0  }
0x121: {  	p0 =	sne.s32 s14, $0x7C0;
	v3 =	vmul.f32 v6, v3;
	s2 =	smov.u32 s14;
	s14 =	sadd.s32 $0x40, s14;
	v4 =	vmul.f32 v7, v4  }
0x122: {  	v2 =	vmul.f32 v8, v2  }
0x123: {  	v3 =	vadd.f32 v4, v3;
	_ =	sdelay $0x1  }
0x124: {  	v1 =	vmul.f32 v5, v1;
	v2 =	vadd.f32 v2, v3  }
0x125: {  	s2 =	sand.u32 $0x600, s2  }
0x126: {  	s25 =	sand.u32 $0x70, s31;
	s2 =	sshrl.u32 s2, $0x2;
	v1 =	vadd.f32 v1, v2  }
0x127: {  	s2 =	sor.u32 s25, s2  }
0x128: {  	[tilespmem:s1+$0x30] =	vst v1;
	s1 =	smov.u32 s0  }
0x129: {  	v1 =	vld [tilespmem:s2+$0x300]  }
0x12a: {  	v2 =	vld [tilespmem:s29+$0x0]  }
0x12b: {  	v5 =	vld [tilespmem:s0+$0x30]  }
0x12c: {  	v6 =	vld [tilespmem:s26+$0xFFFFFFC0]  }
0x12d: {  	v7 =	vld [tilespmem:s28+$0xFFFFFFC0];
	_ =	sdelay $0x1  }
0x12e: {  	v1 =	vmul.f32 v2, v1  }
0x12f: {  	v8 =	vld [tilespmem:s18+$0xFFFFFFC0]  }
0x130: {  	v3 =	vbroadcast v1, $0x0;
	v4 =	vbroadcast v1, $0x1  }
0x131: {  	v2 =	vbroadcast v1, $0x2;
	v1 =	vbroadcast v1, $0x3;
	v9 =	vld [tilespmem:s0+$0xFFFFFFC0]  }
0x132: {  	v7 =	vmul.f32 v3, v7;
	v6 =	vmul.f32 v4, v6;
	_ =	sdelay $0x1  }
0x133: {  	v6 =	vadd.f32 v6, v7;
	v7 =	vmul.f32 v8, v2;
	_ =	sdelay $0x1  }
0x134: {  	v6 =	vadd.f32 v7, v6;
	v7 =	vmul.f32 v9, v1;
	_ =	sdelay $0x1  }
0x135: {  	v6 =	vadd.f32 v7, v6;
	_ =	sdelay $0x1  }
0x136: {  	[tilespmem:s0+$0xFFFFFFC0] =	vst v6  }
0x137: {  	v6 =	vld [tilespmem:s28+$0xFFFFFFD0]  }
0x138: {  	v7 =	vld [tilespmem:s26+$0xFFFFFFD0];
	_ =	sdelay $0x1  }
0x139: {  	v8 =	vld [tilespmem:s18+$0xFFFFFFD0];
	_ =	sdelay $0x1  }
0x13a: {  	v6 =	vmul.f32 v6, v3;
	v9 =	vld [tilespmem:s0+$0xFFFFFFD0]  }
0x13b: {  	v7 =	vmul.f32 v7, v4;
	_ =	sdelay $0x1  }
0x13c: {  	v6 =	vadd.f32 v7, v6;
	v7 =	vmul.f32 v8, v2;
	_ =	sdelay $0x1  }
0x13d: {  	v6 =	vadd.f32 v7, v6;
	v7 =	vmul.f32 v9, v1;
	_ =	sdelay $0x1  }
0x13e: {  	v6 =	vadd.f32 v7, v6;
	_ =	sdelay $0x1  }
0x13f: {  	[tilespmem:s0+$0xFFFFFFD0] =	vst v6  }
0x140: {  	v6 =	vld [tilespmem:s28+$0xFFFFFFE0]  }
0x141: {  	v7 =	vld [tilespmem:s26+$0xFFFFFFE0];
	_ =	sdelay $0x1  }
0x142: {  	v8 =	vld [tilespmem:s18+$0xFFFFFFE0];
	_ =	sdelay $0x1  }
0x143: {  	v6 =	vmul.f32 v6, v3;
	v9 =	vld [tilespmem:s0+$0xFFFFFFE0]  }
0x144: {  	v7 =	vmul.f32 v7, v4;
	_ =	sdelay $0x1  }
0x145: {  	v6 =	vadd.f32 v7, v6;
	v7 =	vmul.f32 v8, v2;
	_ =	sdelay $0x1  }
0x146: {  	v6 =	vadd.f32 v7, v6;
	v7 =	vmul.f32 v9, v1;
	_ =	sdelay $0x1  }
0x147: {  	v6 =	vadd.f32 v7, v6;
	_ =	sdelay $0x1  }
0x148: {  	[tilespmem:s0+$0xFFFFFFE0] =	vst v6  }
0x149: {  	v6 =	vld [tilespmem:s28+$0xFFFFFFF0]  }
0x14a: {  	v7 =	vld [tilespmem:s26+$0xFFFFFFF0]  }
0x14b: {  	v8 =	vld [tilespmem:s18+$0xFFFFFFF0];
	_ =	sdelay $0x2  }
0x14c: {  	v6 =	vmul.f32 v6, v3;
	v9 =	vld [tilespmem:s0+$0xFFFFFFF0]  }
0x14d: {  	v7 =	vmul.f32 v7, v4  }
0x14e: {  	v8 =	vmul.f32 v8, v2  }
0x14f: {  	v6 =	vadd.f32 v7, v6;
	_ =	sdelay $0x1  }
0x150: {  	v6 =	vadd.f32 v8, v6;
	v7 =	vmul.f32 v9, v1;
	_ =	sdelay $0x1  }
0x151: {  	v6 =	vadd.f32 v7, v6;
	_ =	sdelay $0x1  }
0x152: {  	[tilespmem:s0+$0xFFFFFFF0] =	vst v6  }
0x153: {  	v6 =	vld [tilespmem:s28+$0x0]  }
0x154: {  	v7 =	vld [tilespmem:s26+$0x0]  }
0x155: {  	v8 =	vld [tilespmem:s18+$0x0];
	_ =	sdelay $0x2  }
0x156: {  	v6 =	vmul.f32 v6, v3;
	v9 =	vld [tilespmem:s0+$0x0]  }
0x157: {  	v7 =	vmul.f32 v7, v4  }
0x158: {  	v8 =	vmul.f32 v8, v2  }
0x159: {  	v6 =	vadd.f32 v7, v6;
	_ =	sdelay $0x1  }
0x15a: {  	v6 =	vadd.f32 v8, v6;
	v7 =	vmul.f32 v9, v1;
	_ =	sdelay $0x1  }
0x15b: {  	v6 =	vadd.f32 v7, v6;
	_ =	sdelay $0x1  }
0x15c: {  	[tilespmem:s0+$0x0] =	vst v6  }
0x15d: {  	v6 =	vld [tilespmem:s28+$0x10]  }
0x15e: {  	v7 =	vld [tilespmem:s26+$0x10]  }
0x15f: {  	v8 =	vld [tilespmem:s18+$0x10];
	_ =	sdelay $0x2  }
0x160: {  	v6 =	vmul.f32 v6, v3;
	v9 =	vld [tilespmem:s0+$0x10]  }
0x161: {  	v7 =	vmul.f32 v7, v4  }
0x162: {  	v8 =	vmul.f32 v8, v2  }
0x163: {  	v6 =	vadd.f32 v7, v6;
	_ =	sdelay $0x1  }
0x164: {  	v6 =	vadd.f32 v8, v6;
	v7 =	vmul.f32 v9, v1;
	_ =	sdelay $0x1  }
0x165: {  	v6 =	vadd.f32 v7, v6;
	_ =	sdelay $0x1  }
0x166: {  	[tilespmem:s0+$0x10] =	vst v6  }
0x167: {  	v6 =	vld [tilespmem:s28+$0x20]  }
0x168: {  	v7 =	vld [tilespmem:s26+$0x20]  }
0x169: {  	v8 =	vld [tilespmem:s18+$0x20];
	_ =	sdelay $0x2  }
0x16a: {  	v6 =	vmul.f32 v6, v3;
	v9 =	vld [tilespmem:s0+$0x20]  }
0x16b: {  	v7 =	vmul.f32 v7, v4  }
0x16c: {  	v8 =	vmul.f32 v8, v2  }
0x16d: {  	v6 =	vadd.f32 v7, v6;
	_ =	sdelay $0x1  }
0x16e: {  	v6 =	vadd.f32 v8, v6;
	v7 =	vmul.f32 v9, v1;
	_ =	sdelay $0x1  }
0x16f: {  	v6 =	vadd.f32 v7, v6;
	_ =	sdelay $0x1  }
0x170: {  	[tilespmem:s0+$0x20] =	vst v6  }
.Ltmp1:
0x171: {  	v6 =	vld [tilespmem:s28+$0x30];
	(pc) =	sbr.rel @p0 .LBB2_5-.Ltmp1, $3  }
0x172: {  	v7 =	vld [tilespmem:s26+$0x30]  }
0x173: {  	v8 =	vld [tilespmem:s18+$0x30];
	_ =	sdelay $0x1  }
0x174: {  	s28 =	sadd.s32 $0x80, s28;
	s26 =	sadd.s32 $0x80, s26;
	s18 =	sadd.s32 $0x80, s18  }
0x175: {  	_ = 	snop  }
0x176: {  	v3 =	vmul.f32 v6, v3;
	v4 =	vmul.f32 v7, v4;
	_ =	sdelay $0x1  }
0x177: {  	v2 =	vmul.f32 v8, v2;
	v3 =	vadd.f32 v4, v3;
	_ =	sdelay $0x1  }
0x178: {  	v1 =	vmul.f32 v5, v1;
	v2 =	vadd.f32 v2, v3  }
0x179: {  	s29 =	sshll.u32 s19, $0x1  }
0x17a: {  	s26 =	sadd.s32 $0x2, s29;
	v1 =	vadd.f32 v1, v2  }
0x17b: {  	s18 =	sshll.u32 s26, $0x7  }
0x17c: {  	s0 =	simm.s32 $0x5700;
	s25 =	simm.s32 $0x200;
	s2 =	sand.u32 $0x1FC00, s18;
	[tilespmem:s1+$0x30] =	vst v1  }
0x17d: {  	[spmem:s3] =	stream.indirect.scatter.add.f32 [tilespmem:s0], [sflag:$0x5], $0x80, s25, s15, $0xb8;
	[tilespmem:$0x1E300] =	vst v63  }
0x17e: {  	s2 =	sadd.s32 s10, s2;
	s0 =	sand.u32 $0x300, s18  }
0x17f: {  	s0 =	sor.u32 s0, s2  }
0x180: {  	s1 =	sshll.u32 s26, $0x9;
	s2 =	sshrl.u32 s0, $0x3  }
0x181: {  	s1 =	sadd.s32 s12, s1;
	s0 =	simm.s32 $0x0;
	s14 =	sadd.s32 s4, s2  }
0x182: {  	[tilespmem:s0], [sflag:$0x1] =	stream.linear.gather [hbm4b:s14+s0], $0x80, $0x38;
	[tilespmem:$0x1E300] =	vst v63  }
0x183: {  	s25 =	simm.s32 $0x100;
	s1 =	sshrl.u32 s1, $0x3;
	s2 =	sadd.s32 s5, s2  }
0x184: {  	[tilespmem:s25], [sflag:$0x1] =	stream.linear.gather [hbm4b:s2+s0], $0x80, $0x38;
	[tilespmem:$0x1E300] =	vst v63  }
0x185: {  	s26 =	simm.s32 $0x300;
	s1 =	sadd.s32 s6, s1  }
0x186: {  	[tilespmem:s26], [sflag:$0x1] =	stream.linear.gather [hbm4b:s1+s0], $0x200, $0x38;
	[tilespmem:$0x1E300] =	vst v63  }
0x187: {  	_ =	swait.ge [sflag:s16], $0x1000  }
0x188: {  	[sflag:s16] =	ssyncset.done $0x0  }
0x189: {  	[sflag:s16] =	ssyncadd.s32 $0xFFFFF000  }
0x18a: {  	_ =	swait.ge [sflag:s16], $0x1000  }
0x18b: {  	[sflag:s16] =	ssyncset.done $0x0  }
0x18c: {  	[sflag:s16] =	ssyncadd.s32 $0xFFFFF000  }
0x18d: {  	_ =	swait.ge [sflag:s16], $0x1000  }
0x18e: {  	[sflag:s16] =	ssyncset.done $0x0  }
0x18f: {  	[sflag:s16] =	ssyncadd.s32 $0xFFFFF000  }
0x190: {  	_ =	swait.ge [sflag:s16], $0x1000  }
0x191: {  	[sflag:s16] =	ssyncset.done $0x0  }
0x192: {  	[sflag:s16] =	ssyncadd.s32 $0xFFFFF000  }
0x193: {  	_ =	swait.ge [sflag:s16], $0x1000  }
0x194: {  	[sflag:s16] =	ssyncset.done $0x0  }
0x195: {  	[sflag:s16] =	ssyncadd.s32 $0xFFFFF000  }
0x196: {  	s11 =	smov.u32 s3;
	s2 =	sand.u32 $0x600, s0;
	_ =	swait.ge [sflag:s16], $0x80  }
0x197: {  	s3 =	sand.u32 $0x70, s0;
	s1 =	sshrl.u32 s2, $0x2;
	[sflag:s16] =	ssyncset.done $0x0  }
0x198: {  	s2 =	sor.u32 s3, s1;
	[sflag:s16] =	ssyncadd.s32 $0xFFFFFF80  }
0x199: {  	s1 =	simm.s32 $0x1700;
	v1 =	vld [tilespmem:s2+$0x500]  }
0x19a: {  	v2 =	vld [tilespmem:s1+$0x0];
	_ =	sdelay $0x1  }
0x19b: {  	s14 =	simm.s32 $0x7740  }
0x19c: {  	s18 =	simm.s32 $0x6740;
	v5 =	vld [tilespmem:s14+$0xFFFFFFC0]  }
0x19d: {  	v6 =	vld [tilespmem:s18+$0xFFFFFFC0]  }
0x19e: {  	s25 =	simm.s32 $0x8740;
	v1 =	vmul.f32 v2, v1  }
0x19f: {  	v7 =	vld [tilespmem:s25+$0xFFFFFFC0]  }
0x1a0: {  	s26 =	simm.s32 $0x9740;
	v3 =	vbroadcast v1, $0x0;
	v4 =	vbroadcast v1, $0x1  }
0x1a1: {  	v8 =	vld [tilespmem:s26+$0xFFFFFFC0];
	v2 =	vbroadcast v1, $0x2  }
0x1a2: {  	v6 =	vmul.f32 v3, v6;
	v5 =	vmul.f32 v4, v5;
	_ =	sdelay $0x1  }
0x1a3: {  	v1 =	vbroadcast v1, $0x3;
	v5 =	vadd.f32 v5, v6;
	v6 =	vmul.f32 v7, v2;
	_ =	sdelay $0x1  }
0x1a4: {  	v5 =	vadd.f32 v6, v5;
	v6 =	vmul.f32 v8, v1;
	_ =	sdelay $0x1  }
0x1a5: {  	v5 =	vadd.f32 v6, v5;
	_ =	sdelay $0x1  }
0x1a6: {  	[tilespmem:s26+$0xFFFFFFC0] =	vst v5  }
0x1a7: {  	v5 =	vld [tilespmem:s18+$0xFFFFFFD0]  }
0x1a8: {  	v6 =	vld [tilespmem:s14+$0xFFFFFFD0];
	_ =	sdelay $0x1  }
0x1a9: {  	v7 =	vld [tilespmem:s25+$0xFFFFFFD0];
	_ =	sdelay $0x1  }
0x1aa: {  	v8 =	vld [tilespmem:s26+$0xFFFFFFD0]  }
0x1ab: {  	v5 =	vmul.f32 v5, v3;
	v6 =	vmul.f32 v6, v4;
	_ =	sdelay $0x1  }
0x1ac: {  	v5 =	vadd.f32 v6, v5;
	v6 =	vmul.f32 v7, v2;
	_ =	sdelay $0x1  }
0x1ad: {  	v5 =	vadd.f32 v6, v5;
	v6 =	vmul.f32 v8, v1;
	_ =	sdelay $0x1  }
0x1ae: {  	v5 =	vadd.f32 v6, v5;
	_ =	sdelay $0x1  }
0x1af: {  	[tilespmem:s26+$0xFFFFFFD0] =	vst v5  }
0x1b0: {  	v5 =	vld [tilespmem:s18+$0xFFFFFFE0]  }
0x1b1: {  	v6 =	vld [tilespmem:s14+$0xFFFFFFE0];
	_ =	sdelay $0x1  }
0x1b2: {  	v7 =	vld [tilespmem:s25+$0xFFFFFFE0];
	_ =	sdelay $0x1  }
0x1b3: {  	v8 =	vld [tilespmem:s26+$0xFFFFFFE0]  }
0x1b4: {  	v5 =	vmul.f32 v5, v3;
	v6 =	vmul.f32 v6, v4;
	_ =	sdelay $0x1  }
0x1b5: {  	v5 =	vadd.f32 v6, v5;
	v6 =	vmul.f32 v7, v2;
	_ =	sdelay $0x1  }
0x1b6: {  	v5 =	vadd.f32 v6, v5;
	v6 =	vmul.f32 v8, v1;
	_ =	sdelay $0x1  }
0x1b7: {  	v5 =	vadd.f32 v6, v5;
	_ =	sdelay $0x1  }
0x1b8: {  	[tilespmem:s26+$0xFFFFFFE0] =	vst v5  }
0x1b9: {  	v5 =	vld [tilespmem:s18+$0xFFFFFFF0]  }
0x1ba: {  	v6 =	vld [tilespmem:s14+$0xFFFFFFF0];
	_ =	sdelay $0x1  }
0x1bb: {  	v7 =	vld [tilespmem:s25+$0xFFFFFFF0];
	_ =	sdelay $0x1  }
0x1bc: {  	v8 =	vld [tilespmem:s26+$0xFFFFFFF0]  }
0x1bd: {  	v5 =	vmul.f32 v5, v3;
	v6 =	vmul.f32 v6, v4;
	_ =	sdelay $0x1  }
0x1be: {  	v7 =	vmul.f32 v7, v2;
	v5 =	vadd.f32 v6, v5;
	_ =	sdelay $0x1  }
0x1bf: {  	v6 =	vmul.f32 v8, v1;
	v5 =	vadd.f32 v7, v5;
	_ =	sdelay $0x1  }
0x1c0: {  	v5 =	vadd.f32 v6, v5;
	_ =	sdelay $0x1  }
0x1c1: {  	[tilespmem:s26+$0xFFFFFFF0] =	vst v5  }
0x1c2: {  	v5 =	vld [tilespmem:s18+$0x0]  }
0x1c3: {  	v6 =	vld [tilespmem:s14+$0x0];
	_ =	sdelay $0x1  }
0x1c4: {  	v7 =	vld [tilespmem:s25+$0x0];
	_ =	sdelay $0x1  }
0x1c5: {  	v8 =	vld [tilespmem:s26+$0x0]  }
0x1c6: {  	v5 =	vmul.f32 v5, v3;
	v6 =	vmul.f32 v6, v4;
	_ =	sdelay $0x1  }
0x1c7: {  	v7 =	vmul.f32 v7, v2;
	v5 =	vadd.f32 v6, v5;
	_ =	sdelay $0x1  }
0x1c8: {  	v6 =	vmul.f32 v8, v1;
	v5 =	vadd.f32 v7, v5;
	_ =	sdelay $0x1  }
0x1c9: {  	v6 =	vadd.f32 v6, v5;
	_ =	sdelay $0x1  }
0x1ca: {  	[tilespmem:s26+$0x0] =	vst v6  }
0x1cb: {  	v6 =	vld [tilespmem:s18+$0x10]  }
0x1cc: {  	v7 =	vld [tilespmem:s14+$0x10];
	_ =	sdelay $0x1  }
0x1cd: {  	v8 =	vld [tilespmem:s25+$0x10];
	_ =	sdelay $0x1  }
0x1ce: {  	v9 =	vld [tilespmem:s26+$0x10]  }
0x1cf: {  	v6 =	vmul.f32 v6, v3;
	v7 =	vmul.f32 v7, v4;
	_ =	sdelay $0x1  }
0x1d0: {  	v8 =	vmul.f32 v8, v2;
	v6 =	vadd.f32 v7, v6;
	_ =	sdelay $0x1  }
0x1d1: {  	v7 =	vmul.f32 v9, v1;
	v6 =	vadd.f32 v8, v6;
	_ =	sdelay $0x1  }
0x1d2: {  	v6 =	vadd.f32 v7, v6;
	_ =	sdelay $0x1  }
0x1d3: {  	[tilespmem:s26+$0x10] =	vst v6  }
0x1d4: {  	v6 =	vld [tilespmem:s18+$0x20]  }
0x1d5: {  	v7 =	vld [tilespmem:s14+$0x20];
	_ =	sdelay $0x1  }
0x1d6: {  	v8 =	vld [tilespmem:s25+$0x20];
	_ =	sdelay $0x1  }
0x1d7: {  	v9 =	vld [tilespmem:s26+$0x20]  }
0x1d8: {  	v6 =	vmul.f32 v6, v3;
	v7 =	vmul.f32 v7, v4;
	_ =	sdelay $0x1  }
0x1d9: {  	v8 =	vmul.f32 v8, v2;
	v6 =	vadd.f32 v7, v6;
	_ =	sdelay $0x1  }
0x1da: {  	v7 =	vmul.f32 v9, v1;
	v6 =	vadd.f32 v8, v6;
	_ =	sdelay $0x1  }
0x1db: {  	v6 =	vadd.f32 v7, v6;
	_ =	sdelay $0x1  }
0x1dc: {  	[tilespmem:s26+$0x20] =	vst v6  }
0x1dd: {  	v6 =	vld [tilespmem:s18+$0x30]  }
0x1de: {  	v8 =	vld [tilespmem:s14+$0x30]  }
0x1df: {  	v7 =	vld [tilespmem:s25+$0x30]  }
0x1e0: {  	s28 =	simm.s32 $0x87C0;
	s31 =	simm.s32 $0x77C0  }
0x1e1: {  	s2 =	simm.s32 $0x67C0;
	v5 =	vld [tilespmem:s26+$0x30];
	s18 =	simm.s32 $0x40;
	s14 =	simm.s32 $0x9740  }
.LBB2_7:
0x1e2: {  	s0 =	sadd.s32 $0x10, s0;
	s1 =	sadd.s32 $0x80, s1;
	s26 =	sadd.s32 $0x80, s26  }
0x1e3: {  	p0 =	sne.s32 s18, $0x7C0;
	v3 =	vmul.f32 v6, v3;
	s25 =	smov.u32 s18;
	s18 =	sadd.s32 $0x40, s18;
	v4 =	vmul.f32 v8, v4  }
0x1e4: {  	v2 =	vmul.f32 v7, v2  }
0x1e5: {  	v3 =	vadd.f32 v4, v3;
	_ =	sdelay $0x1  }
0x1e6: {  	v1 =	vmul.f32 v5, v1;
	v2 =	vadd.f32 v2, v3  }
0x1e7: {  	s25 =	sand.u32 $0x600, s25  }
0x1e8: {  	s3 =	sand.u32 $0x70, s0;
	s25 =	sshrl.u32 s25, $0x2;
	v1 =	vadd.f32 v1, v2  }
0x1e9: {  	s3 =	sor.u32 s3, s25  }
0x1ea: {  	[tilespmem:s14+$0x30] =	vst v1;
	s14 =	smov.u32 s26  }
0x1eb: {  	v1 =	vld [tilespmem:s3+$0x500]  }
0x1ec: {  	v2 =	vld [tilespmem:s1+$0x0]  }
0x1ed: {  	v5 =	vld [tilespmem:s26+$0x30]  }
0x1ee: {  	v6 =	vld [tilespmem:s31+$0xFFFFFFC0]  }
0x1ef: {  	v7 =	vld [tilespmem:s2+$0xFFFFFFC0];
	_ =	sdelay $0x1  }
0x1f0: {  	v1 =	vmul.f32 v2, v1  }
0x1f1: {  	v8 =	vld [tilespmem:s28+$0xFFFFFFC0]  }
0x1f2: {  	v3 =	vbroadcast v1, $0x0;
	v4 =	vbroadcast v1, $0x1  }
0x1f3: {  	v2 =	vbroadcast v1, $0x2;
	v1 =	vbroadcast v1, $0x3;
	v9 =	vld [tilespmem:s26+$0xFFFFFFC0]  }
0x1f4: {  	v7 =	vmul.f32 v3, v7;
	v6 =	vmul.f32 v4, v6;
	_ =	sdelay $0x1  }
0x1f5: {  	v6 =	vadd.f32 v6, v7;
	v7 =	vmul.f32 v8, v2;
	_ =	sdelay $0x1  }
0x1f6: {  	v6 =	vadd.f32 v7, v6;
	v7 =	vmul.f32 v9, v1;
	_ =	sdelay $0x1  }
0x1f7: {  	v6 =	vadd.f32 v7, v6;
	_ =	sdelay $0x1  }
0x1f8: {  	[tilespmem:s26+$0xFFFFFFC0] =	vst v6  }
0x1f9: {  	v6 =	vld [tilespmem:s2+$0xFFFFFFD0]  }
0x1fa: {  	v7 =	vld [tilespmem:s31+$0xFFFFFFD0];
	_ =	sdelay $0x1  }
0x1fb: {  	v8 =	vld [tilespmem:s28+$0xFFFFFFD0];
	_ =	sdelay $0x1  }
0x1fc: {  	v6 =	vmul.f32 v6, v3;
	v9 =	vld [tilespmem:s26+$0xFFFFFFD0]  }
0x1fd: {  	v7 =	vmul.f32 v7, v4;
	_ =	sdelay $0x1  }
0x1fe: {  	v6 =	vadd.f32 v7, v6;
	v7 =	vmul.f32 v8, v2;
	_ =	sdelay $0x1  }
0x1ff: {  	v6 =	vadd.f32 v7, v6;
	v7 =	vmul.f32 v9, v1;
	_ =	sdelay $0x1  }
0x200: {  	v6 =	vadd.f32 v7, v6;
	_ =	sdelay $0x1  }
0x201: {  	[tilespmem:s26+$0xFFFFFFD0] =	vst v6  }
0x202: {  	v6 =	vld [tilespmem:s2+$0xFFFFFFE0]  }
0x203: {  	v7 =	vld [tilespmem:s31+$0xFFFFFFE0];
	_ =	sdelay $0x1  }
0x204: {  	v8 =	vld [tilespmem:s28+$0xFFFFFFE0];
	_ =	sdelay $0x1  }
0x205: {  	v6 =	vmul.f32 v6, v3;
	v9 =	vld [tilespmem:s26+$0xFFFFFFE0]  }
0x206: {  	v7 =	vmul.f32 v7, v4;
	_ =	sdelay $0x1  }
0x207: {  	v6 =	vadd.f32 v7, v6;
	v7 =	vmul.f32 v8, v2;
	_ =	sdelay $0x1  }
0x208: {  	v6 =	vadd.f32 v7, v6;
	v7 =	vmul.f32 v9, v1;
	_ =	sdelay $0x1  }
0x209: {  	v6 =	vadd.f32 v7, v6;
	_ =	sdelay $0x1  }
0x20a: {  	[tilespmem:s26+$0xFFFFFFE0] =	vst v6  }
0x20b: {  	v6 =	vld [tilespmem:s2+$0xFFFFFFF0]  }
0x20c: {  	v7 =	vld [tilespmem:s31+$0xFFFFFFF0]  }
0x20d: {  	v8 =	vld [tilespmem:s28+$0xFFFFFFF0];
	_ =	sdelay $0x2  }
0x20e: {  	v6 =	vmul.f32 v6, v3;
	v9 =	vld [tilespmem:s26+$0xFFFFFFF0]  }
0x20f: {  	v7 =	vmul.f32 v7, v4  }
0x210: {  	v8 =	vmul.f32 v8, v2  }
0x211: {  	v6 =	vadd.f32 v7, v6;
	_ =	sdelay $0x1  }
0x212: {  	v6 =	vadd.f32 v8, v6;
	v7 =	vmul.f32 v9, v1;
	_ =	sdelay $0x1  }
0x213: {  	v6 =	vadd.f32 v7, v6;
	_ =	sdelay $0x1  }
0x214: {  	[tilespmem:s26+$0xFFFFFFF0] =	vst v6  }
0x215: {  	v6 =	vld [tilespmem:s2+$0x0]  }
0x216: {  	v7 =	vld [tilespmem:s31+$0x0]  }
0x217: {  	v8 =	vld [tilespmem:s28+$0x0];
	_ =	sdelay $0x2  }
0x218: {  	v6 =	vmul.f32 v6, v3;
	v9 =	vld [tilespmem:s26+$0x0]  }
0x219: {  	v7 =	vmul.f32 v7, v4  }
0x21a: {  	v8 =	vmul.f32 v8, v2  }
0x21b: {  	v6 =	vadd.f32 v7, v6;
	_ =	sdelay $0x1  }
0x21c: {  	v6 =	vadd.f32 v8, v6;
	v7 =	vmul.f32 v9, v1;
	_ =	sdelay $0x1  }
0x21d: {  	v6 =	vadd.f32 v7, v6;
	_ =	sdelay $0x1  }
0x21e: {  	[tilespmem:s26+$0x0] =	vst v6  }
0x21f: {  	v6 =	vld [tilespmem:s2+$0x10]  }
0x220: {  	v7 =	vld [tilespmem:s31+$0x10]  }
0x221: {  	v8 =	vld [tilespmem:s28+$0x10];
	_ =	sdelay $0x2  }
0x222: {  	v6 =	vmul.f32 v6, v3;
	v9 =	vld [tilespmem:s26+$0x10]  }
0x223: {  	v7 =	vmul.f32 v7, v4  }
0x224: {  	v8 =	vmul.f32 v8, v2  }
0x225: {  	v6 =	vadd.f32 v7, v6;
	_ =	sdelay $0x1  }
0x226: {  	v6 =	vadd.f32 v8, v6;
	v7 =	vmul.f32 v9, v1;
	_ =	sdelay $0x1  }
0x227: {  	v6 =	vadd.f32 v7, v6;
	_ =	sdelay $0x1  }
0x228: {  	[tilespmem:s26+$0x10] =	vst v6  }
0x229: {  	v6 =	vld [tilespmem:s2+$0x20]  }
0x22a: {  	v7 =	vld [tilespmem:s31+$0x20]  }
0x22b: {  	v8 =	vld [tilespmem:s28+$0x20];
	_ =	sdelay $0x2  }
0x22c: {  	v6 =	vmul.f32 v6, v3;
	v9 =	vld [tilespmem:s26+$0x20]  }
0x22d: {  	v7 =	vmul.f32 v7, v4  }
0x22e: {  	v8 =	vmul.f32 v8, v2  }
0x22f: {  	v6 =	vadd.f32 v7, v6;
	_ =	sdelay $0x1  }
0x230: {  	v6 =	vadd.f32 v8, v6;
	v7 =	vmul.f32 v9, v1;
	_ =	sdelay $0x1  }
0x231: {  	v6 =	vadd.f32 v7, v6;
	_ =	sdelay $0x1  }
0x232: {  	[tilespmem:s26+$0x20] =	vst v6  }
.Ltmp2:
0x233: {  	v6 =	vld [tilespmem:s2+$0x30];
	(pc) =	sbr.rel @p0 .LBB2_7-.Ltmp2, $3  }
0x234: {  	v8 =	vld [tilespmem:s31+$0x30]  }
0x235: {  	v7 =	vld [tilespmem:s28+$0x30];
	_ =	sdelay $0x1  }
0x236: {  	s2 =	sadd.s32 $0x80, s2;
	s31 =	sadd.s32 $0x80, s31;
	s28 =	sadd.s32 $0x80, s28  }
0x237: {  	_ = 	snop  }
0x238: {  	v3 =	vmul.f32 v6, v3;
	v4 =	vmul.f32 v8, v4;
	_ =	sdelay $0x1  }
0x239: {  	v2 =	vmul.f32 v7, v2;
	v3 =	vadd.f32 v4, v3  }
0x23a: {  	s0 =	sadd.s32 $0x3, s29  }
0x23b: {  	v1 =	vmul.f32 v5, v1;
	s1 =	sshll.u32 s0, $0x7;
	v2 =	vadd.f32 v2, v3  }
0x23c: {  	s2 =	sand.u32 $0x1FC00, s1  }
0x23d: {  	s1 =	sand.u32 $0x380, s1;
	s2 =	sadd.s32 s10, s2;
	v1 =	vadd.f32 v1, v2  }
0x23e: {  	s25 =	simm.s32 $0x9700;
	s26 =	simm.s32 $0x280;
	s1 =	sor.u32 s1, s2  }
0x23f: {  	s29 =	simm.s32 $0x0;
	s19 =	sadd.s32 $0x1, s19;
	s1 =	sshrl.u32 s1, $0x3;
	[tilespmem:s14+$0x30] =	vst v1  }
0x240: {  	[spmem:s11] =	stream.indirect.scatter.add.f32 [tilespmem:s25], [sflag:$0x6], $0x80, s26, s15, $0xb8;
	[tilespmem:$0x1E300] =	vst v63  }
0x241: {  	s0 =	sshll.u32 s0, $0x9;
	p0 =	sne.s32 s19, $0xA0;
	s28 =	sadd.s32 s4, s1  }
0x242: {  	[tilespmem:s30], [sflag:$0x2] =	stream.linear.gather [hbm4b:s28+s29], $0x80, $0x38;
	[tilespmem:$0x1E300] =	vst v63  }
.Ltmp3:
0x243: {  	s0 =	sadd.s32 s12, s0;
	(pc) =	sbr.rel @p0 .LBB2_4-.Ltmp3, $4  }
0x244: {  	s18 =	simm.s32 $0x180;
	s0 =	sshrl.u32 s0, $0x3;
	s1 =	sadd.s32 s5, s1  }
0x245: {  	[tilespmem:s18], [sflag:$0x2] =	stream.linear.gather [hbm4b:s1+s29], $0x80, $0x38;
	[tilespmem:$0x1E300] =	vst v63  }
0x246: {  	s3 =	smov.u32 s11;
	s31 =	simm.s32 $0x500;
	s0 =	sadd.s32 s6, s0  }
0x247: {  	[tilespmem:s31], [sflag:$0x2] =	stream.linear.gather [hbm4b:s0+s29], $0x200, $0x38;
	[tilespmem:$0x1E300] =	vst v63  }
0x248: {  	_ =	swait.ge [sflag:s13], $0x80  }
0x249: {  	[sflag:s13] =	ssyncset.done $0x0  }
0x24a: {  	[sflag:s13] =	ssyncadd.s32 $0xFFFFFF80  }
0x24b: {  	_ =	swait.ge [sflag:s13], $0x80  }
0x24c: {  	[sflag:s13] =	ssyncset.done $0x0  }
0x24d: {  	[sflag:s13] =	ssyncadd.s32 $0xFFFFFF80  }
0x24e: {  	_ =	swait.ge [sflag:s13], $0x200  }
0x24f: {  	[sflag:s13] =	ssyncset.done $0x0  }
0x250: {  	[sflag:s13] =	ssyncadd.s32 $0xFFFFFE00  }
0x251: {  	_ =	swait.ge [sflag:s24], $0x80  }
0x252: {  	[sflag:s24] =	ssyncset.done $0x0  }
0x253: {  	[sflag:s24] =	ssyncadd.s32 $0xFFFFFF80  }
0x254: {  	_ =	swait.ge [sflag:s24], $0x80  }
0x255: {  	[sflag:s24] =	ssyncset.done $0x0  }
0x256: {  	[sflag:s24] =	ssyncadd.s32 $0xFFFFFF80  }
0x257: {  	_ =	swait.ge [sflag:s24], $0x200  }
0x258: {  	[sflag:s24] =	ssyncset.done $0x0  }
0x259: {  	s0 =	simm.s32 $0x5;
	[sflag:s24] =	ssyncadd.s32 $0xFFFFFE00  }
0x25a: {  	_ =	swait.ge [sflag:s0], $0x1000  }
0x25b: {  	[sflag:s0] =	ssyncset.done $0x0  }
0x25c: {  	[sflag:s0] =	ssyncadd.s32 $0xFFFFF000  }
0x25d: {  	_ =	swait.ge [sflag:s22], $0x1000  }
0x25e: {  	[sflag:s22] =	ssyncset.done $0x0  }
0x25f: {  	[sflag:s22] =	ssyncadd.s32 $0xFFFFF000  }
0x260: {  	s28 =	stileid.u32;
	[bflag:$0x0] =	sbarrier.arrive $0xFFFF  }
0x261: {  	s0 =	sshll.u32 s28, $0x6;
	s14 =	rddreg [dreg:$0x3]  }
0x262: {  	s0 =	sor.u32 $0x1C07, s0;
	s2 =	rddreg [dreg:$0xd];
	s1 =	sshrl.u32 s14, $0x3  }
0x263: {  	[hbm:s2], [sflag:s0] =	dma.local [spmem:s1], $0x2780  }
0x264: {  	s2 =	simm.s32 $0x7  }
0x265: {  	_ =	swait.ge [sflag:s2], $0x2780  }
0x266: {  	s29 =	rddreg [dreg:$0x1f]  }
0x267: {  	s31 =	rddreg [dreg:$0xe];
	s1 =	sadd.s32 $0x1, s29  }
0x268: {  	p0 =	sne.s32 s1, s31  }
.Ltmp4:
0x269: {  	_ = 	snop;
	(pc) =	sbr.rel @p0 .LBB2_1-.Ltmp4, $3  }
0x26a: {  	_ =	sdelay $0x1  }
0x26b: {  	[sflag:s2] =	ssyncset.done $0x0  }
0x26c: {  	[sflag:s2] =	ssyncadd.s32 $0xFFFFD880  }
0x26d: {  	_ =	sfence.sel $0x180000  }
0x26e: {  	[bflag:$0x0] =	sbarrier.arrive $0xFFFF  }
0x26f: {  	_ =	strace $0x9000004A  }
0x270: {  	s0 =	stileid.u32;
	[bflag:$0x2] =	sbarrier.arrive $0xFFFF  }
0x271: {  	p0 =	sne.s32 s0, $0x0;
	s0 =	rddreg [dreg:$0x2]  }
0x272: {  	s0 =	sadd.s32 @!p0 $0x100000, s0  }
0x273: {  	[sflag:s0] =	ssyncadd.tile.s32 @!p0 $0x1;
	_ =	shalt  }
.Lfunc_end2:
_tile_overlayer_lowered:
.L_overlay_start_2:
0x274: {  	(tag) =	ssettag $0x2  }
0x275: {  	s0 =	rddreg [dreg:$0x0];
	s2 =	stileid.u32  }
0x276: {  	s1 =	rddreg [dreg:$0x1];
	p0 =	sne.s32 s2, $0x0  }
0x277: {  	s3 =	rddreg [dreg:$0x2];
	[bflag:$0x3] =	sbarrier.arrive $0xFFFF;
	s2 =	simm.s32 @!p0 $0x1C07  }
0x278: {  	[timem:s3], [sflag:s2] =	dma.local @!p0 [hbm:s0], s1  }
0x279: {  	s0 =	simm.s32 @!p0 $0x7  }
0x27a: {  	_ =	swait.ge @!p0 [sflag:s0], s1  }
0x27b: {  	s1 =	ssub.s32 @!p0 $0x0, s1;
	[sflag:s0] =	ssyncset.done @!p0 $0x0  }
0x27c: {  	[sflag:s0] =	ssyncadd.s32 @!p0 s1  }
0x27d: {  	[bflag:$0x3] =	sbarrier.arrive $0xFFFF  }
0x27e: {  	_ =	shalt  }

</sc_bundles>
